<compile_context>
chip_gen: v7x
topology: tpu7x:2x2x1
jax: 0.10.2.dev20260603
libtpu: 0.0.44.dev20260713+nightly
codegen_flags: <defaults>
</compile_context>

<pallas_src>
import functools

import jax
import jax.numpy as jnp
from jax import lax
from jax.experimental import pallas as pl
from jax.experimental.pallas import tpu as pltpu
from jax.experimental.pallas import tpu_sc as plsc

D_MODEL = 32
MAX_LEN = 1000000
MAIN_LEN = (MAX_LEN // 128) * 128
TAIL_LEN = 128
PLANE_PAD = MAIN_LEN + TAIL_LEN
NUM_CORES = 2
NUM_SUBCORES = 16
PLANES_PER_CORE = D_MODEL // NUM_CORES
NHALF = 2
NSEG_HALF = 5


def _stage_plane(tablet_hbm, tail_hbm, plane_sp, psem, d):
  pltpu.async_copy(tablet_hbm.at[d, pl.ds(0, MAIN_LEN)],
                   plane_sp.at[pl.ds(0, MAIN_LEN)], psem)
  pltpu.async_copy(tail_hbm.at[d], plane_sp.at[pl.ds(MAIN_LEN, TAIL_LEN)],
                   psem)


def _wait_plane(tablet_hbm, tail_hbm, plane_sp, psem, d):
  pltpu.make_async_copy(tablet_hbm.at[d, pl.ds(0, MAIN_LEN)],
                        plane_sp.at[pl.ds(0, MAIN_LEN)], psem).wait()
  pltpu.make_async_copy(tail_hbm.at[d],
                        plane_sp.at[pl.ds(MAIN_LEN, TAIL_LEN)], psem).wait()


NDEST = 3


def _plane_body(xt_hbm, tablet_hbm, tail_hbm, out_hbm,
                idx0, idx1, dest0, dest1, dest2, plane_sp,
                psem, gsem0, gsem1, gsem2, wsem0, wsem1, wsem2, isem,
                *, b, l):
  c = lax.axis_index("c")
  s = lax.axis_index("s")
  b_per_tile = b // NUM_SUBCORES
  b0 = s * b_per_tile
  l_half = l // NHALF
  seg_rows = l_half // NSEG_HALF
  seg = seg_rows * b_per_tile
  nseg = l // seg_rows
  idx_refs = (idx0, idx1)
  dest_refs = (dest0, dest1, dest2)
  gsems = (gsem0, gsem1, gsem2)
  wsems = (wsem0, wsem1, wsem2)
  d_base = c * PLANES_PER_CORE

  def seg_idx_slice(g):
    return idx_refs[g // NSEG_HALF].at[
        pl.ds((g % NSEG_HALF) * seg, seg)]

  def wb_copies(g, d, dbuf, wsem):
    for r in range(seg_rows):
      li = g * seg_rows + r
      yield pltpu.make_async_copy(
          dbuf.at[pl.ds(r * b_per_tile, b_per_tile)],
          out_hbm.at[li, d, pl.ds(b0, b_per_tile)], wsem)

  @pl.when(s == 0)
  def _():
    _stage_plane(tablet_hbm, tail_hbm, plane_sp, psem, d_base)

  for li in range(l):
    pltpu.async_copy(
        xt_hbm.at[li, pl.ds(b0, b_per_tile)],
        idx_refs[li // l_half].at[pl.ds((li % l_half) * b_per_tile,
                                        b_per_tile)], isem)
  for li in range(l):
    pltpu.make_async_copy(
        xt_hbm.at[li, pl.ds(b0, b_per_tile)],
        idx_refs[li // l_half].at[pl.ds((li % l_half) * b_per_tile,
                                        b_per_tile)], isem).wait()

  @pl.loop(0, PLANES_PER_CORE)
  def _plane(j):
    d = d_base + j

    @pl.when(s == 0)
    def _():
      _wait_plane(tablet_hbm, tail_hbm, plane_sp, psem, d)

    plsc.subcore_barrier()

    for g in range(nseg):
      dbuf = dest_refs[g % NDEST]
      wsem = wsems[g % NDEST]
      gsem = gsems[g % NDEST]

      def drain(g=g, dbuf=dbuf, wsem=wsem):
        for cp in wb_copies(g, d, dbuf, wsem):
          cp.wait()

      if g < NDEST:
        @pl.when(j > 0)
        def _(drain=drain):
          drain()
      else:
        drain()

      pltpu.async_copy(plane_sp.at[seg_idx_slice(g)], dbuf, gsem)

      if g > 0:
        pg = g - 1
        pltpu.make_async_copy(plane_sp.at[seg_idx_slice(pg)],
                              dest_refs[pg % NDEST], gsems[pg % NDEST]).wait()
        for cp in wb_copies(pg, d, dest_refs[pg % NDEST],
                            wsems[pg % NDEST]):
          cp.start()

    pg = nseg - 1
    pltpu.make_async_copy(plane_sp.at[seg_idx_slice(pg)],
                          dest_refs[pg % NDEST], gsems[pg % NDEST]).wait()
    for cp in wb_copies(pg, d, dest_refs[pg % NDEST], wsems[pg % NDEST]):
      cp.start()

    plsc.subcore_barrier()

    @pl.when(jnp.logical_and(s == 0, j + 1 < PLANES_PER_CORE))
    def _():
      _stage_plane(tablet_hbm, tail_hbm, plane_sp, psem, d + 1)

  d_last = d_base + PLANES_PER_CORE - 1
  for g in range(nseg - NDEST, nseg):
    for cp in wb_copies(g, d_last, dest_refs[g % NDEST], wsems[g % NDEST]):
      cp.wait()


def kernel(x, table):
  b, l = x.shape
  xt = x.T.astype(jnp.int32)
  tablet = table.T
  tail = jnp.concatenate(
      [table[MAIN_LEN:], jnp.zeros((TAIL_LEN - (MAX_LEN - MAIN_LEN), D_MODEL),
                                   jnp.float32)], axis=0)
  tail_t = tail.T
  b_per_tile = b // NUM_SUBCORES
  l_half = l // NHALF
  seg_elems = (l_half // NSEG_HALF) * b_per_tile

  mesh = plsc.VectorSubcoreMesh(core_axis_name="c", subcore_axis_name="s")
  out_t = pl.kernel(
      functools.partial(_plane_body, b=b, l=l),
      out_type=jax.ShapeDtypeStruct((l, D_MODEL, b), jnp.float32),
      mesh=mesh,
      scratch_types=[
          pltpu.VMEM((l_half * b_per_tile,), jnp.int32),
          pltpu.VMEM((l_half * b_per_tile,), jnp.int32),
          pltpu.VMEM((seg_elems,), jnp.float32),
          pltpu.VMEM((seg_elems,), jnp.float32),
          pltpu.VMEM((seg_elems,), jnp.float32),
          pltpu.VMEM_SHARED((PLANE_PAD,), jnp.float32),
          pltpu.SemaphoreType.DMA,
          pltpu.SemaphoreType.DMA,
          pltpu.SemaphoreType.DMA,
          pltpu.SemaphoreType.DMA,
          pltpu.SemaphoreType.DMA,
          pltpu.SemaphoreType.DMA,
          pltpu.SemaphoreType.DMA,
          pltpu.SemaphoreType.DMA,
      ],
      compiler_params=pltpu.CompilerParams(use_tc_tiling_on_sc=True),
  )(xt, tablet, tail_t)
  return out_t.transpose(2, 0, 1)

# --- scband reference (transcript-rebuilt; emitter-appended) ---
"""Pipeline reference for scband-riemann-embedding-4037269259107 (READ-ONLY COPY).

The authoritative reference and input builder live on the scoring server;
editing this copy changes nothing except your own understanding.
"""

import jax, jax.numpy as jnp
import numpy as np

D_MODEL = 32
MAX_LEN = 1000000
B = 16384
L = 50

def setup_inputs(seed: int = 0) -> dict:
    key = jax.random.key(seed)
    k1, k2 = jax.random.split(key)
    x = jax.random.randint(k1, (B, L), 0, MAX_LEN, dtype=jnp.int64 if jax.config.jax_enable_x64 else jnp.int32)
    table = jax.random.normal(k2, (MAX_LEN, D_MODEL), dtype=jnp.float32)
    return {"x": x, "table": table}

def reference(x, table):
    # learnable=True path: nn.Embedding lookup == gather rows of the table
    return jnp.take(table, x, axis=0)

if __name__ == "__main__":
    import jax
    _d = setup_inputs()
    print(jax.jit(kernel)(*tuple(_d.values())))

</pallas_src>

<mosaic_0001>
#map = affine_map<(d0, d1) -> (0, 0)>
#map1 = affine_map<(d0, d1) -> (0, 0, 0)>
module attributes {stable_mosaic.version = 14 : i64} {
  func.func @_plane_body(%arg0: i32, %arg1: i32, %arg2: memref<50x16384xi32, #tpu.memory_space<hbm>>, %arg3: memref<32x1000000xf32, #tpu.memory_space<hbm>>, %arg4: memref<32x128xf32, #tpu.memory_space<hbm>>, %arg5: memref<50x32x16384xf32, #tpu.memory_space<hbm>>, %arg6: memref<25600xi32, #tpu.memory_space<vmem>>, %arg7: memref<25600xi32, #tpu.memory_space<vmem>>, %arg8: memref<5120xf32, #tpu.memory_space<vmem>>, %arg9: memref<5120xf32, #tpu.memory_space<vmem>>, %arg10: memref<5120xf32, #tpu.memory_space<vmem>>, %arg11: memref<1000064xf32, #tpu.memory_space<vmem_shared>>, %arg12: memref<!tpu.dma_semaphore, #tpu.memory_space<semaphore_mem>>, %arg13: memref<!tpu.dma_semaphore, #tpu.memory_space<semaphore_mem>>, %arg14: memref<!tpu.dma_semaphore, #tpu.memory_space<semaphore_mem>>, %arg15: memref<!tpu.dma_semaphore, #tpu.memory_space<semaphore_mem>>, %arg16: memref<!tpu.dma_semaphore, #tpu.memory_space<semaphore_mem>>, %arg17: memref<!tpu.dma_semaphore, #tpu.memory_space<semaphore_mem>>, %arg18: memref<!tpu.dma_semaphore, #tpu.memory_space<semaphore_mem>>, %arg19: memref<!tpu.dma_semaphore, #tpu.memory_space<semaphore_mem>>) attributes {dimension_semantics = [#tpu.dimension_semantics<core_parallel>, #tpu.dimension_semantics<subcore_parallel>], iteration_bounds = array<i64: 2, 16>, scalar_prefetch = 0 : i64, scratch_operands = 14 : i64, tpu.core_type = #tpu.core_type<sc_vector_subcore>, window_params = [{transform_indices = #map}, {transform_indices = #map}, {transform_indices = #map}, {transform_indices = #map1}]} {
    %mul3A = arith.constant 1024 : i32
    %mul3A_0 = arith.muli %arg1, %mul3A : i32
    %mul3A_1 = arith.constant 16 : i32
    %mul3A_2 = arith.muli %arg0, %mul3A_1 : i32
    %eq3A = arith.constant 0 : i32
    %eq3A_3 = arith.cmpi eq, %arg1, %eq3A : i32
    %convert_element_type3A = arith.extui %eq3A_3 : i1 to i32
    %cond3A = arith.constant 0 : i32
    %cond3A_4 = arith.cmpi ne, %convert_element_type3A, %cond3A : i32
    scf.if %cond3A_4 {
      %dma_start3A_1044 = arith.constant 0 : i32
      %dma_start3A_1045 = tpu.memref_slice %arg11[%dma_start3A_1044] : memref<1000064xf32, #tpu.memory_space<vmem_shared>> -> memref<999936xf32, #tpu.memory_space<vmem_shared>>
      %dma_start3A_1046 = arith.constant 0 : i32
      %dma_start3A_1047 = tpu.memref_slice %arg3[%mul3A_2, %dma_start3A_1046] : memref<32x1000000xf32, #tpu.memory_space<hbm>> -> memref<1x999936xf32, #tpu.memory_space<hbm>>
      %dma_start3A_1048 = tpu.memref_squeeze %dma_start3A_1047 : memref<1x999936xf32, #tpu.memory_space<hbm>> -> memref<999936xf32, #tpu.memory_space<hbm>>
      tpu.enqueue_dma source(%dma_start3A_1048 : memref<999936xf32, #tpu.memory_space<hbm>>) target(%dma_start3A_1045 : memref<999936xf32, #tpu.memory_space<vmem_shared>>) target_semaphore(%arg12 : memref<!tpu.dma_semaphore, #tpu.memory_space<semaphore_mem>>)
      %dma_start3A_1049 = arith.constant 999936 : i32
      %dma_start3A_1050 = tpu.memref_slice %arg11[%dma_start3A_1049] : memref<1000064xf32, #tpu.memory_space<vmem_shared>> -> memref<128xf32, #tpu.memory_space<vmem_shared>>
      %dma_start3A_1051 = arith.constant 0 : i32
      %dma_start3A_1052 = tpu.memref_slice %arg4[%mul3A_2, %dma_start3A_1051] : memref<32x128xf32, #tpu.memory_space<hbm>> -> memref<1x128xf32, #tpu.memory_space<hbm>>
      %dma_start3A_1053 = tpu.memref_squeeze %dma_start3A_1052 : memref<1x128xf32, #tpu.memory_space<hbm>> -> memref<128xf32, #tpu.memory_space<hbm>>
      tpu.enqueue_dma source(%dma_start3A_1053 : memref<128xf32, #tpu.memory_space<hbm>>) target(%dma_start3A_1050 : memref<128xf32, #tpu.memory_space<vmem_shared>>) target_semaphore(%arg12 : memref<!tpu.dma_semaphore, #tpu.memory_space<semaphore_mem>>)
    } else {
    }
    %dma_start3A = arith.constant 0 : i32
    %dma_start3A_5 = arith.constant 0 : i32
    %dma_start3A_6 = tpu.memref_slice %arg6[%dma_start3A_5] : memref<25600xi32, #tpu.memory_space<vmem>> -> memref<1024xi32, #tpu.memory_space<vmem>>
    %dma_start3A_7 = tpu.memref_slice %arg2[%dma_start3A, %mul3A_0] : memref<50x16384xi32, #tpu.memory_space<hbm>> -> memref<1x1024xi32, #tpu.memory_space<hbm>>
    %dma_start3A_8 = tpu.memref_squeeze %dma_start3A_7 : memref<1x1024xi32, #tpu.memory_space<hbm>> -> memref<1024xi32, #tpu.memory_space<hbm>>
    %dma_start3A_9 = arith.constant 0 : i32
    %dma_start3A_10 = tpu.memref_slice %arg6[%dma_start3A_9] : memref<25600xi32, #tpu.memory_space<vmem>> -> memref<1024xi32, #tpu.memory_space<vmem>>
    %dma_start3A_11 = tpu.memref_slice %arg2[%dma_start3A, %mul3A_0] : memref<50x16384xi32, #tpu.memory_space<hbm>> -> memref<1x1024xi32, #tpu.memory_space<hbm>>
    %dma_start3A_12 = tpu.memref_squeeze %dma_start3A_11 : memref<1x1024xi32, #tpu.memory_space<hbm>> -> memref<1024xi32, #tpu.memory_space<hbm>>
    tpu.enqueue_dma source(%dma_start3A_12 : memref<1024xi32, #tpu.memory_space<hbm>>) target(%dma_start3A_10 : memref<1024xi32, #tpu.memory_space<vmem>>) target_semaphore(%arg19 : memref<!tpu.dma_semaphore, #tpu.memory_space<semaphore_mem>>)
    %dma_start3A_13 = arith.constant 1 : i32
    %dma_start3A_14 = arith.constant 1024 : i32
    %dma_start3A_15 = tpu.memref_slice %arg6[%dma_start3A_14] : memref<25600xi32, #tpu.memory_space<vmem>> -> memref<1024xi32, #tpu.memory_space<vmem>>
    %dma_start3A_16 = tpu.memref_slice %arg2[%dma_start3A_13, %mul3A_0] : memref<50x16384xi32, #tpu.memory_space<hbm>> -> memref<1x1024xi32, #tpu.memory_space<hbm>>
    %dma_start3A_17 = tpu.memref_squeeze %dma_start3A_16 : memref<1x1024xi32, #tpu.memory_space<hbm>> -> memref<1024xi32, #tpu.memory_space<hbm>>
    %dma_start3A_18 = arith.constant 1024 : i32
    %dma_start3A_19 = tpu.memref_slice %arg6[%dma_start3A_18] : memref<25600xi32, #tpu.memory_space<vmem>> -> memref<1024xi32, #tpu.memory_space<vmem>>
    %dma_start3A_20 = tpu.memref_slice %arg2[%dma_start3A_13, %mul3A_0] : memref<50x16384xi32, #tpu.memory_space<hbm>> -> memref<1x1024xi32, #tpu.memory_space<hbm>>
    %dma_start3A_21 = tpu.memref_squeeze %dma_start3A_20 : memref<1x1024xi32, #tpu.memory_space<hbm>> -> memref<1024xi32, #tpu.memory_space<hbm>>
    tpu.enqueue_dma source(%dma_start3A_21 : memref<1024xi32, #tpu.memory_space<hbm>>) target(%dma_start3A_19 : memref<1024xi32, #tpu.memory_space<vmem>>) target_semaphore(%arg19 : memref<!tpu.dma_semaphore, #tpu.memory_space<semaphore_mem>>)
    %dma_start3A_22 = arith.constant 2 : i32
    %dma_start3A_23 = arith.constant 2048 : i32
    %dma_start3A_24 = tpu.memref_slice %arg6[%dma_start3A_23] : memref<25600xi32, #tpu.memory_space<vmem>> -> memref<1024xi32, #tpu.memory_space<vmem>>
    %dma_start3A_25 = tpu.memref_slice %arg2[%dma_start3A_22, %mul3A_0] : memref<50x16384xi32, #tpu.memory_space<hbm>> -> memref<1x1024xi32, #tpu.memory_space<hbm>>
    %dma_start3A_26 = tpu.memref_squeeze %dma_start3A_25 : memref<1x1024xi32, #tpu.memory_space<hbm>> -> memref<1024xi32, #tpu.memory_space<hbm>>
    %dma_start3A_27 = arith.constant 2048 : i32
    %dma_start3A_28 = tpu.memref_slice %arg6[%dma_start3A_27] : memref<25600xi32, #tpu.memory_space<vmem>> -> memref<1024xi32, #tpu.memory_space<vmem>>
    %dma_start3A_29 = tpu.memref_slice %arg2[%dma_start3A_22, %mul3A_0] : memref<50x16384xi32, #tpu.memory_space<hbm>> -> memref<1x1024xi32, #tpu.memory_space<hbm>>
    %dma_start3A_30 = tpu.memref_squeeze %dma_start3A_29 : memref<1x1024xi32, #tpu.memory_space<hbm>> -> memref<1024xi32, #tpu.memory_space<hbm>>
    tpu.enqueue_dma source(%dma_start3A_30 : memref<1024xi32, #tpu.memory_space<hbm>>) target(%dma_start3A_28 : memref<1024xi32, #tpu.memory_space<vmem>>) target_semaphore(%arg19 : memref<!tpu.dma_semaphore, #tpu.memory_space<semaphore_mem>>)
    %dma_start3A_31 = arith.constant 3 : i32
    %dma_start3A_32 = arith.constant 3072 : i32
    %dma_start3A_33 = tpu.memref_slice %arg6[%dma_start3A_32] : memref<25600xi32, #tpu.memory_space<vmem>> -> memref<1024xi32, #tpu.memory_space<vmem>>
    %dma_start3A_34 = tpu.memref_slice %arg2[%dma_start3A_31, %mul3A_0] : memref<50x16384xi32, #tpu.memory_space<hbm>> -> memref<1x1024xi32, #tpu.memory_space<hbm>>
    %dma_start3A_35 = tpu.memref_squeeze %dma_start3A_34 : memref<1x1024xi32, #tpu.memory_space<hbm>> -> memref<1024xi32, #tpu.memory_space<hbm>>
    %dma_start3A_36 = arith.constant 3072 : i32
    %dma_start3A_37 = tpu.memref_slice %arg6[%dma_start3A_36] : memref<25600xi32, #tpu.memory_space<vmem>> -> memref<1024xi32, #tpu.memory_space<vmem>>
    %dma_start3A_38 = tpu.memref_slice %arg2[%dma_start3A_31, %mul3A_0] : memref<50x16384xi32, #tpu.memory_space<hbm>> -> memref<1x1024xi32, #tpu.memory_space<hbm>>
    %dma_start3A_39 = tpu.memref_squeeze %dma_start3A_38 : memref<1x1024xi32, #tpu.memory_space<hbm>> -> memref<1024xi32, #tpu.memory_space<hbm>>
    tpu.enqueue_dma source(%dma_start3A_39 : memref<1024xi32, #tpu.memory_space<hbm>>) target(%dma_start3A_37 : memref<1024xi32, #tpu.memory_space<vmem>>) target_semaphore(%arg19 : memref<!tpu.dma_semaphore, #tpu.memory_space<semaphore_mem>>)
    %dma_start3A_40 = arith.constant 4 : i32
    %dma_start3A_41 = arith.constant 4096 : i32
    %dma_start3A_42 = tpu.memref_slice %arg6[%dma_start3A_41] : memref<25600xi32, #tpu.memory_space<vmem>> -> memref<1024xi32, #tpu.memory_space<vmem>>
    %dma_start3A_43 = tpu.memref_slice %arg2[%dma_start3A_40, %mul3A_0] : memref<50x16384xi32, #tpu.memory_space<hbm>> -> memref<1x1024xi32, #tpu.memory_space<hbm>>
    %dma_start3A_44 = tpu.memref_squeeze %dma_start3A_43 : memref<1x1024xi32, #tpu.memory_space<hbm>> -> memref<1024xi32, #tpu.memory_space<hbm>>
    %dma_start3A_45 = arith.constant 4096 : i32
    %dma_start3A_46 = tpu.memref_slice %arg6[%dma_start3A_45] : memref<25600xi32, #tpu.memory_space<vmem>> -> memref<1024xi32, #tpu.memory_space<vmem>>
    %dma_start3A_47 = tpu.memref_slice %arg2[%dma_start3A_40, %mul3A_0] : memref<50x16384xi32, #tpu.memory_space<hbm>> -> memref<1x1024xi32, #tpu.memory_space<hbm>>
    %dma_start3A_48 = tpu.memref_squeeze %dma_start3A_47 : memref<1x1024xi32, #tpu.memory_space<hbm>> -> memref<1024xi32, #tpu.memory_space<hbm>>
    tpu.enqueue_dma source(%dma_start3A_48 : memref<1024xi32, #tpu.memory_space<hbm>>) target(%dma_start3A_46 : memref<1024xi32, #tpu.memory_space<vmem>>) target_semaphore(%arg19 : memref<!tpu.dma_semaphore, #tpu.memory_space<semaphore_mem>>)
    %dma_start3A_49 = arith.constant 5 : i32
    %dma_start3A_50 = arith.constant 5120 : i32
    %dma_start3A_51 = tpu.memref_slice %arg6[%dma_start3A_50] : memref<25600xi32, #tpu.memory_space<vmem>> -> memref<1024xi32, #tpu.memory_space<vmem>>
    %dma_start3A_52 = tpu.memref_slice %arg2[%dma_start3A_49, %mul3A_0] : memref<50x16384xi32, #tpu.memory_space<hbm>> -> memref<1x1024xi32, #tpu.memory_space<hbm>>
    %dma_start3A_53 = tpu.memref_squeeze %dma_start3A_52 : memref<1x1024xi32, #tpu.memory_space<hbm>> -> memref<1024xi32, #tpu.memory_space<hbm>>
    %dma_start3A_54 = arith.constant 5120 : i32
    %dma_start3A_55 = tpu.memref_slice %arg6[%dma_start3A_54] : memref<25600xi32, #tpu.memory_space<vmem>> -> memref<1024xi32, #tpu.memory_space<vmem>>
    %dma_start3A_56 = tpu.memref_slice %arg2[%dma_start3A_49, %mul3A_0] : memref<50x16384xi32, #tpu.memory_space<hbm>> -> memref<1x1024xi32, #tpu.memory_space<hbm>>
    %dma_start3A_57 = tpu.memref_squeeze %dma_start3A_56 : memref<1x1024xi32, #tpu.memory_space<hbm>> -> memref<1024xi32, #tpu.memory_space<hbm>>
    tpu.enqueue_dma source(%dma_start3A_57 : memref<1024xi32, #tpu.memory_space<hbm>>) target(%dma_start3A_55 : memref<1024xi32, #tpu.memory_space<vmem>>) target_semaphore(%arg19 : memref<!tpu.dma_semaphore, #tpu.memory_space<semaphore_mem>>)
    %dma_start3A_58 = arith.constant 6 : i32
    %dma_start3A_59 = arith.constant 6144 : i32
    %dma_start3A_60 = tpu.memref_slice %arg6[%dma_start3A_59] : memref<25600xi32, #tpu.memory_space<vmem>> -> memref<1024xi32, #tpu.memory_space<vmem>>
    %dma_start3A_61 = tpu.memref_slice %arg2[%dma_start3A_58, %mul3A_0] : memref<50x16384xi32, #tpu.memory_space<hbm>> -> memref<1x1024xi32, #tpu.memory_space<hbm>>
    %dma_start3A_62 = tpu.memref_squeeze %dma_start3A_61 : memref<1x1024xi32, #tpu.memory_space<hbm>> -> memref<1024xi32, #tpu.memory_space<hbm>>
    %dma_start3A_63 = arith.constant 6144 : i32
    %dma_start3A_64 = tpu.memref_slice %arg6[%dma_start3A_63] : memref<25600xi32, #tpu.memory_space<vmem>> -> memref<1024xi32, #tpu.memory_space<vmem>>
    %dma_start3A_65 = tpu.memref_slice %arg2[%dma_start3A_58, %mul3A_0] : memref<50x16384xi32, #tpu.memory_space<hbm>> -> memref<1x1024xi32, #tpu.memory_space<hbm>>
    %dma_start3A_66 = tpu.memref_squeeze %dma_start3A_65 : memref<1x1024xi32, #tpu.memory_space<hbm>> -> memref<1024xi32, #tpu.memory_space<hbm>>
    tpu.enqueue_dma source(%dma_start3A_66 : memref<1024xi32, #tpu.memory_space<hbm>>) target(%dma_start3A_64 : memref<1024xi32, #tpu.memory_space<vmem>>) target_semaphore(%arg19 : memref<!tpu.dma_semaphore, #tpu.memory_space<semaphore_mem>>)
    %dma_start3A_67 = arith.constant 7 : i32
    %dma_start3A_68 = arith.constant 7168 : i32
    %dma_start3A_69 = tpu.memref_slice %arg6[%dma_start3A_68] : memref<25600xi32, #tpu.memory_space<vmem>> -> memref<1024xi32, #tpu.memory_space<vmem>>
    %dma_start3A_70 = tpu.memref_slice %arg2[%dma_start3A_67, %mul3A_0] : memref<50x16384xi32, #tpu.memory_space<hbm>> -> memref<1x1024xi32, #tpu.memory_space<hbm>>
    %dma_start3A_71 = tpu.memref_squeeze %dma_start3A_70 : memref<1x1024xi32, #tpu.memory_space<hbm>> -> memref<1024xi32, #tpu.memory_space<hbm>>
    %dma_start3A_72 = arith.constant 7168 : i32
    %dma_start3A_73 = tpu.memref_slice %arg6[%dma_start3A_72] : memref<25600xi32, #tpu.memory_space<vmem>> -> memref<1024xi32, #tpu.memory_space<vmem>>
    %dma_start3A_74 = tpu.memref_slice %arg2[%dma_start3A_67, %mul3A_0] : memref<50x16384xi32, #tpu.memory_space<hbm>> -> memref<1x1024xi32, #tpu.memory_space<hbm>>
    %dma_start3A_75 = tpu.memref_squeeze %dma_start3A_74 : memref<1x1024xi32, #tpu.memory_space<hbm>> -> memref<1024xi32, #tpu.memory_space<hbm>>
    tpu.enqueue_dma source(%dma_start3A_75 : memref<1024xi32, #tpu.memory_space<hbm>>) target(%dma_start3A_73 : memref<1024xi32, #tpu.memory_space<vmem>>) target_semaphore(%arg19 : memref<!tpu.dma_semaphore, #tpu.memory_space<semaphore_mem>>)
    %dma_start3A_76 = arith.constant 8 : i32
    %dma_start3A_77 = arith.constant 8192 : i32
    %dma_start3A_78 = tpu.memref_slice %arg6[%dma_start3A_77] : memref<25600xi32, #tpu.memory_space<vmem>> -> memref<1024xi32, #tpu.memory_space<vmem>>
    %dma_start3A_79 = tpu.memref_slice %arg2[%dma_start3A_76, %mul3A_0] : memref<50x16384xi32, #tpu.memory_space<hbm>> -> memref<1x1024xi32, #tpu.memory_space<hbm>>
    %dma_start3A_80 = tpu.memref_squeeze %dma_start3A_79 : memref<1x1024xi32, #tpu.memory_space<hbm>> -> memref<1024xi32, #tpu.memory_space<hbm>>
    %dma_start3A_81 = arith.constant 8192 : i32
    %dma_start3A_82 = tpu.memref_slice %arg6[%dma_start3A_81] : memref<25600xi32, #tpu.memory_space<vmem>> -> memref<1024xi32, #tpu.memory_space<vmem>>
    %dma_start3A_83 = tpu.memref_slice %arg2[%dma_start3A_76, %mul3A_0] : memref<50x16384xi32, #tpu.memory_space<hbm>> -> memref<1x1024xi32, #tpu.memory_space<hbm>>
    %dma_start3A_84 = tpu.memref_squeeze %dma_start3A_83 : memref<1x1024xi32, #tpu.memory_space<hbm>> -> memref<1024xi32, #tpu.memory_space<hbm>>
    tpu.enqueue_dma source(%dma_start3A_84 : memref<1024xi32, #tpu.memory_space<hbm>>) target(%dma_start3A_82 : memref<1024xi32, #tpu.memory_space<vmem>>) target_semaphore(%arg19 : memref<!tpu.dma_semaphore, #tpu.memory_space<semaphore_mem>>)
    %dma_start3A_85 = arith.constant 9 : i32
    %dma_start3A_86 = arith.constant 9216 : i32
    %dma_start3A_87 = tpu.memref_slice %arg6[%dma_start3A_86] : memref<25600xi32, #tpu.memory_space<vmem>> -> memref<1024xi32, #tpu.memory_space<vmem>>
    %dma_start3A_88 = tpu.memref_slice %arg2[%dma_start3A_85, %mul3A_0] : memref<50x16384xi32, #tpu.memory_space<hbm>> -> memref<1x1024xi32, #tpu.memory_space<hbm>>
    %dma_start3A_89 = tpu.memref_squeeze %dma_start3A_88 : memref<1x1024xi32, #tpu.memory_space<hbm>> -> memref<1024xi32, #tpu.memory_space<hbm>>
    %dma_start3A_90 = arith.constant 9216 : i32
    %dma_start3A_91 = tpu.memref_slice %arg6[%dma_start3A_90] : memref<25600xi32, #tpu.memory_space<vmem>> -> memref<1024xi32, #tpu.memory_space<vmem>>
    %dma_start3A_92 = tpu.memref_slice %arg2[%dma_start3A_85, %mul3A_0] : memref<50x16384xi32, #tpu.memory_space<hbm>> -> memref<1x1024xi32, #tpu.memory_space<hbm>>
    %dma_start3A_93 = tpu.memref_squeeze %dma_start3A_92 : memref<1x1024xi32, #tpu.memory_space<hbm>> -> memref<1024xi32, #tpu.memory_space<hbm>>
    tpu.enqueue_dma source(%dma_start3A_93 : memref<1024xi32, #tpu.memory_space<hbm>>) target(%dma_start3A_91 : memref<1024xi32, #tpu.memory_space<vmem>>) target_semaphore(%arg19 : memref<!tpu.dma_semaphore, #tpu.memory_space<semaphore_mem>>)
    %dma_start3A_94 = arith.constant 10 : i32
    %dma_start3A_95 = arith.constant 10240 : i32
    %dma_start3A_96 = tpu.memref_slice %arg6[%dma_start3A_95] : memref<25600xi32, #tpu.memory_space<vmem>> -> memref<1024xi32, #tpu.memory_space<vmem>>
    %dma_start3A_97 = tpu.memref_slice %arg2[%dma_start3A_94, %mul3A_0] : memref<50x16384xi32, #tpu.memory_space<hbm>> -> memref<1x1024xi32, #tpu.memory_space<hbm>>
    %dma_start3A_98 = tpu.memref_squeeze %dma_start3A_97 : memref<1x1024xi32, #tpu.memory_space<hbm>> -> memref<1024xi32, #tpu.memory_space<hbm>>
    %dma_start3A_99 = arith.constant 10240 : i32
    %dma_start3A_100 = tpu.memref_slice %arg6[%dma_start3A_99] : memref<25600xi32, #tpu.memory_space<vmem>> -> memref<1024xi32, #tpu.memory_space<vmem>>
    %dma_start3A_101 = tpu.memref_slice %arg2[%dma_start3A_94, %mul3A_0] : memref<50x16384xi32, #tpu.memory_space<hbm>> -> memref<1x1024xi32, #tpu.memory_space<hbm>>
    %dma_start3A_102 = tpu.memref_squeeze %dma_start3A_101 : memref<1x1024xi32, #tpu.memory_space<hbm>> -> memref<1024xi32, #tpu.memory_space<hbm>>
    tpu.enqueue_dma source(%dma_start3A_102 : memref<1024xi32, #tpu.memory_space<hbm>>) target(%dma_start3A_100 : memref<1024xi32, #tpu.memory_space<vmem>>) target_semaphore(%arg19 : memref<!tpu.dma_semaphore, #tpu.memory_space<semaphore_mem>>)
    %dma_start3A_103 = arith.constant 11 : i32
    %dma_start3A_104 = arith.constant 11264 : i32
    %dma_start3A_105 = tpu.memref_slice %arg6[%dma_start3A_104] : memref<25600xi32, #tpu.memory_space<vmem>> -> memref<1024xi32, #tpu.memory_space<vmem>>
    %dma_start3A_106 = tpu.memref_slice %arg2[%dma_start3A_103, %mul3A_0] : memref<50x16384xi32, #tpu.memory_space<hbm>> -> memref<1x1024xi32, #tpu.memory_space<hbm>>
    %dma_start3A_107 = tpu.memref_squeeze %dma_start3A_106 : memref<1x1024xi32, #tpu.memory_space<hbm>> -> memref<1024xi32, #tpu.memory_space<hbm>>
    %dma_start3A_108 = arith.constant 11264 : i32
    %dma_start3A_109 = tpu.memref_slice %arg6[%dma_start3A_108] : memref<25600xi32, #tpu.memory_space<vmem>> -> memref<1024xi32, #tpu.memory_space<vmem>>
    %dma_start3A_110 = tpu.memref_slice %arg2[%dma_start3A_103, %mul3A_0] : memref<50x16384xi32, #tpu.memory_space<hbm>> -> memref<1x1024xi32, #tpu.memory_space<hbm>>
    %dma_start3A_111 = tpu.memref_squeeze %dma_start3A_110 : memref<1x1024xi32, #tpu.memory_space<hbm>> -> memref<1024xi32, #tpu.memory_space<hbm>>
    tpu.enqueue_dma source(%dma_start3A_111 : memref<1024xi32, #tpu.memory_space<hbm>>) target(%dma_start3A_109 : memref<1024xi32, #tpu.memory_space<vmem>>) target_semaphore(%arg19 : memref<!tpu.dma_semaphore, #tpu.memory_space<semaphore_mem>>)
    %dma_start3A_112 = arith.constant 12 : i32
    %dma_start3A_113 = arith.constant 12288 : i32
    %dma_start3A_114 = tpu.memref_slice %arg6[%dma_start3A_113] : memref<25600xi32, #tpu.memory_space<vmem>> -> memref<1024xi32, #tpu.memory_space<vmem>>
    %dma_start3A_115 = tpu.memref_slice %arg2[%dma_start3A_112, %mul3A_0] : memref<50x16384xi32, #tpu.memory_space<hbm>> -> memref<1x1024xi32, #tpu.memory_space<hbm>>
    %dma_start3A_116 = tpu.memref_squeeze %dma_start3A_115 : memref<1x1024xi32, #tpu.memory_space<hbm>> -> memref<1024xi32, #tpu.memory_space<hbm>>
    %dma_start3A_117 = arith.constant 12288 : i32
    %dma_start3A_118 = tpu.memref_slice %arg6[%dma_start3A_117] : memref<25600xi32, #tpu.memory_space<vmem>> -> memref<1024xi32, #tpu.memory_space<vmem>>
    %dma_start3A_119 = tpu.memref_slice %arg2[%dma_start3A_112, %mul3A_0] : memref<50x16384xi32, #tpu.memory_space<hbm>> -> memref<1x1024xi32, #tpu.memory_space<hbm>>
    %dma_start3A_120 = tpu.memref_squeeze %dma_start3A_119 : memref<1x1024xi32, #tpu.memory_space<hbm>> -> memref<1024xi32, #tpu.memory_space<hbm>>
    tpu.enqueue_dma source(%dma_start3A_120 : memref<1024xi32, #tpu.memory_space<hbm>>) target(%dma_start3A_118 : memref<1024xi32, #tpu.memory_space<vmem>>) target_semaphore(%arg19 : memref<!tpu.dma_semaphore, #tpu.memory_space<semaphore_mem>>)
    %dma_start3A_121 = arith.constant 13 : i32
    %dma_start3A_122 = arith.constant 13312 : i32
    %dma_start3A_123 = tpu.memref_slice %arg6[%dma_start3A_122] : memref<25600xi32, #tpu.memory_space<vmem>> -> memref<1024xi32, #tpu.memory_space<vmem>>
    %dma_start3A_124 = tpu.memref_slice %arg2[%dma_start3A_121, %mul3A_0] : memref<50x16384xi32, #tpu.memory_space<hbm>> -> memref<1x1024xi32, #tpu.memory_space<hbm>>
    %dma_start3A_125 = tpu.memref_squeeze %dma_start3A_124 : memref<1x1024xi32, #tpu.memory_space<hbm>> -> memref<1024xi32, #tpu.memory_space<hbm>>
    %dma_start3A_126 = arith.constant 13312 : i32
    %dma_start3A_127 = tpu.memref_slice %arg6[%dma_start3A_126] : memref<25600xi32, #tpu.memory_space<vmem>> -> memref<1024xi32, #tpu.memory_space<vmem>>
    %dma_start3A_128 = tpu.memref_slice %arg2[%dma_start3A_121, %mul3A_0] : memref<50x16384xi32, #tpu.memory_space<hbm>> -> memref<1x1024xi32, #tpu.memory_space<hbm>>
    %dma_start3A_129 = tpu.memref_squeeze %dma_start3A_128 : memref<1x1024xi32, #tpu.memory_space<hbm>> -> memref<1024xi32, #tpu.memory_space<hbm>>
    tpu.enqueue_dma source(%dma_start3A_129 : memref<1024xi32, #tpu.memory_space<hbm>>) target(%dma_start3A_127 : memref<1024xi32, #tpu.memory_space<vmem>>) target_semaphore(%arg19 : memref<!tpu.dma_semaphore, #tpu.memory_space<semaphore_mem>>)
    %dma_start3A_130 = arith.constant 14 : i32
    %dma_start3A_131 = arith.constant 14336 : i32
    %dma_start3A_132 = tpu.memref_slice %arg6[%dma_start3A_131] : memref<25600xi32, #tpu.memory_space<vmem>> -> memref<1024xi32, #tpu.memory_space<vmem>>
    %dma_start3A_133 = tpu.memref_slice %arg2[%dma_start3A_130, %mul3A_0] : memref<50x16384xi32, #tpu.memory_space<hbm>> -> memref<1x1024xi32, #tpu.memory_space<hbm>>
    %dma_start3A_134 = tpu.memref_squeeze %dma_start3A_133 : memref<1x1024xi32, #tpu.memory_space<hbm>> -> memref<1024xi32, #tpu.memory_space<hbm>>
    %dma_start3A_135 = arith.constant 14336 : i32
    %dma_start3A_136 = tpu.memref_slice %arg6[%dma_start3A_135] : memref<25600xi32, #tpu.memory_space<vmem>> -> memref<1024xi32, #tpu.memory_space<vmem>>
    %dma_start3A_137 = tpu.memref_slice %arg2[%dma_start3A_130, %mul3A_0] : memref<50x16384xi32, #tpu.memory_space<hbm>> -> memref<1x1024xi32, #tpu.memory_space<hbm>>
    %dma_start3A_138 = tpu.memref_squeeze %dma_start3A_137 : memref<1x1024xi32, #tpu.memory_space<hbm>> -> memref<1024xi32, #tpu.memory_space<hbm>>
    tpu.enqueue_dma source(%dma_start3A_138 : memref<1024xi32, #tpu.memory_space<hbm>>) target(%dma_start3A_136 : memref<1024xi32, #tpu.memory_space<vmem>>) target_semaphore(%arg19 : memref<!tpu.dma_semaphore, #tpu.memory_space<semaphore_mem>>)
    %dma_start3A_139 = arith.constant 15 : i32
    %dma_start3A_140 = arith.constant 15360 : i32
    %dma_start3A_141 = tpu.memref_slice %arg6[%dma_start3A_140] : memref<25600xi32, #tpu.memory_space<vmem>> -> memref<1024xi32, #tpu.memory_space<vmem>>
    %dma_start3A_142 = tpu.memref_slice %arg2[%dma_start3A_139, %mul3A_0] : memref<50x16384xi32, #tpu.memory_space<hbm>> -> memref<1x1024xi32, #tpu.memory_space<hbm>>
    %dma_start3A_143 = tpu.memref_squeeze %dma_start3A_142 : memref<1x1024xi32, #tpu.memory_space<hbm>> -> memref<1024xi32, #tpu.memory_space<hbm>>
    %dma_start3A_144 = arith.constant 15360 : i32
    %dma_start3A_145 = tpu.memref_slice %arg6[%dma_start3A_144] : memref<25600xi32, #tpu.memory_space<vmem>> -> memref<1024xi32, #tpu.memory_space<vmem>>
    %dma_start3A_146 = tpu.memref_slice %arg2[%dma_start3A_139, %mul3A_0] : memref<50x16384xi32, #tpu.memory_space<hbm>> -> memref<1x1024xi32, #tpu.memory_space<hbm>>
    %dma_start3A_147 = tpu.memref_squeeze %dma_start3A_146 : memref<1x1024xi32, #tpu.memory_space<hbm>> -> memref<1024xi32, #tpu.memory_space<hbm>>
    tpu.enqueue_dma source(%dma_start3A_147 : memref<1024xi32, #tpu.memory_space<hbm>>) target(%dma_start3A_145 : memref<1024xi32, #tpu.memory_space<vmem>>) target_semaphore(%arg19 : memref<!tpu.dma_semaphore, #tpu.memory_space<semaphore_mem>>)
    %dma_start3A_148 = arith.constant 16 : i32
    %dma_start3A_149 = arith.constant 16384 : i32
    %dma_start3A_150 = tpu.memref_slice %arg6[%dma_start3A_149] : memref<25600xi32, #tpu.memory_space<vmem>> -> memref<1024xi32, #tpu.memory_space<vmem>>
    %dma_start3A_151 = tpu.memref_slice %arg2[%dma_start3A_148, %mul3A_0] : memref<50x16384xi32, #tpu.memory_space<hbm>> -> memref<1x1024xi32, #tpu.memory_space<hbm>>
    %dma_start3A_152 = tpu.memref_squeeze %dma_start3A_151 : memref<1x1024xi32, #tpu.memory_space<hbm>> -> memref<1024xi32, #tpu.memory_space<hbm>>
    %dma_start3A_153 = arith.constant 16384 : i32
    %dma_start3A_154 = tpu.memref_slice %arg6[%dma_start3A_153] : memref<25600xi32, #tpu.memory_space<vmem>> -> memref<1024xi32, #tpu.memory_space<vmem>>
    %dma_start3A_155 = tpu.memref_slice %arg2[%dma_start3A_148, %mul3A_0] : memref<50x16384xi32, #tpu.memory_space<hbm>> -> memref<1x1024xi32, #tpu.memory_space<hbm>>
    %dma_start3A_156 = tpu.memref_squeeze %dma_start3A_155 : memref<1x1024xi32, #tpu.memory_space<hbm>> -> memref<1024xi32, #tpu.memory_space<hbm>>
    tpu.enqueue_dma source(%dma_start3A_156 : memref<1024xi32, #tpu.memory_space<hbm>>) target(%dma_start3A_154 : memref<1024xi32, #tpu.memory_space<vmem>>) target_semaphore(%arg19 : memref<!tpu.dma_semaphore, #tpu.memory_space<semaphore_mem>>)
    %dma_start3A_157 = arith.constant 17 : i32
    %dma_start3A_158 = arith.constant 17408 : i32
    %dma_start3A_159 = tpu.memref_slice %arg6[%dma_start3A_158] : memref<25600xi32, #tpu.memory_space<vmem>> -> memref<1024xi32, #tpu.memory_space<vmem>>
    %dma_start3A_160 = tpu.memref_slice %arg2[%dma_start3A_157, %mul3A_0] : memref<50x16384xi32, #tpu.memory_space<hbm>> -> memref<1x1024xi32, #tpu.memory_space<hbm>>
    %dma_start3A_161 = tpu.memref_squeeze %dma_start3A_160 : memref<1x1024xi32, #tpu.memory_space<hbm>> -> memref<1024xi32, #tpu.memory_space<hbm>>
    %dma_start3A_162 = arith.constant 17408 : i32
    %dma_start3A_163 = tpu.memref_slice %arg6[%dma_start3A_162] : memref<25600xi32, #tpu.memory_space<vmem>> -> memref<1024xi32, #tpu.memory_space<vmem>>
    %dma_start3A_164 = tpu.memref_slice %arg2[%dma_start3A_157, %mul3A_0] : memref<50x16384xi32, #tpu.memory_space<hbm>> -> memref<1x1024xi32, #tpu.memory_space<hbm>>
    %dma_start3A_165 = tpu.memref_squeeze %dma_start3A_164 : memref<1x1024xi32, #tpu.memory_space<hbm>> -> memref<1024xi32, #tpu.memory_space<hbm>>
    tpu.enqueue_dma source(%dma_start3A_165 : memref<1024xi32, #tpu.memory_space<hbm>>) target(%dma_start3A_163 : memref<1024xi32, #tpu.memory_space<vmem>>) target_semaphore(%arg19 : memref<!tpu.dma_semaphore, #tpu.memory_space<semaphore_mem>>)
    %dma_start3A_166 = arith.constant 18 : i32
    %dma_start3A_167 = arith.constant 18432 : i32
    %dma_start3A_168 = tpu.memref_slice %arg6[%dma_start3A_167] : memref<25600xi32, #tpu.memory_space<vmem>> -> memref<1024xi32, #tpu.memory_space<vmem>>
    %dma_start3A_169 = tpu.memref_slice %arg2[%dma_start3A_166, %mul3A_0] : memref<50x16384xi32, #tpu.memory_space<hbm>> -> memref<1x1024xi32, #tpu.memory_space<hbm>>
    %dma_start3A_170 = tpu.memref_squeeze %dma_start3A_169 : memref<1x1024xi32, #tpu.memory_space<hbm>> -> memref<1024xi32, #tpu.memory_space<hbm>>
    %dma_start3A_171 = arith.constant 18432 : i32
    %dma_start3A_172 = tpu.memref_slice %arg6[%dma_start3A_171] : memref<25600xi32, #tpu.memory_space<vmem>> -> memref<1024xi32, #tpu.memory_space<vmem>>
    %dma_start3A_173 = tpu.memref_slice %arg2[%dma_start3A_166, %mul3A_0] : memref<50x16384xi32, #tpu.memory_space<hbm>> -> memref<1x1024xi32, #tpu.memory_space<hbm>>
    %dma_start3A_174 = tpu.memref_squeeze %dma_start3A_173 : memref<1x1024xi32, #tpu.memory_space<hbm>> -> memref<1024xi32, #tpu.memory_space<hbm>>
    tpu.enqueue_dma source(%dma_start3A_174 : memref<1024xi32, #tpu.memory_space<hbm>>) target(%dma_start3A_172 : memref<1024xi32, #tpu.memory_space<vmem>>) target_semaphore(%arg19 : memref<!tpu.dma_semaphore, #tpu.memory_space<semaphore_mem>>)
    %dma_start3A_175 = arith.constant 19 : i32
    %dma_start3A_176 = arith.constant 19456 : i32
    %dma_start3A_177 = tpu.memref_slice %arg6[%dma_start3A_176] : memref<25600xi32, #tpu.memory_space<vmem>> -> memref<1024xi32, #tpu.memory_space<vmem>>
    %dma_start3A_178 = tpu.memref_slice %arg2[%dma_start3A_175, %mul3A_0] : memref<50x16384xi32, #tpu.memory_space<hbm>> -> memref<1x1024xi32, #tpu.memory_space<hbm>>
    %dma_start3A_179 = tpu.memref_squeeze %dma_start3A_178 : memref<1x1024xi32, #tpu.memory_space<hbm>> -> memref<1024xi32, #tpu.memory_space<hbm>>
    %dma_start3A_180 = arith.constant 19456 : i32
    %dma_start3A_181 = tpu.memref_slice %arg6[%dma_start3A_180] : memref<25600xi32, #tpu.memory_space<vmem>> -> memref<1024xi32, #tpu.memory_space<vmem>>
    %dma_start3A_182 = tpu.memref_slice %arg2[%dma_start3A_175, %mul3A_0] : memref<50x16384xi32, #tpu.memory_space<hbm>> -> memref<1x1024xi32, #tpu.memory_space<hbm>>
    %dma_start3A_183 = tpu.memref_squeeze %dma_start3A_182 : memref<1x1024xi32, #tpu.memory_space<hbm>> -> memref<1024xi32, #tpu.memory_space<hbm>>
    tpu.enqueue_dma source(%dma_start3A_183 : memref<1024xi32, #tpu.memory_space<hbm>>) target(%dma_start3A_181 : memref<1024xi32, #tpu.memory_space<vmem>>) target_semaphore(%arg19 : memref<!tpu.dma_semaphore, #tpu.memory_space<semaphore_mem>>)
    %dma_start3A_184 = arith.constant 20 : i32
    %dma_start3A_185 = arith.constant 20480 : i32
    %dma_start3A_186 = tpu.memref_slice %arg6[%dma_start3A_185] : memref<25600xi32, #tpu.memory_space<vmem>> -> memref<1024xi32, #tpu.memory_space<vmem>>
    %dma_start3A_187 = tpu.memref_slice %arg2[%dma_start3A_184, %mul3A_0] : memref<50x16384xi32, #tpu.memory_space<hbm>> -> memref<1x1024xi32, #tpu.memory_space<hbm>>
    %dma_start3A_188 = tpu.memref_squeeze %dma_start3A_187 : memref<1x1024xi32, #tpu.memory_space<hbm>> -> memref<1024xi32, #tpu.memory_space<hbm>>
    %dma_start3A_189 = arith.constant 20480 : i32
    %dma_start3A_190 = tpu.memref_slice %arg6[%dma_start3A_189] : memref<25600xi32, #tpu.memory_space<vmem>> -> memref<1024xi32, #tpu.memory_space<vmem>>
    %dma_start3A_191 = tpu.memref_slice %arg2[%dma_start3A_184, %mul3A_0] : memref<50x16384xi32, #tpu.memory_space<hbm>> -> memref<1x1024xi32, #tpu.memory_space<hbm>>
    %dma_start3A_192 = tpu.memref_squeeze %dma_start3A_191 : memref<1x1024xi32, #tpu.memory_space<hbm>> -> memref<1024xi32, #tpu.memory_space<hbm>>
    tpu.enqueue_dma source(%dma_start3A_192 : memref<1024xi32, #tpu.memory_space<hbm>>) target(%dma_start3A_190 : memref<1024xi32, #tpu.memory_space<vmem>>) target_semaphore(%arg19 : memref<!tpu.dma_semaphore, #tpu.memory_space<semaphore_mem>>)
    %dma_start3A_193 = arith.constant 21 : i32
    %dma_start3A_194 = arith.constant 21504 : i32
    %dma_start3A_195 = tpu.memref_slice %arg6[%dma_start3A_194] : memref<25600xi32, #tpu.memory_space<vmem>> -> memref<1024xi32, #tpu.memory_space<vmem>>
    %dma_start3A_196 = tpu.memref_slice %arg2[%dma_start3A_193, %mul3A_0] : memref<50x16384xi32, #tpu.memory_space<hbm>> -> memref<1x1024xi32, #tpu.memory_space<hbm>>
    %dma_start3A_197 = tpu.memref_squeeze %dma_start3A_196 : memref<1x1024xi32, #tpu.memory_space<hbm>> -> memref<1024xi32, #tpu.memory_space<hbm>>
    %dma_start3A_198 = arith.constant 21504 : i32
    %dma_start3A_199 = tpu.memref_slice %arg6[%dma_start3A_198] : memref<25600xi32, #tpu.memory_space<vmem>> -> memref<1024xi32, #tpu.memory_space<vmem>>
    %dma_start3A_200 = tpu.memref_slice %arg2[%dma_start3A_193, %mul3A_0] : memref<50x16384xi32, #tpu.memory_space<hbm>> -> memref<1x1024xi32, #tpu.memory_space<hbm>>
    %dma_start3A_201 = tpu.memref_squeeze %dma_start3A_200 : memref<1x1024xi32, #tpu.memory_space<hbm>> -> memref<1024xi32, #tpu.memory_space<hbm>>
    tpu.enqueue_dma source(%dma_start3A_201 : memref<1024xi32, #tpu.memory_space<hbm>>) target(%dma_start3A_199 : memref<1024xi32, #tpu.memory_space<vmem>>) target_semaphore(%arg19 : memref<!tpu.dma_semaphore, #tpu.memory_space<semaphore_mem>>)
    %dma_start3A_202 = arith.constant 22 : i32
    %dma_start3A_203 = arith.constant 22528 : i32
    %dma_start3A_204 = tpu.memref_slice %arg6[%dma_start3A_203] : memref<25600xi32, #tpu.memory_space<vmem>> -> memref<1024xi32, #tpu.memory_space<vmem>>
    %dma_start3A_205 = tpu.memref_slice %arg2[%dma_start3A_202, %mul3A_0] : memref<50x16384xi32, #tpu.memory_space<hbm>> -> memref<1x1024xi32, #tpu.memory_space<hbm>>
    %dma_start3A_206 = tpu.memref_squeeze %dma_start3A_205 : memref<1x1024xi32, #tpu.memory_space<hbm>> -> memref<1024xi32, #tpu.memory_space<hbm>>
    %dma_start3A_207 = arith.constant 22528 : i32
    %dma_start3A_208 = tpu.memref_slice %arg6[%dma_start3A_207] : memref<25600xi32, #tpu.memory_space<vmem>> -> memref<1024xi32, #tpu.memory_space<vmem>>
    %dma_start3A_209 = tpu.memref_slice %arg2[%dma_start3A_202, %mul3A_0] : memref<50x16384xi32, #tpu.memory_space<hbm>> -> memref<1x1024xi32, #tpu.memory_space<hbm>>
    %dma_start3A_210 = tpu.memref_squeeze %dma_start3A_209 : memref<1x1024xi32, #tpu.memory_space<hbm>> -> memref<1024xi32, #tpu.memory_space<hbm>>
    tpu.enqueue_dma source(%dma_start3A_210 : memref<1024xi32, #tpu.memory_space<hbm>>) target(%dma_start3A_208 : memref<1024xi32, #tpu.memory_space<vmem>>) target_semaphore(%arg19 : memref<!tpu.dma_semaphore, #tpu.memory_space<semaphore_mem>>)
    %dma_start3A_211 = arith.constant 23 : i32
    %dma_start3A_212 = arith.constant 23552 : i32
    %dma_start3A_213 = tpu.memref_slice %arg6[%dma_start3A_212] : memref<25600xi32, #tpu.memory_space<vmem>> -> memref<1024xi32, #tpu.memory_space<vmem>>
    %dma_start3A_214 = tpu.memref_slice %arg2[%dma_start3A_211, %mul3A_0] : memref<50x16384xi32, #tpu.memory_space<hbm>> -> memref<1x1024xi32, #tpu.memory_space<hbm>>
    %dma_start3A_215 = tpu.memref_squeeze %dma_start3A_214 : memref<1x1024xi32, #tpu.memory_space<hbm>> -> memref<1024xi32, #tpu.memory_space<hbm>>
    %dma_start3A_216 = arith.constant 23552 : i32
    %dma_start3A_217 = tpu.memref_slice %arg6[%dma_start3A_216] : memref<25600xi32, #tpu.memory_space<vmem>> -> memref<1024xi32, #tpu.memory_space<vmem>>
    %dma_start3A_218 = tpu.memref_slice %arg2[%dma_start3A_211, %mul3A_0] : memref<50x16384xi32, #tpu.memory_space<hbm>> -> memref<1x1024xi32, #tpu.memory_space<hbm>>
    %dma_start3A_219 = tpu.memref_squeeze %dma_start3A_218 : memref<1x1024xi32, #tpu.memory_space<hbm>> -> memref<1024xi32, #tpu.memory_space<hbm>>
    tpu.enqueue_dma source(%dma_start3A_219 : memref<1024xi32, #tpu.memory_space<hbm>>) target(%dma_start3A_217 : memref<1024xi32, #tpu.memory_space<vmem>>) target_semaphore(%arg19 : memref<!tpu.dma_semaphore, #tpu.memory_space<semaphore_mem>>)
    %dma_start3A_220 = arith.constant 24 : i32
    %dma_start3A_221 = arith.constant 24576 : i32
    %dma_start3A_222 = tpu.memref_slice %arg6[%dma_start3A_221] : memref<25600xi32, #tpu.memory_space<vmem>> -> memref<1024xi32, #tpu.memory_space<vmem>>
    %dma_start3A_223 = tpu.memref_slice %arg2[%dma_start3A_220, %mul3A_0] : memref<50x16384xi32, #tpu.memory_space<hbm>> -> memref<1x1024xi32, #tpu.memory_space<hbm>>
    %dma_start3A_224 = tpu.memref_squeeze %dma_start3A_223 : memref<1x1024xi32, #tpu.memory_space<hbm>> -> memref<1024xi32, #tpu.memory_space<hbm>>
    %dma_start3A_225 = arith.constant 24576 : i32
    %dma_start3A_226 = tpu.memref_slice %arg6[%dma_start3A_225] : memref<25600xi32, #tpu.memory_space<vmem>> -> memref<1024xi32, #tpu.memory_space<vmem>>
    %dma_start3A_227 = tpu.memref_slice %arg2[%dma_start3A_220, %mul3A_0] : memref<50x16384xi32, #tpu.memory_space<hbm>> -> memref<1x1024xi32, #tpu.memory_space<hbm>>
    %dma_start3A_228 = tpu.memref_squeeze %dma_start3A_227 : memref<1x1024xi32, #tpu.memory_space<hbm>> -> memref<1024xi32, #tpu.memory_space<hbm>>
    tpu.enqueue_dma source(%dma_start3A_228 : memref<1024xi32, #tpu.memory_space<hbm>>) target(%dma_start3A_226 : memref<1024xi32, #tpu.memory_space<vmem>>) target_semaphore(%arg19 : memref<!tpu.dma_semaphore, #tpu.memory_space<semaphore_mem>>)
    %dma_start3A_229 = arith.constant 25 : i32
    %dma_start3A_230 = arith.constant 0 : i32
    %dma_start3A_231 = tpu.memref_slice %arg7[%dma_start3A_230] : memref<25600xi32, #tpu.memory_space<vmem>> -> memref<1024xi32, #tpu.memory_space<vmem>>
    %dma_start3A_232 = tpu.memref_slice %arg2[%dma_start3A_229, %mul3A_0] : memref<50x16384xi32, #tpu.memory_space<hbm>> -> memref<1x1024xi32, #tpu.memory_space<hbm>>
    %dma_start3A_233 = tpu.memref_squeeze %dma_start3A_232 : memref<1x1024xi32, #tpu.memory_space<hbm>> -> memref<1024xi32, #tpu.memory_space<hbm>>
    %dma_start3A_234 = arith.constant 0 : i32
    %dma_start3A_235 = tpu.memref_slice %arg7[%dma_start3A_234] : memref<25600xi32, #tpu.memory_space<vmem>> -> memref<1024xi32, #tpu.memory_space<vmem>>
    %dma_start3A_236 = tpu.memref_slice %arg2[%dma_start3A_229, %mul3A_0] : memref<50x16384xi32, #tpu.memory_space<hbm>> -> memref<1x1024xi32, #tpu.memory_space<hbm>>
    %dma_start3A_237 = tpu.memref_squeeze %dma_start3A_236 : memref<1x1024xi32, #tpu.memory_space<hbm>> -> memref<1024xi32, #tpu.memory_space<hbm>>
    tpu.enqueue_dma source(%dma_start3A_237 : memref<1024xi32, #tpu.memory_space<hbm>>) target(%dma_start3A_235 : memref<1024xi32, #tpu.memory_space<vmem>>) target_semaphore(%arg19 : memref<!tpu.dma_semaphore, #tpu.memory_space<semaphore_mem>>)
    %dma_start3A_238 = arith.constant 26 : i32
    %dma_start3A_239 = arith.constant 1024 : i32
    %dma_start3A_240 = tpu.memref_slice %arg7[%dma_start3A_239] : memref<25600xi32, #tpu.memory_space<vmem>> -> memref<1024xi32, #tpu.memory_space<vmem>>
    %dma_start3A_241 = tpu.memref_slice %arg2[%dma_start3A_238, %mul3A_0] : memref<50x16384xi32, #tpu.memory_space<hbm>> -> memref<1x1024xi32, #tpu.memory_space<hbm>>
    %dma_start3A_242 = tpu.memref_squeeze %dma_start3A_241 : memref<1x1024xi32, #tpu.memory_space<hbm>> -> memref<1024xi32, #tpu.memory_space<hbm>>
    %dma_start3A_243 = arith.constant 1024 : i32
    %dma_start3A_244 = tpu.memref_slice %arg7[%dma_start3A_243] : memref<25600xi32, #tpu.memory_space<vmem>> -> memref<1024xi32, #tpu.memory_space<vmem>>
    %dma_start3A_245 = tpu.memref_slice %arg2[%dma_start3A_238, %mul3A_0] : memref<50x16384xi32, #tpu.memory_space<hbm>> -> memref<1x1024xi32, #tpu.memory_space<hbm>>
    %dma_start3A_246 = tpu.memref_squeeze %dma_start3A_245 : memref<1x1024xi32, #tpu.memory_space<hbm>> -> memref<1024xi32, #tpu.memory_space<hbm>>
    tpu.enqueue_dma source(%dma_start3A_246 : memref<1024xi32, #tpu.memory_space<hbm>>) target(%dma_start3A_244 : memref<1024xi32, #tpu.memory_space<vmem>>) target_semaphore(%arg19 : memref<!tpu.dma_semaphore, #tpu.memory_space<semaphore_mem>>)
    %dma_start3A_247 = arith.constant 27 : i32
    %dma_start3A_248 = arith.constant 2048 : i32
    %dma_start3A_249 = tpu.memref_slice %arg7[%dma_start3A_248] : memref<25600xi32, #tpu.memory_space<vmem>> -> memref<1024xi32, #tpu.memory_space<vmem>>
    %dma_start3A_250 = tpu.memref_slice %arg2[%dma_start3A_247, %mul3A_0] : memref<50x16384xi32, #tpu.memory_space<hbm>> -> memref<1x1024xi32, #tpu.memory_space<hbm>>
    %dma_start3A_251 = tpu.memref_squeeze %dma_start3A_250 : memref<1x1024xi32, #tpu.memory_space<hbm>> -> memref<1024xi32, #tpu.memory_space<hbm>>
    %dma_start3A_252 = arith.constant 2048 : i32
    %dma_start3A_253 = tpu.memref_slice %arg7[%dma_start3A_252] : memref<25600xi32, #tpu.memory_space<vmem>> -> memref<1024xi32, #tpu.memory_space<vmem>>
    %dma_start3A_254 = tpu.memref_slice %arg2[%dma_start3A_247, %mul3A_0] : memref<50x16384xi32, #tpu.memory_space<hbm>> -> memref<1x1024xi32, #tpu.memory_space<hbm>>
    %dma_start3A_255 = tpu.memref_squeeze %dma_start3A_254 : memref<1x1024xi32, #tpu.memory_space<hbm>> -> memref<1024xi32, #tpu.memory_space<hbm>>
    tpu.enqueue_dma source(%dma_start3A_255 : memref<1024xi32, #tpu.memory_space<hbm>>) target(%dma_start3A_253 : memref<1024xi32, #tpu.memory_space<vmem>>) target_semaphore(%arg19 : memref<!tpu.dma_semaphore, #tpu.memory_space<semaphore_mem>>)
    %dma_start3A_256 = arith.constant 28 : i32
    %dma_start3A_257 = arith.constant 3072 : i32
    %dma_start3A_258 = tpu.memref_slice %arg7[%dma_start3A_257] : memref<25600xi32, #tpu.memory_space<vmem>> -> memref<1024xi32, #tpu.memory_space<vmem>>
    %dma_start3A_259 = tpu.memref_slice %arg2[%dma_start3A_256, %mul3A_0] : memref<50x16384xi32, #tpu.memory_space<hbm>> -> memref<1x1024xi32, #tpu.memory_space<hbm>>
    %dma_start3A_260 = tpu.memref_squeeze %dma_start3A_259 : memref<1x1024xi32, #tpu.memory_space<hbm>> -> memref<1024xi32, #tpu.memory_space<hbm>>
    %dma_start3A_261 = arith.constant 3072 : i32
    %dma_start3A_262 = tpu.memref_slice %arg7[%dma_start3A_261] : memref<25600xi32, #tpu.memory_space<vmem>> -> memref<1024xi32, #tpu.memory_space<vmem>>
    %dma_start3A_263 = tpu.memref_slice %arg2[%dma_start3A_256, %mul3A_0] : memref<50x16384xi32, #tpu.memory_space<hbm>> -> memref<1x1024xi32, #tpu.memory_space<hbm>>
    %dma_start3A_264 = tpu.memref_squeeze %dma_start3A_263 : memref<1x1024xi32, #tpu.memory_space<hbm>> -> memref<1024xi32, #tpu.memory_space<hbm>>
    tpu.enqueue_dma source(%dma_start3A_264 : memref<1024xi32, #tpu.memory_space<hbm>>) target(%dma_start3A_262 : memref<1024xi32, #tpu.memory_space<vmem>>) target_semaphore(%arg19 : memref<!tpu.dma_semaphore, #tpu.memory_space<semaphore_mem>>)
    %dma_start3A_265 = arith.constant 29 : i32
    %dma_start3A_266 = arith.constant 4096 : i32
    %dma_start3A_267 = tpu.memref_slice %arg7[%dma_start3A_266] : memref<25600xi32, #tpu.memory_space<vmem>> -> memref<1024xi32, #tpu.memory_space<vmem>>
    %dma_start3A_268 = tpu.memref_slice %arg2[%dma_start3A_265, %mul3A_0] : memref<50x16384xi32, #tpu.memory_space<hbm>> -> memref<1x1024xi32, #tpu.memory_space<hbm>>
    %dma_start3A_269 = tpu.memref_squeeze %dma_start3A_268 : memref<1x1024xi32, #tpu.memory_space<hbm>> -> memref<1024xi32, #tpu.memory_space<hbm>>
    %dma_start3A_270 = arith.constant 4096 : i32
    %dma_start3A_271 = tpu.memref_slice %arg7[%dma_start3A_270] : memref<25600xi32, #tpu.memory_space<vmem>> -> memref<1024xi32, #tpu.memory_space<vmem>>
    %dma_start3A_272 = tpu.memref_slice %arg2[%dma_start3A_265, %mul3A_0] : memref<50x16384xi32, #tpu.memory_space<hbm>> -> memref<1x1024xi32, #tpu.memory_space<hbm>>
    %dma_start3A_273 = tpu.memref_squeeze %dma_start3A_272 : memref<1x1024xi32, #tpu.memory_space<hbm>> -> memref<1024xi32, #tpu.memory_space<hbm>>
    tpu.enqueue_dma source(%dma_start3A_273 : memref<1024xi32, #tpu.memory_space<hbm>>) target(%dma_start3A_271 : memref<1024xi32, #tpu.memory_space<vmem>>) target_semaphore(%arg19 : memref<!tpu.dma_semaphore, #tpu.memory_space<semaphore_mem>>)
    %dma_start3A_274 = arith.constant 30 : i32
    %dma_start3A_275 = arith.constant 5120 : i32
    %dma_start3A_276 = tpu.memref_slice %arg7[%dma_start3A_275] : memref<25600xi32, #tpu.memory_space<vmem>> -> memref<1024xi32, #tpu.memory_space<vmem>>
    %dma_start3A_277 = tpu.memref_slice %arg2[%dma_start3A_274, %mul3A_0] : memref<50x16384xi32, #tpu.memory_space<hbm>> -> memref<1x1024xi32, #tpu.memory_space<hbm>>
    %dma_start3A_278 = tpu.memref_squeeze %dma_start3A_277 : memref<1x1024xi32, #tpu.memory_space<hbm>> -> memref<1024xi32, #tpu.memory_space<hbm>>
    %dma_start3A_279 = arith.constant 5120 : i32
    %dma_start3A_280 = tpu.memref_slice %arg7[%dma_start3A_279] : memref<25600xi32, #tpu.memory_space<vmem>> -> memref<1024xi32, #tpu.memory_space<vmem>>
    %dma_start3A_281 = tpu.memref_slice %arg2[%dma_start3A_274, %mul3A_0] : memref<50x16384xi32, #tpu.memory_space<hbm>> -> memref<1x1024xi32, #tpu.memory_space<hbm>>
    %dma_start3A_282 = tpu.memref_squeeze %dma_start3A_281 : memref<1x1024xi32, #tpu.memory_space<hbm>> -> memref<1024xi32, #tpu.memory_space<hbm>>
    tpu.enqueue_dma source(%dma_start3A_282 : memref<1024xi32, #tpu.memory_space<hbm>>) target(%dma_start3A_280 : memref<1024xi32, #tpu.memory_space<vmem>>) target_semaphore(%arg19 : memref<!tpu.dma_semaphore, #tpu.memory_space<semaphore_mem>>)
    %dma_start3A_283 = arith.constant 31 : i32
    %dma_start3A_284 = arith.constant 6144 : i32
    %dma_start3A_285 = tpu.memref_slice %arg7[%dma_start3A_284] : memref<25600xi32, #tpu.memory_space<vmem>> -> memref<1024xi32, #tpu.memory_space<vmem>>
    %dma_start3A_286 = tpu.memref_slice %arg2[%dma_start3A_283, %mul3A_0] : memref<50x16384xi32, #tpu.memory_space<hbm>> -> memref<1x1024xi32, #tpu.memory_space<hbm>>
    %dma_start3A_287 = tpu.memref_squeeze %dma_start3A_286 : memref<1x1024xi32, #tpu.memory_space<hbm>> -> memref<1024xi32, #tpu.memory_space<hbm>>
    %dma_start3A_288 = arith.constant 6144 : i32
    %dma_start3A_289 = tpu.memref_slice %arg7[%dma_start3A_288] : memref<25600xi32, #tpu.memory_space<vmem>> -> memref<1024xi32, #tpu.memory_space<vmem>>
    %dma_start3A_290 = tpu.memref_slice %arg2[%dma_start3A_283, %mul3A_0] : memref<50x16384xi32, #tpu.memory_space<hbm>> -> memref<1x1024xi32, #tpu.memory_space<hbm>>
    %dma_start3A_291 = tpu.memref_squeeze %dma_start3A_290 : memref<1x1024xi32, #tpu.memory_space<hbm>> -> memref<1024xi32, #tpu.memory_space<hbm>>
    tpu.enqueue_dma source(%dma_start3A_291 : memref<1024xi32, #tpu.memory_space<hbm>>) target(%dma_start3A_289 : memref<1024xi32, #tpu.memory_space<vmem>>) target_semaphore(%arg19 : memref<!tpu.dma_semaphore, #tpu.memory_space<semaphore_mem>>)
    %dma_start3A_292 = arith.constant 32 : i32
    %dma_start3A_293 = arith.constant 7168 : i32
    %dma_start3A_294 = tpu.memref_slice %arg7[%dma_start3A_293] : memref<25600xi32, #tpu.memory_space<vmem>> -> memref<1024xi32, #tpu.memory_space<vmem>>
    %dma_start3A_295 = tpu.memref_slice %arg2[%dma_start3A_292, %mul3A_0] : memref<50x16384xi32, #tpu.memory_space<hbm>> -> memref<1x1024xi32, #tpu.memory_space<hbm>>
    %dma_start3A_296 = tpu.memref_squeeze %dma_start3A_295 : memref<1x1024xi32, #tpu.memory_space<hbm>> -> memref<1024xi32, #tpu.memory_space<hbm>>
    %dma_start3A_297 = arith.constant 7168 : i32
    %dma_start3A_298 = tpu.memref_slice %arg7[%dma_start3A_297] : memref<25600xi32, #tpu.memory_space<vmem>> -> memref<1024xi32, #tpu.memory_space<vmem>>
    %dma_start3A_299 = tpu.memref_slice %arg2[%dma_start3A_292, %mul3A_0] : memref<50x16384xi32, #tpu.memory_space<hbm>> -> memref<1x1024xi32, #tpu.memory_space<hbm>>
    %dma_start3A_300 = tpu.memref_squeeze %dma_start3A_299 : memref<1x1024xi32, #tpu.memory_space<hbm>> -> memref<1024xi32, #tpu.memory_space<hbm>>
    tpu.enqueue_dma source(%dma_start3A_300 : memref<1024xi32, #tpu.memory_space<hbm>>) target(%dma_start3A_298 : memref<1024xi32, #tpu.memory_space<vmem>>) target_semaphore(%arg19 : memref<!tpu.dma_semaphore, #tpu.memory_space<semaphore_mem>>)
    %dma_start3A_301 = arith.constant 33 : i32
    %dma_start3A_302 = arith.constant 8192 : i32
    %dma_start3A_303 = tpu.memref_slice %arg7[%dma_start3A_302] : memref<25600xi32, #tpu.memory_space<vmem>> -> memref<1024xi32, #tpu.memory_space<vmem>>
    %dma_start3A_304 = tpu.memref_slice %arg2[%dma_start3A_301, %mul3A_0] : memref<50x16384xi32, #tpu.memory_space<hbm>> -> memref<1x1024xi32, #tpu.memory_space<hbm>>
    %dma_start3A_305 = tpu.memref_squeeze %dma_start3A_304 : memref<1x1024xi32, #tpu.memory_space<hbm>> -> memref<1024xi32, #tpu.memory_space<hbm>>
    %dma_start3A_306 = arith.constant 8192 : i32
    %dma_start3A_307 = tpu.memref_slice %arg7[%dma_start3A_306] : memref<25600xi32, #tpu.memory_space<vmem>> -> memref<1024xi32, #tpu.memory_space<vmem>>
    %dma_start3A_308 = tpu.memref_slice %arg2[%dma_start3A_301, %mul3A_0] : memref<50x16384xi32, #tpu.memory_space<hbm>> -> memref<1x1024xi32, #tpu.memory_space<hbm>>
    %dma_start3A_309 = tpu.memref_squeeze %dma_start3A_308 : memref<1x1024xi32, #tpu.memory_space<hbm>> -> memref<1024xi32, #tpu.memory_space<hbm>>
    tpu.enqueue_dma source(%dma_start3A_309 : memref<1024xi32, #tpu.memory_space<hbm>>) target(%dma_start3A_307 : memref<1024xi32, #tpu.memory_space<vmem>>) target_semaphore(%arg19 : memref<!tpu.dma_semaphore, #tpu.memory_space<semaphore_mem>>)
    %dma_start3A_310 = arith.constant 34 : i32
    %dma_start3A_311 = arith.constant 9216 : i32
    %dma_start3A_312 = tpu.memref_slice %arg7[%dma_start3A_311] : memref<25600xi32, #tpu.memory_space<vmem>> -> memref<1024xi32, #tpu.memory_space<vmem>>
    %dma_start3A_313 = tpu.memref_slice %arg2[%dma_start3A_310, %mul3A_0] : memref<50x16384xi32, #tpu.memory_space<hbm>> -> memref<1x1024xi32, #tpu.memory_space<hbm>>
    %dma_start3A_314 = tpu.memref_squeeze %dma_start3A_313 : memref<1x1024xi32, #tpu.memory_space<hbm>> -> memref<1024xi32, #tpu.memory_space<hbm>>
    %dma_start3A_315 = arith.constant 9216 : i32
    %dma_start3A_316 = tpu.memref_slice %arg7[%dma_start3A_315] : memref<25600xi32, #tpu.memory_space<vmem>> -> memref<1024xi32, #tpu.memory_space<vmem>>
    %dma_start3A_317 = tpu.memref_slice %arg2[%dma_start3A_310, %mul3A_0] : memref<50x16384xi32, #tpu.memory_space<hbm>> -> memref<1x1024xi32, #tpu.memory_space<hbm>>
    %dma_start3A_318 = tpu.memref_squeeze %dma_start3A_317 : memref<1x1024xi32, #tpu.memory_space<hbm>> -> memref<1024xi32, #tpu.memory_space<hbm>>
    tpu.enqueue_dma source(%dma_start3A_318 : memref<1024xi32, #tpu.memory_space<hbm>>) target(%dma_start3A_316 : memref<1024xi32, #tpu.memory_space<vmem>>) target_semaphore(%arg19 : memref<!tpu.dma_semaphore, #tpu.memory_space<semaphore_mem>>)
    %dma_start3A_319 = arith.constant 35 : i32
    %dma_start3A_320 = arith.constant 10240 : i32
    %dma_start3A_321 = tpu.memref_slice %arg7[%dma_start3A_320] : memref<25600xi32, #tpu.memory_space<vmem>> -> memref<1024xi32, #tpu.memory_space<vmem>>
    %dma_start3A_322 = tpu.memref_slice %arg2[%dma_start3A_319, %mul3A_0] : memref<50x16384xi32, #tpu.memory_space<hbm>> -> memref<1x1024xi32, #tpu.memory_space<hbm>>
    %dma_start3A_323 = tpu.memref_squeeze %dma_start3A_322 : memref<1x1024xi32, #tpu.memory_space<hbm>> -> memref<1024xi32, #tpu.memory_space<hbm>>
    %dma_start3A_324 = arith.constant 10240 : i32
    %dma_start3A_325 = tpu.memref_slice %arg7[%dma_start3A_324] : memref<25600xi32, #tpu.memory_space<vmem>> -> memref<1024xi32, #tpu.memory_space<vmem>>
    %dma_start3A_326 = tpu.memref_slice %arg2[%dma_start3A_319, %mul3A_0] : memref<50x16384xi32, #tpu.memory_space<hbm>> -> memref<1x1024xi32, #tpu.memory_space<hbm>>
    %dma_start3A_327 = tpu.memref_squeeze %dma_start3A_326 : memref<1x1024xi32, #tpu.memory_space<hbm>> -> memref<1024xi32, #tpu.memory_space<hbm>>
    tpu.enqueue_dma source(%dma_start3A_327 : memref<1024xi32, #tpu.memory_space<hbm>>) target(%dma_start3A_325 : memref<1024xi32, #tpu.memory_space<vmem>>) target_semaphore(%arg19 : memref<!tpu.dma_semaphore, #tpu.memory_space<semaphore_mem>>)
    %dma_start3A_328 = arith.constant 36 : i32
    %dma_start3A_329 = arith.constant 11264 : i32
    %dma_start3A_330 = tpu.memref_slice %arg7[%dma_start3A_329] : memref<25600xi32, #tpu.memory_space<vmem>> -> memref<1024xi32, #tpu.memory_space<vmem>>
    %dma_start3A_331 = tpu.memref_slice %arg2[%dma_start3A_328, %mul3A_0] : memref<50x16384xi32, #tpu.memory_space<hbm>> -> memref<1x1024xi32, #tpu.memory_space<hbm>>
    %dma_start3A_332 = tpu.memref_squeeze %dma_start3A_331 : memref<1x1024xi32, #tpu.memory_space<hbm>> -> memref<1024xi32, #tpu.memory_space<hbm>>
    %dma_start3A_333 = arith.constant 11264 : i32
    %dma_start3A_334 = tpu.memref_slice %arg7[%dma_start3A_333] : memref<25600xi32, #tpu.memory_space<vmem>> -> memref<1024xi32, #tpu.memory_space<vmem>>
    %dma_start3A_335 = tpu.memref_slice %arg2[%dma_start3A_328, %mul3A_0] : memref<50x16384xi32, #tpu.memory_space<hbm>> -> memref<1x1024xi32, #tpu.memory_space<hbm>>
    %dma_start3A_336 = tpu.memref_squeeze %dma_start3A_335 : memref<1x1024xi32, #tpu.memory_space<hbm>> -> memref<1024xi32, #tpu.memory_space<hbm>>
    tpu.enqueue_dma source(%dma_start3A_336 : memref<1024xi32, #tpu.memory_space<hbm>>) target(%dma_start3A_334 : memref<1024xi32, #tpu.memory_space<vmem>>) target_semaphore(%arg19 : memref<!tpu.dma_semaphore, #tpu.memory_space<semaphore_mem>>)
    %dma_start3A_337 = arith.constant 37 : i32
    %dma_start3A_338 = arith.constant 12288 : i32
    %dma_start3A_339 = tpu.memref_slice %arg7[%dma_start3A_338] : memref<25600xi32, #tpu.memory_space<vmem>> -> memref<1024xi32, #tpu.memory_space<vmem>>
    %dma_start3A_340 = tpu.memref_slice %arg2[%dma_start3A_337, %mul3A_0] : memref<50x16384xi32, #tpu.memory_space<hbm>> -> memref<1x1024xi32, #tpu.memory_space<hbm>>
    %dma_start3A_341 = tpu.memref_squeeze %dma_start3A_340 : memref<1x1024xi32, #tpu.memory_space<hbm>> -> memref<1024xi32, #tpu.memory_space<hbm>>
    %dma_start3A_342 = arith.constant 12288 : i32
    %dma_start3A_343 = tpu.memref_slice %arg7[%dma_start3A_342] : memref<25600xi32, #tpu.memory_space<vmem>> -> memref<1024xi32, #tpu.memory_space<vmem>>
    %dma_start3A_344 = tpu.memref_slice %arg2[%dma_start3A_337, %mul3A_0] : memref<50x16384xi32, #tpu.memory_space<hbm>> -> memref<1x1024xi32, #tpu.memory_space<hbm>>
    %dma_start3A_345 = tpu.memref_squeeze %dma_start3A_344 : memref<1x1024xi32, #tpu.memory_space<hbm>> -> memref<1024xi32, #tpu.memory_space<hbm>>
    tpu.enqueue_dma source(%dma_start3A_345 : memref<1024xi32, #tpu.memory_space<hbm>>) target(%dma_start3A_343 : memref<1024xi32, #tpu.memory_space<vmem>>) target_semaphore(%arg19 : memref<!tpu.dma_semaphore, #tpu.memory_space<semaphore_mem>>)
    %dma_start3A_346 = arith.constant 38 : i32
    %dma_start3A_347 = arith.constant 13312 : i32
    %dma_start3A_348 = tpu.memref_slice %arg7[%dma_start3A_347] : memref<25600xi32, #tpu.memory_space<vmem>> -> memref<1024xi32, #tpu.memory_space<vmem>>
    %dma_start3A_349 = tpu.memref_slice %arg2[%dma_start3A_346, %mul3A_0] : memref<50x16384xi32, #tpu.memory_space<hbm>> -> memref<1x1024xi32, #tpu.memory_space<hbm>>
    %dma_start3A_350 = tpu.memref_squeeze %dma_start3A_349 : memref<1x1024xi32, #tpu.memory_space<hbm>> -> memref<1024xi32, #tpu.memory_space<hbm>>
    %dma_start3A_351 = arith.constant 13312 : i32
    %dma_start3A_352 = tpu.memref_slice %arg7[%dma_start3A_351] : memref<25600xi32, #tpu.memory_space<vmem>> -> memref<1024xi32, #tpu.memory_space<vmem>>
    %dma_start3A_353 = tpu.memref_slice %arg2[%dma_start3A_346, %mul3A_0] : memref<50x16384xi32, #tpu.memory_space<hbm>> -> memref<1x1024xi32, #tpu.memory_space<hbm>>
    %dma_start3A_354 = tpu.memref_squeeze %dma_start3A_353 : memref<1x1024xi32, #tpu.memory_space<hbm>> -> memref<1024xi32, #tpu.memory_space<hbm>>
    tpu.enqueue_dma source(%dma_start3A_354 : memref<1024xi32, #tpu.memory_space<hbm>>) target(%dma_start3A_352 : memref<1024xi32, #tpu.memory_space<vmem>>) target_semaphore(%arg19 : memref<!tpu.dma_semaphore, #tpu.memory_space<semaphore_mem>>)
    %dma_start3A_355 = arith.constant 39 : i32
    %dma_start3A_356 = arith.constant 14336 : i32
    %dma_start3A_357 = tpu.memref_slice %arg7[%dma_start3A_356] : memref<25600xi32, #tpu.memory_space<vmem>> -> memref<1024xi32, #tpu.memory_space<vmem>>
    %dma_start3A_358 = tpu.memref_slice %arg2[%dma_start3A_355, %mul3A_0] : memref<50x16384xi32, #tpu.memory_space<hbm>> -> memref<1x1024xi32, #tpu.memory_space<hbm>>
    %dma_start3A_359 = tpu.memref_squeeze %dma_start3A_358 : memref<1x1024xi32, #tpu.memory_space<hbm>> -> memref<1024xi32, #tpu.memory_space<hbm>>
    %dma_start3A_360 = arith.constant 14336 : i32
    %dma_start3A_361 = tpu.memref_slice %arg7[%dma_start3A_360] : memref<25600xi32, #tpu.memory_space<vmem>> -> memref<1024xi32, #tpu.memory_space<vmem>>
    %dma_start3A_362 = tpu.memref_slice %arg2[%dma_start3A_355, %mul3A_0] : memref<50x16384xi32, #tpu.memory_space<hbm>> -> memref<1x1024xi32, #tpu.memory_space<hbm>>
    %dma_start3A_363 = tpu.memref_squeeze %dma_start3A_362 : memref<1x1024xi32, #tpu.memory_space<hbm>> -> memref<1024xi32, #tpu.memory_space<hbm>>
    tpu.enqueue_dma source(%dma_start3A_363 : memref<1024xi32, #tpu.memory_space<hbm>>) target(%dma_start3A_361 : memref<1024xi32, #tpu.memory_space<vmem>>) target_semaphore(%arg19 : memref<!tpu.dma_semaphore, #tpu.memory_space<semaphore_mem>>)
    %dma_start3A_364 = arith.constant 40 : i32
    %dma_start3A_365 = arith.constant 15360 : i32
    %dma_start3A_366 = tpu.memref_slice %arg7[%dma_start3A_365] : memref<25600xi32, #tpu.memory_space<vmem>> -> memref<1024xi32, #tpu.memory_space<vmem>>
    %dma_start3A_367 = tpu.memref_slice %arg2[%dma_start3A_364, %mul3A_0] : memref<50x16384xi32, #tpu.memory_space<hbm>> -> memref<1x1024xi32, #tpu.memory_space<hbm>>
    %dma_start3A_368 = tpu.memref_squeeze %dma_start3A_367 : memref<1x1024xi32, #tpu.memory_space<hbm>> -> memref<1024xi32, #tpu.memory_space<hbm>>
    %dma_start3A_369 = arith.constant 15360 : i32
    %dma_start3A_370 = tpu.memref_slice %arg7[%dma_start3A_369] : memref<25600xi32, #tpu.memory_space<vmem>> -> memref<1024xi32, #tpu.memory_space<vmem>>
    %dma_start3A_371 = tpu.memref_slice %arg2[%dma_start3A_364, %mul3A_0] : memref<50x16384xi32, #tpu.memory_space<hbm>> -> memref<1x1024xi32, #tpu.memory_space<hbm>>
    %dma_start3A_372 = tpu.memref_squeeze %dma_start3A_371 : memref<1x1024xi32, #tpu.memory_space<hbm>> -> memref<1024xi32, #tpu.memory_space<hbm>>
    tpu.enqueue_dma source(%dma_start3A_372 : memref<1024xi32, #tpu.memory_space<hbm>>) target(%dma_start3A_370 : memref<1024xi32, #tpu.memory_space<vmem>>) target_semaphore(%arg19 : memref<!tpu.dma_semaphore, #tpu.memory_space<semaphore_mem>>)
    %dma_start3A_373 = arith.constant 41 : i32
    %dma_start3A_374 = arith.constant 16384 : i32
    %dma_start3A_375 = tpu.memref_slice %arg7[%dma_start3A_374] : memref<25600xi32, #tpu.memory_space<vmem>> -> memref<1024xi32, #tpu.memory_space<vmem>>
    %dma_start3A_376 = tpu.memref_slice %arg2[%dma_start3A_373, %mul3A_0] : memref<50x16384xi32, #tpu.memory_space<hbm>> -> memref<1x1024xi32, #tpu.memory_space<hbm>>
    %dma_start3A_377 = tpu.memref_squeeze %dma_start3A_376 : memref<1x1024xi32, #tpu.memory_space<hbm>> -> memref<1024xi32, #tpu.memory_space<hbm>>
    %dma_start3A_378 = arith.constant 16384 : i32
    %dma_start3A_379 = tpu.memref_slice %arg7[%dma_start3A_378] : memref<25600xi32, #tpu.memory_space<vmem>> -> memref<1024xi32, #tpu.memory_space<vmem>>
    %dma_start3A_380 = tpu.memref_slice %arg2[%dma_start3A_373, %mul3A_0] : memref<50x16384xi32, #tpu.memory_space<hbm>> -> memref<1x1024xi32, #tpu.memory_space<hbm>>
    %dma_start3A_381 = tpu.memref_squeeze %dma_start3A_380 : memref<1x1024xi32, #tpu.memory_space<hbm>> -> memref<1024xi32, #tpu.memory_space<hbm>>
    tpu.enqueue_dma source(%dma_start3A_381 : memref<1024xi32, #tpu.memory_space<hbm>>) target(%dma_start3A_379 : memref<1024xi32, #tpu.memory_space<vmem>>) target_semaphore(%arg19 : memref<!tpu.dma_semaphore, #tpu.memory_space<semaphore_mem>>)
    %dma_start3A_382 = arith.constant 42 : i32
    %dma_start3A_383 = arith.constant 17408 : i32
    %dma_start3A_384 = tpu.memref_slice %arg7[%dma_start3A_383] : memref<25600xi32, #tpu.memory_space<vmem>> -> memref<1024xi32, #tpu.memory_space<vmem>>
    %dma_start3A_385 = tpu.memref_slice %arg2[%dma_start3A_382, %mul3A_0] : memref<50x16384xi32, #tpu.memory_space<hbm>> -> memref<1x1024xi32, #tpu.memory_space<hbm>>
    %dma_start3A_386 = tpu.memref_squeeze %dma_start3A_385 : memref<1x1024xi32, #tpu.memory_space<hbm>> -> memref<1024xi32, #tpu.memory_space<hbm>>
    %dma_start3A_387 = arith.constant 17408 : i32
    %dma_start3A_388 = tpu.memref_slice %arg7[%dma_start3A_387] : memref<25600xi32, #tpu.memory_space<vmem>> -> memref<1024xi32, #tpu.memory_space<vmem>>
    %dma_start3A_389 = tpu.memref_slice %arg2[%dma_start3A_382, %mul3A_0] : memref<50x16384xi32, #tpu.memory_space<hbm>> -> memref<1x1024xi32, #tpu.memory_space<hbm>>
    %dma_start3A_390 = tpu.memref_squeeze %dma_start3A_389 : memref<1x1024xi32, #tpu.memory_space<hbm>> -> memref<1024xi32, #tpu.memory_space<hbm>>
    tpu.enqueue_dma source(%dma_start3A_390 : memref<1024xi32, #tpu.memory_space<hbm>>) target(%dma_start3A_388 : memref<1024xi32, #tpu.memory_space<vmem>>) target_semaphore(%arg19 : memref<!tpu.dma_semaphore, #tpu.memory_space<semaphore_mem>>)
    %dma_start3A_391 = arith.constant 43 : i32
    %dma_start3A_392 = arith.constant 18432 : i32
    %dma_start3A_393 = tpu.memref_slice %arg7[%dma_start3A_392] : memref<25600xi32, #tpu.memory_space<vmem>> -> memref<1024xi32, #tpu.memory_space<vmem>>
    %dma_start3A_394 = tpu.memref_slice %arg2[%dma_start3A_391, %mul3A_0] : memref<50x16384xi32, #tpu.memory_space<hbm>> -> memref<1x1024xi32, #tpu.memory_space<hbm>>
    %dma_start3A_395 = tpu.memref_squeeze %dma_start3A_394 : memref<1x1024xi32, #tpu.memory_space<hbm>> -> memref<1024xi32, #tpu.memory_space<hbm>>
    %dma_start3A_396 = arith.constant 18432 : i32
    %dma_start3A_397 = tpu.memref_slice %arg7[%dma_start3A_396] : memref<25600xi32, #tpu.memory_space<vmem>> -> memref<1024xi32, #tpu.memory_space<vmem>>
    %dma_start3A_398 = tpu.memref_slice %arg2[%dma_start3A_391, %mul3A_0] : memref<50x16384xi32, #tpu.memory_space<hbm>> -> memref<1x1024xi32, #tpu.memory_space<hbm>>
    %dma_start3A_399 = tpu.memref_squeeze %dma_start3A_398 : memref<1x1024xi32, #tpu.memory_space<hbm>> -> memref<1024xi32, #tpu.memory_space<hbm>>
    tpu.enqueue_dma source(%dma_start3A_399 : memref<1024xi32, #tpu.memory_space<hbm>>) target(%dma_start3A_397 : memref<1024xi32, #tpu.memory_space<vmem>>) target_semaphore(%arg19 : memref<!tpu.dma_semaphore, #tpu.memory_space<semaphore_mem>>)
    %dma_start3A_400 = arith.constant 44 : i32
    %dma_start3A_401 = arith.constant 19456 : i32
    %dma_start3A_402 = tpu.memref_slice %arg7[%dma_start3A_401] : memref<25600xi32, #tpu.memory_space<vmem>> -> memref<1024xi32, #tpu.memory_space<vmem>>
    %dma_start3A_403 = tpu.memref_slice %arg2[%dma_start3A_400, %mul3A_0] : memref<50x16384xi32, #tpu.memory_space<hbm>> -> memref<1x1024xi32, #tpu.memory_space<hbm>>
    %dma_start3A_404 = tpu.memref_squeeze %dma_start3A_403 : memref<1x1024xi32, #tpu.memory_space<hbm>> -> memref<1024xi32, #tpu.memory_space<hbm>>
    %dma_start3A_405 = arith.constant 19456 : i32
    %dma_start3A_406 = tpu.memref_slice %arg7[%dma_start3A_405] : memref<25600xi32, #tpu.memory_space<vmem>> -> memref<1024xi32, #tpu.memory_space<vmem>>
    %dma_start3A_407 = tpu.memref_slice %arg2[%dma_start3A_400, %mul3A_0] : memref<50x16384xi32, #tpu.memory_space<hbm>> -> memref<1x1024xi32, #tpu.memory_space<hbm>>
    %dma_start3A_408 = tpu.memref_squeeze %dma_start3A_407 : memref<1x1024xi32, #tpu.memory_space<hbm>> -> memref<1024xi32, #tpu.memory_space<hbm>>
    tpu.enqueue_dma source(%dma_start3A_408 : memref<1024xi32, #tpu.memory_space<hbm>>) target(%dma_start3A_406 : memref<1024xi32, #tpu.memory_space<vmem>>) target_semaphore(%arg19 : memref<!tpu.dma_semaphore, #tpu.memory_space<semaphore_mem>>)
    %dma_start3A_409 = arith.constant 45 : i32
    %dma_start3A_410 = arith.constant 20480 : i32
    %dma_start3A_411 = tpu.memref_slice %arg7[%dma_start3A_410] : memref<25600xi32, #tpu.memory_space<vmem>> -> memref<1024xi32, #tpu.memory_space<vmem>>
    %dma_start3A_412 = tpu.memref_slice %arg2[%dma_start3A_409, %mul3A_0] : memref<50x16384xi32, #tpu.memory_space<hbm>> -> memref<1x1024xi32, #tpu.memory_space<hbm>>
    %dma_start3A_413 = tpu.memref_squeeze %dma_start3A_412 : memref<1x1024xi32, #tpu.memory_space<hbm>> -> memref<1024xi32, #tpu.memory_space<hbm>>
    %dma_start3A_414 = arith.constant 20480 : i32
    %dma_start3A_415 = tpu.memref_slice %arg7[%dma_start3A_414] : memref<25600xi32, #tpu.memory_space<vmem>> -> memref<1024xi32, #tpu.memory_space<vmem>>
    %dma_start3A_416 = tpu.memref_slice %arg2[%dma_start3A_409, %mul3A_0] : memref<50x16384xi32, #tpu.memory_space<hbm>> -> memref<1x1024xi32, #tpu.memory_space<hbm>>
    %dma_start3A_417 = tpu.memref_squeeze %dma_start3A_416 : memref<1x1024xi32, #tpu.memory_space<hbm>> -> memref<1024xi32, #tpu.memory_space<hbm>>
    tpu.enqueue_dma source(%dma_start3A_417 : memref<1024xi32, #tpu.memory_space<hbm>>) target(%dma_start3A_415 : memref<1024xi32, #tpu.memory_space<vmem>>) target_semaphore(%arg19 : memref<!tpu.dma_semaphore, #tpu.memory_space<semaphore_mem>>)
    %dma_start3A_418 = arith.constant 46 : i32
    %dma_start3A_419 = arith.constant 21504 : i32
    %dma_start3A_420 = tpu.memref_slice %arg7[%dma_start3A_419] : memref<25600xi32, #tpu.memory_space<vmem>> -> memref<1024xi32, #tpu.memory_space<vmem>>
    %dma_start3A_421 = tpu.memref_slice %arg2[%dma_start3A_418, %mul3A_0] : memref<50x16384xi32, #tpu.memory_space<hbm>> -> memref<1x1024xi32, #tpu.memory_space<hbm>>
    %dma_start3A_422 = tpu.memref_squeeze %dma_start3A_421 : memref<1x1024xi32, #tpu.memory_space<hbm>> -> memref<1024xi32, #tpu.memory_space<hbm>>
    %dma_start3A_423 = arith.constant 21504 : i32
    %dma_start3A_424 = tpu.memref_slice %arg7[%dma_start3A_423] : memref<25600xi32, #tpu.memory_space<vmem>> -> memref<1024xi32, #tpu.memory_space<vmem>>
    %dma_start3A_425 = tpu.memref_slice %arg2[%dma_start3A_418, %mul3A_0] : memref<50x16384xi32, #tpu.memory_space<hbm>> -> memref<1x1024xi32, #tpu.memory_space<hbm>>
    %dma_start3A_426 = tpu.memref_squeeze %dma_start3A_425 : memref<1x1024xi32, #tpu.memory_space<hbm>> -> memref<1024xi32, #tpu.memory_space<hbm>>
    tpu.enqueue_dma source(%dma_start3A_426 : memref<1024xi32, #tpu.memory_space<hbm>>) target(%dma_start3A_424 : memref<1024xi32, #tpu.memory_space<vmem>>) target_semaphore(%arg19 : memref<!tpu.dma_semaphore, #tpu.memory_space<semaphore_mem>>)
    %dma_start3A_427 = arith.constant 47 : i32
    %dma_start3A_428 = arith.constant 22528 : i32
    %dma_start3A_429 = tpu.memref_slice %arg7[%dma_start3A_428] : memref<25600xi32, #tpu.memory_space<vmem>> -> memref<1024xi32, #tpu.memory_space<vmem>>
    %dma_start3A_430 = tpu.memref_slice %arg2[%dma_start3A_427, %mul3A_0] : memref<50x16384xi32, #tpu.memory_space<hbm>> -> memref<1x1024xi32, #tpu.memory_space<hbm>>
    %dma_start3A_431 = tpu.memref_squeeze %dma_start3A_430 : memref<1x1024xi32, #tpu.memory_space<hbm>> -> memref<1024xi32, #tpu.memory_space<hbm>>
    %dma_start3A_432 = arith.constant 22528 : i32
    %dma_start3A_433 = tpu.memref_slice %arg7[%dma_start3A_432] : memref<25600xi32, #tpu.memory_space<vmem>> -> memref<1024xi32, #tpu.memory_space<vmem>>
    %dma_start3A_434 = tpu.memref_slice %arg2[%dma_start3A_427, %mul3A_0] : memref<50x16384xi32, #tpu.memory_space<hbm>> -> memref<1x1024xi32, #tpu.memory_space<hbm>>
    %dma_start3A_435 = tpu.memref_squeeze %dma_start3A_434 : memref<1x1024xi32, #tpu.memory_space<hbm>> -> memref<1024xi32, #tpu.memory_space<hbm>>
    tpu.enqueue_dma source(%dma_start3A_435 : memref<1024xi32, #tpu.memory_space<hbm>>) target(%dma_start3A_433 : memref<1024xi32, #tpu.memory_space<vmem>>) target_semaphore(%arg19 : memref<!tpu.dma_semaphore, #tpu.memory_space<semaphore_mem>>)
    %dma_start3A_436 = arith.constant 48 : i32
    %dma_start3A_437 = arith.constant 23552 : i32
    %dma_start3A_438 = tpu.memref_slice %arg7[%dma_start3A_437] : memref<25600xi32, #tpu.memory_space<vmem>> -> memref<1024xi32, #tpu.memory_space<vmem>>
    %dma_start3A_439 = tpu.memref_slice %arg2[%dma_start3A_436, %mul3A_0] : memref<50x16384xi32, #tpu.memory_space<hbm>> -> memref<1x1024xi32, #tpu.memory_space<hbm>>
    %dma_start3A_440 = tpu.memref_squeeze %dma_start3A_439 : memref<1x1024xi32, #tpu.memory_space<hbm>> -> memref<1024xi32, #tpu.memory_space<hbm>>
    %dma_start3A_441 = arith.constant 23552 : i32
    %dma_start3A_442 = tpu.memref_slice %arg7[%dma_start3A_441] : memref<25600xi32, #tpu.memory_space<vmem>> -> memref<1024xi32, #tpu.memory_space<vmem>>
    %dma_start3A_443 = tpu.memref_slice %arg2[%dma_start3A_436, %mul3A_0] : memref<50x16384xi32, #tpu.memory_space<hbm>> -> memref<1x1024xi32, #tpu.memory_space<hbm>>
    %dma_start3A_444 = tpu.memref_squeeze %dma_start3A_443 : memref<1x1024xi32, #tpu.memory_space<hbm>> -> memref<1024xi32, #tpu.memory_space<hbm>>
    tpu.enqueue_dma source(%dma_start3A_444 : memref<1024xi32, #tpu.memory_space<hbm>>) target(%dma_start3A_442 : memref<1024xi32, #tpu.memory_space<vmem>>) target_semaphore(%arg19 : memref<!tpu.dma_semaphore, #tpu.memory_space<semaphore_mem>>)
    %dma_start3A_445 = arith.constant 49 : i32
    %dma_start3A_446 = arith.constant 24576 : i32
    %dma_start3A_447 = tpu.memref_slice %arg7[%dma_start3A_446] : memref<25600xi32, #tpu.memory_space<vmem>> -> memref<1024xi32, #tpu.memory_space<vmem>>
    %dma_start3A_448 = tpu.memref_slice %arg2[%dma_start3A_445, %mul3A_0] : memref<50x16384xi32, #tpu.memory_space<hbm>> -> memref<1x1024xi32, #tpu.memory_space<hbm>>
    %dma_start3A_449 = tpu.memref_squeeze %dma_start3A_448 : memref<1x1024xi32, #tpu.memory_space<hbm>> -> memref<1024xi32, #tpu.memory_space<hbm>>
    %dma_start3A_450 = arith.constant 24576 : i32
    %dma_start3A_451 = tpu.memref_slice %arg7[%dma_start3A_450] : memref<25600xi32, #tpu.memory_space<vmem>> -> memref<1024xi32, #tpu.memory_space<vmem>>
    %dma_start3A_452 = tpu.memref_slice %arg2[%dma_start3A_445, %mul3A_0] : memref<50x16384xi32, #tpu.memory_space<hbm>> -> memref<1x1024xi32, #tpu.memory_space<hbm>>
    %dma_start3A_453 = tpu.memref_squeeze %dma_start3A_452 : memref<1x1024xi32, #tpu.memory_space<hbm>> -> memref<1024xi32, #tpu.memory_space<hbm>>
    tpu.enqueue_dma source(%dma_start3A_453 : memref<1024xi32, #tpu.memory_space<hbm>>) target(%dma_start3A_451 : memref<1024xi32, #tpu.memory_space<vmem>>) target_semaphore(%arg19 : memref<!tpu.dma_semaphore, #tpu.memory_space<semaphore_mem>>)
    %dma_wait3A = arith.constant 0 : i32
    %dma_wait3A_454 = arith.constant 0 : i32
    %dma_wait3A_455 = tpu.memref_slice %arg6[%dma_wait3A_454] : memref<25600xi32, #tpu.memory_space<vmem>> -> memref<1024xi32, #tpu.memory_space<vmem>>
    %dma_wait3A_456 = tpu.memref_slice %arg2[%dma_wait3A, %mul3A_0] : memref<50x16384xi32, #tpu.memory_space<hbm>> -> memref<1x1024xi32, #tpu.memory_space<hbm>>
    %dma_wait3A_457 = tpu.memref_squeeze %dma_wait3A_456 : memref<1x1024xi32, #tpu.memory_space<hbm>> -> memref<1024xi32, #tpu.memory_space<hbm>>
    %dma_wait3A_458 = arith.constant 0 : i32
    %dma_wait3A_459 = tpu.memref_slice %arg6[%dma_wait3A_458] : memref<25600xi32, #tpu.memory_space<vmem>> -> memref<1024xi32, #tpu.memory_space<vmem>>
    %dma_wait3A_460 = tpu.memref_slice %arg2[%dma_wait3A, %mul3A_0] : memref<50x16384xi32, #tpu.memory_space<hbm>> -> memref<1x1024xi32, #tpu.memory_space<hbm>>
    %dma_wait3A_461 = tpu.memref_squeeze %dma_wait3A_460 : memref<1x1024xi32, #tpu.memory_space<hbm>> -> memref<1024xi32, #tpu.memory_space<hbm>>
    tpu.wait_dma2 semaphore(%arg19 : memref<!tpu.dma_semaphore, #tpu.memory_space<semaphore_mem>>) src(%dma_wait3A_461 : memref<1024xi32, #tpu.memory_space<hbm>>) dst(%dma_wait3A_459 : memref<1024xi32, #tpu.memory_space<vmem>>)
    %dma_wait3A_462 = arith.constant 1 : i32
    %dma_wait3A_463 = arith.constant 1024 : i32
    %dma_wait3A_464 = tpu.memref_slice %arg6[%dma_wait3A_463] : memref<25600xi32, #tpu.memory_space<vmem>> -> memref<1024xi32, #tpu.memory_space<vmem>>
    %dma_wait3A_465 = tpu.memref_slice %arg2[%dma_wait3A_462, %mul3A_0] : memref<50x16384xi32, #tpu.memory_space<hbm>> -> memref<1x1024xi32, #tpu.memory_space<hbm>>
    %dma_wait3A_466 = tpu.memref_squeeze %dma_wait3A_465 : memref<1x1024xi32, #tpu.memory_space<hbm>> -> memref<1024xi32, #tpu.memory_space<hbm>>
    %dma_wait3A_467 = arith.constant 1024 : i32
    %dma_wait3A_468 = tpu.memref_slice %arg6[%dma_wait3A_467] : memref<25600xi32, #tpu.memory_space<vmem>> -> memref<1024xi32, #tpu.memory_space<vmem>>
    %dma_wait3A_469 = tpu.memref_slice %arg2[%dma_wait3A_462, %mul3A_0] : memref<50x16384xi32, #tpu.memory_space<hbm>> -> memref<1x1024xi32, #tpu.memory_space<hbm>>
    %dma_wait3A_470 = tpu.memref_squeeze %dma_wait3A_469 : memref<1x1024xi32, #tpu.memory_space<hbm>> -> memref<1024xi32, #tpu.memory_space<hbm>>
    tpu.wait_dma2 semaphore(%arg19 : memref<!tpu.dma_semaphore, #tpu.memory_space<semaphore_mem>>) src(%dma_wait3A_470 : memref<1024xi32, #tpu.memory_space<hbm>>) dst(%dma_wait3A_468 : memref<1024xi32, #tpu.memory_space<vmem>>)
    %dma_wait3A_471 = arith.constant 2 : i32
    %dma_wait3A_472 = arith.constant 2048 : i32
    %dma_wait3A_473 = tpu.memref_slice %arg6[%dma_wait3A_472] : memref<25600xi32, #tpu.memory_space<vmem>> -> memref<1024xi32, #tpu.memory_space<vmem>>
    %dma_wait3A_474 = tpu.memref_slice %arg2[%dma_wait3A_471, %mul3A_0] : memref<50x16384xi32, #tpu.memory_space<hbm>> -> memref<1x1024xi32, #tpu.memory_space<hbm>>
    %dma_wait3A_475 = tpu.memref_squeeze %dma_wait3A_474 : memref<1x1024xi32, #tpu.memory_space<hbm>> -> memref<1024xi32, #tpu.memory_space<hbm>>
    %dma_wait3A_476 = arith.constant 2048 : i32
    %dma_wait3A_477 = tpu.memref_slice %arg6[%dma_wait3A_476] : memref<25600xi32, #tpu.memory_space<vmem>> -> memref<1024xi32, #tpu.memory_space<vmem>>
    %dma_wait3A_478 = tpu.memref_slice %arg2[%dma_wait3A_471, %mul3A_0] : memref<50x16384xi32, #tpu.memory_space<hbm>> -> memref<1x1024xi32, #tpu.memory_space<hbm>>
    %dma_wait3A_479 = tpu.memref_squeeze %dma_wait3A_478 : memref<1x1024xi32, #tpu.memory_space<hbm>> -> memref<1024xi32, #tpu.memory_space<hbm>>
    tpu.wait_dma2 semaphore(%arg19 : memref<!tpu.dma_semaphore, #tpu.memory_space<semaphore_mem>>) src(%dma_wait3A_479 : memref<1024xi32, #tpu.memory_space<hbm>>) dst(%dma_wait3A_477 : memref<1024xi32, #tpu.memory_space<vmem>>)
    %dma_wait3A_480 = arith.constant 3 : i32
    %dma_wait3A_481 = arith.constant 3072 : i32
    %dma_wait3A_482 = tpu.memref_slice %arg6[%dma_wait3A_481] : memref<25600xi32, #tpu.memory_space<vmem>> -> memref<1024xi32, #tpu.memory_space<vmem>>
    %dma_wait3A_483 = tpu.memref_slice %arg2[%dma_wait3A_480, %mul3A_0] : memref<50x16384xi32, #tpu.memory_space<hbm>> -> memref<1x1024xi32, #tpu.memory_space<hbm>>
    %dma_wait3A_484 = tpu.memref_squeeze %dma_wait3A_483 : memref<1x1024xi32, #tpu.memory_space<hbm>> -> memref<1024xi32, #tpu.memory_space<hbm>>
    %dma_wait3A_485 = arith.constant 3072 : i32
    %dma_wait3A_486 = tpu.memref_slice %arg6[%dma_wait3A_485] : memref<25600xi32, #tpu.memory_space<vmem>> -> memref<1024xi32, #tpu.memory_space<vmem>>
    %dma_wait3A_487 = tpu.memref_slice %arg2[%dma_wait3A_480, %mul3A_0] : memref<50x16384xi32, #tpu.memory_space<hbm>> -> memref<1x1024xi32, #tpu.memory_space<hbm>>
    %dma_wait3A_488 = tpu.memref_squeeze %dma_wait3A_487 : memref<1x1024xi32, #tpu.memory_space<hbm>> -> memref<1024xi32, #tpu.memory_space<hbm>>
    tpu.wait_dma2 semaphore(%arg19 : memref<!tpu.dma_semaphore, #tpu.memory_space<semaphore_mem>>) src(%dma_wait3A_488 : memref<1024xi32, #tpu.memory_space<hbm>>) dst(%dma_wait3A_486 : memref<1024xi32, #tpu.memory_space<vmem>>)
    %dma_wait3A_489 = arith.constant 4 : i32
    %dma_wait3A_490 = arith.constant 4096 : i32
    %dma_wait3A_491 = tpu.memref_slice %arg6[%dma_wait3A_490] : memref<25600xi32, #tpu.memory_space<vmem>> -> memref<1024xi32, #tpu.memory_space<vmem>>
    %dma_wait3A_492 = tpu.memref_slice %arg2[%dma_wait3A_489, %mul3A_0] : memref<50x16384xi32, #tpu.memory_space<hbm>> -> memref<1x1024xi32, #tpu.memory_space<hbm>>
    %dma_wait3A_493 = tpu.memref_squeeze %dma_wait3A_492 : memref<1x1024xi32, #tpu.memory_space<hbm>> -> memref<1024xi32, #tpu.memory_space<hbm>>
    %dma_wait3A_494 = arith.constant 4096 : i32
    %dma_wait3A_495 = tpu.memref_slice %arg6[%dma_wait3A_494] : memref<25600xi32, #tpu.memory_space<vmem>> -> memref<1024xi32, #tpu.memory_space<vmem>>
    %dma_wait3A_496 = tpu.memref_slice %arg2[%dma_wait3A_489, %mul3A_0] : memref<50x16384xi32, #tpu.memory_space<hbm>> -> memref<1x1024xi32, #tpu.memory_space<hbm>>
    %dma_wait3A_497 = tpu.memref_squeeze %dma_wait3A_496 : memref<1x1024xi32, #tpu.memory_space<hbm>> -> memref<1024xi32, #tpu.memory_space<hbm>>
    tpu.wait_dma2 semaphore(%arg19 : memref<!tpu.dma_semaphore, #tpu.memory_space<semaphore_mem>>) src(%dma_wait3A_497 : memref<1024xi32, #tpu.memory_space<hbm>>) dst(%dma_wait3A_495 : memref<1024xi32, #tpu.memory_space<vmem>>)
    %dma_wait3A_498 = arith.constant 5 : i32
    %dma_wait3A_499 = arith.constant 5120 : i32
    %dma_wait3A_500 = tpu.memref_slice %arg6[%dma_wait3A_499] : memref<25600xi32, #tpu.memory_space<vmem>> -> memref<1024xi32, #tpu.memory_space<vmem>>
    %dma_wait3A_501 = tpu.memref_slice %arg2[%dma_wait3A_498, %mul3A_0] : memref<50x16384xi32, #tpu.memory_space<hbm>> -> memref<1x1024xi32, #tpu.memory_space<hbm>>
    %dma_wait3A_502 = tpu.memref_squeeze %dma_wait3A_501 : memref<1x1024xi32, #tpu.memory_space<hbm>> -> memref<1024xi32, #tpu.memory_space<hbm>>
    %dma_wait3A_503 = arith.constant 5120 : i32
    %dma_wait3A_504 = tpu.memref_slice %arg6[%dma_wait3A_503] : memref<25600xi32, #tpu.memory_space<vmem>> -> memref<1024xi32, #tpu.memory_space<vmem>>
    %dma_wait3A_505 = tpu.memref_slice %arg2[%dma_wait3A_498, %mul3A_0] : memref<50x16384xi32, #tpu.memory_space<hbm>> -> memref<1x1024xi32, #tpu.memory_space<hbm>>
    %dma_wait3A_506 = tpu.memref_squeeze %dma_wait3A_505 : memref<1x1024xi32, #tpu.memory_space<hbm>> -> memref<1024xi32, #tpu.memory_space<hbm>>
    tpu.wait_dma2 semaphore(%arg19 : memref<!tpu.dma_semaphore, #tpu.memory_space<semaphore_mem>>) src(%dma_wait3A_506 : memref<1024xi32, #tpu.memory_space<hbm>>) dst(%dma_wait3A_504 : memref<1024xi32, #tpu.memory_space<vmem>>)
    %dma_wait3A_507 = arith.constant 6 : i32
    %dma_wait3A_508 = arith.constant 6144 : i32
    %dma_wait3A_509 = tpu.memref_slice %arg6[%dma_wait3A_508] : memref<25600xi32, #tpu.memory_space<vmem>> -> memref<1024xi32, #tpu.memory_space<vmem>>
    %dma_wait3A_510 = tpu.memref_slice %arg2[%dma_wait3A_507, %mul3A_0] : memref<50x16384xi32, #tpu.memory_space<hbm>> -> memref<1x1024xi32, #tpu.memory_space<hbm>>
    %dma_wait3A_511 = tpu.memref_squeeze %dma_wait3A_510 : memref<1x1024xi32, #tpu.memory_space<hbm>> -> memref<1024xi32, #tpu.memory_space<hbm>>
    %dma_wait3A_512 = arith.constant 6144 : i32
    %dma_wait3A_513 = tpu.memref_slice %arg6[%dma_wait3A_512] : memref<25600xi32, #tpu.memory_space<vmem>> -> memref<1024xi32, #tpu.memory_space<vmem>>
    %dma_wait3A_514 = tpu.memref_slice %arg2[%dma_wait3A_507, %mul3A_0] : memref<50x16384xi32, #tpu.memory_space<hbm>> -> memref<1x1024xi32, #tpu.memory_space<hbm>>
    %dma_wait3A_515 = tpu.memref_squeeze %dma_wait3A_514 : memref<1x1024xi32, #tpu.memory_space<hbm>> -> memref<1024xi32, #tpu.memory_space<hbm>>
    tpu.wait_dma2 semaphore(%arg19 : memref<!tpu.dma_semaphore, #tpu.memory_space<semaphore_mem>>) src(%dma_wait3A_515 : memref<1024xi32, #tpu.memory_space<hbm>>) dst(%dma_wait3A_513 : memref<1024xi32, #tpu.memory_space<vmem>>)
    %dma_wait3A_516 = arith.constant 7 : i32
    %dma_wait3A_517 = arith.constant 7168 : i32
    %dma_wait3A_518 = tpu.memref_slice %arg6[%dma_wait3A_517] : memref<25600xi32, #tpu.memory_space<vmem>> -> memref<1024xi32, #tpu.memory_space<vmem>>
    %dma_wait3A_519 = tpu.memref_slice %arg2[%dma_wait3A_516, %mul3A_0] : memref<50x16384xi32, #tpu.memory_space<hbm>> -> memref<1x1024xi32, #tpu.memory_space<hbm>>
    %dma_wait3A_520 = tpu.memref_squeeze %dma_wait3A_519 : memref<1x1024xi32, #tpu.memory_space<hbm>> -> memref<1024xi32, #tpu.memory_space<hbm>>
    %dma_wait3A_521 = arith.constant 7168 : i32
    %dma_wait3A_522 = tpu.memref_slice %arg6[%dma_wait3A_521] : memref<25600xi32, #tpu.memory_space<vmem>> -> memref<1024xi32, #tpu.memory_space<vmem>>
    %dma_wait3A_523 = tpu.memref_slice %arg2[%dma_wait3A_516, %mul3A_0] : memref<50x16384xi32, #tpu.memory_space<hbm>> -> memref<1x1024xi32, #tpu.memory_space<hbm>>
    %dma_wait3A_524 = tpu.memref_squeeze %dma_wait3A_523 : memref<1x1024xi32, #tpu.memory_space<hbm>> -> memref<1024xi32, #tpu.memory_space<hbm>>
    tpu.wait_dma2 semaphore(%arg19 : memref<!tpu.dma_semaphore, #tpu.memory_space<semaphore_mem>>) src(%dma_wait3A_524 : memref<1024xi32, #tpu.memory_space<hbm>>) dst(%dma_wait3A_522 : memref<1024xi32, #tpu.memory_space<vmem>>)
    %dma_wait3A_525 = arith.constant 8 : i32
    %dma_wait3A_526 = arith.constant 8192 : i32
    %dma_wait3A_527 = tpu.memref_slice %arg6[%dma_wait3A_526] : memref<25600xi32, #tpu.memory_space<vmem>> -> memref<1024xi32, #tpu.memory_space<vmem>>
    %dma_wait3A_528 = tpu.memref_slice %arg2[%dma_wait3A_525, %mul3A_0] : memref<50x16384xi32, #tpu.memory_space<hbm>> -> memref<1x1024xi32, #tpu.memory_space<hbm>>
    %dma_wait3A_529 = tpu.memref_squeeze %dma_wait3A_528 : memref<1x1024xi32, #tpu.memory_space<hbm>> -> memref<1024xi32, #tpu.memory_space<hbm>>
    %dma_wait3A_530 = arith.constant 8192 : i32
    %dma_wait3A_531 = tpu.memref_slice %arg6[%dma_wait3A_530] : memref<25600xi32, #tpu.memory_space<vmem>> -> memref<1024xi32, #tpu.memory_space<vmem>>
    %dma_wait3A_532 = tpu.memref_slice %arg2[%dma_wait3A_525, %mul3A_0] : memref<50x16384xi32, #tpu.memory_space<hbm>> -> memref<1x1024xi32, #tpu.memory_space<hbm>>
    %dma_wait3A_533 = tpu.memref_squeeze %dma_wait3A_532 : memref<1x1024xi32, #tpu.memory_space<hbm>> -> memref<1024xi32, #tpu.memory_space<hbm>>
    tpu.wait_dma2 semaphore(%arg19 : memref<!tpu.dma_semaphore, #tpu.memory_space<semaphore_mem>>) src(%dma_wait3A_533 : memref<1024xi32, #tpu.memory_space<hbm>>) dst(%dma_wait3A_531 : memref<1024xi32, #tpu.memory_space<vmem>>)
    %dma_wait3A_534 = arith.constant 9 : i32
    %dma_wait3A_535 = arith.constant 9216 : i32
    %dma_wait3A_536 = tpu.memref_slice %arg6[%dma_wait3A_535] : memref<25600xi32, #tpu.memory_space<vmem>> -> memref<1024xi32, #tpu.memory_space<vmem>>
    %dma_wait3A_537 = tpu.memref_slice %arg2[%dma_wait3A_534, %mul3A_0] : memref<50x16384xi32, #tpu.memory_space<hbm>> -> memref<1x1024xi32, #tpu.memory_space<hbm>>
    %dma_wait3A_538 = tpu.memref_squeeze %dma_wait3A_537 : memref<1x1024xi32, #tpu.memory_space<hbm>> -> memref<1024xi32, #tpu.memory_space<hbm>>
    %dma_wait3A_539 = arith.constant 9216 : i32
    %dma_wait3A_540 = tpu.memref_slice %arg6[%dma_wait3A_539] : memref<25600xi32, #tpu.memory_space<vmem>> -> memref<1024xi32, #tpu.memory_space<vmem>>
    %dma_wait3A_541 = tpu.memref_slice %arg2[%dma_wait3A_534, %mul3A_0] : memref<50x16384xi32, #tpu.memory_space<hbm>> -> memref<1x1024xi32, #tpu.memory_space<hbm>>
    %dma_wait3A_542 = tpu.memref_squeeze %dma_wait3A_541 : memref<1x1024xi32, #tpu.memory_space<hbm>> -> memref<1024xi32, #tpu.memory_space<hbm>>
    tpu.wait_dma2 semaphore(%arg19 : memref<!tpu.dma_semaphore, #tpu.memory_space<semaphore_mem>>) src(%dma_wait3A_542 : memref<1024xi32, #tpu.memory_space<hbm>>) dst(%dma_wait3A_540 : memref<1024xi32, #tpu.memory_space<vmem>>)
    %dma_wait3A_543 = arith.constant 10 : i32
    %dma_wait3A_544 = arith.constant 10240 : i32
    %dma_wait3A_545 = tpu.memref_slice %arg6[%dma_wait3A_544] : memref<25600xi32, #tpu.memory_space<vmem>> -> memref<1024xi32, #tpu.memory_space<vmem>>
    %dma_wait3A_546 = tpu.memref_slice %arg2[%dma_wait3A_543, %mul3A_0] : memref<50x16384xi32, #tpu.memory_space<hbm>> -> memref<1x1024xi32, #tpu.memory_space<hbm>>
    %dma_wait3A_547 = tpu.memref_squeeze %dma_wait3A_546 : memref<1x1024xi32, #tpu.memory_space<hbm>> -> memref<1024xi32, #tpu.memory_space<hbm>>
    %dma_wait3A_548 = arith.constant 10240 : i32
    %dma_wait3A_549 = tpu.memref_slice %arg6[%dma_wait3A_548] : memref<25600xi32, #tpu.memory_space<vmem>> -> memref<1024xi32, #tpu.memory_space<vmem>>
    %dma_wait3A_550 = tpu.memref_slice %arg2[%dma_wait3A_543, %mul3A_0] : memref<50x16384xi32, #tpu.memory_space<hbm>> -> memref<1x1024xi32, #tpu.memory_space<hbm>>
    %dma_wait3A_551 = tpu.memref_squeeze %dma_wait3A_550 : memref<1x1024xi32, #tpu.memory_space<hbm>> -> memref<1024xi32, #tpu.memory_space<hbm>>
    tpu.wait_dma2 semaphore(%arg19 : memref<!tpu.dma_semaphore, #tpu.memory_space<semaphore_mem>>) src(%dma_wait3A_551 : memref<1024xi32, #tpu.memory_space<hbm>>) dst(%dma_wait3A_549 : memref<1024xi32, #tpu.memory_space<vmem>>)
    %dma_wait3A_552 = arith.constant 11 : i32
    %dma_wait3A_553 = arith.constant 11264 : i32
    %dma_wait3A_554 = tpu.memref_slice %arg6[%dma_wait3A_553] : memref<25600xi32, #tpu.memory_space<vmem>> -> memref<1024xi32, #tpu.memory_space<vmem>>
    %dma_wait3A_555 = tpu.memref_slice %arg2[%dma_wait3A_552, %mul3A_0] : memref<50x16384xi32, #tpu.memory_space<hbm>> -> memref<1x1024xi32, #tpu.memory_space<hbm>>
    %dma_wait3A_556 = tpu.memref_squeeze %dma_wait3A_555 : memref<1x1024xi32, #tpu.memory_space<hbm>> -> memref<1024xi32, #tpu.memory_space<hbm>>
    %dma_wait3A_557 = arith.constant 11264 : i32
    %dma_wait3A_558 = tpu.memref_slice %arg6[%dma_wait3A_557] : memref<25600xi32, #tpu.memory_space<vmem>> -> memref<1024xi32, #tpu.memory_space<vmem>>
    %dma_wait3A_559 = tpu.memref_slice %arg2[%dma_wait3A_552, %mul3A_0] : memref<50x16384xi32, #tpu.memory_space<hbm>> -> memref<1x1024xi32, #tpu.memory_space<hbm>>
    %dma_wait3A_560 = tpu.memref_squeeze %dma_wait3A_559 : memref<1x1024xi32, #tpu.memory_space<hbm>> -> memref<1024xi32, #tpu.memory_space<hbm>>
    tpu.wait_dma2 semaphore(%arg19 : memref<!tpu.dma_semaphore, #tpu.memory_space<semaphore_mem>>) src(%dma_wait3A_560 : memref<1024xi32, #tpu.memory_space<hbm>>) dst(%dma_wait3A_558 : memref<1024xi32, #tpu.memory_space<vmem>>)
    %dma_wait3A_561 = arith.constant 12 : i32
    %dma_wait3A_562 = arith.constant 12288 : i32
    %dma_wait3A_563 = tpu.memref_slice %arg6[%dma_wait3A_562] : memref<25600xi32, #tpu.memory_space<vmem>> -> memref<1024xi32, #tpu.memory_space<vmem>>
    %dma_wait3A_564 = tpu.memref_slice %arg2[%dma_wait3A_561, %mul3A_0] : memref<50x16384xi32, #tpu.memory_space<hbm>> -> memref<1x1024xi32, #tpu.memory_space<hbm>>
    %dma_wait3A_565 = tpu.memref_squeeze %dma_wait3A_564 : memref<1x1024xi32, #tpu.memory_space<hbm>> -> memref<1024xi32, #tpu.memory_space<hbm>>
    %dma_wait3A_566 = arith.constant 12288 : i32
    %dma_wait3A_567 = tpu.memref_slice %arg6[%dma_wait3A_566] : memref<25600xi32, #tpu.memory_space<vmem>> -> memref<1024xi32, #tpu.memory_space<vmem>>
    %dma_wait3A_568 = tpu.memref_slice %arg2[%dma_wait3A_561, %mul3A_0] : memref<50x16384xi32, #tpu.memory_space<hbm>> -> memref<1x1024xi32, #tpu.memory_space<hbm>>
    %dma_wait3A_569 = tpu.memref_squeeze %dma_wait3A_568 : memref<1x1024xi32, #tpu.memory_space<hbm>> -> memref<1024xi32, #tpu.memory_space<hbm>>
    tpu.wait_dma2 semaphore(%arg19 : memref<!tpu.dma_semaphore, #tpu.memory_space<semaphore_mem>>) src(%dma_wait3A_569 : memref<1024xi32, #tpu.memory_space<hbm>>) dst(%dma_wait3A_567 : memref<1024xi32, #tpu.memory_space<vmem>>)
    %dma_wait3A_570 = arith.constant 13 : i32
    %dma_wait3A_571 = arith.constant 13312 : i32
    %dma_wait3A_572 = tpu.memref_slice %arg6[%dma_wait3A_571] : memref<25600xi32, #tpu.memory_space<vmem>> -> memref<1024xi32, #tpu.memory_space<vmem>>
    %dma_wait3A_573 = tpu.memref_slice %arg2[%dma_wait3A_570, %mul3A_0] : memref<50x16384xi32, #tpu.memory_space<hbm>> -> memref<1x1024xi32, #tpu.memory_space<hbm>>
    %dma_wait3A_574 = tpu.memref_squeeze %dma_wait3A_573 : memref<1x1024xi32, #tpu.memory_space<hbm>> -> memref<1024xi32, #tpu.memory_space<hbm>>
    %dma_wait3A_575 = arith.constant 13312 : i32
    %dma_wait3A_576 = tpu.memref_slice %arg6[%dma_wait3A_575] : memref<25600xi32, #tpu.memory_space<vmem>> -> memref<1024xi32, #tpu.memory_space<vmem>>
    %dma_wait3A_577 = tpu.memref_slice %arg2[%dma_wait3A_570, %mul3A_0] : memref<50x16384xi32, #tpu.memory_space<hbm>> -> memref<1x1024xi32, #tpu.memory_space<hbm>>
    %dma_wait3A_578 = tpu.memref_squeeze %dma_wait3A_577 : memref<1x1024xi32, #tpu.memory_space<hbm>> -> memref<1024xi32, #tpu.memory_space<hbm>>
    tpu.wait_dma2 semaphore(%arg19 : memref<!tpu.dma_semaphore, #tpu.memory_space<semaphore_mem>>) src(%dma_wait3A_578 : memref<1024xi32, #tpu.memory_space<hbm>>) dst(%dma_wait3A_576 : memref<1024xi32, #tpu.memory_space<vmem>>)
    %dma_wait3A_579 = arith.constant 14 : i32
    %dma_wait3A_580 = arith.constant 14336 : i32
    %dma_wait3A_581 = tpu.memref_slice %arg6[%dma_wait3A_580] : memref<25600xi32, #tpu.memory_space<vmem>> -> memref<1024xi32, #tpu.memory_space<vmem>>
    %dma_wait3A_582 = tpu.memref_slice %arg2[%dma_wait3A_579, %mul3A_0] : memref<50x16384xi32, #tpu.memory_space<hbm>> -> memref<1x1024xi32, #tpu.memory_space<hbm>>
    %dma_wait3A_583 = tpu.memref_squeeze %dma_wait3A_582 : memref<1x1024xi32, #tpu.memory_space<hbm>> -> memref<1024xi32, #tpu.memory_space<hbm>>
    %dma_wait3A_584 = arith.constant 14336 : i32
    %dma_wait3A_585 = tpu.memref_slice %arg6[%dma_wait3A_584] : memref<25600xi32, #tpu.memory_space<vmem>> -> memref<1024xi32, #tpu.memory_space<vmem>>
    %dma_wait3A_586 = tpu.memref_slice %arg2[%dma_wait3A_579, %mul3A_0] : memref<50x16384xi32, #tpu.memory_space<hbm>> -> memref<1x1024xi32, #tpu.memory_space<hbm>>
    %dma_wait3A_587 = tpu.memref_squeeze %dma_wait3A_586 : memref<1x1024xi32, #tpu.memory_space<hbm>> -> memref<1024xi32, #tpu.memory_space<hbm>>
    tpu.wait_dma2 semaphore(%arg19 : memref<!tpu.dma_semaphore, #tpu.memory_space<semaphore_mem>>) src(%dma_wait3A_587 : memref<1024xi32, #tpu.memory_space<hbm>>) dst(%dma_wait3A_585 : memref<1024xi32, #tpu.memory_space<vmem>>)
    %dma_wait3A_588 = arith.constant 15 : i32
    %dma_wait3A_589 = arith.constant 15360 : i32
    %dma_wait3A_590 = tpu.memref_slice %arg6[%dma_wait3A_589] : memref<25600xi32, #tpu.memory_space<vmem>> -> memref<1024xi32, #tpu.memory_space<vmem>>
    %dma_wait3A_591 = tpu.memref_slice %arg2[%dma_wait3A_588, %mul3A_0] : memref<50x16384xi32, #tpu.memory_space<hbm>> -> memref<1x1024xi32, #tpu.memory_space<hbm>>
    %dma_wait3A_592 = tpu.memref_squeeze %dma_wait3A_591 : memref<1x1024xi32, #tpu.memory_space<hbm>> -> memref<1024xi32, #tpu.memory_space<hbm>>
    %dma_wait3A_593 = arith.constant 15360 : i32
    %dma_wait3A_594 = tpu.memref_slice %arg6[%dma_wait3A_593] : memref<25600xi32, #tpu.memory_space<vmem>> -> memref<1024xi32, #tpu.memory_space<vmem>>
    %dma_wait3A_595 = tpu.memref_slice %arg2[%dma_wait3A_588, %mul3A_0] : memref<50x16384xi32, #tpu.memory_space<hbm>> -> memref<1x1024xi32, #tpu.memory_space<hbm>>
    %dma_wait3A_596 = tpu.memref_squeeze %dma_wait3A_595 : memref<1x1024xi32, #tpu.memory_space<hbm>> -> memref<1024xi32, #tpu.memory_space<hbm>>
    tpu.wait_dma2 semaphore(%arg19 : memref<!tpu.dma_semaphore, #tpu.memory_space<semaphore_mem>>) src(%dma_wait3A_596 : memref<1024xi32, #tpu.memory_space<hbm>>) dst(%dma_wait3A_594 : memref<1024xi32, #tpu.memory_space<vmem>>)
    %dma_wait3A_597 = arith.constant 16 : i32
    %dma_wait3A_598 = arith.constant 16384 : i32
    %dma_wait3A_599 = tpu.memref_slice %arg6[%dma_wait3A_598] : memref<25600xi32, #tpu.memory_space<vmem>> -> memref<1024xi32, #tpu.memory_space<vmem>>
    %dma_wait3A_600 = tpu.memref_slice %arg2[%dma_wait3A_597, %mul3A_0] : memref<50x16384xi32, #tpu.memory_space<hbm>> -> memref<1x1024xi32, #tpu.memory_space<hbm>>
    %dma_wait3A_601 = tpu.memref_squeeze %dma_wait3A_600 : memref<1x1024xi32, #tpu.memory_space<hbm>> -> memref<1024xi32, #tpu.memory_space<hbm>>
    %dma_wait3A_602 = arith.constant 16384 : i32
    %dma_wait3A_603 = tpu.memref_slice %arg6[%dma_wait3A_602] : memref<25600xi32, #tpu.memory_space<vmem>> -> memref<1024xi32, #tpu.memory_space<vmem>>
    %dma_wait3A_604 = tpu.memref_slice %arg2[%dma_wait3A_597, %mul3A_0] : memref<50x16384xi32, #tpu.memory_space<hbm>> -> memref<1x1024xi32, #tpu.memory_space<hbm>>
    %dma_wait3A_605 = tpu.memref_squeeze %dma_wait3A_604 : memref<1x1024xi32, #tpu.memory_space<hbm>> -> memref<1024xi32, #tpu.memory_space<hbm>>
    tpu.wait_dma2 semaphore(%arg19 : memref<!tpu.dma_semaphore, #tpu.memory_space<semaphore_mem>>) src(%dma_wait3A_605 : memref<1024xi32, #tpu.memory_space<hbm>>) dst(%dma_wait3A_603 : memref<1024xi32, #tpu.memory_space<vmem>>)
    %dma_wait3A_606 = arith.constant 17 : i32
    %dma_wait3A_607 = arith.constant 17408 : i32
    %dma_wait3A_608 = tpu.memref_slice %arg6[%dma_wait3A_607] : memref<25600xi32, #tpu.memory_space<vmem>> -> memref<1024xi32, #tpu.memory_space<vmem>>
    %dma_wait3A_609 = tpu.memref_slice %arg2[%dma_wait3A_606, %mul3A_0] : memref<50x16384xi32, #tpu.memory_space<hbm>> -> memref<1x1024xi32, #tpu.memory_space<hbm>>
    %dma_wait3A_610 = tpu.memref_squeeze %dma_wait3A_609 : memref<1x1024xi32, #tpu.memory_space<hbm>> -> memref<1024xi32, #tpu.memory_space<hbm>>
    %dma_wait3A_611 = arith.constant 17408 : i32
    %dma_wait3A_612 = tpu.memref_slice %arg6[%dma_wait3A_611] : memref<25600xi32, #tpu.memory_space<vmem>> -> memref<1024xi32, #tpu.memory_space<vmem>>
    %dma_wait3A_613 = tpu.memref_slice %arg2[%dma_wait3A_606, %mul3A_0] : memref<50x16384xi32, #tpu.memory_space<hbm>> -> memref<1x1024xi32, #tpu.memory_space<hbm>>
    %dma_wait3A_614 = tpu.memref_squeeze %dma_wait3A_613 : memref<1x1024xi32, #tpu.memory_space<hbm>> -> memref<1024xi32, #tpu.memory_space<hbm>>
    tpu.wait_dma2 semaphore(%arg19 : memref<!tpu.dma_semaphore, #tpu.memory_space<semaphore_mem>>) src(%dma_wait3A_614 : memref<1024xi32, #tpu.memory_space<hbm>>) dst(%dma_wait3A_612 : memref<1024xi32, #tpu.memory_space<vmem>>)
    %dma_wait3A_615 = arith.constant 18 : i32
    %dma_wait3A_616 = arith.constant 18432 : i32
    %dma_wait3A_617 = tpu.memref_slice %arg6[%dma_wait3A_616] : memref<25600xi32, #tpu.memory_space<vmem>> -> memref<1024xi32, #tpu.memory_space<vmem>>
    %dma_wait3A_618 = tpu.memref_slice %arg2[%dma_wait3A_615, %mul3A_0] : memref<50x16384xi32, #tpu.memory_space<hbm>> -> memref<1x1024xi32, #tpu.memory_space<hbm>>
    %dma_wait3A_619 = tpu.memref_squeeze %dma_wait3A_618 : memref<1x1024xi32, #tpu.memory_space<hbm>> -> memref<1024xi32, #tpu.memory_space<hbm>>
    %dma_wait3A_620 = arith.constant 18432 : i32
    %dma_wait3A_621 = tpu.memref_slice %arg6[%dma_wait3A_620] : memref<25600xi32, #tpu.memory_space<vmem>> -> memref<1024xi32, #tpu.memory_space<vmem>>
    %dma_wait3A_622 = tpu.memref_slice %arg2[%dma_wait3A_615, %mul3A_0] : memref<50x16384xi32, #tpu.memory_space<hbm>> -> memref<1x1024xi32, #tpu.memory_space<hbm>>
    %dma_wait3A_623 = tpu.memref_squeeze %dma_wait3A_622 : memref<1x1024xi32, #tpu.memory_space<hbm>> -> memref<1024xi32, #tpu.memory_space<hbm>>
    tpu.wait_dma2 semaphore(%arg19 : memref<!tpu.dma_semaphore, #tpu.memory_space<semaphore_mem>>) src(%dma_wait3A_623 : memref<1024xi32, #tpu.memory_space<hbm>>) dst(%dma_wait3A_621 : memref<1024xi32, #tpu.memory_space<vmem>>)
    %dma_wait3A_624 = arith.constant 19 : i32
    %dma_wait3A_625 = arith.constant 19456 : i32
    %dma_wait3A_626 = tpu.memref_slice %arg6[%dma_wait3A_625] : memref<25600xi32, #tpu.memory_space<vmem>> -> memref<1024xi32, #tpu.memory_space<vmem>>
    %dma_wait3A_627 = tpu.memref_slice %arg2[%dma_wait3A_624, %mul3A_0] : memref<50x16384xi32, #tpu.memory_space<hbm>> -> memref<1x1024xi32, #tpu.memory_space<hbm>>
    %dma_wait3A_628 = tpu.memref_squeeze %dma_wait3A_627 : memref<1x1024xi32, #tpu.memory_space<hbm>> -> memref<1024xi32, #tpu.memory_space<hbm>>
    %dma_wait3A_629 = arith.constant 19456 : i32
    %dma_wait3A_630 = tpu.memref_slice %arg6[%dma_wait3A_629] : memref<25600xi32, #tpu.memory_space<vmem>> -> memref<1024xi32, #tpu.memory_space<vmem>>
    %dma_wait3A_631 = tpu.memref_slice %arg2[%dma_wait3A_624, %mul3A_0] : memref<50x16384xi32, #tpu.memory_space<hbm>> -> memref<1x1024xi32, #tpu.memory_space<hbm>>
    %dma_wait3A_632 = tpu.memref_squeeze %dma_wait3A_631 : memref<1x1024xi32, #tpu.memory_space<hbm>> -> memref<1024xi32, #tpu.memory_space<hbm>>
    tpu.wait_dma2 semaphore(%arg19 : memref<!tpu.dma_semaphore, #tpu.memory_space<semaphore_mem>>) src(%dma_wait3A_632 : memref<1024xi32, #tpu.memory_space<hbm>>) dst(%dma_wait3A_630 : memref<1024xi32, #tpu.memory_space<vmem>>)
    %dma_wait3A_633 = arith.constant 20 : i32
    %dma_wait3A_634 = arith.constant 20480 : i32
    %dma_wait3A_635 = tpu.memref_slice %arg6[%dma_wait3A_634] : memref<25600xi32, #tpu.memory_space<vmem>> -> memref<1024xi32, #tpu.memory_space<vmem>>
    %dma_wait3A_636 = tpu.memref_slice %arg2[%dma_wait3A_633, %mul3A_0] : memref<50x16384xi32, #tpu.memory_space<hbm>> -> memref<1x1024xi32, #tpu.memory_space<hbm>>
    %dma_wait3A_637 = tpu.memref_squeeze %dma_wait3A_636 : memref<1x1024xi32, #tpu.memory_space<hbm>> -> memref<1024xi32, #tpu.memory_space<hbm>>
    %dma_wait3A_638 = arith.constant 20480 : i32
    %dma_wait3A_639 = tpu.memref_slice %arg6[%dma_wait3A_638] : memref<25600xi32, #tpu.memory_space<vmem>> -> memref<1024xi32, #tpu.memory_space<vmem>>
    %dma_wait3A_640 = tpu.memref_slice %arg2[%dma_wait3A_633, %mul3A_0] : memref<50x16384xi32, #tpu.memory_space<hbm>> -> memref<1x1024xi32, #tpu.memory_space<hbm>>
    %dma_wait3A_641 = tpu.memref_squeeze %dma_wait3A_640 : memref<1x1024xi32, #tpu.memory_space<hbm>> -> memref<1024xi32, #tpu.memory_space<hbm>>
    tpu.wait_dma2 semaphore(%arg19 : memref<!tpu.dma_semaphore, #tpu.memory_space<semaphore_mem>>) src(%dma_wait3A_641 : memref<1024xi32, #tpu.memory_space<hbm>>) dst(%dma_wait3A_639 : memref<1024xi32, #tpu.memory_space<vmem>>)
    %dma_wait3A_642 = arith.constant 21 : i32
    %dma_wait3A_643 = arith.constant 21504 : i32
    %dma_wait3A_644 = tpu.memref_slice %arg6[%dma_wait3A_643] : memref<25600xi32, #tpu.memory_space<vmem>> -> memref<1024xi32, #tpu.memory_space<vmem>>
    %dma_wait3A_645 = tpu.memref_slice %arg2[%dma_wait3A_642, %mul3A_0] : memref<50x16384xi32, #tpu.memory_space<hbm>> -> memref<1x1024xi32, #tpu.memory_space<hbm>>
    %dma_wait3A_646 = tpu.memref_squeeze %dma_wait3A_645 : memref<1x1024xi32, #tpu.memory_space<hbm>> -> memref<1024xi32, #tpu.memory_space<hbm>>
    %dma_wait3A_647 = arith.constant 21504 : i32
    %dma_wait3A_648 = tpu.memref_slice %arg6[%dma_wait3A_647] : memref<25600xi32, #tpu.memory_space<vmem>> -> memref<1024xi32, #tpu.memory_space<vmem>>
    %dma_wait3A_649 = tpu.memref_slice %arg2[%dma_wait3A_642, %mul3A_0] : memref<50x16384xi32, #tpu.memory_space<hbm>> -> memref<1x1024xi32, #tpu.memory_space<hbm>>
    %dma_wait3A_650 = tpu.memref_squeeze %dma_wait3A_649 : memref<1x1024xi32, #tpu.memory_space<hbm>> -> memref<1024xi32, #tpu.memory_space<hbm>>
    tpu.wait_dma2 semaphore(%arg19 : memref<!tpu.dma_semaphore, #tpu.memory_space<semaphore_mem>>) src(%dma_wait3A_650 : memref<1024xi32, #tpu.memory_space<hbm>>) dst(%dma_wait3A_648 : memref<1024xi32, #tpu.memory_space<vmem>>)
    %dma_wait3A_651 = arith.constant 22 : i32
    %dma_wait3A_652 = arith.constant 22528 : i32
    %dma_wait3A_653 = tpu.memref_slice %arg6[%dma_wait3A_652] : memref<25600xi32, #tpu.memory_space<vmem>> -> memref<1024xi32, #tpu.memory_space<vmem>>
    %dma_wait3A_654 = tpu.memref_slice %arg2[%dma_wait3A_651, %mul3A_0] : memref<50x16384xi32, #tpu.memory_space<hbm>> -> memref<1x1024xi32, #tpu.memory_space<hbm>>
    %dma_wait3A_655 = tpu.memref_squeeze %dma_wait3A_654 : memref<1x1024xi32, #tpu.memory_space<hbm>> -> memref<1024xi32, #tpu.memory_space<hbm>>
    %dma_wait3A_656 = arith.constant 22528 : i32
    %dma_wait3A_657 = tpu.memref_slice %arg6[%dma_wait3A_656] : memref<25600xi32, #tpu.memory_space<vmem>> -> memref<1024xi32, #tpu.memory_space<vmem>>
    %dma_wait3A_658 = tpu.memref_slice %arg2[%dma_wait3A_651, %mul3A_0] : memref<50x16384xi32, #tpu.memory_space<hbm>> -> memref<1x1024xi32, #tpu.memory_space<hbm>>
    %dma_wait3A_659 = tpu.memref_squeeze %dma_wait3A_658 : memref<1x1024xi32, #tpu.memory_space<hbm>> -> memref<1024xi32, #tpu.memory_space<hbm>>
    tpu.wait_dma2 semaphore(%arg19 : memref<!tpu.dma_semaphore, #tpu.memory_space<semaphore_mem>>) src(%dma_wait3A_659 : memref<1024xi32, #tpu.memory_space<hbm>>) dst(%dma_wait3A_657 : memref<1024xi32, #tpu.memory_space<vmem>>)
    %dma_wait3A_660 = arith.constant 23 : i32
    %dma_wait3A_661 = arith.constant 23552 : i32
    %dma_wait3A_662 = tpu.memref_slice %arg6[%dma_wait3A_661] : memref<25600xi32, #tpu.memory_space<vmem>> -> memref<1024xi32, #tpu.memory_space<vmem>>
    %dma_wait3A_663 = tpu.memref_slice %arg2[%dma_wait3A_660, %mul3A_0] : memref<50x16384xi32, #tpu.memory_space<hbm>> -> memref<1x1024xi32, #tpu.memory_space<hbm>>
    %dma_wait3A_664 = tpu.memref_squeeze %dma_wait3A_663 : memref<1x1024xi32, #tpu.memory_space<hbm>> -> memref<1024xi32, #tpu.memory_space<hbm>>
    %dma_wait3A_665 = arith.constant 23552 : i32
    %dma_wait3A_666 = tpu.memref_slice %arg6[%dma_wait3A_665] : memref<25600xi32, #tpu.memory_space<vmem>> -> memref<1024xi32, #tpu.memory_space<vmem>>
    %dma_wait3A_667 = tpu.memref_slice %arg2[%dma_wait3A_660, %mul3A_0] : memref<50x16384xi32, #tpu.memory_space<hbm>> -> memref<1x1024xi32, #tpu.memory_space<hbm>>
    %dma_wait3A_668 = tpu.memref_squeeze %dma_wait3A_667 : memref<1x1024xi32, #tpu.memory_space<hbm>> -> memref<1024xi32, #tpu.memory_space<hbm>>
    tpu.wait_dma2 semaphore(%arg19 : memref<!tpu.dma_semaphore, #tpu.memory_space<semaphore_mem>>) src(%dma_wait3A_668 : memref<1024xi32, #tpu.memory_space<hbm>>) dst(%dma_wait3A_666 : memref<1024xi32, #tpu.memory_space<vmem>>)
    %dma_wait3A_669 = arith.constant 24 : i32
    %dma_wait3A_670 = arith.constant 24576 : i32
    %dma_wait3A_671 = tpu.memref_slice %arg6[%dma_wait3A_670] : memref<25600xi32, #tpu.memory_space<vmem>> -> memref<1024xi32, #tpu.memory_space<vmem>>
    %dma_wait3A_672 = tpu.memref_slice %arg2[%dma_wait3A_669, %mul3A_0] : memref<50x16384xi32, #tpu.memory_space<hbm>> -> memref<1x1024xi32, #tpu.memory_space<hbm>>
    %dma_wait3A_673 = tpu.memref_squeeze %dma_wait3A_672 : memref<1x1024xi32, #tpu.memory_space<hbm>> -> memref<1024xi32, #tpu.memory_space<hbm>>
    %dma_wait3A_674 = arith.constant 24576 : i32
    %dma_wait3A_675 = tpu.memref_slice %arg6[%dma_wait3A_674] : memref<25600xi32, #tpu.memory_space<vmem>> -> memref<1024xi32, #tpu.memory_space<vmem>>
    %dma_wait3A_676 = tpu.memref_slice %arg2[%dma_wait3A_669, %mul3A_0] : memref<50x16384xi32, #tpu.memory_space<hbm>> -> memref<1x1024xi32, #tpu.memory_space<hbm>>
    %dma_wait3A_677 = tpu.memref_squeeze %dma_wait3A_676 : memref<1x1024xi32, #tpu.memory_space<hbm>> -> memref<1024xi32, #tpu.memory_space<hbm>>
    tpu.wait_dma2 semaphore(%arg19 : memref<!tpu.dma_semaphore, #tpu.memory_space<semaphore_mem>>) src(%dma_wait3A_677 : memref<1024xi32, #tpu.memory_space<hbm>>) dst(%dma_wait3A_675 : memref<1024xi32, #tpu.memory_space<vmem>>)
    %dma_wait3A_678 = arith.constant 25 : i32
    %dma_wait3A_679 = arith.constant 0 : i32
    %dma_wait3A_680 = tpu.memref_slice %arg7[%dma_wait3A_679] : memref<25600xi32, #tpu.memory_space<vmem>> -> memref<1024xi32, #tpu.memory_space<vmem>>
    %dma_wait3A_681 = tpu.memref_slice %arg2[%dma_wait3A_678, %mul3A_0] : memref<50x16384xi32, #tpu.memory_space<hbm>> -> memref<1x1024xi32, #tpu.memory_space<hbm>>
    %dma_wait3A_682 = tpu.memref_squeeze %dma_wait3A_681 : memref<1x1024xi32, #tpu.memory_space<hbm>> -> memref<1024xi32, #tpu.memory_space<hbm>>
    %dma_wait3A_683 = arith.constant 0 : i32
    %dma_wait3A_684 = tpu.memref_slice %arg7[%dma_wait3A_683] : memref<25600xi32, #tpu.memory_space<vmem>> -> memref<1024xi32, #tpu.memory_space<vmem>>
    %dma_wait3A_685 = tpu.memref_slice %arg2[%dma_wait3A_678, %mul3A_0] : memref<50x16384xi32, #tpu.memory_space<hbm>> -> memref<1x1024xi32, #tpu.memory_space<hbm>>
    %dma_wait3A_686 = tpu.memref_squeeze %dma_wait3A_685 : memref<1x1024xi32, #tpu.memory_space<hbm>> -> memref<1024xi32, #tpu.memory_space<hbm>>
    tpu.wait_dma2 semaphore(%arg19 : memref<!tpu.dma_semaphore, #tpu.memory_space<semaphore_mem>>) src(%dma_wait3A_686 : memref<1024xi32, #tpu.memory_space<hbm>>) dst(%dma_wait3A_684 : memref<1024xi32, #tpu.memory_space<vmem>>)
    %dma_wait3A_687 = arith.constant 26 : i32
    %dma_wait3A_688 = arith.constant 1024 : i32
    %dma_wait3A_689 = tpu.memref_slice %arg7[%dma_wait3A_688] : memref<25600xi32, #tpu.memory_space<vmem>> -> memref<1024xi32, #tpu.memory_space<vmem>>
    %dma_wait3A_690 = tpu.memref_slice %arg2[%dma_wait3A_687, %mul3A_0] : memref<50x16384xi32, #tpu.memory_space<hbm>> -> memref<1x1024xi32, #tpu.memory_space<hbm>>
    %dma_wait3A_691 = tpu.memref_squeeze %dma_wait3A_690 : memref<1x1024xi32, #tpu.memory_space<hbm>> -> memref<1024xi32, #tpu.memory_space<hbm>>
    %dma_wait3A_692 = arith.constant 1024 : i32
    %dma_wait3A_693 = tpu.memref_slice %arg7[%dma_wait3A_692] : memref<25600xi32, #tpu.memory_space<vmem>> -> memref<1024xi32, #tpu.memory_space<vmem>>
    %dma_wait3A_694 = tpu.memref_slice %arg2[%dma_wait3A_687, %mul3A_0] : memref<50x16384xi32, #tpu.memory_space<hbm>> -> memref<1x1024xi32, #tpu.memory_space<hbm>>
    %dma_wait3A_695 = tpu.memref_squeeze %dma_wait3A_694 : memref<1x1024xi32, #tpu.memory_space<hbm>> -> memref<1024xi32, #tpu.memory_space<hbm>>
    tpu.wait_dma2 semaphore(%arg19 : memref<!tpu.dma_semaphore, #tpu.memory_space<semaphore_mem>>) src(%dma_wait3A_695 : memref<1024xi32, #tpu.memory_space<hbm>>) dst(%dma_wait3A_693 : memref<1024xi32, #tpu.memory_space<vmem>>)
    %dma_wait3A_696 = arith.constant 27 : i32
    %dma_wait3A_697 = arith.constant 2048 : i32
    %dma_wait3A_698 = tpu.memref_slice %arg7[%dma_wait3A_697] : memref<25600xi32, #tpu.memory_space<vmem>> -> memref<1024xi32, #tpu.memory_space<vmem>>
    %dma_wait3A_699 = tpu.memref_slice %arg2[%dma_wait3A_696, %mul3A_0] : memref<50x16384xi32, #tpu.memory_space<hbm>> -> memref<1x1024xi32, #tpu.memory_space<hbm>>
    %dma_wait3A_700 = tpu.memref_squeeze %dma_wait3A_699 : memref<1x1024xi32, #tpu.memory_space<hbm>> -> memref<1024xi32, #tpu.memory_space<hbm>>
    %dma_wait3A_701 = arith.constant 2048 : i32
    %dma_wait3A_702 = tpu.memref_slice %arg7[%dma_wait3A_701] : memref<25600xi32, #tpu.memory_space<vmem>> -> memref<1024xi32, #tpu.memory_space<vmem>>
    %dma_wait3A_703 = tpu.memref_slice %arg2[%dma_wait3A_696, %mul3A_0] : memref<50x16384xi32, #tpu.memory_space<hbm>> -> memref<1x1024xi32, #tpu.memory_space<hbm>>
    %dma_wait3A_704 = tpu.memref_squeeze %dma_wait3A_703 : memref<1x1024xi32, #tpu.memory_space<hbm>> -> memref<1024xi32, #tpu.memory_space<hbm>>
    tpu.wait_dma2 semaphore(%arg19 : memref<!tpu.dma_semaphore, #tpu.memory_space<semaphore_mem>>) src(%dma_wait3A_704 : memref<1024xi32, #tpu.memory_space<hbm>>) dst(%dma_wait3A_702 : memref<1024xi32, #tpu.memory_space<vmem>>)
    %dma_wait3A_705 = arith.constant 28 : i32
    %dma_wait3A_706 = arith.constant 3072 : i32
    %dma_wait3A_707 = tpu.memref_slice %arg7[%dma_wait3A_706] : memref<25600xi32, #tpu.memory_space<vmem>> -> memref<1024xi32, #tpu.memory_space<vmem>>
    %dma_wait3A_708 = tpu.memref_slice %arg2[%dma_wait3A_705, %mul3A_0] : memref<50x16384xi32, #tpu.memory_space<hbm>> -> memref<1x1024xi32, #tpu.memory_space<hbm>>
    %dma_wait3A_709 = tpu.memref_squeeze %dma_wait3A_708 : memref<1x1024xi32, #tpu.memory_space<hbm>> -> memref<1024xi32, #tpu.memory_space<hbm>>
    %dma_wait3A_710 = arith.constant 3072 : i32
    %dma_wait3A_711 = tpu.memref_slice %arg7[%dma_wait3A_710] : memref<25600xi32, #tpu.memory_space<vmem>> -> memref<1024xi32, #tpu.memory_space<vmem>>
    %dma_wait3A_712 = tpu.memref_slice %arg2[%dma_wait3A_705, %mul3A_0] : memref<50x16384xi32, #tpu.memory_space<hbm>> -> memref<1x1024xi32, #tpu.memory_space<hbm>>
    %dma_wait3A_713 = tpu.memref_squeeze %dma_wait3A_712 : memref<1x1024xi32, #tpu.memory_space<hbm>> -> memref<1024xi32, #tpu.memory_space<hbm>>
    tpu.wait_dma2 semaphore(%arg19 : memref<!tpu.dma_semaphore, #tpu.memory_space<semaphore_mem>>) src(%dma_wait3A_713 : memref<1024xi32, #tpu.memory_space<hbm>>) dst(%dma_wait3A_711 : memref<1024xi32, #tpu.memory_space<vmem>>)
    %dma_wait3A_714 = arith.constant 29 : i32
    %dma_wait3A_715 = arith.constant 4096 : i32
    %dma_wait3A_716 = tpu.memref_slice %arg7[%dma_wait3A_715] : memref<25600xi32, #tpu.memory_space<vmem>> -> memref<1024xi32, #tpu.memory_space<vmem>>
    %dma_wait3A_717 = tpu.memref_slice %arg2[%dma_wait3A_714, %mul3A_0] : memref<50x16384xi32, #tpu.memory_space<hbm>> -> memref<1x1024xi32, #tpu.memory_space<hbm>>
    %dma_wait3A_718 = tpu.memref_squeeze %dma_wait3A_717 : memref<1x1024xi32, #tpu.memory_space<hbm>> -> memref<1024xi32, #tpu.memory_space<hbm>>
    %dma_wait3A_719 = arith.constant 4096 : i32
    %dma_wait3A_720 = tpu.memref_slice %arg7[%dma_wait3A_719] : memref<25600xi32, #tpu.memory_space<vmem>> -> memref<1024xi32, #tpu.memory_space<vmem>>
    %dma_wait3A_721 = tpu.memref_slice %arg2[%dma_wait3A_714, %mul3A_0] : memref<50x16384xi32, #tpu.memory_space<hbm>> -> memref<1x1024xi32, #tpu.memory_space<hbm>>
    %dma_wait3A_722 = tpu.memref_squeeze %dma_wait3A_721 : memref<1x1024xi32, #tpu.memory_space<hbm>> -> memref<1024xi32, #tpu.memory_space<hbm>>
    tpu.wait_dma2 semaphore(%arg19 : memref<!tpu.dma_semaphore, #tpu.memory_space<semaphore_mem>>) src(%dma_wait3A_722 : memref<1024xi32, #tpu.memory_space<hbm>>) dst(%dma_wait3A_720 : memref<1024xi32, #tpu.memory_space<vmem>>)
    %dma_wait3A_723 = arith.constant 30 : i32
    %dma_wait3A_724 = arith.constant 5120 : i32
    %dma_wait3A_725 = tpu.memref_slice %arg7[%dma_wait3A_724] : memref<25600xi32, #tpu.memory_space<vmem>> -> memref<1024xi32, #tpu.memory_space<vmem>>
    %dma_wait3A_726 = tpu.memref_slice %arg2[%dma_wait3A_723, %mul3A_0] : memref<50x16384xi32, #tpu.memory_space<hbm>> -> memref<1x1024xi32, #tpu.memory_space<hbm>>
    %dma_wait3A_727 = tpu.memref_squeeze %dma_wait3A_726 : memref<1x1024xi32, #tpu.memory_space<hbm>> -> memref<1024xi32, #tpu.memory_space<hbm>>
    %dma_wait3A_728 = arith.constant 5120 : i32
    %dma_wait3A_729 = tpu.memref_slice %arg7[%dma_wait3A_728] : memref<25600xi32, #tpu.memory_space<vmem>> -> memref<1024xi32, #tpu.memory_space<vmem>>
    %dma_wait3A_730 = tpu.memref_slice %arg2[%dma_wait3A_723, %mul3A_0] : memref<50x16384xi32, #tpu.memory_space<hbm>> -> memref<1x1024xi32, #tpu.memory_space<hbm>>
    %dma_wait3A_731 = tpu.memref_squeeze %dma_wait3A_730 : memref<1x1024xi32, #tpu.memory_space<hbm>> -> memref<1024xi32, #tpu.memory_space<hbm>>
    tpu.wait_dma2 semaphore(%arg19 : memref<!tpu.dma_semaphore, #tpu.memory_space<semaphore_mem>>) src(%dma_wait3A_731 : memref<1024xi32, #tpu.memory_space<hbm>>) dst(%dma_wait3A_729 : memref<1024xi32, #tpu.memory_space<vmem>>)
    %dma_wait3A_732 = arith.constant 31 : i32
    %dma_wait3A_733 = arith.constant 6144 : i32
    %dma_wait3A_734 = tpu.memref_slice %arg7[%dma_wait3A_733] : memref<25600xi32, #tpu.memory_space<vmem>> -> memref<1024xi32, #tpu.memory_space<vmem>>
    %dma_wait3A_735 = tpu.memref_slice %arg2[%dma_wait3A_732, %mul3A_0] : memref<50x16384xi32, #tpu.memory_space<hbm>> -> memref<1x1024xi32, #tpu.memory_space<hbm>>
    %dma_wait3A_736 = tpu.memref_squeeze %dma_wait3A_735 : memref<1x1024xi32, #tpu.memory_space<hbm>> -> memref<1024xi32, #tpu.memory_space<hbm>>
    %dma_wait3A_737 = arith.constant 6144 : i32
    %dma_wait3A_738 = tpu.memref_slice %arg7[%dma_wait3A_737] : memref<25600xi32, #tpu.memory_space<vmem>> -> memref<1024xi32, #tpu.memory_space<vmem>>
    %dma_wait3A_739 = tpu.memref_slice %arg2[%dma_wait3A_732, %mul3A_0] : memref<50x16384xi32, #tpu.memory_space<hbm>> -> memref<1x1024xi32, #tpu.memory_space<hbm>>
    %dma_wait3A_740 = tpu.memref_squeeze %dma_wait3A_739 : memref<1x1024xi32, #tpu.memory_space<hbm>> -> memref<1024xi32, #tpu.memory_space<hbm>>
    tpu.wait_dma2 semaphore(%arg19 : memref<!tpu.dma_semaphore, #tpu.memory_space<semaphore_mem>>) src(%dma_wait3A_740 : memref<1024xi32, #tpu.memory_space<hbm>>) dst(%dma_wait3A_738 : memref<1024xi32, #tpu.memory_space<vmem>>)
    %dma_wait3A_741 = arith.constant 32 : i32
    %dma_wait3A_742 = arith.constant 7168 : i32
    %dma_wait3A_743 = tpu.memref_slice %arg7[%dma_wait3A_742] : memref<25600xi32, #tpu.memory_space<vmem>> -> memref<1024xi32, #tpu.memory_space<vmem>>
    %dma_wait3A_744 = tpu.memref_slice %arg2[%dma_wait3A_741, %mul3A_0] : memref<50x16384xi32, #tpu.memory_space<hbm>> -> memref<1x1024xi32, #tpu.memory_space<hbm>>
    %dma_wait3A_745 = tpu.memref_squeeze %dma_wait3A_744 : memref<1x1024xi32, #tpu.memory_space<hbm>> -> memref<1024xi32, #tpu.memory_space<hbm>>
    %dma_wait3A_746 = arith.constant 7168 : i32
    %dma_wait3A_747 = tpu.memref_slice %arg7[%dma_wait3A_746] : memref<25600xi32, #tpu.memory_space<vmem>> -> memref<1024xi32, #tpu.memory_space<vmem>>
    %dma_wait3A_748 = tpu.memref_slice %arg2[%dma_wait3A_741, %mul3A_0] : memref<50x16384xi32, #tpu.memory_space<hbm>> -> memref<1x1024xi32, #tpu.memory_space<hbm>>
    %dma_wait3A_749 = tpu.memref_squeeze %dma_wait3A_748 : memref<1x1024xi32, #tpu.memory_space<hbm>> -> memref<1024xi32, #tpu.memory_space<hbm>>
    tpu.wait_dma2 semaphore(%arg19 : memref<!tpu.dma_semaphore, #tpu.memory_space<semaphore_mem>>) src(%dma_wait3A_749 : memref<1024xi32, #tpu.memory_space<hbm>>) dst(%dma_wait3A_747 : memref<1024xi32, #tpu.memory_space<vmem>>)
    %dma_wait3A_750 = arith.constant 33 : i32
    %dma_wait3A_751 = arith.constant 8192 : i32
    %dma_wait3A_752 = tpu.memref_slice %arg7[%dma_wait3A_751] : memref<25600xi32, #tpu.memory_space<vmem>> -> memref<1024xi32, #tpu.memory_space<vmem>>
    %dma_wait3A_753 = tpu.memref_slice %arg2[%dma_wait3A_750, %mul3A_0] : memref<50x16384xi32, #tpu.memory_space<hbm>> -> memref<1x1024xi32, #tpu.memory_space<hbm>>
    %dma_wait3A_754 = tpu.memref_squeeze %dma_wait3A_753 : memref<1x1024xi32, #tpu.memory_space<hbm>> -> memref<1024xi32, #tpu.memory_space<hbm>>
    %dma_wait3A_755 = arith.constant 8192 : i32
    %dma_wait3A_756 = tpu.memref_slice %arg7[%dma_wait3A_755] : memref<25600xi32, #tpu.memory_space<vmem>> -> memref<1024xi32, #tpu.memory_space<vmem>>
    %dma_wait3A_757 = tpu.memref_slice %arg2[%dma_wait3A_750, %mul3A_0] : memref<50x16384xi32, #tpu.memory_space<hbm>> -> memref<1x1024xi32, #tpu.memory_space<hbm>>
    %dma_wait3A_758 = tpu.memref_squeeze %dma_wait3A_757 : memref<1x1024xi32, #tpu.memory_space<hbm>> -> memref<1024xi32, #tpu.memory_space<hbm>>
    tpu.wait_dma2 semaphore(%arg19 : memref<!tpu.dma_semaphore, #tpu.memory_space<semaphore_mem>>) src(%dma_wait3A_758 : memref<1024xi32, #tpu.memory_space<hbm>>) dst(%dma_wait3A_756 : memref<1024xi32, #tpu.memory_space<vmem>>)
    %dma_wait3A_759 = arith.constant 34 : i32
    %dma_wait3A_760 = arith.constant 9216 : i32
    %dma_wait3A_761 = tpu.memref_slice %arg7[%dma_wait3A_760] : memref<25600xi32, #tpu.memory_space<vmem>> -> memref<1024xi32, #tpu.memory_space<vmem>>
    %dma_wait3A_762 = tpu.memref_slice %arg2[%dma_wait3A_759, %mul3A_0] : memref<50x16384xi32, #tpu.memory_space<hbm>> -> memref<1x1024xi32, #tpu.memory_space<hbm>>
    %dma_wait3A_763 = tpu.memref_squeeze %dma_wait3A_762 : memref<1x1024xi32, #tpu.memory_space<hbm>> -> memref<1024xi32, #tpu.memory_space<hbm>>
    %dma_wait3A_764 = arith.constant 9216 : i32
    %dma_wait3A_765 = tpu.memref_slice %arg7[%dma_wait3A_764] : memref<25600xi32, #tpu.memory_space<vmem>> -> memref<1024xi32, #tpu.memory_space<vmem>>
    %dma_wait3A_766 = tpu.memref_slice %arg2[%dma_wait3A_759, %mul3A_0] : memref<50x16384xi32, #tpu.memory_space<hbm>> -> memref<1x1024xi32, #tpu.memory_space<hbm>>
    %dma_wait3A_767 = tpu.memref_squeeze %dma_wait3A_766 : memref<1x1024xi32, #tpu.memory_space<hbm>> -> memref<1024xi32, #tpu.memory_space<hbm>>
    tpu.wait_dma2 semaphore(%arg19 : memref<!tpu.dma_semaphore, #tpu.memory_space<semaphore_mem>>) src(%dma_wait3A_767 : memref<1024xi32, #tpu.memory_space<hbm>>) dst(%dma_wait3A_765 : memref<1024xi32, #tpu.memory_space<vmem>>)
    %dma_wait3A_768 = arith.constant 35 : i32
    %dma_wait3A_769 = arith.constant 10240 : i32
    %dma_wait3A_770 = tpu.memref_slice %arg7[%dma_wait3A_769] : memref<25600xi32, #tpu.memory_space<vmem>> -> memref<1024xi32, #tpu.memory_space<vmem>>
    %dma_wait3A_771 = tpu.memref_slice %arg2[%dma_wait3A_768, %mul3A_0] : memref<50x16384xi32, #tpu.memory_space<hbm>> -> memref<1x1024xi32, #tpu.memory_space<hbm>>
    %dma_wait3A_772 = tpu.memref_squeeze %dma_wait3A_771 : memref<1x1024xi32, #tpu.memory_space<hbm>> -> memref<1024xi32, #tpu.memory_space<hbm>>
    %dma_wait3A_773 = arith.constant 10240 : i32
    %dma_wait3A_774 = tpu.memref_slice %arg7[%dma_wait3A_773] : memref<25600xi32, #tpu.memory_space<vmem>> -> memref<1024xi32, #tpu.memory_space<vmem>>
    %dma_wait3A_775 = tpu.memref_slice %arg2[%dma_wait3A_768, %mul3A_0] : memref<50x16384xi32, #tpu.memory_space<hbm>> -> memref<1x1024xi32, #tpu.memory_space<hbm>>
    %dma_wait3A_776 = tpu.memref_squeeze %dma_wait3A_775 : memref<1x1024xi32, #tpu.memory_space<hbm>> -> memref<1024xi32, #tpu.memory_space<hbm>>
    tpu.wait_dma2 semaphore(%arg19 : memref<!tpu.dma_semaphore, #tpu.memory_space<semaphore_mem>>) src(%dma_wait3A_776 : memref<1024xi32, #tpu.memory_space<hbm>>) dst(%dma_wait3A_774 : memref<1024xi32, #tpu.memory_space<vmem>>)
    %dma_wait3A_777 = arith.constant 36 : i32
    %dma_wait3A_778 = arith.constant 11264 : i32
    %dma_wait3A_779 = tpu.memref_slice %arg7[%dma_wait3A_778] : memref<25600xi32, #tpu.memory_space<vmem>> -> memref<1024xi32, #tpu.memory_space<vmem>>
    %dma_wait3A_780 = tpu.memref_slice %arg2[%dma_wait3A_777, %mul3A_0] : memref<50x16384xi32, #tpu.memory_space<hbm>> -> memref<1x1024xi32, #tpu.memory_space<hbm>>
    %dma_wait3A_781 = tpu.memref_squeeze %dma_wait3A_780 : memref<1x1024xi32, #tpu.memory_space<hbm>> -> memref<1024xi32, #tpu.memory_space<hbm>>
    %dma_wait3A_782 = arith.constant 11264 : i32
    %dma_wait3A_783 = tpu.memref_slice %arg7[%dma_wait3A_782] : memref<25600xi32, #tpu.memory_space<vmem>> -> memref<1024xi32, #tpu.memory_space<vmem>>
    %dma_wait3A_784 = tpu.memref_slice %arg2[%dma_wait3A_777, %mul3A_0] : memref<50x16384xi32, #tpu.memory_space<hbm>> -> memref<1x1024xi32, #tpu.memory_space<hbm>>
    %dma_wait3A_785 = tpu.memref_squeeze %dma_wait3A_784 : memref<1x1024xi32, #tpu.memory_space<hbm>> -> memref<1024xi32, #tpu.memory_space<hbm>>
    tpu.wait_dma2 semaphore(%arg19 : memref<!tpu.dma_semaphore, #tpu.memory_space<semaphore_mem>>) src(%dma_wait3A_785 : memref<1024xi32, #tpu.memory_space<hbm>>) dst(%dma_wait3A_783 : memref<1024xi32, #tpu.memory_space<vmem>>)
    %dma_wait3A_786 = arith.constant 37 : i32
    %dma_wait3A_787 = arith.constant 12288 : i32
    %dma_wait3A_788 = tpu.memref_slice %arg7[%dma_wait3A_787] : memref<25600xi32, #tpu.memory_space<vmem>> -> memref<1024xi32, #tpu.memory_space<vmem>>
    %dma_wait3A_789 = tpu.memref_slice %arg2[%dma_wait3A_786, %mul3A_0] : memref<50x16384xi32, #tpu.memory_space<hbm>> -> memref<1x1024xi32, #tpu.memory_space<hbm>>
    %dma_wait3A_790 = tpu.memref_squeeze %dma_wait3A_789 : memref<1x1024xi32, #tpu.memory_space<hbm>> -> memref<1024xi32, #tpu.memory_space<hbm>>
    %dma_wait3A_791 = arith.constant 12288 : i32
    %dma_wait3A_792 = tpu.memref_slice %arg7[%dma_wait3A_791] : memref<25600xi32, #tpu.memory_space<vmem>> -> memref<1024xi32, #tpu.memory_space<vmem>>
    %dma_wait3A_793 = tpu.memref_slice %arg2[%dma_wait3A_786, %mul3A_0] : memref<50x16384xi32, #tpu.memory_space<hbm>> -> memref<1x1024xi32, #tpu.memory_space<hbm>>
    %dma_wait3A_794 = tpu.memref_squeeze %dma_wait3A_793 : memref<1x1024xi32, #tpu.memory_space<hbm>> -> memref<1024xi32, #tpu.memory_space<hbm>>
    tpu.wait_dma2 semaphore(%arg19 : memref<!tpu.dma_semaphore, #tpu.memory_space<semaphore_mem>>) src(%dma_wait3A_794 : memref<1024xi32, #tpu.memory_space<hbm>>) dst(%dma_wait3A_792 : memref<1024xi32, #tpu.memory_space<vmem>>)
    %dma_wait3A_795 = arith.constant 38 : i32
    %dma_wait3A_796 = arith.constant 13312 : i32
    %dma_wait3A_797 = tpu.memref_slice %arg7[%dma_wait3A_796] : memref<25600xi32, #tpu.memory_space<vmem>> -> memref<1024xi32, #tpu.memory_space<vmem>>
    %dma_wait3A_798 = tpu.memref_slice %arg2[%dma_wait3A_795, %mul3A_0] : memref<50x16384xi32, #tpu.memory_space<hbm>> -> memref<1x1024xi32, #tpu.memory_space<hbm>>
    %dma_wait3A_799 = tpu.memref_squeeze %dma_wait3A_798 : memref<1x1024xi32, #tpu.memory_space<hbm>> -> memref<1024xi32, #tpu.memory_space<hbm>>
    %dma_wait3A_800 = arith.constant 13312 : i32
    %dma_wait3A_801 = tpu.memref_slice %arg7[%dma_wait3A_800] : memref<25600xi32, #tpu.memory_space<vmem>> -> memref<1024xi32, #tpu.memory_space<vmem>>
    %dma_wait3A_802 = tpu.memref_slice %arg2[%dma_wait3A_795, %mul3A_0] : memref<50x16384xi32, #tpu.memory_space<hbm>> -> memref<1x1024xi32, #tpu.memory_space<hbm>>
    %dma_wait3A_803 = tpu.memref_squeeze %dma_wait3A_802 : memref<1x1024xi32, #tpu.memory_space<hbm>> -> memref<1024xi32, #tpu.memory_space<hbm>>
    tpu.wait_dma2 semaphore(%arg19 : memref<!tpu.dma_semaphore, #tpu.memory_space<semaphore_mem>>) src(%dma_wait3A_803 : memref<1024xi32, #tpu.memory_space<hbm>>) dst(%dma_wait3A_801 : memref<1024xi32, #tpu.memory_space<vmem>>)
    %dma_wait3A_804 = arith.constant 39 : i32
    %dma_wait3A_805 = arith.constant 14336 : i32
    %dma_wait3A_806 = tpu.memref_slice %arg7[%dma_wait3A_805] : memref<25600xi32, #tpu.memory_space<vmem>> -> memref<1024xi32, #tpu.memory_space<vmem>>
    %dma_wait3A_807 = tpu.memref_slice %arg2[%dma_wait3A_804, %mul3A_0] : memref<50x16384xi32, #tpu.memory_space<hbm>> -> memref<1x1024xi32, #tpu.memory_space<hbm>>
    %dma_wait3A_808 = tpu.memref_squeeze %dma_wait3A_807 : memref<1x1024xi32, #tpu.memory_space<hbm>> -> memref<1024xi32, #tpu.memory_space<hbm>>
    %dma_wait3A_809 = arith.constant 14336 : i32
    %dma_wait3A_810 = tpu.memref_slice %arg7[%dma_wait3A_809] : memref<25600xi32, #tpu.memory_space<vmem>> -> memref<1024xi32, #tpu.memory_space<vmem>>
    %dma_wait3A_811 = tpu.memref_slice %arg2[%dma_wait3A_804, %mul3A_0] : memref<50x16384xi32, #tpu.memory_space<hbm>> -> memref<1x1024xi32, #tpu.memory_space<hbm>>
    %dma_wait3A_812 = tpu.memref_squeeze %dma_wait3A_811 : memref<1x1024xi32, #tpu.memory_space<hbm>> -> memref<1024xi32, #tpu.memory_space<hbm>>
    tpu.wait_dma2 semaphore(%arg19 : memref<!tpu.dma_semaphore, #tpu.memory_space<semaphore_mem>>) src(%dma_wait3A_812 : memref<1024xi32, #tpu.memory_space<hbm>>) dst(%dma_wait3A_810 : memref<1024xi32, #tpu.memory_space<vmem>>)
    %dma_wait3A_813 = arith.constant 40 : i32
    %dma_wait3A_814 = arith.constant 15360 : i32
    %dma_wait3A_815 = tpu.memref_slice %arg7[%dma_wait3A_814] : memref<25600xi32, #tpu.memory_space<vmem>> -> memref<1024xi32, #tpu.memory_space<vmem>>
    %dma_wait3A_816 = tpu.memref_slice %arg2[%dma_wait3A_813, %mul3A_0] : memref<50x16384xi32, #tpu.memory_space<hbm>> -> memref<1x1024xi32, #tpu.memory_space<hbm>>
    %dma_wait3A_817 = tpu.memref_squeeze %dma_wait3A_816 : memref<1x1024xi32, #tpu.memory_space<hbm>> -> memref<1024xi32, #tpu.memory_space<hbm>>
    %dma_wait3A_818 = arith.constant 15360 : i32
    %dma_wait3A_819 = tpu.memref_slice %arg7[%dma_wait3A_818] : memref<25600xi32, #tpu.memory_space<vmem>> -> memref<1024xi32, #tpu.memory_space<vmem>>
    %dma_wait3A_820 = tpu.memref_slice %arg2[%dma_wait3A_813, %mul3A_0] : memref<50x16384xi32, #tpu.memory_space<hbm>> -> memref<1x1024xi32, #tpu.memory_space<hbm>>
    %dma_wait3A_821 = tpu.memref_squeeze %dma_wait3A_820 : memref<1x1024xi32, #tpu.memory_space<hbm>> -> memref<1024xi32, #tpu.memory_space<hbm>>
    tpu.wait_dma2 semaphore(%arg19 : memref<!tpu.dma_semaphore, #tpu.memory_space<semaphore_mem>>) src(%dma_wait3A_821 : memref<1024xi32, #tpu.memory_space<hbm>>) dst(%dma_wait3A_819 : memref<1024xi32, #tpu.memory_space<vmem>>)
    %dma_wait3A_822 = arith.constant 41 : i32
    %dma_wait3A_823 = arith.constant 16384 : i32
    %dma_wait3A_824 = tpu.memref_slice %arg7[%dma_wait3A_823] : memref<25600xi32, #tpu.memory_space<vmem>> -> memref<1024xi32, #tpu.memory_space<vmem>>
    %dma_wait3A_825 = tpu.memref_slice %arg2[%dma_wait3A_822, %mul3A_0] : memref<50x16384xi32, #tpu.memory_space<hbm>> -> memref<1x1024xi32, #tpu.memory_space<hbm>>
    %dma_wait3A_826 = tpu.memref_squeeze %dma_wait3A_825 : memref<1x1024xi32, #tpu.memory_space<hbm>> -> memref<1024xi32, #tpu.memory_space<hbm>>
    %dma_wait3A_827 = arith.constant 16384 : i32
    %dma_wait3A_828 = tpu.memref_slice %arg7[%dma_wait3A_827] : memref<25600xi32, #tpu.memory_space<vmem>> -> memref<1024xi32, #tpu.memory_space<vmem>>
    %dma_wait3A_829 = tpu.memref_slice %arg2[%dma_wait3A_822, %mul3A_0] : memref<50x16384xi32, #tpu.memory_space<hbm>> -> memref<1x1024xi32, #tpu.memory_space<hbm>>
    %dma_wait3A_830 = tpu.memref_squeeze %dma_wait3A_829 : memref<1x1024xi32, #tpu.memory_space<hbm>> -> memref<1024xi32, #tpu.memory_space<hbm>>
    tpu.wait_dma2 semaphore(%arg19 : memref<!tpu.dma_semaphore, #tpu.memory_space<semaphore_mem>>) src(%dma_wait3A_830 : memref<1024xi32, #tpu.memory_space<hbm>>) dst(%dma_wait3A_828 : memref<1024xi32, #tpu.memory_space<vmem>>)
    %dma_wait3A_831 = arith.constant 42 : i32
    %dma_wait3A_832 = arith.constant 17408 : i32
    %dma_wait3A_833 = tpu.memref_slice %arg7[%dma_wait3A_832] : memref<25600xi32, #tpu.memory_space<vmem>> -> memref<1024xi32, #tpu.memory_space<vmem>>
    %dma_wait3A_834 = tpu.memref_slice %arg2[%dma_wait3A_831, %mul3A_0] : memref<50x16384xi32, #tpu.memory_space<hbm>> -> memref<1x1024xi32, #tpu.memory_space<hbm>>
    %dma_wait3A_835 = tpu.memref_squeeze %dma_wait3A_834 : memref<1x1024xi32, #tpu.memory_space<hbm>> -> memref<1024xi32, #tpu.memory_space<hbm>>
    %dma_wait3A_836 = arith.constant 17408 : i32
    %dma_wait3A_837 = tpu.memref_slice %arg7[%dma_wait3A_836] : memref<25600xi32, #tpu.memory_space<vmem>> -> memref<1024xi32, #tpu.memory_space<vmem>>
    %dma_wait3A_838 = tpu.memref_slice %arg2[%dma_wait3A_831, %mul3A_0] : memref<50x16384xi32, #tpu.memory_space<hbm>> -> memref<1x1024xi32, #tpu.memory_space<hbm>>
    %dma_wait3A_839 = tpu.memref_squeeze %dma_wait3A_838 : memref<1x1024xi32, #tpu.memory_space<hbm>> -> memref<1024xi32, #tpu.memory_space<hbm>>
    tpu.wait_dma2 semaphore(%arg19 : memref<!tpu.dma_semaphore, #tpu.memory_space<semaphore_mem>>) src(%dma_wait3A_839 : memref<1024xi32, #tpu.memory_space<hbm>>) dst(%dma_wait3A_837 : memref<1024xi32, #tpu.memory_space<vmem>>)
    %dma_wait3A_840 = arith.constant 43 : i32
    %dma_wait3A_841 = arith.constant 18432 : i32
    %dma_wait3A_842 = tpu.memref_slice %arg7[%dma_wait3A_841] : memref<25600xi32, #tpu.memory_space<vmem>> -> memref<1024xi32, #tpu.memory_space<vmem>>
    %dma_wait3A_843 = tpu.memref_slice %arg2[%dma_wait3A_840, %mul3A_0] : memref<50x16384xi32, #tpu.memory_space<hbm>> -> memref<1x1024xi32, #tpu.memory_space<hbm>>
    %dma_wait3A_844 = tpu.memref_squeeze %dma_wait3A_843 : memref<1x1024xi32, #tpu.memory_space<hbm>> -> memref<1024xi32, #tpu.memory_space<hbm>>
    %dma_wait3A_845 = arith.constant 18432 : i32
    %dma_wait3A_846 = tpu.memref_slice %arg7[%dma_wait3A_845] : memref<25600xi32, #tpu.memory_space<vmem>> -> memref<1024xi32, #tpu.memory_space<vmem>>
    %dma_wait3A_847 = tpu.memref_slice %arg2[%dma_wait3A_840, %mul3A_0] : memref<50x16384xi32, #tpu.memory_space<hbm>> -> memref<1x1024xi32, #tpu.memory_space<hbm>>
    %dma_wait3A_848 = tpu.memref_squeeze %dma_wait3A_847 : memref<1x1024xi32, #tpu.memory_space<hbm>> -> memref<1024xi32, #tpu.memory_space<hbm>>
    tpu.wait_dma2 semaphore(%arg19 : memref<!tpu.dma_semaphore, #tpu.memory_space<semaphore_mem>>) src(%dma_wait3A_848 : memref<1024xi32, #tpu.memory_space<hbm>>) dst(%dma_wait3A_846 : memref<1024xi32, #tpu.memory_space<vmem>>)
    %dma_wait3A_849 = arith.constant 44 : i32
    %dma_wait3A_850 = arith.constant 19456 : i32
    %dma_wait3A_851 = tpu.memref_slice %arg7[%dma_wait3A_850] : memref<25600xi32, #tpu.memory_space<vmem>> -> memref<1024xi32, #tpu.memory_space<vmem>>
    %dma_wait3A_852 = tpu.memref_slice %arg2[%dma_wait3A_849, %mul3A_0] : memref<50x16384xi32, #tpu.memory_space<hbm>> -> memref<1x1024xi32, #tpu.memory_space<hbm>>
    %dma_wait3A_853 = tpu.memref_squeeze %dma_wait3A_852 : memref<1x1024xi32, #tpu.memory_space<hbm>> -> memref<1024xi32, #tpu.memory_space<hbm>>
    %dma_wait3A_854 = arith.constant 19456 : i32
    %dma_wait3A_855 = tpu.memref_slice %arg7[%dma_wait3A_854] : memref<25600xi32, #tpu.memory_space<vmem>> -> memref<1024xi32, #tpu.memory_space<vmem>>
    %dma_wait3A_856 = tpu.memref_slice %arg2[%dma_wait3A_849, %mul3A_0] : memref<50x16384xi32, #tpu.memory_space<hbm>> -> memref<1x1024xi32, #tpu.memory_space<hbm>>
    %dma_wait3A_857 = tpu.memref_squeeze %dma_wait3A_856 : memref<1x1024xi32, #tpu.memory_space<hbm>> -> memref<1024xi32, #tpu.memory_space<hbm>>
    tpu.wait_dma2 semaphore(%arg19 : memref<!tpu.dma_semaphore, #tpu.memory_space<semaphore_mem>>) src(%dma_wait3A_857 : memref<1024xi32, #tpu.memory_space<hbm>>) dst(%dma_wait3A_855 : memref<1024xi32, #tpu.memory_space<vmem>>)
    %dma_wait3A_858 = arith.constant 45 : i32
    %dma_wait3A_859 = arith.constant 20480 : i32
    %dma_wait3A_860 = tpu.memref_slice %arg7[%dma_wait3A_859] : memref<25600xi32, #tpu.memory_space<vmem>> -> memref<1024xi32, #tpu.memory_space<vmem>>
    %dma_wait3A_861 = tpu.memref_slice %arg2[%dma_wait3A_858, %mul3A_0] : memref<50x16384xi32, #tpu.memory_space<hbm>> -> memref<1x1024xi32, #tpu.memory_space<hbm>>
    %dma_wait3A_862 = tpu.memref_squeeze %dma_wait3A_861 : memref<1x1024xi32, #tpu.memory_space<hbm>> -> memref<1024xi32, #tpu.memory_space<hbm>>
    %dma_wait3A_863 = arith.constant 20480 : i32
    %dma_wait3A_864 = tpu.memref_slice %arg7[%dma_wait3A_863] : memref<25600xi32, #tpu.memory_space<vmem>> -> memref<1024xi32, #tpu.memory_space<vmem>>
    %dma_wait3A_865 = tpu.memref_slice %arg2[%dma_wait3A_858, %mul3A_0] : memref<50x16384xi32, #tpu.memory_space<hbm>> -> memref<1x1024xi32, #tpu.memory_space<hbm>>
    %dma_wait3A_866 = tpu.memref_squeeze %dma_wait3A_865 : memref<1x1024xi32, #tpu.memory_space<hbm>> -> memref<1024xi32, #tpu.memory_space<hbm>>
    tpu.wait_dma2 semaphore(%arg19 : memref<!tpu.dma_semaphore, #tpu.memory_space<semaphore_mem>>) src(%dma_wait3A_866 : memref<1024xi32, #tpu.memory_space<hbm>>) dst(%dma_wait3A_864 : memref<1024xi32, #tpu.memory_space<vmem>>)
    %dma_wait3A_867 = arith.constant 46 : i32
    %dma_wait3A_868 = arith.constant 21504 : i32
    %dma_wait3A_869 = tpu.memref_slice %arg7[%dma_wait3A_868] : memref<25600xi32, #tpu.memory_space<vmem>> -> memref<1024xi32, #tpu.memory_space<vmem>>
    %dma_wait3A_870 = tpu.memref_slice %arg2[%dma_wait3A_867, %mul3A_0] : memref<50x16384xi32, #tpu.memory_space<hbm>> -> memref<1x1024xi32, #tpu.memory_space<hbm>>
    %dma_wait3A_871 = tpu.memref_squeeze %dma_wait3A_870 : memref<1x1024xi32, #tpu.memory_space<hbm>> -> memref<1024xi32, #tpu.memory_space<hbm>>
    %dma_wait3A_872 = arith.constant 21504 : i32
    %dma_wait3A_873 = tpu.memref_slice %arg7[%dma_wait3A_872] : memref<25600xi32, #tpu.memory_space<vmem>> -> memref<1024xi32, #tpu.memory_space<vmem>>
    %dma_wait3A_874 = tpu.memref_slice %arg2[%dma_wait3A_867, %mul3A_0] : memref<50x16384xi32, #tpu.memory_space<hbm>> -> memref<1x1024xi32, #tpu.memory_space<hbm>>
    %dma_wait3A_875 = tpu.memref_squeeze %dma_wait3A_874 : memref<1x1024xi32, #tpu.memory_space<hbm>> -> memref<1024xi32, #tpu.memory_space<hbm>>
    tpu.wait_dma2 semaphore(%arg19 : memref<!tpu.dma_semaphore, #tpu.memory_space<semaphore_mem>>) src(%dma_wait3A_875 : memref<1024xi32, #tpu.memory_space<hbm>>) dst(%dma_wait3A_873 : memref<1024xi32, #tpu.memory_space<vmem>>)
    %dma_wait3A_876 = arith.constant 47 : i32
    %dma_wait3A_877 = arith.constant 22528 : i32
    %dma_wait3A_878 = tpu.memref_slice %arg7[%dma_wait3A_877] : memref<25600xi32, #tpu.memory_space<vmem>> -> memref<1024xi32, #tpu.memory_space<vmem>>
    %dma_wait3A_879 = tpu.memref_slice %arg2[%dma_wait3A_876, %mul3A_0] : memref<50x16384xi32, #tpu.memory_space<hbm>> -> memref<1x1024xi32, #tpu.memory_space<hbm>>
    %dma_wait3A_880 = tpu.memref_squeeze %dma_wait3A_879 : memref<1x1024xi32, #tpu.memory_space<hbm>> -> memref<1024xi32, #tpu.memory_space<hbm>>
    %dma_wait3A_881 = arith.constant 22528 : i32
    %dma_wait3A_882 = tpu.memref_slice %arg7[%dma_wait3A_881] : memref<25600xi32, #tpu.memory_space<vmem>> -> memref<1024xi32, #tpu.memory_space<vmem>>
    %dma_wait3A_883 = tpu.memref_slice %arg2[%dma_wait3A_876, %mul3A_0] : memref<50x16384xi32, #tpu.memory_space<hbm>> -> memref<1x1024xi32, #tpu.memory_space<hbm>>
    %dma_wait3A_884 = tpu.memref_squeeze %dma_wait3A_883 : memref<1x1024xi32, #tpu.memory_space<hbm>> -> memref<1024xi32, #tpu.memory_space<hbm>>
    tpu.wait_dma2 semaphore(%arg19 : memref<!tpu.dma_semaphore, #tpu.memory_space<semaphore_mem>>) src(%dma_wait3A_884 : memref<1024xi32, #tpu.memory_space<hbm>>) dst(%dma_wait3A_882 : memref<1024xi32, #tpu.memory_space<vmem>>)
    %dma_wait3A_885 = arith.constant 48 : i32
    %dma_wait3A_886 = arith.constant 23552 : i32
    %dma_wait3A_887 = tpu.memref_slice %arg7[%dma_wait3A_886] : memref<25600xi32, #tpu.memory_space<vmem>> -> memref<1024xi32, #tpu.memory_space<vmem>>
    %dma_wait3A_888 = tpu.memref_slice %arg2[%dma_wait3A_885, %mul3A_0] : memref<50x16384xi32, #tpu.memory_space<hbm>> -> memref<1x1024xi32, #tpu.memory_space<hbm>>
    %dma_wait3A_889 = tpu.memref_squeeze %dma_wait3A_888 : memref<1x1024xi32, #tpu.memory_space<hbm>> -> memref<1024xi32, #tpu.memory_space<hbm>>
    %dma_wait3A_890 = arith.constant 23552 : i32
    %dma_wait3A_891 = tpu.memref_slice %arg7[%dma_wait3A_890] : memref<25600xi32, #tpu.memory_space<vmem>> -> memref<1024xi32, #tpu.memory_space<vmem>>
    %dma_wait3A_892 = tpu.memref_slice %arg2[%dma_wait3A_885, %mul3A_0] : memref<50x16384xi32, #tpu.memory_space<hbm>> -> memref<1x1024xi32, #tpu.memory_space<hbm>>
    %dma_wait3A_893 = tpu.memref_squeeze %dma_wait3A_892 : memref<1x1024xi32, #tpu.memory_space<hbm>> -> memref<1024xi32, #tpu.memory_space<hbm>>
    tpu.wait_dma2 semaphore(%arg19 : memref<!tpu.dma_semaphore, #tpu.memory_space<semaphore_mem>>) src(%dma_wait3A_893 : memref<1024xi32, #tpu.memory_space<hbm>>) dst(%dma_wait3A_891 : memref<1024xi32, #tpu.memory_space<vmem>>)
    %dma_wait3A_894 = arith.constant 49 : i32
    %dma_wait3A_895 = arith.constant 24576 : i32
    %dma_wait3A_896 = tpu.memref_slice %arg7[%dma_wait3A_895] : memref<25600xi32, #tpu.memory_space<vmem>> -> memref<1024xi32, #tpu.memory_space<vmem>>
    %dma_wait3A_897 = tpu.memref_slice %arg2[%dma_wait3A_894, %mul3A_0] : memref<50x16384xi32, #tpu.memory_space<hbm>> -> memref<1x1024xi32, #tpu.memory_space<hbm>>
    %dma_wait3A_898 = tpu.memref_squeeze %dma_wait3A_897 : memref<1x1024xi32, #tpu.memory_space<hbm>> -> memref<1024xi32, #tpu.memory_space<hbm>>
    %dma_wait3A_899 = arith.constant 24576 : i32
    %dma_wait3A_900 = tpu.memref_slice %arg7[%dma_wait3A_899] : memref<25600xi32, #tpu.memory_space<vmem>> -> memref<1024xi32, #tpu.memory_space<vmem>>
    %dma_wait3A_901 = tpu.memref_slice %arg2[%dma_wait3A_894, %mul3A_0] : memref<50x16384xi32, #tpu.memory_space<hbm>> -> memref<1x1024xi32, #tpu.memory_space<hbm>>
    %dma_wait3A_902 = tpu.memref_squeeze %dma_wait3A_901 : memref<1x1024xi32, #tpu.memory_space<hbm>> -> memref<1024xi32, #tpu.memory_space<hbm>>
    tpu.wait_dma2 semaphore(%arg19 : memref<!tpu.dma_semaphore, #tpu.memory_space<semaphore_mem>>) src(%dma_wait3A_902 : memref<1024xi32, #tpu.memory_space<hbm>>) dst(%dma_wait3A_900 : memref<1024xi32, #tpu.memory_space<vmem>>)
    %scan3A = arith.constant 0 : i32
    %scan3A_903 = arith.constant 16 : i32
    %scan3A_904 = arith.addi %scan3A, %scan3A_903 : i32
    %scan3A_905 = arith.constant 1 : i32
    scf.for %scan3A_1044 = %scan3A to %scan3A_904 step %scan3A_905  : i32 {
      %mul3A_1045 = arith.constant 1 : i32
      %mul3A_1046 = arith.muli %scan3A_1044, %mul3A_1045 : i32
      %add3A_1047 = arith.constant 0 : i32
      %add3A_1048 = arith.addi %add3A_1047, %mul3A_1046 : i32
      %add3A_1049 = arith.addi %mul3A_2, %add3A_1048 : i32
      %eq3A_1050 = arith.constant 0 : i32
      %eq3A_1051 = arith.cmpi eq, %arg1, %eq3A_1050 : i32
      %convert_element_type3A_1052 = arith.extui %eq3A_1051 : i1 to i32
      %cond3A_1053 = arith.constant 0 : i32
      %cond3A_1054 = arith.cmpi ne, %convert_element_type3A_1052, %cond3A_1053 : i32
      scf.if %cond3A_1054 {
        %dma_wait3A_1923 = arith.constant 0 : i32
        %dma_wait3A_1924 = tpu.memref_slice %arg11[%dma_wait3A_1923] : memref<1000064xf32, #tpu.memory_space<vmem_shared>> -> memref<999936xf32, #tpu.memory_space<vmem_shared>>
        %dma_wait3A_1925 = arith.constant 0 : i32
        %dma_wait3A_1926 = tpu.memref_slice %arg3[%add3A_1049, %dma_wait3A_1925] : memref<32x1000000xf32, #tpu.memory_space<hbm>> -> memref<1x999936xf32, #tpu.memory_space<hbm>>
        %dma_wait3A_1927 = tpu.memref_squeeze %dma_wait3A_1926 : memref<1x999936xf32, #tpu.memory_space<hbm>> -> memref<999936xf32, #tpu.memory_space<hbm>>
        tpu.wait_dma2 semaphore(%arg12 : memref<!tpu.dma_semaphore, #tpu.memory_space<semaphore_mem>>) src(%dma_wait3A_1927 : memref<999936xf32, #tpu.memory_space<hbm>>) dst(%dma_wait3A_1924 : memref<999936xf32, #tpu.memory_space<vmem_shared>>)
        %dma_wait3A_1928 = arith.constant 999936 : i32
        %dma_wait3A_1929 = tpu.memref_slice %arg11[%dma_wait3A_1928] : memref<1000064xf32, #tpu.memory_space<vmem_shared>> -> memref<128xf32, #tpu.memory_space<vmem_shared>>
        %dma_wait3A_1930 = arith.constant 0 : i32
        %dma_wait3A_1931 = tpu.memref_slice %arg4[%add3A_1049, %dma_wait3A_1930] : memref<32x128xf32, #tpu.memory_space<hbm>> -> memref<1x128xf32, #tpu.memory_space<hbm>>
        %dma_wait3A_1932 = tpu.memref_squeeze %dma_wait3A_1931 : memref<1x128xf32, #tpu.memory_space<hbm>> -> memref<128xf32, #tpu.memory_space<hbm>>
        tpu.wait_dma2 semaphore(%arg12 : memref<!tpu.dma_semaphore, #tpu.memory_space<semaphore_mem>>) src(%dma_wait3A_1932 : memref<128xf32, #tpu.memory_space<hbm>>) dst(%dma_wait3A_1929 : memref<128xf32, #tpu.memory_space<vmem_shared>>)
      } else {
      }
      %barrier3A = arith.constant 0 : index
      tpu.barrier barrier_id(%barrier3A)
      %gt3A = arith.constant 0 : i32
      %gt3A_1055 = arith.cmpi sgt, %add3A_1048, %gt3A : i32
      %convert_element_type3A_1056 = arith.extui %gt3A_1055 : i1 to i32
      %cond3A_1057 = arith.constant 0 : i32
      %cond3A_1058 = arith.cmpi ne, %convert_element_type3A_1056, %cond3A_1057 : i32
      scf.if %cond3A_1058 {
        %dma_wait3A_1923 = arith.constant 0 : i32
        %dma_wait3A_1924 = arith.constant 0 : i32
        %dma_wait3A_1925 = tpu.memref_slice %arg8[%dma_wait3A_1924] : memref<5120xf32, #tpu.memory_space<vmem>> -> memref<1024xf32, #tpu.memory_space<vmem>>
        %dma_wait3A_1926 = tpu.memref_slice %arg5[%dma_wait3A_1923, %add3A_1049, %mul3A_0] : memref<50x32x16384xf32, #tpu.memory_space<hbm>> -> memref<1x1x1024xf32, #tpu.memory_space<hbm>>
        %dma_wait3A_1927 = tpu.memref_squeeze %dma_wait3A_1926 : memref<1x1x1024xf32, #tpu.memory_space<hbm>> -> memref<1024xf32, #tpu.memory_space<hbm>>
        %dma_wait3A_1928 = tpu.memref_slice %arg5[%dma_wait3A_1923, %add3A_1049, %mul3A_0] : memref<50x32x16384xf32, #tpu.memory_space<hbm>> -> memref<1x1x1024xf32, #tpu.memory_space<hbm>>
        %dma_wait3A_1929 = tpu.memref_squeeze %dma_wait3A_1928 : memref<1x1x1024xf32, #tpu.memory_space<hbm>> -> memref<1024xf32, #tpu.memory_space<hbm>>
        %dma_wait3A_1930 = arith.constant 0 : i32
        %dma_wait3A_1931 = tpu.memref_slice %arg8[%dma_wait3A_1930] : memref<5120xf32, #tpu.memory_space<vmem>> -> memref<1024xf32, #tpu.memory_space<vmem>>
        tpu.wait_dma2 semaphore(%arg16 : memref<!tpu.dma_semaphore, #tpu.memory_space<semaphore_mem>>) src(%dma_wait3A_1931 : memref<1024xf32, #tpu.memory_space<vmem>>) dst(%dma_wait3A_1929 : memref<1024xf32, #tpu.memory_space<hbm>>)
        %dma_wait3A_1932 = arith.constant 1 : i32
        %dma_wait3A_1933 = arith.constant 1024 : i32
        %dma_wait3A_1934 = tpu.memref_slice %arg8[%dma_wait3A_1933] : memref<5120xf32, #tpu.memory_space<vmem>> -> memref<1024xf32, #tpu.memory_space<vmem>>
        %dma_wait3A_1935 = tpu.memref_slice %arg5[%dma_wait3A_1932, %add3A_1049, %mul3A_0] : memref<50x32x16384xf32, #tpu.memory_space<hbm>> -> memref<1x1x1024xf32, #tpu.memory_space<hbm>>
        %dma_wait3A_1936 = tpu.memref_squeeze %dma_wait3A_1935 : memref<1x1x1024xf32, #tpu.memory_space<hbm>> -> memref<1024xf32, #tpu.memory_space<hbm>>
        %dma_wait3A_1937 = tpu.memref_slice %arg5[%dma_wait3A_1932, %add3A_1049, %mul3A_0] : memref<50x32x16384xf32, #tpu.memory_space<hbm>> -> memref<1x1x1024xf32, #tpu.memory_space<hbm>>
        %dma_wait3A_1938 = tpu.memref_squeeze %dma_wait3A_1937 : memref<1x1x1024xf32, #tpu.memory_space<hbm>> -> memref<1024xf32, #tpu.memory_space<hbm>>
        %dma_wait3A_1939 = arith.constant 1024 : i32
        %dma_wait3A_1940 = tpu.memref_slice %arg8[%dma_wait3A_1939] : memref<5120xf32, #tpu.memory_space<vmem>> -> memref<1024xf32, #tpu.memory_space<vmem>>
        tpu.wait_dma2 semaphore(%arg16 : memref<!tpu.dma_semaphore, #tpu.memory_space<semaphore_mem>>) src(%dma_wait3A_1940 : memref<1024xf32, #tpu.memory_space<vmem>>) dst(%dma_wait3A_1938 : memref<1024xf32, #tpu.memory_space<hbm>>)
        %dma_wait3A_1941 = arith.constant 2 : i32
        %dma_wait3A_1942 = arith.constant 2048 : i32
        %dma_wait3A_1943 = tpu.memref_slice %arg8[%dma_wait3A_1942] : memref<5120xf32, #tpu.memory_space<vmem>> -> memref<1024xf32, #tpu.memory_space<vmem>>
        %dma_wait3A_1944 = tpu.memref_slice %arg5[%dma_wait3A_1941, %add3A_1049, %mul3A_0] : memref<50x32x16384xf32, #tpu.memory_space<hbm>> -> memref<1x1x1024xf32, #tpu.memory_space<hbm>>
        %dma_wait3A_1945 = tpu.memref_squeeze %dma_wait3A_1944 : memref<1x1x1024xf32, #tpu.memory_space<hbm>> -> memref<1024xf32, #tpu.memory_space<hbm>>
        %dma_wait3A_1946 = tpu.memref_slice %arg5[%dma_wait3A_1941, %add3A_1049, %mul3A_0] : memref<50x32x16384xf32, #tpu.memory_space<hbm>> -> memref<1x1x1024xf32, #tpu.memory_space<hbm>>
        %dma_wait3A_1947 = tpu.memref_squeeze %dma_wait3A_1946 : memref<1x1x1024xf32, #tpu.memory_space<hbm>> -> memref<1024xf32, #tpu.memory_space<hbm>>
        %dma_wait3A_1948 = arith.constant 2048 : i32
        %dma_wait3A_1949 = tpu.memref_slice %arg8[%dma_wait3A_1948] : memref<5120xf32, #tpu.memory_space<vmem>> -> memref<1024xf32, #tpu.memory_space<vmem>>
        tpu.wait_dma2 semaphore(%arg16 : memref<!tpu.dma_semaphore, #tpu.memory_space<semaphore_mem>>) src(%dma_wait3A_1949 : memref<1024xf32, #tpu.memory_space<vmem>>) dst(%dma_wait3A_1947 : memref<1024xf32, #tpu.memory_space<hbm>>)
        %dma_wait3A_1950 = arith.constant 3 : i32
        %dma_wait3A_1951 = arith.constant 3072 : i32
        %dma_wait3A_1952 = tpu.memref_slice %arg8[%dma_wait3A_1951] : memref<5120xf32, #tpu.memory_space<vmem>> -> memref<1024xf32, #tpu.memory_space<vmem>>
        %dma_wait3A_1953 = tpu.memref_slice %arg5[%dma_wait3A_1950, %add3A_1049, %mul3A_0] : memref<50x32x16384xf32, #tpu.memory_space<hbm>> -> memref<1x1x1024xf32, #tpu.memory_space<hbm>>
        %dma_wait3A_1954 = tpu.memref_squeeze %dma_wait3A_1953 : memref<1x1x1024xf32, #tpu.memory_space<hbm>> -> memref<1024xf32, #tpu.memory_space<hbm>>
        %dma_wait3A_1955 = tpu.memref_slice %arg5[%dma_wait3A_1950, %add3A_1049, %mul3A_0] : memref<50x32x16384xf32, #tpu.memory_space<hbm>> -> memref<1x1x1024xf32, #tpu.memory_space<hbm>>
        %dma_wait3A_1956 = tpu.memref_squeeze %dma_wait3A_1955 : memref<1x1x1024xf32, #tpu.memory_space<hbm>> -> memref<1024xf32, #tpu.memory_space<hbm>>
        %dma_wait3A_1957 = arith.constant 3072 : i32
        %dma_wait3A_1958 = tpu.memref_slice %arg8[%dma_wait3A_1957] : memref<5120xf32, #tpu.memory_space<vmem>> -> memref<1024xf32, #tpu.memory_space<vmem>>
        tpu.wait_dma2 semaphore(%arg16 : memref<!tpu.dma_semaphore, #tpu.memory_space<semaphore_mem>>) src(%dma_wait3A_1958 : memref<1024xf32, #tpu.memory_space<vmem>>) dst(%dma_wait3A_1956 : memref<1024xf32, #tpu.memory_space<hbm>>)
        %dma_wait3A_1959 = arith.constant 4 : i32
        %dma_wait3A_1960 = arith.constant 4096 : i32
        %dma_wait3A_1961 = tpu.memref_slice %arg8[%dma_wait3A_1960] : memref<5120xf32, #tpu.memory_space<vmem>> -> memref<1024xf32, #tpu.memory_space<vmem>>
        %dma_wait3A_1962 = tpu.memref_slice %arg5[%dma_wait3A_1959, %add3A_1049, %mul3A_0] : memref<50x32x16384xf32, #tpu.memory_space<hbm>> -> memref<1x1x1024xf32, #tpu.memory_space<hbm>>
        %dma_wait3A_1963 = tpu.memref_squeeze %dma_wait3A_1962 : memref<1x1x1024xf32, #tpu.memory_space<hbm>> -> memref<1024xf32, #tpu.memory_space<hbm>>
        %dma_wait3A_1964 = tpu.memref_slice %arg5[%dma_wait3A_1959, %add3A_1049, %mul3A_0] : memref<50x32x16384xf32, #tpu.memory_space<hbm>> -> memref<1x1x1024xf32, #tpu.memory_space<hbm>>
        %dma_wait3A_1965 = tpu.memref_squeeze %dma_wait3A_1964 : memref<1x1x1024xf32, #tpu.memory_space<hbm>> -> memref<1024xf32, #tpu.memory_space<hbm>>
        %dma_wait3A_1966 = arith.constant 4096 : i32
        %dma_wait3A_1967 = tpu.memref_slice %arg8[%dma_wait3A_1966] : memref<5120xf32, #tpu.memory_space<vmem>> -> memref<1024xf32, #tpu.memory_space<vmem>>
        tpu.wait_dma2 semaphore(%arg16 : memref<!tpu.dma_semaphore, #tpu.memory_space<semaphore_mem>>) src(%dma_wait3A_1967 : memref<1024xf32, #tpu.memory_space<vmem>>) dst(%dma_wait3A_1965 : memref<1024xf32, #tpu.memory_space<hbm>>)
      } else {
      }
      %dma_start3A_1059 = arith.constant 0 : i32
      %dma_start3A_1060 = tpu.memref_slice %arg6[%dma_start3A_1059] : memref<25600xi32, #tpu.memory_space<vmem>> -> memref<5120xi32, #tpu.memory_space<vmem>>
      %dma_start3A_1061 = arith.constant 0 : i32
      %dma_start3A_1062 = tpu.memref_slice %arg11[%dma_start3A_1061] : memref<1000064xf32, #tpu.memory_space<vmem_shared>> -> memref<1000064xf32, #tpu.memory_space<vmem_shared>>
      tpu.enqueue_indirect_dma source(%dma_start3A_1062 : memref<1000064xf32, #tpu.memory_space<vmem_shared>>) target(%arg8 : memref<5120xf32, #tpu.memory_space<vmem>>) offsets(%dma_start3A_1060 : memref<5120xi32, #tpu.memory_space<vmem>>) semaphore(%arg13 : memref<!tpu.dma_semaphore, #tpu.memory_space<semaphore_mem>>)
      %gt3A_1063 = arith.constant 0 : i32
      %gt3A_1064 = arith.cmpi sgt, %add3A_1048, %gt3A_1063 : i32
      %convert_element_type3A_1065 = arith.extui %gt3A_1064 : i1 to i32
      %cond3A_1066 = arith.constant 0 : i32
      %cond3A_1067 = arith.cmpi ne, %convert_element_type3A_1065, %cond3A_1066 : i32
      scf.if %cond3A_1067 {
        %dma_wait3A_1923 = arith.constant 5 : i32
        %dma_wait3A_1924 = arith.constant 0 : i32
        %dma_wait3A_1925 = tpu.memref_slice %arg9[%dma_wait3A_1924] : memref<5120xf32, #tpu.memory_space<vmem>> -> memref<1024xf32, #tpu.memory_space<vmem>>
        %dma_wait3A_1926 = tpu.memref_slice %arg5[%dma_wait3A_1923, %add3A_1049, %mul3A_0] : memref<50x32x16384xf32, #tpu.memory_space<hbm>> -> memref<1x1x1024xf32, #tpu.memory_space<hbm>>
        %dma_wait3A_1927 = tpu.memref_squeeze %dma_wait3A_1926 : memref<1x1x1024xf32, #tpu.memory_space<hbm>> -> memref<1024xf32, #tpu.memory_space<hbm>>
        %dma_wait3A_1928 = tpu.memref_slice %arg5[%dma_wait3A_1923, %add3A_1049, %mul3A_0] : memref<50x32x16384xf32, #tpu.memory_space<hbm>> -> memref<1x1x1024xf32, #tpu.memory_space<hbm>>
        %dma_wait3A_1929 = tpu.memref_squeeze %dma_wait3A_1928 : memref<1x1x1024xf32, #tpu.memory_space<hbm>> -> memref<1024xf32, #tpu.memory_space<hbm>>
        %dma_wait3A_1930 = arith.constant 0 : i32
        %dma_wait3A_1931 = tpu.memref_slice %arg9[%dma_wait3A_1930] : memref<5120xf32, #tpu.memory_space<vmem>> -> memref<1024xf32, #tpu.memory_space<vmem>>
        tpu.wait_dma2 semaphore(%arg17 : memref<!tpu.dma_semaphore, #tpu.memory_space<semaphore_mem>>) src(%dma_wait3A_1931 : memref<1024xf32, #tpu.memory_space<vmem>>) dst(%dma_wait3A_1929 : memref<1024xf32, #tpu.memory_space<hbm>>)
        %dma_wait3A_1932 = arith.constant 6 : i32
        %dma_wait3A_1933 = arith.constant 1024 : i32
        %dma_wait3A_1934 = tpu.memref_slice %arg9[%dma_wait3A_1933] : memref<5120xf32, #tpu.memory_space<vmem>> -> memref<1024xf32, #tpu.memory_space<vmem>>
        %dma_wait3A_1935 = tpu.memref_slice %arg5[%dma_wait3A_1932, %add3A_1049, %mul3A_0] : memref<50x32x16384xf32, #tpu.memory_space<hbm>> -> memref<1x1x1024xf32, #tpu.memory_space<hbm>>
        %dma_wait3A_1936 = tpu.memref_squeeze %dma_wait3A_1935 : memref<1x1x1024xf32, #tpu.memory_space<hbm>> -> memref<1024xf32, #tpu.memory_space<hbm>>
        %dma_wait3A_1937 = tpu.memref_slice %arg5[%dma_wait3A_1932, %add3A_1049, %mul3A_0] : memref<50x32x16384xf32, #tpu.memory_space<hbm>> -> memref<1x1x1024xf32, #tpu.memory_space<hbm>>
        %dma_wait3A_1938 = tpu.memref_squeeze %dma_wait3A_1937 : memref<1x1x1024xf32, #tpu.memory_space<hbm>> -> memref<1024xf32, #tpu.memory_space<hbm>>
        %dma_wait3A_1939 = arith.constant 1024 : i32
        %dma_wait3A_1940 = tpu.memref_slice %arg9[%dma_wait3A_1939] : memref<5120xf32, #tpu.memory_space<vmem>> -> memref<1024xf32, #tpu.memory_space<vmem>>
        tpu.wait_dma2 semaphore(%arg17 : memref<!tpu.dma_semaphore, #tpu.memory_space<semaphore_mem>>) src(%dma_wait3A_1940 : memref<1024xf32, #tpu.memory_space<vmem>>) dst(%dma_wait3A_1938 : memref<1024xf32, #tpu.memory_space<hbm>>)
        %dma_wait3A_1941 = arith.constant 7 : i32
        %dma_wait3A_1942 = arith.constant 2048 : i32
        %dma_wait3A_1943 = tpu.memref_slice %arg9[%dma_wait3A_1942] : memref<5120xf32, #tpu.memory_space<vmem>> -> memref<1024xf32, #tpu.memory_space<vmem>>
        %dma_wait3A_1944 = tpu.memref_slice %arg5[%dma_wait3A_1941, %add3A_1049, %mul3A_0] : memref<50x32x16384xf32, #tpu.memory_space<hbm>> -> memref<1x1x1024xf32, #tpu.memory_space<hbm>>
        %dma_wait3A_1945 = tpu.memref_squeeze %dma_wait3A_1944 : memref<1x1x1024xf32, #tpu.memory_space<hbm>> -> memref<1024xf32, #tpu.memory_space<hbm>>
        %dma_wait3A_1946 = tpu.memref_slice %arg5[%dma_wait3A_1941, %add3A_1049, %mul3A_0] : memref<50x32x16384xf32, #tpu.memory_space<hbm>> -> memref<1x1x1024xf32, #tpu.memory_space<hbm>>
        %dma_wait3A_1947 = tpu.memref_squeeze %dma_wait3A_1946 : memref<1x1x1024xf32, #tpu.memory_space<hbm>> -> memref<1024xf32, #tpu.memory_space<hbm>>
        %dma_wait3A_1948 = arith.constant 2048 : i32
        %dma_wait3A_1949 = tpu.memref_slice %arg9[%dma_wait3A_1948] : memref<5120xf32, #tpu.memory_space<vmem>> -> memref<1024xf32, #tpu.memory_space<vmem>>
        tpu.wait_dma2 semaphore(%arg17 : memref<!tpu.dma_semaphore, #tpu.memory_space<semaphore_mem>>) src(%dma_wait3A_1949 : memref<1024xf32, #tpu.memory_space<vmem>>) dst(%dma_wait3A_1947 : memref<1024xf32, #tpu.memory_space<hbm>>)
        %dma_wait3A_1950 = arith.constant 8 : i32
        %dma_wait3A_1951 = arith.constant 3072 : i32
        %dma_wait3A_1952 = tpu.memref_slice %arg9[%dma_wait3A_1951] : memref<5120xf32, #tpu.memory_space<vmem>> -> memref<1024xf32, #tpu.memory_space<vmem>>
        %dma_wait3A_1953 = tpu.memref_slice %arg5[%dma_wait3A_1950, %add3A_1049, %mul3A_0] : memref<50x32x16384xf32, #tpu.memory_space<hbm>> -> memref<1x1x1024xf32, #tpu.memory_space<hbm>>
        %dma_wait3A_1954 = tpu.memref_squeeze %dma_wait3A_1953 : memref<1x1x1024xf32, #tpu.memory_space<hbm>> -> memref<1024xf32, #tpu.memory_space<hbm>>
        %dma_wait3A_1955 = tpu.memref_slice %arg5[%dma_wait3A_1950, %add3A_1049, %mul3A_0] : memref<50x32x16384xf32, #tpu.memory_space<hbm>> -> memref<1x1x1024xf32, #tpu.memory_space<hbm>>
        %dma_wait3A_1956 = tpu.memref_squeeze %dma_wait3A_1955 : memref<1x1x1024xf32, #tpu.memory_space<hbm>> -> memref<1024xf32, #tpu.memory_space<hbm>>
        %dma_wait3A_1957 = arith.constant 3072 : i32
        %dma_wait3A_1958 = tpu.memref_slice %arg9[%dma_wait3A_1957] : memref<5120xf32, #tpu.memory_space<vmem>> -> memref<1024xf32, #tpu.memory_space<vmem>>
        tpu.wait_dma2 semaphore(%arg17 : memref<!tpu.dma_semaphore, #tpu.memory_space<semaphore_mem>>) src(%dma_wait3A_1958 : memref<1024xf32, #tpu.memory_space<vmem>>) dst(%dma_wait3A_1956 : memref<1024xf32, #tpu.memory_space<hbm>>)
        %dma_wait3A_1959 = arith.constant 9 : i32
        %dma_wait3A_1960 = arith.constant 4096 : i32
        %dma_wait3A_1961 = tpu.memref_slice %arg9[%dma_wait3A_1960] : memref<5120xf32, #tpu.memory_space<vmem>> -> memref<1024xf32, #tpu.memory_space<vmem>>
        %dma_wait3A_1962 = tpu.memref_slice %arg5[%dma_wait3A_1959, %add3A_1049, %mul3A_0] : memref<50x32x16384xf32, #tpu.memory_space<hbm>> -> memref<1x1x1024xf32, #tpu.memory_space<hbm>>
        %dma_wait3A_1963 = tpu.memref_squeeze %dma_wait3A_1962 : memref<1x1x1024xf32, #tpu.memory_space<hbm>> -> memref<1024xf32, #tpu.memory_space<hbm>>
        %dma_wait3A_1964 = tpu.memref_slice %arg5[%dma_wait3A_1959, %add3A_1049, %mul3A_0] : memref<50x32x16384xf32, #tpu.memory_space<hbm>> -> memref<1x1x1024xf32, #tpu.memory_space<hbm>>
        %dma_wait3A_1965 = tpu.memref_squeeze %dma_wait3A_1964 : memref<1x1x1024xf32, #tpu.memory_space<hbm>> -> memref<1024xf32, #tpu.memory_space<hbm>>
        %dma_wait3A_1966 = arith.constant 4096 : i32
        %dma_wait3A_1967 = tpu.memref_slice %arg9[%dma_wait3A_1966] : memref<5120xf32, #tpu.memory_space<vmem>> -> memref<1024xf32, #tpu.memory_space<vmem>>
        tpu.wait_dma2 semaphore(%arg17 : memref<!tpu.dma_semaphore, #tpu.memory_space<semaphore_mem>>) src(%dma_wait3A_1967 : memref<1024xf32, #tpu.memory_space<vmem>>) dst(%dma_wait3A_1965 : memref<1024xf32, #tpu.memory_space<hbm>>)
      } else {
      }
      %dma_start3A_1068 = arith.constant 5120 : i32
      %dma_start3A_1069 = tpu.memref_slice %arg6[%dma_start3A_1068] : memref<25600xi32, #tpu.memory_space<vmem>> -> memref<5120xi32, #tpu.memory_space<vmem>>
      %dma_start3A_1070 = arith.constant 0 : i32
      %dma_start3A_1071 = tpu.memref_slice %arg11[%dma_start3A_1070] : memref<1000064xf32, #tpu.memory_space<vmem_shared>> -> memref<1000064xf32, #tpu.memory_space<vmem_shared>>
      tpu.enqueue_indirect_dma source(%dma_start3A_1071 : memref<1000064xf32, #tpu.memory_space<vmem_shared>>) target(%arg9 : memref<5120xf32, #tpu.memory_space<vmem>>) offsets(%dma_start3A_1069 : memref<5120xi32, #tpu.memory_space<vmem>>) semaphore(%arg14 : memref<!tpu.dma_semaphore, #tpu.memory_space<semaphore_mem>>)
      %dma_wait3A_1072 = arith.constant 0 : i32
      %dma_wait3A_1073 = tpu.memref_slice %arg6[%dma_wait3A_1072] : memref<25600xi32, #tpu.memory_space<vmem>> -> memref<5120xi32, #tpu.memory_space<vmem>>
      %dma_wait3A_1074 = arith.constant 0 : i32
      %dma_wait3A_1075 = tpu.memref_slice %arg11[%dma_wait3A_1074] : memref<1000064xf32, #tpu.memory_space<vmem_shared>> -> memref<1000064xf32, #tpu.memory_space<vmem_shared>>
      tpu.wait_indirect_dma semaphore(%arg13 : memref<!tpu.dma_semaphore, #tpu.memory_space<semaphore_mem>>) src(%dma_wait3A_1075 : memref<1000064xf32, #tpu.memory_space<vmem_shared>>) dst(%arg8 : memref<5120xf32, #tpu.memory_space<vmem>>)
      %dma_start3A_1076 = arith.constant 0 : i32
      %dma_start3A_1077 = arith.constant 0 : i32
      %dma_start3A_1078 = tpu.memref_slice %arg8[%dma_start3A_1077] : memref<5120xf32, #tpu.memory_space<vmem>> -> memref<1024xf32, #tpu.memory_space<vmem>>
      %dma_start3A_1079 = tpu.memref_slice %arg5[%dma_start3A_1076, %add3A_1049, %mul3A_0] : memref<50x32x16384xf32, #tpu.memory_space<hbm>> -> memref<1x1x1024xf32, #tpu.memory_space<hbm>>
      %dma_start3A_1080 = tpu.memref_squeeze %dma_start3A_1079 : memref<1x1x1024xf32, #tpu.memory_space<hbm>> -> memref<1024xf32, #tpu.memory_space<hbm>>
      %dma_start3A_1081 = tpu.memref_slice %arg5[%dma_start3A_1076, %add3A_1049, %mul3A_0] : memref<50x32x16384xf32, #tpu.memory_space<hbm>> -> memref<1x1x1024xf32, #tpu.memory_space<hbm>>
      %dma_start3A_1082 = tpu.memref_squeeze %dma_start3A_1081 : memref<1x1x1024xf32, #tpu.memory_space<hbm>> -> memref<1024xf32, #tpu.memory_space<hbm>>
      %dma_start3A_1083 = arith.constant 0 : i32
      %dma_start3A_1084 = tpu.memref_slice %arg8[%dma_start3A_1083] : memref<5120xf32, #tpu.memory_space<vmem>> -> memref<1024xf32, #tpu.memory_space<vmem>>
      tpu.enqueue_dma source(%dma_start3A_1084 : memref<1024xf32, #tpu.memory_space<vmem>>) target(%dma_start3A_1082 : memref<1024xf32, #tpu.memory_space<hbm>>) target_semaphore(%arg16 : memref<!tpu.dma_semaphore, #tpu.memory_space<semaphore_mem>>)
      %dma_start3A_1085 = arith.constant 1 : i32
      %dma_start3A_1086 = arith.constant 1024 : i32
      %dma_start3A_1087 = tpu.memref_slice %arg8[%dma_start3A_1086] : memref<5120xf32, #tpu.memory_space<vmem>> -> memref<1024xf32, #tpu.memory_space<vmem>>
      %dma_start3A_1088 = tpu.memref_slice %arg5[%dma_start3A_1085, %add3A_1049, %mul3A_0] : memref<50x32x16384xf32, #tpu.memory_space<hbm>> -> memref<1x1x1024xf32, #tpu.memory_space<hbm>>
      %dma_start3A_1089 = tpu.memref_squeeze %dma_start3A_1088 : memref<1x1x1024xf32, #tpu.memory_space<hbm>> -> memref<1024xf32, #tpu.memory_space<hbm>>
      %dma_start3A_1090 = tpu.memref_slice %arg5[%dma_start3A_1085, %add3A_1049, %mul3A_0] : memref<50x32x16384xf32, #tpu.memory_space<hbm>> -> memref<1x1x1024xf32, #tpu.memory_space<hbm>>
      %dma_start3A_1091 = tpu.memref_squeeze %dma_start3A_1090 : memref<1x1x1024xf32, #tpu.memory_space<hbm>> -> memref<1024xf32, #tpu.memory_space<hbm>>
      %dma_start3A_1092 = arith.constant 1024 : i32
      %dma_start3A_1093 = tpu.memref_slice %arg8[%dma_start3A_1092] : memref<5120xf32, #tpu.memory_space<vmem>> -> memref<1024xf32, #tpu.memory_space<vmem>>
      tpu.enqueue_dma source(%dma_start3A_1093 : memref<1024xf32, #tpu.memory_space<vmem>>) target(%dma_start3A_1091 : memref<1024xf32, #tpu.memory_space<hbm>>) target_semaphore(%arg16 : memref<!tpu.dma_semaphore, #tpu.memory_space<semaphore_mem>>)
      %dma_start3A_1094 = arith.constant 2 : i32
      %dma_start3A_1095 = arith.constant 2048 : i32
      %dma_start3A_1096 = tpu.memref_slice %arg8[%dma_start3A_1095] : memref<5120xf32, #tpu.memory_space<vmem>> -> memref<1024xf32, #tpu.memory_space<vmem>>
      %dma_start3A_1097 = tpu.memref_slice %arg5[%dma_start3A_1094, %add3A_1049, %mul3A_0] : memref<50x32x16384xf32, #tpu.memory_space<hbm>> -> memref<1x1x1024xf32, #tpu.memory_space<hbm>>
      %dma_start3A_1098 = tpu.memref_squeeze %dma_start3A_1097 : memref<1x1x1024xf32, #tpu.memory_space<hbm>> -> memref<1024xf32, #tpu.memory_space<hbm>>
      %dma_start3A_1099 = tpu.memref_slice %arg5[%dma_start3A_1094, %add3A_1049, %mul3A_0] : memref<50x32x16384xf32, #tpu.memory_space<hbm>> -> memref<1x1x1024xf32, #tpu.memory_space<hbm>>
      %dma_start3A_1100 = tpu.memref_squeeze %dma_start3A_1099 : memref<1x1x1024xf32, #tpu.memory_space<hbm>> -> memref<1024xf32, #tpu.memory_space<hbm>>
      %dma_start3A_1101 = arith.constant 2048 : i32
      %dma_start3A_1102 = tpu.memref_slice %arg8[%dma_start3A_1101] : memref<5120xf32, #tpu.memory_space<vmem>> -> memref<1024xf32, #tpu.memory_space<vmem>>
      tpu.enqueue_dma source(%dma_start3A_1102 : memref<1024xf32, #tpu.memory_space<vmem>>) target(%dma_start3A_1100 : memref<1024xf32, #tpu.memory_space<hbm>>) target_semaphore(%arg16 : memref<!tpu.dma_semaphore, #tpu.memory_space<semaphore_mem>>)
      %dma_start3A_1103 = arith.constant 3 : i32
      %dma_start3A_1104 = arith.constant 3072 : i32
      %dma_start3A_1105 = tpu.memref_slice %arg8[%dma_start3A_1104] : memref<5120xf32, #tpu.memory_space<vmem>> -> memref<1024xf32, #tpu.memory_space<vmem>>
      %dma_start3A_1106 = tpu.memref_slice %arg5[%dma_start3A_1103, %add3A_1049, %mul3A_0] : memref<50x32x16384xf32, #tpu.memory_space<hbm>> -> memref<1x1x1024xf32, #tpu.memory_space<hbm>>
      %dma_start3A_1107 = tpu.memref_squeeze %dma_start3A_1106 : memref<1x1x1024xf32, #tpu.memory_space<hbm>> -> memref<1024xf32, #tpu.memory_space<hbm>>
      %dma_start3A_1108 = tpu.memref_slice %arg5[%dma_start3A_1103, %add3A_1049, %mul3A_0] : memref<50x32x16384xf32, #tpu.memory_space<hbm>> -> memref<1x1x1024xf32, #tpu.memory_space<hbm>>
      %dma_start3A_1109 = tpu.memref_squeeze %dma_start3A_1108 : memref<1x1x1024xf32, #tpu.memory_space<hbm>> -> memref<1024xf32, #tpu.memory_space<hbm>>
      %dma_start3A_1110 = arith.constant 3072 : i32
      %dma_start3A_1111 = tpu.memref_slice %arg8[%dma_start3A_1110] : memref<5120xf32, #tpu.memory_space<vmem>> -> memref<1024xf32, #tpu.memory_space<vmem>>
      tpu.enqueue_dma source(%dma_start3A_1111 : memref<1024xf32, #tpu.memory_space<vmem>>) target(%dma_start3A_1109 : memref<1024xf32, #tpu.memory_space<hbm>>) target_semaphore(%arg16 : memref<!tpu.dma_semaphore, #tpu.memory_space<semaphore_mem>>)
      %dma_start3A_1112 = arith.constant 4 : i32
      %dma_start3A_1113 = arith.constant 4096 : i32
      %dma_start3A_1114 = tpu.memref_slice %arg8[%dma_start3A_1113] : memref<5120xf32, #tpu.memory_space<vmem>> -> memref<1024xf32, #tpu.memory_space<vmem>>
      %dma_start3A_1115 = tpu.memref_slice %arg5[%dma_start3A_1112, %add3A_1049, %mul3A_0] : memref<50x32x16384xf32, #tpu.memory_space<hbm>> -> memref<1x1x1024xf32, #tpu.memory_space<hbm>>
      %dma_start3A_1116 = tpu.memref_squeeze %dma_start3A_1115 : memref<1x1x1024xf32, #tpu.memory_space<hbm>> -> memref<1024xf32, #tpu.memory_space<hbm>>
      %dma_start3A_1117 = tpu.memref_slice %arg5[%dma_start3A_1112, %add3A_1049, %mul3A_0] : memref<50x32x16384xf32, #tpu.memory_space<hbm>> -> memref<1x1x1024xf32, #tpu.memory_space<hbm>>
      %dma_start3A_1118 = tpu.memref_squeeze %dma_start3A_1117 : memref<1x1x1024xf32, #tpu.memory_space<hbm>> -> memref<1024xf32, #tpu.memory_space<hbm>>
      %dma_start3A_1119 = arith.constant 4096 : i32
      %dma_start3A_1120 = tpu.memref_slice %arg8[%dma_start3A_1119] : memref<5120xf32, #tpu.memory_space<vmem>> -> memref<1024xf32, #tpu.memory_space<vmem>>
      tpu.enqueue_dma source(%dma_start3A_1120 : memref<1024xf32, #tpu.memory_space<vmem>>) target(%dma_start3A_1118 : memref<1024xf32, #tpu.memory_space<hbm>>) target_semaphore(%arg16 : memref<!tpu.dma_semaphore, #tpu.memory_space<semaphore_mem>>)
      %gt3A_1121 = arith.constant 0 : i32
      %gt3A_1122 = arith.cmpi sgt, %add3A_1048, %gt3A_1121 : i32
      %convert_element_type3A_1123 = arith.extui %gt3A_1122 : i1 to i32
      %cond3A_1124 = arith.constant 0 : i32
      %cond3A_1125 = arith.cmpi ne, %convert_element_type3A_1123, %cond3A_1124 : i32
      scf.if %cond3A_1125 {
        %dma_wait3A_1923 = arith.constant 10 : i32
        %dma_wait3A_1924 = arith.constant 0 : i32
        %dma_wait3A_1925 = tpu.memref_slice %arg10[%dma_wait3A_1924] : memref<5120xf32, #tpu.memory_space<vmem>> -> memref<1024xf32, #tpu.memory_space<vmem>>
        %dma_wait3A_1926 = tpu.memref_slice %arg5[%dma_wait3A_1923, %add3A_1049, %mul3A_0] : memref<50x32x16384xf32, #tpu.memory_space<hbm>> -> memref<1x1x1024xf32, #tpu.memory_space<hbm>>
        %dma_wait3A_1927 = tpu.memref_squeeze %dma_wait3A_1926 : memref<1x1x1024xf32, #tpu.memory_space<hbm>> -> memref<1024xf32, #tpu.memory_space<hbm>>
        %dma_wait3A_1928 = tpu.memref_slice %arg5[%dma_wait3A_1923, %add3A_1049, %mul3A_0] : memref<50x32x16384xf32, #tpu.memory_space<hbm>> -> memref<1x1x1024xf32, #tpu.memory_space<hbm>>
        %dma_wait3A_1929 = tpu.memref_squeeze %dma_wait3A_1928 : memref<1x1x1024xf32, #tpu.memory_space<hbm>> -> memref<1024xf32, #tpu.memory_space<hbm>>
        %dma_wait3A_1930 = arith.constant 0 : i32
        %dma_wait3A_1931 = tpu.memref_slice %arg10[%dma_wait3A_1930] : memref<5120xf32, #tpu.memory_space<vmem>> -> memref<1024xf32, #tpu.memory_space<vmem>>
        tpu.wait_dma2 semaphore(%arg18 : memref<!tpu.dma_semaphore, #tpu.memory_space<semaphore_mem>>) src(%dma_wait3A_1931 : memref<1024xf32, #tpu.memory_space<vmem>>) dst(%dma_wait3A_1929 : memref<1024xf32, #tpu.memory_space<hbm>>)
        %dma_wait3A_1932 = arith.constant 11 : i32
        %dma_wait3A_1933 = arith.constant 1024 : i32
        %dma_wait3A_1934 = tpu.memref_slice %arg10[%dma_wait3A_1933] : memref<5120xf32, #tpu.memory_space<vmem>> -> memref<1024xf32, #tpu.memory_space<vmem>>
        %dma_wait3A_1935 = tpu.memref_slice %arg5[%dma_wait3A_1932, %add3A_1049, %mul3A_0] : memref<50x32x16384xf32, #tpu.memory_space<hbm>> -> memref<1x1x1024xf32, #tpu.memory_space<hbm>>
        %dma_wait3A_1936 = tpu.memref_squeeze %dma_wait3A_1935 : memref<1x1x1024xf32, #tpu.memory_space<hbm>> -> memref<1024xf32, #tpu.memory_space<hbm>>
        %dma_wait3A_1937 = tpu.memref_slice %arg5[%dma_wait3A_1932, %add3A_1049, %mul3A_0] : memref<50x32x16384xf32, #tpu.memory_space<hbm>> -> memref<1x1x1024xf32, #tpu.memory_space<hbm>>
        %dma_wait3A_1938 = tpu.memref_squeeze %dma_wait3A_1937 : memref<1x1x1024xf32, #tpu.memory_space<hbm>> -> memref<1024xf32, #tpu.memory_space<hbm>>
        %dma_wait3A_1939 = arith.constant 1024 : i32
        %dma_wait3A_1940 = tpu.memref_slice %arg10[%dma_wait3A_1939] : memref<5120xf32, #tpu.memory_space<vmem>> -> memref<1024xf32, #tpu.memory_space<vmem>>
        tpu.wait_dma2 semaphore(%arg18 : memref<!tpu.dma_semaphore, #tpu.memory_space<semaphore_mem>>) src(%dma_wait3A_1940 : memref<1024xf32, #tpu.memory_space<vmem>>) dst(%dma_wait3A_1938 : memref<1024xf32, #tpu.memory_space<hbm>>)
        %dma_wait3A_1941 = arith.constant 12 : i32
        %dma_wait3A_1942 = arith.constant 2048 : i32
        %dma_wait3A_1943 = tpu.memref_slice %arg10[%dma_wait3A_1942] : memref<5120xf32, #tpu.memory_space<vmem>> -> memref<1024xf32, #tpu.memory_space<vmem>>
        %dma_wait3A_1944 = tpu.memref_slice %arg5[%dma_wait3A_1941, %add3A_1049, %mul3A_0] : memref<50x32x16384xf32, #tpu.memory_space<hbm>> -> memref<1x1x1024xf32, #tpu.memory_space<hbm>>
        %dma_wait3A_1945 = tpu.memref_squeeze %dma_wait3A_1944 : memref<1x1x1024xf32, #tpu.memory_space<hbm>> -> memref<1024xf32, #tpu.memory_space<hbm>>
        %dma_wait3A_1946 = tpu.memref_slice %arg5[%dma_wait3A_1941, %add3A_1049, %mul3A_0] : memref<50x32x16384xf32, #tpu.memory_space<hbm>> -> memref<1x1x1024xf32, #tpu.memory_space<hbm>>
        %dma_wait3A_1947 = tpu.memref_squeeze %dma_wait3A_1946 : memref<1x1x1024xf32, #tpu.memory_space<hbm>> -> memref<1024xf32, #tpu.memory_space<hbm>>
        %dma_wait3A_1948 = arith.constant 2048 : i32
        %dma_wait3A_1949 = tpu.memref_slice %arg10[%dma_wait3A_1948] : memref<5120xf32, #tpu.memory_space<vmem>> -> memref<1024xf32, #tpu.memory_space<vmem>>
        tpu.wait_dma2 semaphore(%arg18 : memref<!tpu.dma_semaphore, #tpu.memory_space<semaphore_mem>>) src(%dma_wait3A_1949 : memref<1024xf32, #tpu.memory_space<vmem>>) dst(%dma_wait3A_1947 : memref<1024xf32, #tpu.memory_space<hbm>>)
        %dma_wait3A_1950 = arith.constant 13 : i32
        %dma_wait3A_1951 = arith.constant 3072 : i32
        %dma_wait3A_1952 = tpu.memref_slice %arg10[%dma_wait3A_1951] : memref<5120xf32, #tpu.memory_space<vmem>> -> memref<1024xf32, #tpu.memory_space<vmem>>
        %dma_wait3A_1953 = tpu.memref_slice %arg5[%dma_wait3A_1950, %add3A_1049, %mul3A_0] : memref<50x32x16384xf32, #tpu.memory_space<hbm>> -> memref<1x1x1024xf32, #tpu.memory_space<hbm>>
        %dma_wait3A_1954 = tpu.memref_squeeze %dma_wait3A_1953 : memref<1x1x1024xf32, #tpu.memory_space<hbm>> -> memref<1024xf32, #tpu.memory_space<hbm>>
        %dma_wait3A_1955 = tpu.memref_slice %arg5[%dma_wait3A_1950, %add3A_1049, %mul3A_0] : memref<50x32x16384xf32, #tpu.memory_space<hbm>> -> memref<1x1x1024xf32, #tpu.memory_space<hbm>>
        %dma_wait3A_1956 = tpu.memref_squeeze %dma_wait3A_1955 : memref<1x1x1024xf32, #tpu.memory_space<hbm>> -> memref<1024xf32, #tpu.memory_space<hbm>>
        %dma_wait3A_1957 = arith.constant 3072 : i32
        %dma_wait3A_1958 = tpu.memref_slice %arg10[%dma_wait3A_1957] : memref<5120xf32, #tpu.memory_space<vmem>> -> memref<1024xf32, #tpu.memory_space<vmem>>
        tpu.wait_dma2 semaphore(%arg18 : memref<!tpu.dma_semaphore, #tpu.memory_space<semaphore_mem>>) src(%dma_wait3A_1958 : memref<1024xf32, #tpu.memory_space<vmem>>) dst(%dma_wait3A_1956 : memref<1024xf32, #tpu.memory_space<hbm>>)
        %dma_wait3A_1959 = arith.constant 14 : i32
        %dma_wait3A_1960 = arith.constant 4096 : i32
        %dma_wait3A_1961 = tpu.memref_slice %arg10[%dma_wait3A_1960] : memref<5120xf32, #tpu.memory_space<vmem>> -> memref<1024xf32, #tpu.memory_space<vmem>>
        %dma_wait3A_1962 = tpu.memref_slice %arg5[%dma_wait3A_1959, %add3A_1049, %mul3A_0] : memref<50x32x16384xf32, #tpu.memory_space<hbm>> -> memref<1x1x1024xf32, #tpu.memory_space<hbm>>
        %dma_wait3A_1963 = tpu.memref_squeeze %dma_wait3A_1962 : memref<1x1x1024xf32, #tpu.memory_space<hbm>> -> memref<1024xf32, #tpu.memory_space<hbm>>
        %dma_wait3A_1964 = tpu.memref_slice %arg5[%dma_wait3A_1959, %add3A_1049, %mul3A_0] : memref<50x32x16384xf32, #tpu.memory_space<hbm>> -> memref<1x1x1024xf32, #tpu.memory_space<hbm>>
        %dma_wait3A_1965 = tpu.memref_squeeze %dma_wait3A_1964 : memref<1x1x1024xf32, #tpu.memory_space<hbm>> -> memref<1024xf32, #tpu.memory_space<hbm>>
        %dma_wait3A_1966 = arith.constant 4096 : i32
        %dma_wait3A_1967 = tpu.memref_slice %arg10[%dma_wait3A_1966] : memref<5120xf32, #tpu.memory_space<vmem>> -> memref<1024xf32, #tpu.memory_space<vmem>>
        tpu.wait_dma2 semaphore(%arg18 : memref<!tpu.dma_semaphore, #tpu.memory_space<semaphore_mem>>) src(%dma_wait3A_1967 : memref<1024xf32, #tpu.memory_space<vmem>>) dst(%dma_wait3A_1965 : memref<1024xf32, #tpu.memory_space<hbm>>)
      } else {
      }
      %dma_start3A_1126 = arith.constant 10240 : i32
      %dma_start3A_1127 = tpu.memref_slice %arg6[%dma_start3A_1126] : memref<25600xi32, #tpu.memory_space<vmem>> -> memref<5120xi32, #tpu.memory_space<vmem>>
      %dma_start3A_1128 = arith.constant 0 : i32
      %dma_start3A_1129 = tpu.memref_slice %arg11[%dma_start3A_1128] : memref<1000064xf32, #tpu.memory_space<vmem_shared>> -> memref<1000064xf32, #tpu.memory_space<vmem_shared>>
      tpu.enqueue_indirect_dma source(%dma_start3A_1129 : memref<1000064xf32, #tpu.memory_space<vmem_shared>>) target(%arg10 : memref<5120xf32, #tpu.memory_space<vmem>>) offsets(%dma_start3A_1127 : memref<5120xi32, #tpu.memory_space<vmem>>) semaphore(%arg15 : memref<!tpu.dma_semaphore, #tpu.memory_space<semaphore_mem>>)
      %dma_wait3A_1130 = arith.constant 5120 : i32
      %dma_wait3A_1131 = tpu.memref_slice %arg6[%dma_wait3A_1130] : memref<25600xi32, #tpu.memory_space<vmem>> -> memref<5120xi32, #tpu.memory_space<vmem>>
      %dma_wait3A_1132 = arith.constant 0 : i32
      %dma_wait3A_1133 = tpu.memref_slice %arg11[%dma_wait3A_1132] : memref<1000064xf32, #tpu.memory_space<vmem_shared>> -> memref<1000064xf32, #tpu.memory_space<vmem_shared>>
      tpu.wait_indirect_dma semaphore(%arg14 : memref<!tpu.dma_semaphore, #tpu.memory_space<semaphore_mem>>) src(%dma_wait3A_1133 : memref<1000064xf32, #tpu.memory_space<vmem_shared>>) dst(%arg9 : memref<5120xf32, #tpu.memory_space<vmem>>)
      %dma_start3A_1134 = arith.constant 5 : i32
      %dma_start3A_1135 = arith.constant 0 : i32
      %dma_start3A_1136 = tpu.memref_slice %arg9[%dma_start3A_1135] : memref<5120xf32, #tpu.memory_space<vmem>> -> memref<1024xf32, #tpu.memory_space<vmem>>
      %dma_start3A_1137 = tpu.memref_slice %arg5[%dma_start3A_1134, %add3A_1049, %mul3A_0] : memref<50x32x16384xf32, #tpu.memory_space<hbm>> -> memref<1x1x1024xf32, #tpu.memory_space<hbm>>
      %dma_start3A_1138 = tpu.memref_squeeze %dma_start3A_1137 : memref<1x1x1024xf32, #tpu.memory_space<hbm>> -> memref<1024xf32, #tpu.memory_space<hbm>>
      %dma_start3A_1139 = tpu.memref_slice %arg5[%dma_start3A_1134, %add3A_1049, %mul3A_0] : memref<50x32x16384xf32, #tpu.memory_space<hbm>> -> memref<1x1x1024xf32, #tpu.memory_space<hbm>>
      %dma_start3A_1140 = tpu.memref_squeeze %dma_start3A_1139 : memref<1x1x1024xf32, #tpu.memory_space<hbm>> -> memref<1024xf32, #tpu.memory_space<hbm>>
      %dma_start3A_1141 = arith.constant 0 : i32
      %dma_start3A_1142 = tpu.memref_slice %arg9[%dma_start3A_1141] : memref<5120xf32, #tpu.memory_space<vmem>> -> memref<1024xf32, #tpu.memory_space<vmem>>
      tpu.enqueue_dma source(%dma_start3A_1142 : memref<1024xf32, #tpu.memory_space<vmem>>) target(%dma_start3A_1140 : memref<1024xf32, #tpu.memory_space<hbm>>) target_semaphore(%arg17 : memref<!tpu.dma_semaphore, #tpu.memory_space<semaphore_mem>>)
      %dma_start3A_1143 = arith.constant 6 : i32
      %dma_start3A_1144 = arith.constant 1024 : i32
      %dma_start3A_1145 = tpu.memref_slice %arg9[%dma_start3A_1144] : memref<5120xf32, #tpu.memory_space<vmem>> -> memref<1024xf32, #tpu.memory_space<vmem>>
      %dma_start3A_1146 = tpu.memref_slice %arg5[%dma_start3A_1143, %add3A_1049, %mul3A_0] : memref<50x32x16384xf32, #tpu.memory_space<hbm>> -> memref<1x1x1024xf32, #tpu.memory_space<hbm>>
      %dma_start3A_1147 = tpu.memref_squeeze %dma_start3A_1146 : memref<1x1x1024xf32, #tpu.memory_space<hbm>> -> memref<1024xf32, #tpu.memory_space<hbm>>
      %dma_start3A_1148 = tpu.memref_slice %arg5[%dma_start3A_1143, %add3A_1049, %mul3A_0] : memref<50x32x16384xf32, #tpu.memory_space<hbm>> -> memref<1x1x1024xf32, #tpu.memory_space<hbm>>
      %dma_start3A_1149 = tpu.memref_squeeze %dma_start3A_1148 : memref<1x1x1024xf32, #tpu.memory_space<hbm>> -> memref<1024xf32, #tpu.memory_space<hbm>>
      %dma_start3A_1150 = arith.constant 1024 : i32
      %dma_start3A_1151 = tpu.memref_slice %arg9[%dma_start3A_1150] : memref<5120xf32, #tpu.memory_space<vmem>> -> memref<1024xf32, #tpu.memory_space<vmem>>
      tpu.enqueue_dma source(%dma_start3A_1151 : memref<1024xf32, #tpu.memory_space<vmem>>) target(%dma_start3A_1149 : memref<1024xf32, #tpu.memory_space<hbm>>) target_semaphore(%arg17 : memref<!tpu.dma_semaphore, #tpu.memory_space<semaphore_mem>>)
      %dma_start3A_1152 = arith.constant 7 : i32
      %dma_start3A_1153 = arith.constant 2048 : i32
      %dma_start3A_1154 = tpu.memref_slice %arg9[%dma_start3A_1153] : memref<5120xf32, #tpu.memory_space<vmem>> -> memref<1024xf32, #tpu.memory_space<vmem>>
      %dma_start3A_1155 = tpu.memref_slice %arg5[%dma_start3A_1152, %add3A_1049, %mul3A_0] : memref<50x32x16384xf32, #tpu.memory_space<hbm>> -> memref<1x1x1024xf32, #tpu.memory_space<hbm>>
      %dma_start3A_1156 = tpu.memref_squeeze %dma_start3A_1155 : memref<1x1x1024xf32, #tpu.memory_space<hbm>> -> memref<1024xf32, #tpu.memory_space<hbm>>
      %dma_start3A_1157 = tpu.memref_slice %arg5[%dma_start3A_1152, %add3A_1049, %mul3A_0] : memref<50x32x16384xf32, #tpu.memory_space<hbm>> -> memref<1x1x1024xf32, #tpu.memory_space<hbm>>
      %dma_start3A_1158 = tpu.memref_squeeze %dma_start3A_1157 : memref<1x1x1024xf32, #tpu.memory_space<hbm>> -> memref<1024xf32, #tpu.memory_space<hbm>>
      %dma_start3A_1159 = arith.constant 2048 : i32
      %dma_start3A_1160 = tpu.memref_slice %arg9[%dma_start3A_1159] : memref<5120xf32, #tpu.memory_space<vmem>> -> memref<1024xf32, #tpu.memory_space<vmem>>
      tpu.enqueue_dma source(%dma_start3A_1160 : memref<1024xf32, #tpu.memory_space<vmem>>) target(%dma_start3A_1158 : memref<1024xf32, #tpu.memory_space<hbm>>) target_semaphore(%arg17 : memref<!tpu.dma_semaphore, #tpu.memory_space<semaphore_mem>>)
      %dma_start3A_1161 = arith.constant 8 : i32
      %dma_start3A_1162 = arith.constant 3072 : i32
      %dma_start3A_1163 = tpu.memref_slice %arg9[%dma_start3A_1162] : memref<5120xf32, #tpu.memory_space<vmem>> -> memref<1024xf32, #tpu.memory_space<vmem>>
      %dma_start3A_1164 = tpu.memref_slice %arg5[%dma_start3A_1161, %add3A_1049, %mul3A_0] : memref<50x32x16384xf32, #tpu.memory_space<hbm>> -> memref<1x1x1024xf32, #tpu.memory_space<hbm>>
      %dma_start3A_1165 = tpu.memref_squeeze %dma_start3A_1164 : memref<1x1x1024xf32, #tpu.memory_space<hbm>> -> memref<1024xf32, #tpu.memory_space<hbm>>
      %dma_start3A_1166 = tpu.memref_slice %arg5[%dma_start3A_1161, %add3A_1049, %mul3A_0] : memref<50x32x16384xf32, #tpu.memory_space<hbm>> -> memref<1x1x1024xf32, #tpu.memory_space<hbm>>
      %dma_start3A_1167 = tpu.memref_squeeze %dma_start3A_1166 : memref<1x1x1024xf32, #tpu.memory_space<hbm>> -> memref<1024xf32, #tpu.memory_space<hbm>>
      %dma_start3A_1168 = arith.constant 3072 : i32
      %dma_start3A_1169 = tpu.memref_slice %arg9[%dma_start3A_1168] : memref<5120xf32, #tpu.memory_space<vmem>> -> memref<1024xf32, #tpu.memory_space<vmem>>
      tpu.enqueue_dma source(%dma_start3A_1169 : memref<1024xf32, #tpu.memory_space<vmem>>) target(%dma_start3A_1167 : memref<1024xf32, #tpu.memory_space<hbm>>) target_semaphore(%arg17 : memref<!tpu.dma_semaphore, #tpu.memory_space<semaphore_mem>>)
      %dma_start3A_1170 = arith.constant 9 : i32
      %dma_start3A_1171 = arith.constant 4096 : i32
      %dma_start3A_1172 = tpu.memref_slice %arg9[%dma_start3A_1171] : memref<5120xf32, #tpu.memory_space<vmem>> -> memref<1024xf32, #tpu.memory_space<vmem>>
      %dma_start3A_1173 = tpu.memref_slice %arg5[%dma_start3A_1170, %add3A_1049, %mul3A_0] : memref<50x32x16384xf32, #tpu.memory_space<hbm>> -> memref<1x1x1024xf32, #tpu.memory_space<hbm>>
      %dma_start3A_1174 = tpu.memref_squeeze %dma_start3A_1173 : memref<1x1x1024xf32, #tpu.memory_space<hbm>> -> memref<1024xf32, #tpu.memory_space<hbm>>
      %dma_start3A_1175 = tpu.memref_slice %arg5[%dma_start3A_1170, %add3A_1049, %mul3A_0] : memref<50x32x16384xf32, #tpu.memory_space<hbm>> -> memref<1x1x1024xf32, #tpu.memory_space<hbm>>
      %dma_start3A_1176 = tpu.memref_squeeze %dma_start3A_1175 : memref<1x1x1024xf32, #tpu.memory_space<hbm>> -> memref<1024xf32, #tpu.memory_space<hbm>>
      %dma_start3A_1177 = arith.constant 4096 : i32
      %dma_start3A_1178 = tpu.memref_slice %arg9[%dma_start3A_1177] : memref<5120xf32, #tpu.memory_space<vmem>> -> memref<1024xf32, #tpu.memory_space<vmem>>
      tpu.enqueue_dma source(%dma_start3A_1178 : memref<1024xf32, #tpu.memory_space<vmem>>) target(%dma_start3A_1176 : memref<1024xf32, #tpu.memory_space<hbm>>) target_semaphore(%arg17 : memref<!tpu.dma_semaphore, #tpu.memory_space<semaphore_mem>>)
      %dma_wait3A_1179 = arith.constant 15 : i32
      %dma_wait3A_1180 = arith.constant 0 : i32
      %dma_wait3A_1181 = tpu.memref_slice %arg8[%dma_wait3A_1180] : memref<5120xf32, #tpu.memory_space<vmem>> -> memref<1024xf32, #tpu.memory_space<vmem>>
      %dma_wait3A_1182 = tpu.memref_slice %arg5[%dma_wait3A_1179, %add3A_1049, %mul3A_0] : memref<50x32x16384xf32, #tpu.memory_space<hbm>> -> memref<1x1x1024xf32, #tpu.memory_space<hbm>>
      %dma_wait3A_1183 = tpu.memref_squeeze %dma_wait3A_1182 : memref<1x1x1024xf32, #tpu.memory_space<hbm>> -> memref<1024xf32, #tpu.memory_space<hbm>>
      %dma_wait3A_1184 = tpu.memref_slice %arg5[%dma_wait3A_1179, %add3A_1049, %mul3A_0] : memref<50x32x16384xf32, #tpu.memory_space<hbm>> -> memref<1x1x1024xf32, #tpu.memory_space<hbm>>
      %dma_wait3A_1185 = tpu.memref_squeeze %dma_wait3A_1184 : memref<1x1x1024xf32, #tpu.memory_space<hbm>> -> memref<1024xf32, #tpu.memory_space<hbm>>
      %dma_wait3A_1186 = arith.constant 0 : i32
      %dma_wait3A_1187 = tpu.memref_slice %arg8[%dma_wait3A_1186] : memref<5120xf32, #tpu.memory_space<vmem>> -> memref<1024xf32, #tpu.memory_space<vmem>>
      tpu.wait_dma2 semaphore(%arg16 : memref<!tpu.dma_semaphore, #tpu.memory_space<semaphore_mem>>) src(%dma_wait3A_1187 : memref<1024xf32, #tpu.memory_space<vmem>>) dst(%dma_wait3A_1185 : memref<1024xf32, #tpu.memory_space<hbm>>)
      %dma_wait3A_1188 = arith.constant 16 : i32
      %dma_wait3A_1189 = arith.constant 1024 : i32
      %dma_wait3A_1190 = tpu.memref_slice %arg8[%dma_wait3A_1189] : memref<5120xf32, #tpu.memory_space<vmem>> -> memref<1024xf32, #tpu.memory_space<vmem>>
      %dma_wait3A_1191 = tpu.memref_slice %arg5[%dma_wait3A_1188, %add3A_1049, %mul3A_0] : memref<50x32x16384xf32, #tpu.memory_space<hbm>> -> memref<1x1x1024xf32, #tpu.memory_space<hbm>>
      %dma_wait3A_1192 = tpu.memref_squeeze %dma_wait3A_1191 : memref<1x1x1024xf32, #tpu.memory_space<hbm>> -> memref<1024xf32, #tpu.memory_space<hbm>>
      %dma_wait3A_1193 = tpu.memref_slice %arg5[%dma_wait3A_1188, %add3A_1049, %mul3A_0] : memref<50x32x16384xf32, #tpu.memory_space<hbm>> -> memref<1x1x1024xf32, #tpu.memory_space<hbm>>
      %dma_wait3A_1194 = tpu.memref_squeeze %dma_wait3A_1193 : memref<1x1x1024xf32, #tpu.memory_space<hbm>> -> memref<1024xf32, #tpu.memory_space<hbm>>
      %dma_wait3A_1195 = arith.constant 1024 : i32
      %dma_wait3A_1196 = tpu.memref_slice %arg8[%dma_wait3A_1195] : memref<5120xf32, #tpu.memory_space<vmem>> -> memref<1024xf32, #tpu.memory_space<vmem>>
      tpu.wait_dma2 semaphore(%arg16 : memref<!tpu.dma_semaphore, #tpu.memory_space<semaphore_mem>>) src(%dma_wait3A_1196 : memref<1024xf32, #tpu.memory_space<vmem>>) dst(%dma_wait3A_1194 : memref<1024xf32, #tpu.memory_space<hbm>>)
      %dma_wait3A_1197 = arith.constant 17 : i32
      %dma_wait3A_1198 = arith.constant 2048 : i32
      %dma_wait3A_1199 = tpu.memref_slice %arg8[%dma_wait3A_1198] : memref<5120xf32, #tpu.memory_space<vmem>> -> memref<1024xf32, #tpu.memory_space<vmem>>
      %dma_wait3A_1200 = tpu.memref_slice %arg5[%dma_wait3A_1197, %add3A_1049, %mul3A_0] : memref<50x32x16384xf32, #tpu.memory_space<hbm>> -> memref<1x1x1024xf32, #tpu.memory_space<hbm>>
      %dma_wait3A_1201 = tpu.memref_squeeze %dma_wait3A_1200 : memref<1x1x1024xf32, #tpu.memory_space<hbm>> -> memref<1024xf32, #tpu.memory_space<hbm>>
      %dma_wait3A_1202 = tpu.memref_slice %arg5[%dma_wait3A_1197, %add3A_1049, %mul3A_0] : memref<50x32x16384xf32, #tpu.memory_space<hbm>> -> memref<1x1x1024xf32, #tpu.memory_space<hbm>>
      %dma_wait3A_1203 = tpu.memref_squeeze %dma_wait3A_1202 : memref<1x1x1024xf32, #tpu.memory_space<hbm>> -> memref<1024xf32, #tpu.memory_space<hbm>>
      %dma_wait3A_1204 = arith.constant 2048 : i32
      %dma_wait3A_1205 = tpu.memref_slice %arg8[%dma_wait3A_1204] : memref<5120xf32, #tpu.memory_space<vmem>> -> memref<1024xf32, #tpu.memory_space<vmem>>
      tpu.wait_dma2 semaphore(%arg16 : memref<!tpu.dma_semaphore, #tpu.memory_space<semaphore_mem>>) src(%dma_wait3A_1205 : memref<1024xf32, #tpu.memory_space<vmem>>) dst(%dma_wait3A_1203 : memref<1024xf32, #tpu.memory_space<hbm>>)
      %dma_wait3A_1206 = arith.constant 18 : i32
      %dma_wait3A_1207 = arith.constant 3072 : i32
      %dma_wait3A_1208 = tpu.memref_slice %arg8[%dma_wait3A_1207] : memref<5120xf32, #tpu.memory_space<vmem>> -> memref<1024xf32, #tpu.memory_space<vmem>>
      %dma_wait3A_1209 = tpu.memref_slice %arg5[%dma_wait3A_1206, %add3A_1049, %mul3A_0] : memref<50x32x16384xf32, #tpu.memory_space<hbm>> -> memref<1x1x1024xf32, #tpu.memory_space<hbm>>
      %dma_wait3A_1210 = tpu.memref_squeeze %dma_wait3A_1209 : memref<1x1x1024xf32, #tpu.memory_space<hbm>> -> memref<1024xf32, #tpu.memory_space<hbm>>
      %dma_wait3A_1211 = tpu.memref_slice %arg5[%dma_wait3A_1206, %add3A_1049, %mul3A_0] : memref<50x32x16384xf32, #tpu.memory_space<hbm>> -> memref<1x1x1024xf32, #tpu.memory_space<hbm>>
      %dma_wait3A_1212 = tpu.memref_squeeze %dma_wait3A_1211 : memref<1x1x1024xf32, #tpu.memory_space<hbm>> -> memref<1024xf32, #tpu.memory_space<hbm>>
      %dma_wait3A_1213 = arith.constant 3072 : i32
      %dma_wait3A_1214 = tpu.memref_slice %arg8[%dma_wait3A_1213] : memref<5120xf32, #tpu.memory_space<vmem>> -> memref<1024xf32, #tpu.memory_space<vmem>>
      tpu.wait_dma2 semaphore(%arg16 : memref<!tpu.dma_semaphore, #tpu.memory_space<semaphore_mem>>) src(%dma_wait3A_1214 : memref<1024xf32, #tpu.memory_space<vmem>>) dst(%dma_wait3A_1212 : memref<1024xf32, #tpu.memory_space<hbm>>)
      %dma_wait3A_1215 = arith.constant 19 : i32
      %dma_wait3A_1216 = arith.constant 4096 : i32
      %dma_wait3A_1217 = tpu.memref_slice %arg8[%dma_wait3A_1216] : memref<5120xf32, #tpu.memory_space<vmem>> -> memref<1024xf32, #tpu.memory_space<vmem>>
      %dma_wait3A_1218 = tpu.memref_slice %arg5[%dma_wait3A_1215, %add3A_1049, %mul3A_0] : memref<50x32x16384xf32, #tpu.memory_space<hbm>> -> memref<1x1x1024xf32, #tpu.memory_space<hbm>>
      %dma_wait3A_1219 = tpu.memref_squeeze %dma_wait3A_1218 : memref<1x1x1024xf32, #tpu.memory_space<hbm>> -> memref<1024xf32, #tpu.memory_space<hbm>>
      %dma_wait3A_1220 = tpu.memref_slice %arg5[%dma_wait3A_1215, %add3A_1049, %mul3A_0] : memref<50x32x16384xf32, #tpu.memory_space<hbm>> -> memref<1x1x1024xf32, #tpu.memory_space<hbm>>
      %dma_wait3A_1221 = tpu.memref_squeeze %dma_wait3A_1220 : memref<1x1x1024xf32, #tpu.memory_space<hbm>> -> memref<1024xf32, #tpu.memory_space<hbm>>
      %dma_wait3A_1222 = arith.constant 4096 : i32
      %dma_wait3A_1223 = tpu.memref_slice %arg8[%dma_wait3A_1222] : memref<5120xf32, #tpu.memory_space<vmem>> -> memref<1024xf32, #tpu.memory_space<vmem>>
      tpu.wait_dma2 semaphore(%arg16 : memref<!tpu.dma_semaphore, #tpu.memory_space<semaphore_mem>>) src(%dma_wait3A_1223 : memref<1024xf32, #tpu.memory_space<vmem>>) dst(%dma_wait3A_1221 : memref<1024xf32, #tpu.memory_space<hbm>>)
      %dma_start3A_1224 = arith.constant 15360 : i32
      %dma_start3A_1225 = tpu.memref_slice %arg6[%dma_start3A_1224] : memref<25600xi32, #tpu.memory_space<vmem>> -> memref<5120xi32, #tpu.memory_space<vmem>>
      %dma_start3A_1226 = arith.constant 0 : i32
      %dma_start3A_1227 = tpu.memref_slice %arg11[%dma_start3A_1226] : memref<1000064xf32, #tpu.memory_space<vmem_shared>> -> memref<1000064xf32, #tpu.memory_space<vmem_shared>>
      tpu.enqueue_indirect_dma source(%dma_start3A_1227 : memref<1000064xf32, #tpu.memory_space<vmem_shared>>) target(%arg8 : memref<5120xf32, #tpu.memory_space<vmem>>) offsets(%dma_start3A_1225 : memref<5120xi32, #tpu.memory_space<vmem>>) semaphore(%arg13 : memref<!tpu.dma_semaphore, #tpu.memory_space<semaphore_mem>>)
      %dma_wait3A_1228 = arith.constant 10240 : i32
      %dma_wait3A_1229 = tpu.memref_slice %arg6[%dma_wait3A_1228] : memref<25600xi32, #tpu.memory_space<vmem>> -> memref<5120xi32, #tpu.memory_space<vmem>>
      %dma_wait3A_1230 = arith.constant 0 : i32
      %dma_wait3A_1231 = tpu.memref_slice %arg11[%dma_wait3A_1230] : memref<1000064xf32, #tpu.memory_space<vmem_shared>> -> memref<1000064xf32, #tpu.memory_space<vmem_shared>>
      tpu.wait_indirect_dma semaphore(%arg15 : memref<!tpu.dma_semaphore, #tpu.memory_space<semaphore_mem>>) src(%dma_wait3A_1231 : memref<1000064xf32, #tpu.memory_space<vmem_shared>>) dst(%arg10 : memref<5120xf32, #tpu.memory_space<vmem>>)
      %dma_start3A_1232 = arith.constant 10 : i32
      %dma_start3A_1233 = arith.constant 0 : i32
      %dma_start3A_1234 = tpu.memref_slice %arg10[%dma_start3A_1233] : memref<5120xf32, #tpu.memory_space<vmem>> -> memref<1024xf32, #tpu.memory_space<vmem>>
      %dma_start3A_1235 = tpu.memref_slice %arg5[%dma_start3A_1232, %add3A_1049, %mul3A_0] : memref<50x32x16384xf32, #tpu.memory_space<hbm>> -> memref<1x1x1024xf32, #tpu.memory_space<hbm>>
      %dma_start3A_1236 = tpu.memref_squeeze %dma_start3A_1235 : memref<1x1x1024xf32, #tpu.memory_space<hbm>> -> memref<1024xf32, #tpu.memory_space<hbm>>
      %dma_start3A_1237 = tpu.memref_slice %arg5[%dma_start3A_1232, %add3A_1049, %mul3A_0] : memref<50x32x16384xf32, #tpu.memory_space<hbm>> -> memref<1x1x1024xf32, #tpu.memory_space<hbm>>
      %dma_start3A_1238 = tpu.memref_squeeze %dma_start3A_1237 : memref<1x1x1024xf32, #tpu.memory_space<hbm>> -> memref<1024xf32, #tpu.memory_space<hbm>>
      %dma_start3A_1239 = arith.constant 0 : i32
      %dma_start3A_1240 = tpu.memref_slice %arg10[%dma_start3A_1239] : memref<5120xf32, #tpu.memory_space<vmem>> -> memref<1024xf32, #tpu.memory_space<vmem>>
      tpu.enqueue_dma source(%dma_start3A_1240 : memref<1024xf32, #tpu.memory_space<vmem>>) target(%dma_start3A_1238 : memref<1024xf32, #tpu.memory_space<hbm>>) target_semaphore(%arg18 : memref<!tpu.dma_semaphore, #tpu.memory_space<semaphore_mem>>)
      %dma_start3A_1241 = arith.constant 11 : i32
      %dma_start3A_1242 = arith.constant 1024 : i32
      %dma_start3A_1243 = tpu.memref_slice %arg10[%dma_start3A_1242] : memref<5120xf32, #tpu.memory_space<vmem>> -> memref<1024xf32, #tpu.memory_space<vmem>>
      %dma_start3A_1244 = tpu.memref_slice %arg5[%dma_start3A_1241, %add3A_1049, %mul3A_0] : memref<50x32x16384xf32, #tpu.memory_space<hbm>> -> memref<1x1x1024xf32, #tpu.memory_space<hbm>>
      %dma_start3A_1245 = tpu.memref_squeeze %dma_start3A_1244 : memref<1x1x1024xf32, #tpu.memory_space<hbm>> -> memref<1024xf32, #tpu.memory_space<hbm>>
      %dma_start3A_1246 = tpu.memref_slice %arg5[%dma_start3A_1241, %add3A_1049, %mul3A_0] : memref<50x32x16384xf32, #tpu.memory_space<hbm>> -> memref<1x1x1024xf32, #tpu.memory_space<hbm>>
      %dma_start3A_1247 = tpu.memref_squeeze %dma_start3A_1246 : memref<1x1x1024xf32, #tpu.memory_space<hbm>> -> memref<1024xf32, #tpu.memory_space<hbm>>
      %dma_start3A_1248 = arith.constant 1024 : i32
      %dma_start3A_1249 = tpu.memref_slice %arg10[%dma_start3A_1248] : memref<5120xf32, #tpu.memory_space<vmem>> -> memref<1024xf32, #tpu.memory_space<vmem>>
      tpu.enqueue_dma source(%dma_start3A_1249 : memref<1024xf32, #tpu.memory_space<vmem>>) target(%dma_start3A_1247 : memref<1024xf32, #tpu.memory_space<hbm>>) target_semaphore(%arg18 : memref<!tpu.dma_semaphore, #tpu.memory_space<semaphore_mem>>)
      %dma_start3A_1250 = arith.constant 12 : i32
      %dma_start3A_1251 = arith.constant 2048 : i32
      %dma_start3A_1252 = tpu.memref_slice %arg10[%dma_start3A_1251] : memref<5120xf32, #tpu.memory_space<vmem>> -> memref<1024xf32, #tpu.memory_space<vmem>>
      %dma_start3A_1253 = tpu.memref_slice %arg5[%dma_start3A_1250, %add3A_1049, %mul3A_0] : memref<50x32x16384xf32, #tpu.memory_space<hbm>> -> memref<1x1x1024xf32, #tpu.memory_space<hbm>>
      %dma_start3A_1254 = tpu.memref_squeeze %dma_start3A_1253 : memref<1x1x1024xf32, #tpu.memory_space<hbm>> -> memref<1024xf32, #tpu.memory_space<hbm>>
      %dma_start3A_1255 = tpu.memref_slice %arg5[%dma_start3A_1250, %add3A_1049, %mul3A_0] : memref<50x32x16384xf32, #tpu.memory_space<hbm>> -> memref<1x1x1024xf32, #tpu.memory_space<hbm>>
      %dma_start3A_1256 = tpu.memref_squeeze %dma_start3A_1255 : memref<1x1x1024xf32, #tpu.memory_space<hbm>> -> memref<1024xf32, #tpu.memory_space<hbm>>
      %dma_start3A_1257 = arith.constant 2048 : i32
      %dma_start3A_1258 = tpu.memref_slice %arg10[%dma_start3A_1257] : memref<5120xf32, #tpu.memory_space<vmem>> -> memref<1024xf32, #tpu.memory_space<vmem>>
      tpu.enqueue_dma source(%dma_start3A_1258 : memref<1024xf32, #tpu.memory_space<vmem>>) target(%dma_start3A_1256 : memref<1024xf32, #tpu.memory_space<hbm>>) target_semaphore(%arg18 : memref<!tpu.dma_semaphore, #tpu.memory_space<semaphore_mem>>)
      %dma_start3A_1259 = arith.constant 13 : i32
      %dma_start3A_1260 = arith.constant 3072 : i32
      %dma_start3A_1261 = tpu.memref_slice %arg10[%dma_start3A_1260] : memref<5120xf32, #tpu.memory_space<vmem>> -> memref<1024xf32, #tpu.memory_space<vmem>>
      %dma_start3A_1262 = tpu.memref_slice %arg5[%dma_start3A_1259, %add3A_1049, %mul3A_0] : memref<50x32x16384xf32, #tpu.memory_space<hbm>> -> memref<1x1x1024xf32, #tpu.memory_space<hbm>>
      %dma_start3A_1263 = tpu.memref_squeeze %dma_start3A_1262 : memref<1x1x1024xf32, #tpu.memory_space<hbm>> -> memref<1024xf32, #tpu.memory_space<hbm>>
      %dma_start3A_1264 = tpu.memref_slice %arg5[%dma_start3A_1259, %add3A_1049, %mul3A_0] : memref<50x32x16384xf32, #tpu.memory_space<hbm>> -> memref<1x1x1024xf32, #tpu.memory_space<hbm>>
      %dma_start3A_1265 = tpu.memref_squeeze %dma_start3A_1264 : memref<1x1x1024xf32, #tpu.memory_space<hbm>> -> memref<1024xf32, #tpu.memory_space<hbm>>
      %dma_start3A_1266 = arith.constant 3072 : i32
      %dma_start3A_1267 = tpu.memref_slice %arg10[%dma_start3A_1266] : memref<5120xf32, #tpu.memory_space<vmem>> -> memref<1024xf32, #tpu.memory_space<vmem>>
      tpu.enqueue_dma source(%dma_start3A_1267 : memref<1024xf32, #tpu.memory_space<vmem>>) target(%dma_start3A_1265 : memref<1024xf32, #tpu.memory_space<hbm>>) target_semaphore(%arg18 : memref<!tpu.dma_semaphore, #tpu.memory_space<semaphore_mem>>)
      %dma_start3A_1268 = arith.constant 14 : i32
      %dma_start3A_1269 = arith.constant 4096 : i32
      %dma_start3A_1270 = tpu.memref_slice %arg10[%dma_start3A_1269] : memref<5120xf32, #tpu.memory_space<vmem>> -> memref<1024xf32, #tpu.memory_space<vmem>>
      %dma_start3A_1271 = tpu.memref_slice %arg5[%dma_start3A_1268, %add3A_1049, %mul3A_0] : memref<50x32x16384xf32, #tpu.memory_space<hbm>> -> memref<1x1x1024xf32, #tpu.memory_space<hbm>>
      %dma_start3A_1272 = tpu.memref_squeeze %dma_start3A_1271 : memref<1x1x1024xf32, #tpu.memory_space<hbm>> -> memref<1024xf32, #tpu.memory_space<hbm>>
      %dma_start3A_1273 = tpu.memref_slice %arg5[%dma_start3A_1268, %add3A_1049, %mul3A_0] : memref<50x32x16384xf32, #tpu.memory_space<hbm>> -> memref<1x1x1024xf32, #tpu.memory_space<hbm>>
      %dma_start3A_1274 = tpu.memref_squeeze %dma_start3A_1273 : memref<1x1x1024xf32, #tpu.memory_space<hbm>> -> memref<1024xf32, #tpu.memory_space<hbm>>
      %dma_start3A_1275 = arith.constant 4096 : i32
      %dma_start3A_1276 = tpu.memref_slice %arg10[%dma_start3A_1275] : memref<5120xf32, #tpu.memory_space<vmem>> -> memref<1024xf32, #tpu.memory_space<vmem>>
      tpu.enqueue_dma source(%dma_start3A_1276 : memref<1024xf32, #tpu.memory_space<vmem>>) target(%dma_start3A_1274 : memref<1024xf32, #tpu.memory_space<hbm>>) target_semaphore(%arg18 : memref<!tpu.dma_semaphore, #tpu.memory_space<semaphore_mem>>)
      %dma_wait3A_1277 = arith.constant 20 : i32
      %dma_wait3A_1278 = arith.constant 0 : i32
      %dma_wait3A_1279 = tpu.memref_slice %arg9[%dma_wait3A_1278] : memref<5120xf32, #tpu.memory_space<vmem>> -> memref<1024xf32, #tpu.memory_space<vmem>>
      %dma_wait3A_1280 = tpu.memref_slice %arg5[%dma_wait3A_1277, %add3A_1049, %mul3A_0] : memref<50x32x16384xf32, #tpu.memory_space<hbm>> -> memref<1x1x1024xf32, #tpu.memory_space<hbm>>
      %dma_wait3A_1281 = tpu.memref_squeeze %dma_wait3A_1280 : memref<1x1x1024xf32, #tpu.memory_space<hbm>> -> memref<1024xf32, #tpu.memory_space<hbm>>
      %dma_wait3A_1282 = tpu.memref_slice %arg5[%dma_wait3A_1277, %add3A_1049, %mul3A_0] : memref<50x32x16384xf32, #tpu.memory_space<hbm>> -> memref<1x1x1024xf32, #tpu.memory_space<hbm>>
      %dma_wait3A_1283 = tpu.memref_squeeze %dma_wait3A_1282 : memref<1x1x1024xf32, #tpu.memory_space<hbm>> -> memref<1024xf32, #tpu.memory_space<hbm>>
      %dma_wait3A_1284 = arith.constant 0 : i32
      %dma_wait3A_1285 = tpu.memref_slice %arg9[%dma_wait3A_1284] : memref<5120xf32, #tpu.memory_space<vmem>> -> memref<1024xf32, #tpu.memory_space<vmem>>
      tpu.wait_dma2 semaphore(%arg17 : memref<!tpu.dma_semaphore, #tpu.memory_space<semaphore_mem>>) src(%dma_wait3A_1285 : memref<1024xf32, #tpu.memory_space<vmem>>) dst(%dma_wait3A_1283 : memref<1024xf32, #tpu.memory_space<hbm>>)
      %dma_wait3A_1286 = arith.constant 21 : i32
      %dma_wait3A_1287 = arith.constant 1024 : i32
      %dma_wait3A_1288 = tpu.memref_slice %arg9[%dma_wait3A_1287] : memref<5120xf32, #tpu.memory_space<vmem>> -> memref<1024xf32, #tpu.memory_space<vmem>>
      %dma_wait3A_1289 = tpu.memref_slice %arg5[%dma_wait3A_1286, %add3A_1049, %mul3A_0] : memref<50x32x16384xf32, #tpu.memory_space<hbm>> -> memref<1x1x1024xf32, #tpu.memory_space<hbm>>
      %dma_wait3A_1290 = tpu.memref_squeeze %dma_wait3A_1289 : memref<1x1x1024xf32, #tpu.memory_space<hbm>> -> memref<1024xf32, #tpu.memory_space<hbm>>
      %dma_wait3A_1291 = tpu.memref_slice %arg5[%dma_wait3A_1286, %add3A_1049, %mul3A_0] : memref<50x32x16384xf32, #tpu.memory_space<hbm>> -> memref<1x1x1024xf32, #tpu.memory_space<hbm>>
      %dma_wait3A_1292 = tpu.memref_squeeze %dma_wait3A_1291 : memref<1x1x1024xf32, #tpu.memory_space<hbm>> -> memref<1024xf32, #tpu.memory_space<hbm>>
      %dma_wait3A_1293 = arith.constant 1024 : i32
      %dma_wait3A_1294 = tpu.memref_slice %arg9[%dma_wait3A_1293] : memref<5120xf32, #tpu.memory_space<vmem>> -> memref<1024xf32, #tpu.memory_space<vmem>>
      tpu.wait_dma2 semaphore(%arg17 : memref<!tpu.dma_semaphore, #tpu.memory_space<semaphore_mem>>) src(%dma_wait3A_1294 : memref<1024xf32, #tpu.memory_space<vmem>>) dst(%dma_wait3A_1292 : memref<1024xf32, #tpu.memory_space<hbm>>)
      %dma_wait3A_1295 = arith.constant 22 : i32
      %dma_wait3A_1296 = arith.constant 2048 : i32
      %dma_wait3A_1297 = tpu.memref_slice %arg9[%dma_wait3A_1296] : memref<5120xf32, #tpu.memory_space<vmem>> -> memref<1024xf32, #tpu.memory_space<vmem>>
      %dma_wait3A_1298 = tpu.memref_slice %arg5[%dma_wait3A_1295, %add3A_1049, %mul3A_0] : memref<50x32x16384xf32, #tpu.memory_space<hbm>> -> memref<1x1x1024xf32, #tpu.memory_space<hbm>>
      %dma_wait3A_1299 = tpu.memref_squeeze %dma_wait3A_1298 : memref<1x1x1024xf32, #tpu.memory_space<hbm>> -> memref<1024xf32, #tpu.memory_space<hbm>>
      %dma_wait3A_1300 = tpu.memref_slice %arg5[%dma_wait3A_1295, %add3A_1049, %mul3A_0] : memref<50x32x16384xf32, #tpu.memory_space<hbm>> -> memref<1x1x1024xf32, #tpu.memory_space<hbm>>
      %dma_wait3A_1301 = tpu.memref_squeeze %dma_wait3A_1300 : memref<1x1x1024xf32, #tpu.memory_space<hbm>> -> memref<1024xf32, #tpu.memory_space<hbm>>
      %dma_wait3A_1302 = arith.constant 2048 : i32
      %dma_wait3A_1303 = tpu.memref_slice %arg9[%dma_wait3A_1302] : memref<5120xf32, #tpu.memory_space<vmem>> -> memref<1024xf32, #tpu.memory_space<vmem>>
      tpu.wait_dma2 semaphore(%arg17 : memref<!tpu.dma_semaphore, #tpu.memory_space<semaphore_mem>>) src(%dma_wait3A_1303 : memref<1024xf32, #tpu.memory_space<vmem>>) dst(%dma_wait3A_1301 : memref<1024xf32, #tpu.memory_space<hbm>>)
      %dma_wait3A_1304 = arith.constant 23 : i32
      %dma_wait3A_1305 = arith.constant 3072 : i32
      %dma_wait3A_1306 = tpu.memref_slice %arg9[%dma_wait3A_1305] : memref<5120xf32, #tpu.memory_space<vmem>> -> memref<1024xf32, #tpu.memory_space<vmem>>
      %dma_wait3A_1307 = tpu.memref_slice %arg5[%dma_wait3A_1304, %add3A_1049, %mul3A_0] : memref<50x32x16384xf32, #tpu.memory_space<hbm>> -> memref<1x1x1024xf32, #tpu.memory_space<hbm>>
      %dma_wait3A_1308 = tpu.memref_squeeze %dma_wait3A_1307 : memref<1x1x1024xf32, #tpu.memory_space<hbm>> -> memref<1024xf32, #tpu.memory_space<hbm>>
      %dma_wait3A_1309 = tpu.memref_slice %arg5[%dma_wait3A_1304, %add3A_1049, %mul3A_0] : memref<50x32x16384xf32, #tpu.memory_space<hbm>> -> memref<1x1x1024xf32, #tpu.memory_space<hbm>>
      %dma_wait3A_1310 = tpu.memref_squeeze %dma_wait3A_1309 : memref<1x1x1024xf32, #tpu.memory_space<hbm>> -> memref<1024xf32, #tpu.memory_space<hbm>>
      %dma_wait3A_1311 = arith.constant 3072 : i32
      %dma_wait3A_1312 = tpu.memref_slice %arg9[%dma_wait3A_1311] : memref<5120xf32, #tpu.memory_space<vmem>> -> memref<1024xf32, #tpu.memory_space<vmem>>
      tpu.wait_dma2 semaphore(%arg17 : memref<!tpu.dma_semaphore, #tpu.memory_space<semaphore_mem>>) src(%dma_wait3A_1312 : memref<1024xf32, #tpu.memory_space<vmem>>) dst(%dma_wait3A_1310 : memref<1024xf32, #tpu.memory_space<hbm>>)
      %dma_wait3A_1313 = arith.constant 24 : i32
      %dma_wait3A_1314 = arith.constant 4096 : i32
      %dma_wait3A_1315 = tpu.memref_slice %arg9[%dma_wait3A_1314] : memref<5120xf32, #tpu.memory_space<vmem>> -> memref<1024xf32, #tpu.memory_space<vmem>>
      %dma_wait3A_1316 = tpu.memref_slice %arg5[%dma_wait3A_1313, %add3A_1049, %mul3A_0] : memref<50x32x16384xf32, #tpu.memory_space<hbm>> -> memref<1x1x1024xf32, #tpu.memory_space<hbm>>
      %dma_wait3A_1317 = tpu.memref_squeeze %dma_wait3A_1316 : memref<1x1x1024xf32, #tpu.memory_space<hbm>> -> memref<1024xf32, #tpu.memory_space<hbm>>
      %dma_wait3A_1318 = tpu.memref_slice %arg5[%dma_wait3A_1313, %add3A_1049, %mul3A_0] : memref<50x32x16384xf32, #tpu.memory_space<hbm>> -> memref<1x1x1024xf32, #tpu.memory_space<hbm>>
      %dma_wait3A_1319 = tpu.memref_squeeze %dma_wait3A_1318 : memref<1x1x1024xf32, #tpu.memory_space<hbm>> -> memref<1024xf32, #tpu.memory_space<hbm>>
      %dma_wait3A_1320 = arith.constant 4096 : i32
      %dma_wait3A_1321 = tpu.memref_slice %arg9[%dma_wait3A_1320] : memref<5120xf32, #tpu.memory_space<vmem>> -> memref<1024xf32, #tpu.memory_space<vmem>>
      tpu.wait_dma2 semaphore(%arg17 : memref<!tpu.dma_semaphore, #tpu.memory_space<semaphore_mem>>) src(%dma_wait3A_1321 : memref<1024xf32, #tpu.memory_space<vmem>>) dst(%dma_wait3A_1319 : memref<1024xf32, #tpu.memory_space<hbm>>)
      %dma_start3A_1322 = arith.constant 20480 : i32
      %dma_start3A_1323 = tpu.memref_slice %arg6[%dma_start3A_1322] : memref<25600xi32, #tpu.memory_space<vmem>> -> memref<5120xi32, #tpu.memory_space<vmem>>
      %dma_start3A_1324 = arith.constant 0 : i32
      %dma_start3A_1325 = tpu.memref_slice %arg11[%dma_start3A_1324] : memref<1000064xf32, #tpu.memory_space<vmem_shared>> -> memref<1000064xf32, #tpu.memory_space<vmem_shared>>
      tpu.enqueue_indirect_dma source(%dma_start3A_1325 : memref<1000064xf32, #tpu.memory_space<vmem_shared>>) target(%arg9 : memref<5120xf32, #tpu.memory_space<vmem>>) offsets(%dma_start3A_1323 : memref<5120xi32, #tpu.memory_space<vmem>>) semaphore(%arg14 : memref<!tpu.dma_semaphore, #tpu.memory_space<semaphore_mem>>)
      %dma_wait3A_1326 = arith.constant 15360 : i32
      %dma_wait3A_1327 = tpu.memref_slice %arg6[%dma_wait3A_1326] : memref<25600xi32, #tpu.memory_space<vmem>> -> memref<5120xi32, #tpu.memory_space<vmem>>
      %dma_wait3A_1328 = arith.constant 0 : i32
      %dma_wait3A_1329 = tpu.memref_slice %arg11[%dma_wait3A_1328] : memref<1000064xf32, #tpu.memory_space<vmem_shared>> -> memref<1000064xf32, #tpu.memory_space<vmem_shared>>
      tpu.wait_indirect_dma semaphore(%arg13 : memref<!tpu.dma_semaphore, #tpu.memory_space<semaphore_mem>>) src(%dma_wait3A_1329 : memref<1000064xf32, #tpu.memory_space<vmem_shared>>) dst(%arg8 : memref<5120xf32, #tpu.memory_space<vmem>>)
      %dma_start3A_1330 = arith.constant 15 : i32
      %dma_start3A_1331 = arith.constant 0 : i32
      %dma_start3A_1332 = tpu.memref_slice %arg8[%dma_start3A_1331] : memref<5120xf32, #tpu.memory_space<vmem>> -> memref<1024xf32, #tpu.memory_space<vmem>>
      %dma_start3A_1333 = tpu.memref_slice %arg5[%dma_start3A_1330, %add3A_1049, %mul3A_0] : memref<50x32x16384xf32, #tpu.memory_space<hbm>> -> memref<1x1x1024xf32, #tpu.memory_space<hbm>>
      %dma_start3A_1334 = tpu.memref_squeeze %dma_start3A_1333 : memref<1x1x1024xf32, #tpu.memory_space<hbm>> -> memref<1024xf32, #tpu.memory_space<hbm>>
      %dma_start3A_1335 = tpu.memref_slice %arg5[%dma_start3A_1330, %add3A_1049, %mul3A_0] : memref<50x32x16384xf32, #tpu.memory_space<hbm>> -> memref<1x1x1024xf32, #tpu.memory_space<hbm>>
      %dma_start3A_1336 = tpu.memref_squeeze %dma_start3A_1335 : memref<1x1x1024xf32, #tpu.memory_space<hbm>> -> memref<1024xf32, #tpu.memory_space<hbm>>
      %dma_start3A_1337 = arith.constant 0 : i32
      %dma_start3A_1338 = tpu.memref_slice %arg8[%dma_start3A_1337] : memref<5120xf32, #tpu.memory_space<vmem>> -> memref<1024xf32, #tpu.memory_space<vmem>>
      tpu.enqueue_dma source(%dma_start3A_1338 : memref<1024xf32, #tpu.memory_space<vmem>>) target(%dma_start3A_1336 : memref<1024xf32, #tpu.memory_space<hbm>>) target_semaphore(%arg16 : memref<!tpu.dma_semaphore, #tpu.memory_space<semaphore_mem>>)
      %dma_start3A_1339 = arith.constant 16 : i32
      %dma_start3A_1340 = arith.constant 1024 : i32
      %dma_start3A_1341 = tpu.memref_slice %arg8[%dma_start3A_1340] : memref<5120xf32, #tpu.memory_space<vmem>> -> memref<1024xf32, #tpu.memory_space<vmem>>
      %dma_start3A_1342 = tpu.memref_slice %arg5[%dma_start3A_1339, %add3A_1049, %mul3A_0] : memref<50x32x16384xf32, #tpu.memory_space<hbm>> -> memref<1x1x1024xf32, #tpu.memory_space<hbm>>
      %dma_start3A_1343 = tpu.memref_squeeze %dma_start3A_1342 : memref<1x1x1024xf32, #tpu.memory_space<hbm>> -> memref<1024xf32, #tpu.memory_space<hbm>>
      %dma_start3A_1344 = tpu.memref_slice %arg5[%dma_start3A_1339, %add3A_1049, %mul3A_0] : memref<50x32x16384xf32, #tpu.memory_space<hbm>> -> memref<1x1x1024xf32, #tpu.memory_space<hbm>>
      %dma_start3A_1345 = tpu.memref_squeeze %dma_start3A_1344 : memref<1x1x1024xf32, #tpu.memory_space<hbm>> -> memref<1024xf32, #tpu.memory_space<hbm>>
      %dma_start3A_1346 = arith.constant 1024 : i32
      %dma_start3A_1347 = tpu.memref_slice %arg8[%dma_start3A_1346] : memref<5120xf32, #tpu.memory_space<vmem>> -> memref<1024xf32, #tpu.memory_space<vmem>>
      tpu.enqueue_dma source(%dma_start3A_1347 : memref<1024xf32, #tpu.memory_space<vmem>>) target(%dma_start3A_1345 : memref<1024xf32, #tpu.memory_space<hbm>>) target_semaphore(%arg16 : memref<!tpu.dma_semaphore, #tpu.memory_space<semaphore_mem>>)
      %dma_start3A_1348 = arith.constant 17 : i32
      %dma_start3A_1349 = arith.constant 2048 : i32
      %dma_start3A_1350 = tpu.memref_slice %arg8[%dma_start3A_1349] : memref<5120xf32, #tpu.memory_space<vmem>> -> memref<1024xf32, #tpu.memory_space<vmem>>
      %dma_start3A_1351 = tpu.memref_slice %arg5[%dma_start3A_1348, %add3A_1049, %mul3A_0] : memref<50x32x16384xf32, #tpu.memory_space<hbm>> -> memref<1x1x1024xf32, #tpu.memory_space<hbm>>
      %dma_start3A_1352 = tpu.memref_squeeze %dma_start3A_1351 : memref<1x1x1024xf32, #tpu.memory_space<hbm>> -> memref<1024xf32, #tpu.memory_space<hbm>>
      %dma_start3A_1353 = tpu.memref_slice %arg5[%dma_start3A_1348, %add3A_1049, %mul3A_0] : memref<50x32x16384xf32, #tpu.memory_space<hbm>> -> memref<1x1x1024xf32, #tpu.memory_space<hbm>>
      %dma_start3A_1354 = tpu.memref_squeeze %dma_start3A_1353 : memref<1x1x1024xf32, #tpu.memory_space<hbm>> -> memref<1024xf32, #tpu.memory_space<hbm>>
      %dma_start3A_1355 = arith.constant 2048 : i32
      %dma_start3A_1356 = tpu.memref_slice %arg8[%dma_start3A_1355] : memref<5120xf32, #tpu.memory_space<vmem>> -> memref<1024xf32, #tpu.memory_space<vmem>>
      tpu.enqueue_dma source(%dma_start3A_1356 : memref<1024xf32, #tpu.memory_space<vmem>>) target(%dma_start3A_1354 : memref<1024xf32, #tpu.memory_space<hbm>>) target_semaphore(%arg16 : memref<!tpu.dma_semaphore, #tpu.memory_space<semaphore_mem>>)
      %dma_start3A_1357 = arith.constant 18 : i32
      %dma_start3A_1358 = arith.constant 3072 : i32
      %dma_start3A_1359 = tpu.memref_slice %arg8[%dma_start3A_1358] : memref<5120xf32, #tpu.memory_space<vmem>> -> memref<1024xf32, #tpu.memory_space<vmem>>
      %dma_start3A_1360 = tpu.memref_slice %arg5[%dma_start3A_1357, %add3A_1049, %mul3A_0] : memref<50x32x16384xf32, #tpu.memory_space<hbm>> -> memref<1x1x1024xf32, #tpu.memory_space<hbm>>
      %dma_start3A_1361 = tpu.memref_squeeze %dma_start3A_1360 : memref<1x1x1024xf32, #tpu.memory_space<hbm>> -> memref<1024xf32, #tpu.memory_space<hbm>>
      %dma_start3A_1362 = tpu.memref_slice %arg5[%dma_start3A_1357, %add3A_1049, %mul3A_0] : memref<50x32x16384xf32, #tpu.memory_space<hbm>> -> memref<1x1x1024xf32, #tpu.memory_space<hbm>>
      %dma_start3A_1363 = tpu.memref_squeeze %dma_start3A_1362 : memref<1x1x1024xf32, #tpu.memory_space<hbm>> -> memref<1024xf32, #tpu.memory_space<hbm>>
      %dma_start3A_1364 = arith.constant 3072 : i32
      %dma_start3A_1365 = tpu.memref_slice %arg8[%dma_start3A_1364] : memref<5120xf32, #tpu.memory_space<vmem>> -> memref<1024xf32, #tpu.memory_space<vmem>>
      tpu.enqueue_dma source(%dma_start3A_1365 : memref<1024xf32, #tpu.memory_space<vmem>>) target(%dma_start3A_1363 : memref<1024xf32, #tpu.memory_space<hbm>>) target_semaphore(%arg16 : memref<!tpu.dma_semaphore, #tpu.memory_space<semaphore_mem>>)
      %dma_start3A_1366 = arith.constant 19 : i32
      %dma_start3A_1367 = arith.constant 4096 : i32
      %dma_start3A_1368 = tpu.memref_slice %arg8[%dma_start3A_1367] : memref<5120xf32, #tpu.memory_space<vmem>> -> memref<1024xf32, #tpu.memory_space<vmem>>
      %dma_start3A_1369 = tpu.memref_slice %arg5[%dma_start3A_1366, %add3A_1049, %mul3A_0] : memref<50x32x16384xf32, #tpu.memory_space<hbm>> -> memref<1x1x1024xf32, #tpu.memory_space<hbm>>
      %dma_start3A_1370 = tpu.memref_squeeze %dma_start3A_1369 : memref<1x1x1024xf32, #tpu.memory_space<hbm>> -> memref<1024xf32, #tpu.memory_space<hbm>>
      %dma_start3A_1371 = tpu.memref_slice %arg5[%dma_start3A_1366, %add3A_1049, %mul3A_0] : memref<50x32x16384xf32, #tpu.memory_space<hbm>> -> memref<1x1x1024xf32, #tpu.memory_space<hbm>>
      %dma_start3A_1372 = tpu.memref_squeeze %dma_start3A_1371 : memref<1x1x1024xf32, #tpu.memory_space<hbm>> -> memref<1024xf32, #tpu.memory_space<hbm>>
      %dma_start3A_1373 = arith.constant 4096 : i32
      %dma_start3A_1374 = tpu.memref_slice %arg8[%dma_start3A_1373] : memref<5120xf32, #tpu.memory_space<vmem>> -> memref<1024xf32, #tpu.memory_space<vmem>>
      tpu.enqueue_dma source(%dma_start3A_1374 : memref<1024xf32, #tpu.memory_space<vmem>>) target(%dma_start3A_1372 : memref<1024xf32, #tpu.memory_space<hbm>>) target_semaphore(%arg16 : memref<!tpu.dma_semaphore, #tpu.memory_space<semaphore_mem>>)
      %dma_wait3A_1375 = arith.constant 25 : i32
      %dma_wait3A_1376 = arith.constant 0 : i32
      %dma_wait3A_1377 = tpu.memref_slice %arg10[%dma_wait3A_1376] : memref<5120xf32, #tpu.memory_space<vmem>> -> memref<1024xf32, #tpu.memory_space<vmem>>
      %dma_wait3A_1378 = tpu.memref_slice %arg5[%dma_wait3A_1375, %add3A_1049, %mul3A_0] : memref<50x32x16384xf32, #tpu.memory_space<hbm>> -> memref<1x1x1024xf32, #tpu.memory_space<hbm>>
      %dma_wait3A_1379 = tpu.memref_squeeze %dma_wait3A_1378 : memref<1x1x1024xf32, #tpu.memory_space<hbm>> -> memref<1024xf32, #tpu.memory_space<hbm>>
      %dma_wait3A_1380 = tpu.memref_slice %arg5[%dma_wait3A_1375, %add3A_1049, %mul3A_0] : memref<50x32x16384xf32, #tpu.memory_space<hbm>> -> memref<1x1x1024xf32, #tpu.memory_space<hbm>>
      %dma_wait3A_1381 = tpu.memref_squeeze %dma_wait3A_1380 : memref<1x1x1024xf32, #tpu.memory_space<hbm>> -> memref<1024xf32, #tpu.memory_space<hbm>>
      %dma_wait3A_1382 = arith.constant 0 : i32
      %dma_wait3A_1383 = tpu.memref_slice %arg10[%dma_wait3A_1382] : memref<5120xf32, #tpu.memory_space<vmem>> -> memref<1024xf32, #tpu.memory_space<vmem>>
      tpu.wait_dma2 semaphore(%arg18 : memref<!tpu.dma_semaphore, #tpu.memory_space<semaphore_mem>>) src(%dma_wait3A_1383 : memref<1024xf32, #tpu.memory_space<vmem>>) dst(%dma_wait3A_1381 : memref<1024xf32, #tpu.memory_space<hbm>>)
      %dma_wait3A_1384 = arith.constant 26 : i32
      %dma_wait3A_1385 = arith.constant 1024 : i32
      %dma_wait3A_1386 = tpu.memref_slice %arg10[%dma_wait3A_1385] : memref<5120xf32, #tpu.memory_space<vmem>> -> memref<1024xf32, #tpu.memory_space<vmem>>
      %dma_wait3A_1387 = tpu.memref_slice %arg5[%dma_wait3A_1384, %add3A_1049, %mul3A_0] : memref<50x32x16384xf32, #tpu.memory_space<hbm>> -> memref<1x1x1024xf32, #tpu.memory_space<hbm>>
      %dma_wait3A_1388 = tpu.memref_squeeze %dma_wait3A_1387 : memref<1x1x1024xf32, #tpu.memory_space<hbm>> -> memref<1024xf32, #tpu.memory_space<hbm>>
      %dma_wait3A_1389 = tpu.memref_slice %arg5[%dma_wait3A_1384, %add3A_1049, %mul3A_0] : memref<50x32x16384xf32, #tpu.memory_space<hbm>> -> memref<1x1x1024xf32, #tpu.memory_space<hbm>>
      %dma_wait3A_1390 = tpu.memref_squeeze %dma_wait3A_1389 : memref<1x1x1024xf32, #tpu.memory_space<hbm>> -> memref<1024xf32, #tpu.memory_space<hbm>>
      %dma_wait3A_1391 = arith.constant 1024 : i32
      %dma_wait3A_1392 = tpu.memref_slice %arg10[%dma_wait3A_1391] : memref<5120xf32, #tpu.memory_space<vmem>> -> memref<1024xf32, #tpu.memory_space<vmem>>
      tpu.wait_dma2 semaphore(%arg18 : memref<!tpu.dma_semaphore, #tpu.memory_space<semaphore_mem>>) src(%dma_wait3A_1392 : memref<1024xf32, #tpu.memory_space<vmem>>) dst(%dma_wait3A_1390 : memref<1024xf32, #tpu.memory_space<hbm>>)
      %dma_wait3A_1393 = arith.constant 27 : i32
      %dma_wait3A_1394 = arith.constant 2048 : i32
      %dma_wait3A_1395 = tpu.memref_slice %arg10[%dma_wait3A_1394] : memref<5120xf32, #tpu.memory_space<vmem>> -> memref<1024xf32, #tpu.memory_space<vmem>>
      %dma_wait3A_1396 = tpu.memref_slice %arg5[%dma_wait3A_1393, %add3A_1049, %mul3A_0] : memref<50x32x16384xf32, #tpu.memory_space<hbm>> -> memref<1x1x1024xf32, #tpu.memory_space<hbm>>
      %dma_wait3A_1397 = tpu.memref_squeeze %dma_wait3A_1396 : memref<1x1x1024xf32, #tpu.memory_space<hbm>> -> memref<1024xf32, #tpu.memory_space<hbm>>
      %dma_wait3A_1398 = tpu.memref_slice %arg5[%dma_wait3A_1393, %add3A_1049, %mul3A_0] : memref<50x32x16384xf32, #tpu.memory_space<hbm>> -> memref<1x1x1024xf32, #tpu.memory_space<hbm>>
      %dma_wait3A_1399 = tpu.memref_squeeze %dma_wait3A_1398 : memref<1x1x1024xf32, #tpu.memory_space<hbm>> -> memref<1024xf32, #tpu.memory_space<hbm>>
      %dma_wait3A_1400 = arith.constant 2048 : i32
      %dma_wait3A_1401 = tpu.memref_slice %arg10[%dma_wait3A_1400] : memref<5120xf32, #tpu.memory_space<vmem>> -> memref<1024xf32, #tpu.memory_space<vmem>>
      tpu.wait_dma2 semaphore(%arg18 : memref<!tpu.dma_semaphore, #tpu.memory_space<semaphore_mem>>) src(%dma_wait3A_1401 : memref<1024xf32, #tpu.memory_space<vmem>>) dst(%dma_wait3A_1399 : memref<1024xf32, #tpu.memory_space<hbm>>)
      %dma_wait3A_1402 = arith.constant 28 : i32
      %dma_wait3A_1403 = arith.constant 3072 : i32
      %dma_wait3A_1404 = tpu.memref_slice %arg10[%dma_wait3A_1403] : memref<5120xf32, #tpu.memory_space<vmem>> -> memref<1024xf32, #tpu.memory_space<vmem>>
      %dma_wait3A_1405 = tpu.memref_slice %arg5[%dma_wait3A_1402, %add3A_1049, %mul3A_0] : memref<50x32x16384xf32, #tpu.memory_space<hbm>> -> memref<1x1x1024xf32, #tpu.memory_space<hbm>>
      %dma_wait3A_1406 = tpu.memref_squeeze %dma_wait3A_1405 : memref<1x1x1024xf32, #tpu.memory_space<hbm>> -> memref<1024xf32, #tpu.memory_space<hbm>>
      %dma_wait3A_1407 = tpu.memref_slice %arg5[%dma_wait3A_1402, %add3A_1049, %mul3A_0] : memref<50x32x16384xf32, #tpu.memory_space<hbm>> -> memref<1x1x1024xf32, #tpu.memory_space<hbm>>
      %dma_wait3A_1408 = tpu.memref_squeeze %dma_wait3A_1407 : memref<1x1x1024xf32, #tpu.memory_space<hbm>> -> memref<1024xf32, #tpu.memory_space<hbm>>
      %dma_wait3A_1409 = arith.constant 3072 : i32
      %dma_wait3A_1410 = tpu.memref_slice %arg10[%dma_wait3A_1409] : memref<5120xf32, #tpu.memory_space<vmem>> -> memref<1024xf32, #tpu.memory_space<vmem>>
      tpu.wait_dma2 semaphore(%arg18 : memref<!tpu.dma_semaphore, #tpu.memory_space<semaphore_mem>>) src(%dma_wait3A_1410 : memref<1024xf32, #tpu.memory_space<vmem>>) dst(%dma_wait3A_1408 : memref<1024xf32, #tpu.memory_space<hbm>>)
      %dma_wait3A_1411 = arith.constant 29 : i32
      %dma_wait3A_1412 = arith.constant 4096 : i32
      %dma_wait3A_1413 = tpu.memref_slice %arg10[%dma_wait3A_1412] : memref<5120xf32, #tpu.memory_space<vmem>> -> memref<1024xf32, #tpu.memory_space<vmem>>
      %dma_wait3A_1414 = tpu.memref_slice %arg5[%dma_wait3A_1411, %add3A_1049, %mul3A_0] : memref<50x32x16384xf32, #tpu.memory_space<hbm>> -> memref<1x1x1024xf32, #tpu.memory_space<hbm>>
      %dma_wait3A_1415 = tpu.memref_squeeze %dma_wait3A_1414 : memref<1x1x1024xf32, #tpu.memory_space<hbm>> -> memref<1024xf32, #tpu.memory_space<hbm>>
      %dma_wait3A_1416 = tpu.memref_slice %arg5[%dma_wait3A_1411, %add3A_1049, %mul3A_0] : memref<50x32x16384xf32, #tpu.memory_space<hbm>> -> memref<1x1x1024xf32, #tpu.memory_space<hbm>>
      %dma_wait3A_1417 = tpu.memref_squeeze %dma_wait3A_1416 : memref<1x1x1024xf32, #tpu.memory_space<hbm>> -> memref<1024xf32, #tpu.memory_space<hbm>>
      %dma_wait3A_1418 = arith.constant 4096 : i32
      %dma_wait3A_1419 = tpu.memref_slice %arg10[%dma_wait3A_1418] : memref<5120xf32, #tpu.memory_space<vmem>> -> memref<1024xf32, #tpu.memory_space<vmem>>
      tpu.wait_dma2 semaphore(%arg18 : memref<!tpu.dma_semaphore, #tpu.memory_space<semaphore_mem>>) src(%dma_wait3A_1419 : memref<1024xf32, #tpu.memory_space<vmem>>) dst(%dma_wait3A_1417 : memref<1024xf32, #tpu.memory_space<hbm>>)
      %dma_start3A_1420 = arith.constant 0 : i32
      %dma_start3A_1421 = tpu.memref_slice %arg7[%dma_start3A_1420] : memref<25600xi32, #tpu.memory_space<vmem>> -> memref<5120xi32, #tpu.memory_space<vmem>>
      %dma_start3A_1422 = arith.constant 0 : i32
      %dma_start3A_1423 = tpu.memref_slice %arg11[%dma_start3A_1422] : memref<1000064xf32, #tpu.memory_space<vmem_shared>> -> memref<1000064xf32, #tpu.memory_space<vmem_shared>>
      tpu.enqueue_indirect_dma source(%dma_start3A_1423 : memref<1000064xf32, #tpu.memory_space<vmem_shared>>) target(%arg10 : memref<5120xf32, #tpu.memory_space<vmem>>) offsets(%dma_start3A_1421 : memref<5120xi32, #tpu.memory_space<vmem>>) semaphore(%arg15 : memref<!tpu.dma_semaphore, #tpu.memory_space<semaphore_mem>>)
      %dma_wait3A_1424 = arith.constant 20480 : i32
      %dma_wait3A_1425 = tpu.memref_slice %arg6[%dma_wait3A_1424] : memref<25600xi32, #tpu.memory_space<vmem>> -> memref<5120xi32, #tpu.memory_space<vmem>>
      %dma_wait3A_1426 = arith.constant 0 : i32
      %dma_wait3A_1427 = tpu.memref_slice %arg11[%dma_wait3A_1426] : memref<1000064xf32, #tpu.memory_space<vmem_shared>> -> memref<1000064xf32, #tpu.memory_space<vmem_shared>>
      tpu.wait_indirect_dma semaphore(%arg14 : memref<!tpu.dma_semaphore, #tpu.memory_space<semaphore_mem>>) src(%dma_wait3A_1427 : memref<1000064xf32, #tpu.memory_space<vmem_shared>>) dst(%arg9 : memref<5120xf32, #tpu.memory_space<vmem>>)
      %dma_start3A_1428 = arith.constant 20 : i32
      %dma_start3A_1429 = arith.constant 0 : i32
      %dma_start3A_1430 = tpu.memref_slice %arg9[%dma_start3A_1429] : memref<5120xf32, #tpu.memory_space<vmem>> -> memref<1024xf32, #tpu.memory_space<vmem>>
      %dma_start3A_1431 = tpu.memref_slice %arg5[%dma_start3A_1428, %add3A_1049, %mul3A_0] : memref<50x32x16384xf32, #tpu.memory_space<hbm>> -> memref<1x1x1024xf32, #tpu.memory_space<hbm>>
      %dma_start3A_1432 = tpu.memref_squeeze %dma_start3A_1431 : memref<1x1x1024xf32, #tpu.memory_space<hbm>> -> memref<1024xf32, #tpu.memory_space<hbm>>
      %dma_start3A_1433 = tpu.memref_slice %arg5[%dma_start3A_1428, %add3A_1049, %mul3A_0] : memref<50x32x16384xf32, #tpu.memory_space<hbm>> -> memref<1x1x1024xf32, #tpu.memory_space<hbm>>
      %dma_start3A_1434 = tpu.memref_squeeze %dma_start3A_1433 : memref<1x1x1024xf32, #tpu.memory_space<hbm>> -> memref<1024xf32, #tpu.memory_space<hbm>>
      %dma_start3A_1435 = arith.constant 0 : i32
      %dma_start3A_1436 = tpu.memref_slice %arg9[%dma_start3A_1435] : memref<5120xf32, #tpu.memory_space<vmem>> -> memref<1024xf32, #tpu.memory_space<vmem>>
      tpu.enqueue_dma source(%dma_start3A_1436 : memref<1024xf32, #tpu.memory_space<vmem>>) target(%dma_start3A_1434 : memref<1024xf32, #tpu.memory_space<hbm>>) target_semaphore(%arg17 : memref<!tpu.dma_semaphore, #tpu.memory_space<semaphore_mem>>)
      %dma_start3A_1437 = arith.constant 21 : i32
      %dma_start3A_1438 = arith.constant 1024 : i32
      %dma_start3A_1439 = tpu.memref_slice %arg9[%dma_start3A_1438] : memref<5120xf32, #tpu.memory_space<vmem>> -> memref<1024xf32, #tpu.memory_space<vmem>>
      %dma_start3A_1440 = tpu.memref_slice %arg5[%dma_start3A_1437, %add3A_1049, %mul3A_0] : memref<50x32x16384xf32, #tpu.memory_space<hbm>> -> memref<1x1x1024xf32, #tpu.memory_space<hbm>>
      %dma_start3A_1441 = tpu.memref_squeeze %dma_start3A_1440 : memref<1x1x1024xf32, #tpu.memory_space<hbm>> -> memref<1024xf32, #tpu.memory_space<hbm>>
      %dma_start3A_1442 = tpu.memref_slice %arg5[%dma_start3A_1437, %add3A_1049, %mul3A_0] : memref<50x32x16384xf32, #tpu.memory_space<hbm>> -> memref<1x1x1024xf32, #tpu.memory_space<hbm>>
      %dma_start3A_1443 = tpu.memref_squeeze %dma_start3A_1442 : memref<1x1x1024xf32, #tpu.memory_space<hbm>> -> memref<1024xf32, #tpu.memory_space<hbm>>
      %dma_start3A_1444 = arith.constant 1024 : i32
      %dma_start3A_1445 = tpu.memref_slice %arg9[%dma_start3A_1444] : memref<5120xf32, #tpu.memory_space<vmem>> -> memref<1024xf32, #tpu.memory_space<vmem>>
      tpu.enqueue_dma source(%dma_start3A_1445 : memref<1024xf32, #tpu.memory_space<vmem>>) target(%dma_start3A_1443 : memref<1024xf32, #tpu.memory_space<hbm>>) target_semaphore(%arg17 : memref<!tpu.dma_semaphore, #tpu.memory_space<semaphore_mem>>)
      %dma_start3A_1446 = arith.constant 22 : i32
      %dma_start3A_1447 = arith.constant 2048 : i32
      %dma_start3A_1448 = tpu.memref_slice %arg9[%dma_start3A_1447] : memref<5120xf32, #tpu.memory_space<vmem>> -> memref<1024xf32, #tpu.memory_space<vmem>>
      %dma_start3A_1449 = tpu.memref_slice %arg5[%dma_start3A_1446, %add3A_1049, %mul3A_0] : memref<50x32x16384xf32, #tpu.memory_space<hbm>> -> memref<1x1x1024xf32, #tpu.memory_space<hbm>>
      %dma_start3A_1450 = tpu.memref_squeeze %dma_start3A_1449 : memref<1x1x1024xf32, #tpu.memory_space<hbm>> -> memref<1024xf32, #tpu.memory_space<hbm>>
      %dma_start3A_1451 = tpu.memref_slice %arg5[%dma_start3A_1446, %add3A_1049, %mul3A_0] : memref<50x32x16384xf32, #tpu.memory_space<hbm>> -> memref<1x1x1024xf32, #tpu.memory_space<hbm>>
      %dma_start3A_1452 = tpu.memref_squeeze %dma_start3A_1451 : memref<1x1x1024xf32, #tpu.memory_space<hbm>> -> memref<1024xf32, #tpu.memory_space<hbm>>
      %dma_start3A_1453 = arith.constant 2048 : i32
      %dma_start3A_1454 = tpu.memref_slice %arg9[%dma_start3A_1453] : memref<5120xf32, #tpu.memory_space<vmem>> -> memref<1024xf32, #tpu.memory_space<vmem>>
      tpu.enqueue_dma source(%dma_start3A_1454 : memref<1024xf32, #tpu.memory_space<vmem>>) target(%dma_start3A_1452 : memref<1024xf32, #tpu.memory_space<hbm>>) target_semaphore(%arg17 : memref<!tpu.dma_semaphore, #tpu.memory_space<semaphore_mem>>)
      %dma_start3A_1455 = arith.constant 23 : i32
      %dma_start3A_1456 = arith.constant 3072 : i32
      %dma_start3A_1457 = tpu.memref_slice %arg9[%dma_start3A_1456] : memref<5120xf32, #tpu.memory_space<vmem>> -> memref<1024xf32, #tpu.memory_space<vmem>>
      %dma_start3A_1458 = tpu.memref_slice %arg5[%dma_start3A_1455, %add3A_1049, %mul3A_0] : memref<50x32x16384xf32, #tpu.memory_space<hbm>> -> memref<1x1x1024xf32, #tpu.memory_space<hbm>>
      %dma_start3A_1459 = tpu.memref_squeeze %dma_start3A_1458 : memref<1x1x1024xf32, #tpu.memory_space<hbm>> -> memref<1024xf32, #tpu.memory_space<hbm>>
      %dma_start3A_1460 = tpu.memref_slice %arg5[%dma_start3A_1455, %add3A_1049, %mul3A_0] : memref<50x32x16384xf32, #tpu.memory_space<hbm>> -> memref<1x1x1024xf32, #tpu.memory_space<hbm>>
      %dma_start3A_1461 = tpu.memref_squeeze %dma_start3A_1460 : memref<1x1x1024xf32, #tpu.memory_space<hbm>> -> memref<1024xf32, #tpu.memory_space<hbm>>
      %dma_start3A_1462 = arith.constant 3072 : i32
      %dma_start3A_1463 = tpu.memref_slice %arg9[%dma_start3A_1462] : memref<5120xf32, #tpu.memory_space<vmem>> -> memref<1024xf32, #tpu.memory_space<vmem>>
      tpu.enqueue_dma source(%dma_start3A_1463 : memref<1024xf32, #tpu.memory_space<vmem>>) target(%dma_start3A_1461 : memref<1024xf32, #tpu.memory_space<hbm>>) target_semaphore(%arg17 : memref<!tpu.dma_semaphore, #tpu.memory_space<semaphore_mem>>)
      %dma_start3A_1464 = arith.constant 24 : i32
      %dma_start3A_1465 = arith.constant 4096 : i32
      %dma_start3A_1466 = tpu.memref_slice %arg9[%dma_start3A_1465] : memref<5120xf32, #tpu.memory_space<vmem>> -> memref<1024xf32, #tpu.memory_space<vmem>>
      %dma_start3A_1467 = tpu.memref_slice %arg5[%dma_start3A_1464, %add3A_1049, %mul3A_0] : memref<50x32x16384xf32, #tpu.memory_space<hbm>> -> memref<1x1x1024xf32, #tpu.memory_space<hbm>>
      %dma_start3A_1468 = tpu.memref_squeeze %dma_start3A_1467 : memref<1x1x1024xf32, #tpu.memory_space<hbm>> -> memref<1024xf32, #tpu.memory_space<hbm>>
      %dma_start3A_1469 = tpu.memref_slice %arg5[%dma_start3A_1464, %add3A_1049, %mul3A_0] : memref<50x32x16384xf32, #tpu.memory_space<hbm>> -> memref<1x1x1024xf32, #tpu.memory_space<hbm>>
      %dma_start3A_1470 = tpu.memref_squeeze %dma_start3A_1469 : memref<1x1x1024xf32, #tpu.memory_space<hbm>> -> memref<1024xf32, #tpu.memory_space<hbm>>
      %dma_start3A_1471 = arith.constant 4096 : i32
      %dma_start3A_1472 = tpu.memref_slice %arg9[%dma_start3A_1471] : memref<5120xf32, #tpu.memory_space<vmem>> -> memref<1024xf32, #tpu.memory_space<vmem>>
      tpu.enqueue_dma source(%dma_start3A_1472 : memref<1024xf32, #tpu.memory_space<vmem>>) target(%dma_start3A_1470 : memref<1024xf32, #tpu.memory_space<hbm>>) target_semaphore(%arg17 : memref<!tpu.dma_semaphore, #tpu.memory_space<semaphore_mem>>)
      %dma_wait3A_1473 = arith.constant 30 : i32
      %dma_wait3A_1474 = arith.constant 0 : i32
      %dma_wait3A_1475 = tpu.memref_slice %arg8[%dma_wait3A_1474] : memref<5120xf32, #tpu.memory_space<vmem>> -> memref<1024xf32, #tpu.memory_space<vmem>>
      %dma_wait3A_1476 = tpu.memref_slice %arg5[%dma_wait3A_1473, %add3A_1049, %mul3A_0] : memref<50x32x16384xf32, #tpu.memory_space<hbm>> -> memref<1x1x1024xf32, #tpu.memory_space<hbm>>
      %dma_wait3A_1477 = tpu.memref_squeeze %dma_wait3A_1476 : memref<1x1x1024xf32, #tpu.memory_space<hbm>> -> memref<1024xf32, #tpu.memory_space<hbm>>
      %dma_wait3A_1478 = tpu.memref_slice %arg5[%dma_wait3A_1473, %add3A_1049, %mul3A_0] : memref<50x32x16384xf32, #tpu.memory_space<hbm>> -> memref<1x1x1024xf32, #tpu.memory_space<hbm>>
      %dma_wait3A_1479 = tpu.memref_squeeze %dma_wait3A_1478 : memref<1x1x1024xf32, #tpu.memory_space<hbm>> -> memref<1024xf32, #tpu.memory_space<hbm>>
      %dma_wait3A_1480 = arith.constant 0 : i32
      %dma_wait3A_1481 = tpu.memref_slice %arg8[%dma_wait3A_1480] : memref<5120xf32, #tpu.memory_space<vmem>> -> memref<1024xf32, #tpu.memory_space<vmem>>
      tpu.wait_dma2 semaphore(%arg16 : memref<!tpu.dma_semaphore, #tpu.memory_space<semaphore_mem>>) src(%dma_wait3A_1481 : memref<1024xf32, #tpu.memory_space<vmem>>) dst(%dma_wait3A_1479 : memref<1024xf32, #tpu.memory_space<hbm>>)
      %dma_wait3A_1482 = arith.constant 31 : i32
      %dma_wait3A_1483 = arith.constant 1024 : i32
      %dma_wait3A_1484 = tpu.memref_slice %arg8[%dma_wait3A_1483] : memref<5120xf32, #tpu.memory_space<vmem>> -> memref<1024xf32, #tpu.memory_space<vmem>>
      %dma_wait3A_1485 = tpu.memref_slice %arg5[%dma_wait3A_1482, %add3A_1049, %mul3A_0] : memref<50x32x16384xf32, #tpu.memory_space<hbm>> -> memref<1x1x1024xf32, #tpu.memory_space<hbm>>
      %dma_wait3A_1486 = tpu.memref_squeeze %dma_wait3A_1485 : memref<1x1x1024xf32, #tpu.memory_space<hbm>> -> memref<1024xf32, #tpu.memory_space<hbm>>
      %dma_wait3A_1487 = tpu.memref_slice %arg5[%dma_wait3A_1482, %add3A_1049, %mul3A_0] : memref<50x32x16384xf32, #tpu.memory_space<hbm>> -> memref<1x1x1024xf32, #tpu.memory_space<hbm>>
      %dma_wait3A_1488 = tpu.memref_squeeze %dma_wait3A_1487 : memref<1x1x1024xf32, #tpu.memory_space<hbm>> -> memref<1024xf32, #tpu.memory_space<hbm>>
      %dma_wait3A_1489 = arith.constant 1024 : i32
      %dma_wait3A_1490 = tpu.memref_slice %arg8[%dma_wait3A_1489] : memref<5120xf32, #tpu.memory_space<vmem>> -> memref<1024xf32, #tpu.memory_space<vmem>>
      tpu.wait_dma2 semaphore(%arg16 : memref<!tpu.dma_semaphore, #tpu.memory_space<semaphore_mem>>) src(%dma_wait3A_1490 : memref<1024xf32, #tpu.memory_space<vmem>>) dst(%dma_wait3A_1488 : memref<1024xf32, #tpu.memory_space<hbm>>)
      %dma_wait3A_1491 = arith.constant 32 : i32
      %dma_wait3A_1492 = arith.constant 2048 : i32
      %dma_wait3A_1493 = tpu.memref_slice %arg8[%dma_wait3A_1492] : memref<5120xf32, #tpu.memory_space<vmem>> -> memref<1024xf32, #tpu.memory_space<vmem>>
      %dma_wait3A_1494 = tpu.memref_slice %arg5[%dma_wait3A_1491, %add3A_1049, %mul3A_0] : memref<50x32x16384xf32, #tpu.memory_space<hbm>> -> memref<1x1x1024xf32, #tpu.memory_space<hbm>>
      %dma_wait3A_1495 = tpu.memref_squeeze %dma_wait3A_1494 : memref<1x1x1024xf32, #tpu.memory_space<hbm>> -> memref<1024xf32, #tpu.memory_space<hbm>>
      %dma_wait3A_1496 = tpu.memref_slice %arg5[%dma_wait3A_1491, %add3A_1049, %mul3A_0] : memref<50x32x16384xf32, #tpu.memory_space<hbm>> -> memref<1x1x1024xf32, #tpu.memory_space<hbm>>
      %dma_wait3A_1497 = tpu.memref_squeeze %dma_wait3A_1496 : memref<1x1x1024xf32, #tpu.memory_space<hbm>> -> memref<1024xf32, #tpu.memory_space<hbm>>
      %dma_wait3A_1498 = arith.constant 2048 : i32
      %dma_wait3A_1499 = tpu.memref_slice %arg8[%dma_wait3A_1498] : memref<5120xf32, #tpu.memory_space<vmem>> -> memref<1024xf32, #tpu.memory_space<vmem>>
      tpu.wait_dma2 semaphore(%arg16 : memref<!tpu.dma_semaphore, #tpu.memory_space<semaphore_mem>>) src(%dma_wait3A_1499 : memref<1024xf32, #tpu.memory_space<vmem>>) dst(%dma_wait3A_1497 : memref<1024xf32, #tpu.memory_space<hbm>>)
      %dma_wait3A_1500 = arith.constant 33 : i32
      %dma_wait3A_1501 = arith.constant 3072 : i32
      %dma_wait3A_1502 = tpu.memref_slice %arg8[%dma_wait3A_1501] : memref<5120xf32, #tpu.memory_space<vmem>> -> memref<1024xf32, #tpu.memory_space<vmem>>
      %dma_wait3A_1503 = tpu.memref_slice %arg5[%dma_wait3A_1500, %add3A_1049, %mul3A_0] : memref<50x32x16384xf32, #tpu.memory_space<hbm>> -> memref<1x1x1024xf32, #tpu.memory_space<hbm>>
      %dma_wait3A_1504 = tpu.memref_squeeze %dma_wait3A_1503 : memref<1x1x1024xf32, #tpu.memory_space<hbm>> -> memref<1024xf32, #tpu.memory_space<hbm>>
      %dma_wait3A_1505 = tpu.memref_slice %arg5[%dma_wait3A_1500, %add3A_1049, %mul3A_0] : memref<50x32x16384xf32, #tpu.memory_space<hbm>> -> memref<1x1x1024xf32, #tpu.memory_space<hbm>>
      %dma_wait3A_1506 = tpu.memref_squeeze %dma_wait3A_1505 : memref<1x1x1024xf32, #tpu.memory_space<hbm>> -> memref<1024xf32, #tpu.memory_space<hbm>>
      %dma_wait3A_1507 = arith.constant 3072 : i32
      %dma_wait3A_1508 = tpu.memref_slice %arg8[%dma_wait3A_1507] : memref<5120xf32, #tpu.memory_space<vmem>> -> memref<1024xf32, #tpu.memory_space<vmem>>
      tpu.wait_dma2 semaphore(%arg16 : memref<!tpu.dma_semaphore, #tpu.memory_space<semaphore_mem>>) src(%dma_wait3A_1508 : memref<1024xf32, #tpu.memory_space<vmem>>) dst(%dma_wait3A_1506 : memref<1024xf32, #tpu.memory_space<hbm>>)
      %dma_wait3A_1509 = arith.constant 34 : i32
      %dma_wait3A_1510 = arith.constant 4096 : i32
      %dma_wait3A_1511 = tpu.memref_slice %arg8[%dma_wait3A_1510] : memref<5120xf32, #tpu.memory_space<vmem>> -> memref<1024xf32, #tpu.memory_space<vmem>>
      %dma_wait3A_1512 = tpu.memref_slice %arg5[%dma_wait3A_1509, %add3A_1049, %mul3A_0] : memref<50x32x16384xf32, #tpu.memory_space<hbm>> -> memref<1x1x1024xf32, #tpu.memory_space<hbm>>
      %dma_wait3A_1513 = tpu.memref_squeeze %dma_wait3A_1512 : memref<1x1x1024xf32, #tpu.memory_space<hbm>> -> memref<1024xf32, #tpu.memory_space<hbm>>
      %dma_wait3A_1514 = tpu.memref_slice %arg5[%dma_wait3A_1509, %add3A_1049, %mul3A_0] : memref<50x32x16384xf32, #tpu.memory_space<hbm>> -> memref<1x1x1024xf32, #tpu.memory_space<hbm>>
      %dma_wait3A_1515 = tpu.memref_squeeze %dma_wait3A_1514 : memref<1x1x1024xf32, #tpu.memory_space<hbm>> -> memref<1024xf32, #tpu.memory_space<hbm>>
      %dma_wait3A_1516 = arith.constant 4096 : i32
      %dma_wait3A_1517 = tpu.memref_slice %arg8[%dma_wait3A_1516] : memref<5120xf32, #tpu.memory_space<vmem>> -> memref<1024xf32, #tpu.memory_space<vmem>>
      tpu.wait_dma2 semaphore(%arg16 : memref<!tpu.dma_semaphore, #tpu.memory_space<semaphore_mem>>) src(%dma_wait3A_1517 : memref<1024xf32, #tpu.memory_space<vmem>>) dst(%dma_wait3A_1515 : memref<1024xf32, #tpu.memory_space<hbm>>)
      %dma_start3A_1518 = arith.constant 5120 : i32
      %dma_start3A_1519 = tpu.memref_slice %arg7[%dma_start3A_1518] : memref<25600xi32, #tpu.memory_space<vmem>> -> memref<5120xi32, #tpu.memory_space<vmem>>
      %dma_start3A_1520 = arith.constant 0 : i32
      %dma_start3A_1521 = tpu.memref_slice %arg11[%dma_start3A_1520] : memref<1000064xf32, #tpu.memory_space<vmem_shared>> -> memref<1000064xf32, #tpu.memory_space<vmem_shared>>
      tpu.enqueue_indirect_dma source(%dma_start3A_1521 : memref<1000064xf32, #tpu.memory_space<vmem_shared>>) target(%arg8 : memref<5120xf32, #tpu.memory_space<vmem>>) offsets(%dma_start3A_1519 : memref<5120xi32, #tpu.memory_space<vmem>>) semaphore(%arg13 : memref<!tpu.dma_semaphore, #tpu.memory_space<semaphore_mem>>)
      %dma_wait3A_1522 = arith.constant 0 : i32
      %dma_wait3A_1523 = tpu.memref_slice %arg7[%dma_wait3A_1522] : memref<25600xi32, #tpu.memory_space<vmem>> -> memref<5120xi32, #tpu.memory_space<vmem>>
      %dma_wait3A_1524 = arith.constant 0 : i32
      %dma_wait3A_1525 = tpu.memref_slice %arg11[%dma_wait3A_1524] : memref<1000064xf32, #tpu.memory_space<vmem_shared>> -> memref<1000064xf32, #tpu.memory_space<vmem_shared>>
      tpu.wait_indirect_dma semaphore(%arg15 : memref<!tpu.dma_semaphore, #tpu.memory_space<semaphore_mem>>) src(%dma_wait3A_1525 : memref<1000064xf32, #tpu.memory_space<vmem_shared>>) dst(%arg10 : memref<5120xf32, #tpu.memory_space<vmem>>)
      %dma_start3A_1526 = arith.constant 25 : i32
      %dma_start3A_1527 = arith.constant 0 : i32
      %dma_start3A_1528 = tpu.memref_slice %arg10[%dma_start3A_1527] : memref<5120xf32, #tpu.memory_space<vmem>> -> memref<1024xf32, #tpu.memory_space<vmem>>
      %dma_start3A_1529 = tpu.memref_slice %arg5[%dma_start3A_1526, %add3A_1049, %mul3A_0] : memref<50x32x16384xf32, #tpu.memory_space<hbm>> -> memref<1x1x1024xf32, #tpu.memory_space<hbm>>
      %dma_start3A_1530 = tpu.memref_squeeze %dma_start3A_1529 : memref<1x1x1024xf32, #tpu.memory_space<hbm>> -> memref<1024xf32, #tpu.memory_space<hbm>>
      %dma_start3A_1531 = tpu.memref_slice %arg5[%dma_start3A_1526, %add3A_1049, %mul3A_0] : memref<50x32x16384xf32, #tpu.memory_space<hbm>> -> memref<1x1x1024xf32, #tpu.memory_space<hbm>>
      %dma_start3A_1532 = tpu.memref_squeeze %dma_start3A_1531 : memref<1x1x1024xf32, #tpu.memory_space<hbm>> -> memref<1024xf32, #tpu.memory_space<hbm>>
      %dma_start3A_1533 = arith.constant 0 : i32
      %dma_start3A_1534 = tpu.memref_slice %arg10[%dma_start3A_1533] : memref<5120xf32, #tpu.memory_space<vmem>> -> memref<1024xf32, #tpu.memory_space<vmem>>
      tpu.enqueue_dma source(%dma_start3A_1534 : memref<1024xf32, #tpu.memory_space<vmem>>) target(%dma_start3A_1532 : memref<1024xf32, #tpu.memory_space<hbm>>) target_semaphore(%arg18 : memref<!tpu.dma_semaphore, #tpu.memory_space<semaphore_mem>>)
      %dma_start3A_1535 = arith.constant 26 : i32
      %dma_start3A_1536 = arith.constant 1024 : i32
      %dma_start3A_1537 = tpu.memref_slice %arg10[%dma_start3A_1536] : memref<5120xf32, #tpu.memory_space<vmem>> -> memref<1024xf32, #tpu.memory_space<vmem>>
      %dma_start3A_1538 = tpu.memref_slice %arg5[%dma_start3A_1535, %add3A_1049, %mul3A_0] : memref<50x32x16384xf32, #tpu.memory_space<hbm>> -> memref<1x1x1024xf32, #tpu.memory_space<hbm>>
      %dma_start3A_1539 = tpu.memref_squeeze %dma_start3A_1538 : memref<1x1x1024xf32, #tpu.memory_space<hbm>> -> memref<1024xf32, #tpu.memory_space<hbm>>
      %dma_start3A_1540 = tpu.memref_slice %arg5[%dma_start3A_1535, %add3A_1049, %mul3A_0] : memref<50x32x16384xf32, #tpu.memory_space<hbm>> -> memref<1x1x1024xf32, #tpu.memory_space<hbm>>
      %dma_start3A_1541 = tpu.memref_squeeze %dma_start3A_1540 : memref<1x1x1024xf32, #tpu.memory_space<hbm>> -> memref<1024xf32, #tpu.memory_space<hbm>>
      %dma_start3A_1542 = arith.constant 1024 : i32
      %dma_start3A_1543 = tpu.memref_slice %arg10[%dma_start3A_1542] : memref<5120xf32, #tpu.memory_space<vmem>> -> memref<1024xf32, #tpu.memory_space<vmem>>
      tpu.enqueue_dma source(%dma_start3A_1543 : memref<1024xf32, #tpu.memory_space<vmem>>) target(%dma_start3A_1541 : memref<1024xf32, #tpu.memory_space<hbm>>) target_semaphore(%arg18 : memref<!tpu.dma_semaphore, #tpu.memory_space<semaphore_mem>>)
      %dma_start3A_1544 = arith.constant 27 : i32
      %dma_start3A_1545 = arith.constant 2048 : i32
      %dma_start3A_1546 = tpu.memref_slice %arg10[%dma_start3A_1545] : memref<5120xf32, #tpu.memory_space<vmem>> -> memref<1024xf32, #tpu.memory_space<vmem>>
      %dma_start3A_1547 = tpu.memref_slice %arg5[%dma_start3A_1544, %add3A_1049, %mul3A_0] : memref<50x32x16384xf32, #tpu.memory_space<hbm>> -> memref<1x1x1024xf32, #tpu.memory_space<hbm>>
      %dma_start3A_1548 = tpu.memref_squeeze %dma_start3A_1547 : memref<1x1x1024xf32, #tpu.memory_space<hbm>> -> memref<1024xf32, #tpu.memory_space<hbm>>
      %dma_start3A_1549 = tpu.memref_slice %arg5[%dma_start3A_1544, %add3A_1049, %mul3A_0] : memref<50x32x16384xf32, #tpu.memory_space<hbm>> -> memref<1x1x1024xf32, #tpu.memory_space<hbm>>
      %dma_start3A_1550 = tpu.memref_squeeze %dma_start3A_1549 : memref<1x1x1024xf32, #tpu.memory_space<hbm>> -> memref<1024xf32, #tpu.memory_space<hbm>>
      %dma_start3A_1551 = arith.constant 2048 : i32
      %dma_start3A_1552 = tpu.memref_slice %arg10[%dma_start3A_1551] : memref<5120xf32, #tpu.memory_space<vmem>> -> memref<1024xf32, #tpu.memory_space<vmem>>
      tpu.enqueue_dma source(%dma_start3A_1552 : memref<1024xf32, #tpu.memory_space<vmem>>) target(%dma_start3A_1550 : memref<1024xf32, #tpu.memory_space<hbm>>) target_semaphore(%arg18 : memref<!tpu.dma_semaphore, #tpu.memory_space<semaphore_mem>>)
      %dma_start3A_1553 = arith.constant 28 : i32
      %dma_start3A_1554 = arith.constant 3072 : i32
      %dma_start3A_1555 = tpu.memref_slice %arg10[%dma_start3A_1554] : memref<5120xf32, #tpu.memory_space<vmem>> -> memref<1024xf32, #tpu.memory_space<vmem>>
      %dma_start3A_1556 = tpu.memref_slice %arg5[%dma_start3A_1553, %add3A_1049, %mul3A_0] : memref<50x32x16384xf32, #tpu.memory_space<hbm>> -> memref<1x1x1024xf32, #tpu.memory_space<hbm>>
      %dma_start3A_1557 = tpu.memref_squeeze %dma_start3A_1556 : memref<1x1x1024xf32, #tpu.memory_space<hbm>> -> memref<1024xf32, #tpu.memory_space<hbm>>
      %dma_start3A_1558 = tpu.memref_slice %arg5[%dma_start3A_1553, %add3A_1049, %mul3A_0] : memref<50x32x16384xf32, #tpu.memory_space<hbm>> -> memref<1x1x1024xf32, #tpu.memory_space<hbm>>
      %dma_start3A_1559 = tpu.memref_squeeze %dma_start3A_1558 : memref<1x1x1024xf32, #tpu.memory_space<hbm>> -> memref<1024xf32, #tpu.memory_space<hbm>>
      %dma_start3A_1560 = arith.constant 3072 : i32
      %dma_start3A_1561 = tpu.memref_slice %arg10[%dma_start3A_1560] : memref<5120xf32, #tpu.memory_space<vmem>> -> memref<1024xf32, #tpu.memory_space<vmem>>
      tpu.enqueue_dma source(%dma_start3A_1561 : memref<1024xf32, #tpu.memory_space<vmem>>) target(%dma_start3A_1559 : memref<1024xf32, #tpu.memory_space<hbm>>) target_semaphore(%arg18 : memref<!tpu.dma_semaphore, #tpu.memory_space<semaphore_mem>>)
      %dma_start3A_1562 = arith.constant 29 : i32
      %dma_start3A_1563 = arith.constant 4096 : i32
      %dma_start3A_1564 = tpu.memref_slice %arg10[%dma_start3A_1563] : memref<5120xf32, #tpu.memory_space<vmem>> -> memref<1024xf32, #tpu.memory_space<vmem>>
      %dma_start3A_1565 = tpu.memref_slice %arg5[%dma_start3A_1562, %add3A_1049, %mul3A_0] : memref<50x32x16384xf32, #tpu.memory_space<hbm>> -> memref<1x1x1024xf32, #tpu.memory_space<hbm>>
      %dma_start3A_1566 = tpu.memref_squeeze %dma_start3A_1565 : memref<1x1x1024xf32, #tpu.memory_space<hbm>> -> memref<1024xf32, #tpu.memory_space<hbm>>
      %dma_start3A_1567 = tpu.memref_slice %arg5[%dma_start3A_1562, %add3A_1049, %mul3A_0] : memref<50x32x16384xf32, #tpu.memory_space<hbm>> -> memref<1x1x1024xf32, #tpu.memory_space<hbm>>
      %dma_start3A_1568 = tpu.memref_squeeze %dma_start3A_1567 : memref<1x1x1024xf32, #tpu.memory_space<hbm>> -> memref<1024xf32, #tpu.memory_space<hbm>>
      %dma_start3A_1569 = arith.constant 4096 : i32
      %dma_start3A_1570 = tpu.memref_slice %arg10[%dma_start3A_1569] : memref<5120xf32, #tpu.memory_space<vmem>> -> memref<1024xf32, #tpu.memory_space<vmem>>
      tpu.enqueue_dma source(%dma_start3A_1570 : memref<1024xf32, #tpu.memory_space<vmem>>) target(%dma_start3A_1568 : memref<1024xf32, #tpu.memory_space<hbm>>) target_semaphore(%arg18 : memref<!tpu.dma_semaphore, #tpu.memory_space<semaphore_mem>>)
      %dma_wait3A_1571 = arith.constant 35 : i32
      %dma_wait3A_1572 = arith.constant 0 : i32
      %dma_wait3A_1573 = tpu.memref_slice %arg9[%dma_wait3A_1572] : memref<5120xf32, #tpu.memory_space<vmem>> -> memref<1024xf32, #tpu.memory_space<vmem>>
      %dma_wait3A_1574 = tpu.memref_slice %arg5[%dma_wait3A_1571, %add3A_1049, %mul3A_0] : memref<50x32x16384xf32, #tpu.memory_space<hbm>> -> memref<1x1x1024xf32, #tpu.memory_space<hbm>>
      %dma_wait3A_1575 = tpu.memref_squeeze %dma_wait3A_1574 : memref<1x1x1024xf32, #tpu.memory_space<hbm>> -> memref<1024xf32, #tpu.memory_space<hbm>>
      %dma_wait3A_1576 = tpu.memref_slice %arg5[%dma_wait3A_1571, %add3A_1049, %mul3A_0] : memref<50x32x16384xf32, #tpu.memory_space<hbm>> -> memref<1x1x1024xf32, #tpu.memory_space<hbm>>
      %dma_wait3A_1577 = tpu.memref_squeeze %dma_wait3A_1576 : memref<1x1x1024xf32, #tpu.memory_space<hbm>> -> memref<1024xf32, #tpu.memory_space<hbm>>
      %dma_wait3A_1578 = arith.constant 0 : i32
      %dma_wait3A_1579 = tpu.memref_slice %arg9[%dma_wait3A_1578] : memref<5120xf32, #tpu.memory_space<vmem>> -> memref<1024xf32, #tpu.memory_space<vmem>>
      tpu.wait_dma2 semaphore(%arg17 : memref<!tpu.dma_semaphore, #tpu.memory_space<semaphore_mem>>) src(%dma_wait3A_1579 : memref<1024xf32, #tpu.memory_space<vmem>>) dst(%dma_wait3A_1577 : memref<1024xf32, #tpu.memory_space<hbm>>)
      %dma_wait3A_1580 = arith.constant 36 : i32
      %dma_wait3A_1581 = arith.constant 1024 : i32
      %dma_wait3A_1582 = tpu.memref_slice %arg9[%dma_wait3A_1581] : memref<5120xf32, #tpu.memory_space<vmem>> -> memref<1024xf32, #tpu.memory_space<vmem>>
      %dma_wait3A_1583 = tpu.memref_slice %arg5[%dma_wait3A_1580, %add3A_1049, %mul3A_0] : memref<50x32x16384xf32, #tpu.memory_space<hbm>> -> memref<1x1x1024xf32, #tpu.memory_space<hbm>>
      %dma_wait3A_1584 = tpu.memref_squeeze %dma_wait3A_1583 : memref<1x1x1024xf32, #tpu.memory_space<hbm>> -> memref<1024xf32, #tpu.memory_space<hbm>>
      %dma_wait3A_1585 = tpu.memref_slice %arg5[%dma_wait3A_1580, %add3A_1049, %mul3A_0] : memref<50x32x16384xf32, #tpu.memory_space<hbm>> -> memref<1x1x1024xf32, #tpu.memory_space<hbm>>
      %dma_wait3A_1586 = tpu.memref_squeeze %dma_wait3A_1585 : memref<1x1x1024xf32, #tpu.memory_space<hbm>> -> memref<1024xf32, #tpu.memory_space<hbm>>
      %dma_wait3A_1587 = arith.constant 1024 : i32
      %dma_wait3A_1588 = tpu.memref_slice %arg9[%dma_wait3A_1587] : memref<5120xf32, #tpu.memory_space<vmem>> -> memref<1024xf32, #tpu.memory_space<vmem>>
      tpu.wait_dma2 semaphore(%arg17 : memref<!tpu.dma_semaphore, #tpu.memory_space<semaphore_mem>>) src(%dma_wait3A_1588 : memref<1024xf32, #tpu.memory_space<vmem>>) dst(%dma_wait3A_1586 : memref<1024xf32, #tpu.memory_space<hbm>>)
      %dma_wait3A_1589 = arith.constant 37 : i32
      %dma_wait3A_1590 = arith.constant 2048 : i32
      %dma_wait3A_1591 = tpu.memref_slice %arg9[%dma_wait3A_1590] : memref<5120xf32, #tpu.memory_space<vmem>> -> memref<1024xf32, #tpu.memory_space<vmem>>
      %dma_wait3A_1592 = tpu.memref_slice %arg5[%dma_wait3A_1589, %add3A_1049, %mul3A_0] : memref<50x32x16384xf32, #tpu.memory_space<hbm>> -> memref<1x1x1024xf32, #tpu.memory_space<hbm>>
      %dma_wait3A_1593 = tpu.memref_squeeze %dma_wait3A_1592 : memref<1x1x1024xf32, #tpu.memory_space<hbm>> -> memref<1024xf32, #tpu.memory_space<hbm>>
      %dma_wait3A_1594 = tpu.memref_slice %arg5[%dma_wait3A_1589, %add3A_1049, %mul3A_0] : memref<50x32x16384xf32, #tpu.memory_space<hbm>> -> memref<1x1x1024xf32, #tpu.memory_space<hbm>>
      %dma_wait3A_1595 = tpu.memref_squeeze %dma_wait3A_1594 : memref<1x1x1024xf32, #tpu.memory_space<hbm>> -> memref<1024xf32, #tpu.memory_space<hbm>>
      %dma_wait3A_1596 = arith.constant 2048 : i32
      %dma_wait3A_1597 = tpu.memref_slice %arg9[%dma_wait3A_1596] : memref<5120xf32, #tpu.memory_space<vmem>> -> memref<1024xf32, #tpu.memory_space<vmem>>
      tpu.wait_dma2 semaphore(%arg17 : memref<!tpu.dma_semaphore, #tpu.memory_space<semaphore_mem>>) src(%dma_wait3A_1597 : memref<1024xf32, #tpu.memory_space<vmem>>) dst(%dma_wait3A_1595 : memref<1024xf32, #tpu.memory_space<hbm>>)
      %dma_wait3A_1598 = arith.constant 38 : i32
      %dma_wait3A_1599 = arith.constant 3072 : i32
      %dma_wait3A_1600 = tpu.memref_slice %arg9[%dma_wait3A_1599] : memref<5120xf32, #tpu.memory_space<vmem>> -> memref<1024xf32, #tpu.memory_space<vmem>>
      %dma_wait3A_1601 = tpu.memref_slice %arg5[%dma_wait3A_1598, %add3A_1049, %mul3A_0] : memref<50x32x16384xf32, #tpu.memory_space<hbm>> -> memref<1x1x1024xf32, #tpu.memory_space<hbm>>
      %dma_wait3A_1602 = tpu.memref_squeeze %dma_wait3A_1601 : memref<1x1x1024xf32, #tpu.memory_space<hbm>> -> memref<1024xf32, #tpu.memory_space<hbm>>
      %dma_wait3A_1603 = tpu.memref_slice %arg5[%dma_wait3A_1598, %add3A_1049, %mul3A_0] : memref<50x32x16384xf32, #tpu.memory_space<hbm>> -> memref<1x1x1024xf32, #tpu.memory_space<hbm>>
      %dma_wait3A_1604 = tpu.memref_squeeze %dma_wait3A_1603 : memref<1x1x1024xf32, #tpu.memory_space<hbm>> -> memref<1024xf32, #tpu.memory_space<hbm>>
      %dma_wait3A_1605 = arith.constant 3072 : i32
      %dma_wait3A_1606 = tpu.memref_slice %arg9[%dma_wait3A_1605] : memref<5120xf32, #tpu.memory_space<vmem>> -> memref<1024xf32, #tpu.memory_space<vmem>>
      tpu.wait_dma2 semaphore(%arg17 : memref<!tpu.dma_semaphore, #tpu.memory_space<semaphore_mem>>) src(%dma_wait3A_1606 : memref<1024xf32, #tpu.memory_space<vmem>>) dst(%dma_wait3A_1604 : memref<1024xf32, #tpu.memory_space<hbm>>)
      %dma_wait3A_1607 = arith.constant 39 : i32
      %dma_wait3A_1608 = arith.constant 4096 : i32
      %dma_wait3A_1609 = tpu.memref_slice %arg9[%dma_wait3A_1608] : memref<5120xf32, #tpu.memory_space<vmem>> -> memref<1024xf32, #tpu.memory_space<vmem>>
      %dma_wait3A_1610 = tpu.memref_slice %arg5[%dma_wait3A_1607, %add3A_1049, %mul3A_0] : memref<50x32x16384xf32, #tpu.memory_space<hbm>> -> memref<1x1x1024xf32, #tpu.memory_space<hbm>>
      %dma_wait3A_1611 = tpu.memref_squeeze %dma_wait3A_1610 : memref<1x1x1024xf32, #tpu.memory_space<hbm>> -> memref<1024xf32, #tpu.memory_space<hbm>>
      %dma_wait3A_1612 = tpu.memref_slice %arg5[%dma_wait3A_1607, %add3A_1049, %mul3A_0] : memref<50x32x16384xf32, #tpu.memory_space<hbm>> -> memref<1x1x1024xf32, #tpu.memory_space<hbm>>
      %dma_wait3A_1613 = tpu.memref_squeeze %dma_wait3A_1612 : memref<1x1x1024xf32, #tpu.memory_space<hbm>> -> memref<1024xf32, #tpu.memory_space<hbm>>
      %dma_wait3A_1614 = arith.constant 4096 : i32
      %dma_wait3A_1615 = tpu.memref_slice %arg9[%dma_wait3A_1614] : memref<5120xf32, #tpu.memory_space<vmem>> -> memref<1024xf32, #tpu.memory_space<vmem>>
      tpu.wait_dma2 semaphore(%arg17 : memref<!tpu.dma_semaphore, #tpu.memory_space<semaphore_mem>>) src(%dma_wait3A_1615 : memref<1024xf32, #tpu.memory_space<vmem>>) dst(%dma_wait3A_1613 : memref<1024xf32, #tpu.memory_space<hbm>>)
      %dma_start3A_1616 = arith.constant 10240 : i32
      %dma_start3A_1617 = tpu.memref_slice %arg7[%dma_start3A_1616] : memref<25600xi32, #tpu.memory_space<vmem>> -> memref<5120xi32, #tpu.memory_space<vmem>>
      %dma_start3A_1618 = arith.constant 0 : i32
      %dma_start3A_1619 = tpu.memref_slice %arg11[%dma_start3A_1618] : memref<1000064xf32, #tpu.memory_space<vmem_shared>> -> memref<1000064xf32, #tpu.memory_space<vmem_shared>>
      tpu.enqueue_indirect_dma source(%dma_start3A_1619 : memref<1000064xf32, #tpu.memory_space<vmem_shared>>) target(%arg9 : memref<5120xf32, #tpu.memory_space<vmem>>) offsets(%dma_start3A_1617 : memref<5120xi32, #tpu.memory_space<vmem>>) semaphore(%arg14 : memref<!tpu.dma_semaphore, #tpu.memory_space<semaphore_mem>>)
      %dma_wait3A_1620 = arith.constant 5120 : i32
      %dma_wait3A_1621 = tpu.memref_slice %arg7[%dma_wait3A_1620] : memref<25600xi32, #tpu.memory_space<vmem>> -> memref<5120xi32, #tpu.memory_space<vmem>>
      %dma_wait3A_1622 = arith.constant 0 : i32
      %dma_wait3A_1623 = tpu.memref_slice %arg11[%dma_wait3A_1622] : memref<1000064xf32, #tpu.memory_space<vmem_shared>> -> memref<1000064xf32, #tpu.memory_space<vmem_shared>>
      tpu.wait_indirect_dma semaphore(%arg13 : memref<!tpu.dma_semaphore, #tpu.memory_space<semaphore_mem>>) src(%dma_wait3A_1623 : memref<1000064xf32, #tpu.memory_space<vmem_shared>>) dst(%arg8 : memref<5120xf32, #tpu.memory_space<vmem>>)
      %dma_start3A_1624 = arith.constant 30 : i32
      %dma_start3A_1625 = arith.constant 0 : i32
      %dma_start3A_1626 = tpu.memref_slice %arg8[%dma_start3A_1625] : memref<5120xf32, #tpu.memory_space<vmem>> -> memref<1024xf32, #tpu.memory_space<vmem>>
      %dma_start3A_1627 = tpu.memref_slice %arg5[%dma_start3A_1624, %add3A_1049, %mul3A_0] : memref<50x32x16384xf32, #tpu.memory_space<hbm>> -> memref<1x1x1024xf32, #tpu.memory_space<hbm>>
      %dma_start3A_1628 = tpu.memref_squeeze %dma_start3A_1627 : memref<1x1x1024xf32, #tpu.memory_space<hbm>> -> memref<1024xf32, #tpu.memory_space<hbm>>
      %dma_start3A_1629 = tpu.memref_slice %arg5[%dma_start3A_1624, %add3A_1049, %mul3A_0] : memref<50x32x16384xf32, #tpu.memory_space<hbm>> -> memref<1x1x1024xf32, #tpu.memory_space<hbm>>
      %dma_start3A_1630 = tpu.memref_squeeze %dma_start3A_1629 : memref<1x1x1024xf32, #tpu.memory_space<hbm>> -> memref<1024xf32, #tpu.memory_space<hbm>>
      %dma_start3A_1631 = arith.constant 0 : i32
      %dma_start3A_1632 = tpu.memref_slice %arg8[%dma_start3A_1631] : memref<5120xf32, #tpu.memory_space<vmem>> -> memref<1024xf32, #tpu.memory_space<vmem>>
      tpu.enqueue_dma source(%dma_start3A_1632 : memref<1024xf32, #tpu.memory_space<vmem>>) target(%dma_start3A_1630 : memref<1024xf32, #tpu.memory_space<hbm>>) target_semaphore(%arg16 : memref<!tpu.dma_semaphore, #tpu.memory_space<semaphore_mem>>)
      %dma_start3A_1633 = arith.constant 31 : i32
      %dma_start3A_1634 = arith.constant 1024 : i32
      %dma_start3A_1635 = tpu.memref_slice %arg8[%dma_start3A_1634] : memref<5120xf32, #tpu.memory_space<vmem>> -> memref<1024xf32, #tpu.memory_space<vmem>>
      %dma_start3A_1636 = tpu.memref_slice %arg5[%dma_start3A_1633, %add3A_1049, %mul3A_0] : memref<50x32x16384xf32, #tpu.memory_space<hbm>> -> memref<1x1x1024xf32, #tpu.memory_space<hbm>>
      %dma_start3A_1637 = tpu.memref_squeeze %dma_start3A_1636 : memref<1x1x1024xf32, #tpu.memory_space<hbm>> -> memref<1024xf32, #tpu.memory_space<hbm>>
      %dma_start3A_1638 = tpu.memref_slice %arg5[%dma_start3A_1633, %add3A_1049, %mul3A_0] : memref<50x32x16384xf32, #tpu.memory_space<hbm>> -> memref<1x1x1024xf32, #tpu.memory_space<hbm>>
      %dma_start3A_1639 = tpu.memref_squeeze %dma_start3A_1638 : memref<1x1x1024xf32, #tpu.memory_space<hbm>> -> memref<1024xf32, #tpu.memory_space<hbm>>
      %dma_start3A_1640 = arith.constant 1024 : i32
      %dma_start3A_1641 = tpu.memref_slice %arg8[%dma_start3A_1640] : memref<5120xf32, #tpu.memory_space<vmem>> -> memref<1024xf32, #tpu.memory_space<vmem>>
      tpu.enqueue_dma source(%dma_start3A_1641 : memref<1024xf32, #tpu.memory_space<vmem>>) target(%dma_start3A_1639 : memref<1024xf32, #tpu.memory_space<hbm>>) target_semaphore(%arg16 : memref<!tpu.dma_semaphore, #tpu.memory_space<semaphore_mem>>)
      %dma_start3A_1642 = arith.constant 32 : i32
      %dma_start3A_1643 = arith.constant 2048 : i32
      %dma_start3A_1644 = tpu.memref_slice %arg8[%dma_start3A_1643] : memref<5120xf32, #tpu.memory_space<vmem>> -> memref<1024xf32, #tpu.memory_space<vmem>>
      %dma_start3A_1645 = tpu.memref_slice %arg5[%dma_start3A_1642, %add3A_1049, %mul3A_0] : memref<50x32x16384xf32, #tpu.memory_space<hbm>> -> memref<1x1x1024xf32, #tpu.memory_space<hbm>>
      %dma_start3A_1646 = tpu.memref_squeeze %dma_start3A_1645 : memref<1x1x1024xf32, #tpu.memory_space<hbm>> -> memref<1024xf32, #tpu.memory_space<hbm>>
      %dma_start3A_1647 = tpu.memref_slice %arg5[%dma_start3A_1642, %add3A_1049, %mul3A_0] : memref<50x32x16384xf32, #tpu.memory_space<hbm>> -> memref<1x1x1024xf32, #tpu.memory_space<hbm>>
      %dma_start3A_1648 = tpu.memref_squeeze %dma_start3A_1647 : memref<1x1x1024xf32, #tpu.memory_space<hbm>> -> memref<1024xf32, #tpu.memory_space<hbm>>
      %dma_start3A_1649 = arith.constant 2048 : i32
      %dma_start3A_1650 = tpu.memref_slice %arg8[%dma_start3A_1649] : memref<5120xf32, #tpu.memory_space<vmem>> -> memref<1024xf32, #tpu.memory_space<vmem>>
      tpu.enqueue_dma source(%dma_start3A_1650 : memref<1024xf32, #tpu.memory_space<vmem>>) target(%dma_start3A_1648 : memref<1024xf32, #tpu.memory_space<hbm>>) target_semaphore(%arg16 : memref<!tpu.dma_semaphore, #tpu.memory_space<semaphore_mem>>)
      %dma_start3A_1651 = arith.constant 33 : i32
      %dma_start3A_1652 = arith.constant 3072 : i32
      %dma_start3A_1653 = tpu.memref_slice %arg8[%dma_start3A_1652] : memref<5120xf32, #tpu.memory_space<vmem>> -> memref<1024xf32, #tpu.memory_space<vmem>>
      %dma_start3A_1654 = tpu.memref_slice %arg5[%dma_start3A_1651, %add3A_1049, %mul3A_0] : memref<50x32x16384xf32, #tpu.memory_space<hbm>> -> memref<1x1x1024xf32, #tpu.memory_space<hbm>>
      %dma_start3A_1655 = tpu.memref_squeeze %dma_start3A_1654 : memref<1x1x1024xf32, #tpu.memory_space<hbm>> -> memref<1024xf32, #tpu.memory_space<hbm>>
      %dma_start3A_1656 = tpu.memref_slice %arg5[%dma_start3A_1651, %add3A_1049, %mul3A_0] : memref<50x32x16384xf32, #tpu.memory_space<hbm>> -> memref<1x1x1024xf32, #tpu.memory_space<hbm>>
      %dma_start3A_1657 = tpu.memref_squeeze %dma_start3A_1656 : memref<1x1x1024xf32, #tpu.memory_space<hbm>> -> memref<1024xf32, #tpu.memory_space<hbm>>
      %dma_start3A_1658 = arith.constant 3072 : i32
      %dma_start3A_1659 = tpu.memref_slice %arg8[%dma_start3A_1658] : memref<5120xf32, #tpu.memory_space<vmem>> -> memref<1024xf32, #tpu.memory_space<vmem>>
      tpu.enqueue_dma source(%dma_start3A_1659 : memref<1024xf32, #tpu.memory_space<vmem>>) target(%dma_start3A_1657 : memref<1024xf32, #tpu.memory_space<hbm>>) target_semaphore(%arg16 : memref<!tpu.dma_semaphore, #tpu.memory_space<semaphore_mem>>)
      %dma_start3A_1660 = arith.constant 34 : i32
      %dma_start3A_1661 = arith.constant 4096 : i32
      %dma_start3A_1662 = tpu.memref_slice %arg8[%dma_start3A_1661] : memref<5120xf32, #tpu.memory_space<vmem>> -> memref<1024xf32, #tpu.memory_space<vmem>>
      %dma_start3A_1663 = tpu.memref_slice %arg5[%dma_start3A_1660, %add3A_1049, %mul3A_0] : memref<50x32x16384xf32, #tpu.memory_space<hbm>> -> memref<1x1x1024xf32, #tpu.memory_space<hbm>>
      %dma_start3A_1664 = tpu.memref_squeeze %dma_start3A_1663 : memref<1x1x1024xf32, #tpu.memory_space<hbm>> -> memref<1024xf32, #tpu.memory_space<hbm>>
      %dma_start3A_1665 = tpu.memref_slice %arg5[%dma_start3A_1660, %add3A_1049, %mul3A_0] : memref<50x32x16384xf32, #tpu.memory_space<hbm>> -> memref<1x1x1024xf32, #tpu.memory_space<hbm>>
      %dma_start3A_1666 = tpu.memref_squeeze %dma_start3A_1665 : memref<1x1x1024xf32, #tpu.memory_space<hbm>> -> memref<1024xf32, #tpu.memory_space<hbm>>
      %dma_start3A_1667 = arith.constant 4096 : i32
      %dma_start3A_1668 = tpu.memref_slice %arg8[%dma_start3A_1667] : memref<5120xf32, #tpu.memory_space<vmem>> -> memref<1024xf32, #tpu.memory_space<vmem>>
      tpu.enqueue_dma source(%dma_start3A_1668 : memref<1024xf32, #tpu.memory_space<vmem>>) target(%dma_start3A_1666 : memref<1024xf32, #tpu.memory_space<hbm>>) target_semaphore(%arg16 : memref<!tpu.dma_semaphore, #tpu.memory_space<semaphore_mem>>)
      %dma_wait3A_1669 = arith.constant 40 : i32
      %dma_wait3A_1670 = arith.constant 0 : i32
      %dma_wait3A_1671 = tpu.memref_slice %arg10[%dma_wait3A_1670] : memref<5120xf32, #tpu.memory_space<vmem>> -> memref<1024xf32, #tpu.memory_space<vmem>>
      %dma_wait3A_1672 = tpu.memref_slice %arg5[%dma_wait3A_1669, %add3A_1049, %mul3A_0] : memref<50x32x16384xf32, #tpu.memory_space<hbm>> -> memref<1x1x1024xf32, #tpu.memory_space<hbm>>
      %dma_wait3A_1673 = tpu.memref_squeeze %dma_wait3A_1672 : memref<1x1x1024xf32, #tpu.memory_space<hbm>> -> memref<1024xf32, #tpu.memory_space<hbm>>
      %dma_wait3A_1674 = tpu.memref_slice %arg5[%dma_wait3A_1669, %add3A_1049, %mul3A_0] : memref<50x32x16384xf32, #tpu.memory_space<hbm>> -> memref<1x1x1024xf32, #tpu.memory_space<hbm>>
      %dma_wait3A_1675 = tpu.memref_squeeze %dma_wait3A_1674 : memref<1x1x1024xf32, #tpu.memory_space<hbm>> -> memref<1024xf32, #tpu.memory_space<hbm>>
      %dma_wait3A_1676 = arith.constant 0 : i32
      %dma_wait3A_1677 = tpu.memref_slice %arg10[%dma_wait3A_1676] : memref<5120xf32, #tpu.memory_space<vmem>> -> memref<1024xf32, #tpu.memory_space<vmem>>
      tpu.wait_dma2 semaphore(%arg18 : memref<!tpu.dma_semaphore, #tpu.memory_space<semaphore_mem>>) src(%dma_wait3A_1677 : memref<1024xf32, #tpu.memory_space<vmem>>) dst(%dma_wait3A_1675 : memref<1024xf32, #tpu.memory_space<hbm>>)
      %dma_wait3A_1678 = arith.constant 41 : i32
      %dma_wait3A_1679 = arith.constant 1024 : i32
      %dma_wait3A_1680 = tpu.memref_slice %arg10[%dma_wait3A_1679] : memref<5120xf32, #tpu.memory_space<vmem>> -> memref<1024xf32, #tpu.memory_space<vmem>>
      %dma_wait3A_1681 = tpu.memref_slice %arg5[%dma_wait3A_1678, %add3A_1049, %mul3A_0] : memref<50x32x16384xf32, #tpu.memory_space<hbm>> -> memref<1x1x1024xf32, #tpu.memory_space<hbm>>
      %dma_wait3A_1682 = tpu.memref_squeeze %dma_wait3A_1681 : memref<1x1x1024xf32, #tpu.memory_space<hbm>> -> memref<1024xf32, #tpu.memory_space<hbm>>
      %dma_wait3A_1683 = tpu.memref_slice %arg5[%dma_wait3A_1678, %add3A_1049, %mul3A_0] : memref<50x32x16384xf32, #tpu.memory_space<hbm>> -> memref<1x1x1024xf32, #tpu.memory_space<hbm>>
      %dma_wait3A_1684 = tpu.memref_squeeze %dma_wait3A_1683 : memref<1x1x1024xf32, #tpu.memory_space<hbm>> -> memref<1024xf32, #tpu.memory_space<hbm>>
      %dma_wait3A_1685 = arith.constant 1024 : i32
      %dma_wait3A_1686 = tpu.memref_slice %arg10[%dma_wait3A_1685] : memref<5120xf32, #tpu.memory_space<vmem>> -> memref<1024xf32, #tpu.memory_space<vmem>>
      tpu.wait_dma2 semaphore(%arg18 : memref<!tpu.dma_semaphore, #tpu.memory_space<semaphore_mem>>) src(%dma_wait3A_1686 : memref<1024xf32, #tpu.memory_space<vmem>>) dst(%dma_wait3A_1684 : memref<1024xf32, #tpu.memory_space<hbm>>)
      %dma_wait3A_1687 = arith.constant 42 : i32
      %dma_wait3A_1688 = arith.constant 2048 : i32
      %dma_wait3A_1689 = tpu.memref_slice %arg10[%dma_wait3A_1688] : memref<5120xf32, #tpu.memory_space<vmem>> -> memref<1024xf32, #tpu.memory_space<vmem>>
      %dma_wait3A_1690 = tpu.memref_slice %arg5[%dma_wait3A_1687, %add3A_1049, %mul3A_0] : memref<50x32x16384xf32, #tpu.memory_space<hbm>> -> memref<1x1x1024xf32, #tpu.memory_space<hbm>>
      %dma_wait3A_1691 = tpu.memref_squeeze %dma_wait3A_1690 : memref<1x1x1024xf32, #tpu.memory_space<hbm>> -> memref<1024xf32, #tpu.memory_space<hbm>>
      %dma_wait3A_1692 = tpu.memref_slice %arg5[%dma_wait3A_1687, %add3A_1049, %mul3A_0] : memref<50x32x16384xf32, #tpu.memory_space<hbm>> -> memref<1x1x1024xf32, #tpu.memory_space<hbm>>
      %dma_wait3A_1693 = tpu.memref_squeeze %dma_wait3A_1692 : memref<1x1x1024xf32, #tpu.memory_space<hbm>> -> memref<1024xf32, #tpu.memory_space<hbm>>
      %dma_wait3A_1694 = arith.constant 2048 : i32
      %dma_wait3A_1695 = tpu.memref_slice %arg10[%dma_wait3A_1694] : memref<5120xf32, #tpu.memory_space<vmem>> -> memref<1024xf32, #tpu.memory_space<vmem>>
      tpu.wait_dma2 semaphore(%arg18 : memref<!tpu.dma_semaphore, #tpu.memory_space<semaphore_mem>>) src(%dma_wait3A_1695 : memref<1024xf32, #tpu.memory_space<vmem>>) dst(%dma_wait3A_1693 : memref<1024xf32, #tpu.memory_space<hbm>>)
      %dma_wait3A_1696 = arith.constant 43 : i32
      %dma_wait3A_1697 = arith.constant 3072 : i32
      %dma_wait3A_1698 = tpu.memref_slice %arg10[%dma_wait3A_1697] : memref<5120xf32, #tpu.memory_space<vmem>> -> memref<1024xf32, #tpu.memory_space<vmem>>
      %dma_wait3A_1699 = tpu.memref_slice %arg5[%dma_wait3A_1696, %add3A_1049, %mul3A_0] : memref<50x32x16384xf32, #tpu.memory_space<hbm>> -> memref<1x1x1024xf32, #tpu.memory_space<hbm>>
      %dma_wait3A_1700 = tpu.memref_squeeze %dma_wait3A_1699 : memref<1x1x1024xf32, #tpu.memory_space<hbm>> -> memref<1024xf32, #tpu.memory_space<hbm>>
      %dma_wait3A_1701 = tpu.memref_slice %arg5[%dma_wait3A_1696, %add3A_1049, %mul3A_0] : memref<50x32x16384xf32, #tpu.memory_space<hbm>> -> memref<1x1x1024xf32, #tpu.memory_space<hbm>>
      %dma_wait3A_1702 = tpu.memref_squeeze %dma_wait3A_1701 : memref<1x1x1024xf32, #tpu.memory_space<hbm>> -> memref<1024xf32, #tpu.memory_space<hbm>>
      %dma_wait3A_1703 = arith.constant 3072 : i32
      %dma_wait3A_1704 = tpu.memref_slice %arg10[%dma_wait3A_1703] : memref<5120xf32, #tpu.memory_space<vmem>> -> memref<1024xf32, #tpu.memory_space<vmem>>
      tpu.wait_dma2 semaphore(%arg18 : memref<!tpu.dma_semaphore, #tpu.memory_space<semaphore_mem>>) src(%dma_wait3A_1704 : memref<1024xf32, #tpu.memory_space<vmem>>) dst(%dma_wait3A_1702 : memref<1024xf32, #tpu.memory_space<hbm>>)
      %dma_wait3A_1705 = arith.constant 44 : i32
      %dma_wait3A_1706 = arith.constant 4096 : i32
      %dma_wait3A_1707 = tpu.memref_slice %arg10[%dma_wait3A_1706] : memref<5120xf32, #tpu.memory_space<vmem>> -> memref<1024xf32, #tpu.memory_space<vmem>>
      %dma_wait3A_1708 = tpu.memref_slice %arg5[%dma_wait3A_1705, %add3A_1049, %mul3A_0] : memref<50x32x16384xf32, #tpu.memory_space<hbm>> -> memref<1x1x1024xf32, #tpu.memory_space<hbm>>
      %dma_wait3A_1709 = tpu.memref_squeeze %dma_wait3A_1708 : memref<1x1x1024xf32, #tpu.memory_space<hbm>> -> memref<1024xf32, #tpu.memory_space<hbm>>
      %dma_wait3A_1710 = tpu.memref_slice %arg5[%dma_wait3A_1705, %add3A_1049, %mul3A_0] : memref<50x32x16384xf32, #tpu.memory_space<hbm>> -> memref<1x1x1024xf32, #tpu.memory_space<hbm>>
      %dma_wait3A_1711 = tpu.memref_squeeze %dma_wait3A_1710 : memref<1x1x1024xf32, #tpu.memory_space<hbm>> -> memref<1024xf32, #tpu.memory_space<hbm>>
      %dma_wait3A_1712 = arith.constant 4096 : i32
      %dma_wait3A_1713 = tpu.memref_slice %arg10[%dma_wait3A_1712] : memref<5120xf32, #tpu.memory_space<vmem>> -> memref<1024xf32, #tpu.memory_space<vmem>>
      tpu.wait_dma2 semaphore(%arg18 : memref<!tpu.dma_semaphore, #tpu.memory_space<semaphore_mem>>) src(%dma_wait3A_1713 : memref<1024xf32, #tpu.memory_space<vmem>>) dst(%dma_wait3A_1711 : memref<1024xf32, #tpu.memory_space<hbm>>)
      %dma_start3A_1714 = arith.constant 15360 : i32
      %dma_start3A_1715 = tpu.memref_slice %arg7[%dma_start3A_1714] : memref<25600xi32, #tpu.memory_space<vmem>> -> memref<5120xi32, #tpu.memory_space<vmem>>
      %dma_start3A_1716 = arith.constant 0 : i32
      %dma_start3A_1717 = tpu.memref_slice %arg11[%dma_start3A_1716] : memref<1000064xf32, #tpu.memory_space<vmem_shared>> -> memref<1000064xf32, #tpu.memory_space<vmem_shared>>
      tpu.enqueue_indirect_dma source(%dma_start3A_1717 : memref<1000064xf32, #tpu.memory_space<vmem_shared>>) target(%arg10 : memref<5120xf32, #tpu.memory_space<vmem>>) offsets(%dma_start3A_1715 : memref<5120xi32, #tpu.memory_space<vmem>>) semaphore(%arg15 : memref<!tpu.dma_semaphore, #tpu.memory_space<semaphore_mem>>)
      %dma_wait3A_1718 = arith.constant 10240 : i32
      %dma_wait3A_1719 = tpu.memref_slice %arg7[%dma_wait3A_1718] : memref<25600xi32, #tpu.memory_space<vmem>> -> memref<5120xi32, #tpu.memory_space<vmem>>
      %dma_wait3A_1720 = arith.constant 0 : i32
      %dma_wait3A_1721 = tpu.memref_slice %arg11[%dma_wait3A_1720] : memref<1000064xf32, #tpu.memory_space<vmem_shared>> -> memref<1000064xf32, #tpu.memory_space<vmem_shared>>
      tpu.wait_indirect_dma semaphore(%arg14 : memref<!tpu.dma_semaphore, #tpu.memory_space<semaphore_mem>>) src(%dma_wait3A_1721 : memref<1000064xf32, #tpu.memory_space<vmem_shared>>) dst(%arg9 : memref<5120xf32, #tpu.memory_space<vmem>>)
      %dma_start3A_1722 = arith.constant 35 : i32
      %dma_start3A_1723 = arith.constant 0 : i32
      %dma_start3A_1724 = tpu.memref_slice %arg9[%dma_start3A_1723] : memref<5120xf32, #tpu.memory_space<vmem>> -> memref<1024xf32, #tpu.memory_space<vmem>>
      %dma_start3A_1725 = tpu.memref_slice %arg5[%dma_start3A_1722, %add3A_1049, %mul3A_0] : memref<50x32x16384xf32, #tpu.memory_space<hbm>> -> memref<1x1x1024xf32, #tpu.memory_space<hbm>>
      %dma_start3A_1726 = tpu.memref_squeeze %dma_start3A_1725 : memref<1x1x1024xf32, #tpu.memory_space<hbm>> -> memref<1024xf32, #tpu.memory_space<hbm>>
      %dma_start3A_1727 = tpu.memref_slice %arg5[%dma_start3A_1722, %add3A_1049, %mul3A_0] : memref<50x32x16384xf32, #tpu.memory_space<hbm>> -> memref<1x1x1024xf32, #tpu.memory_space<hbm>>
      %dma_start3A_1728 = tpu.memref_squeeze %dma_start3A_1727 : memref<1x1x1024xf32, #tpu.memory_space<hbm>> -> memref<1024xf32, #tpu.memory_space<hbm>>
      %dma_start3A_1729 = arith.constant 0 : i32
      %dma_start3A_1730 = tpu.memref_slice %arg9[%dma_start3A_1729] : memref<5120xf32, #tpu.memory_space<vmem>> -> memref<1024xf32, #tpu.memory_space<vmem>>
      tpu.enqueue_dma source(%dma_start3A_1730 : memref<1024xf32, #tpu.memory_space<vmem>>) target(%dma_start3A_1728 : memref<1024xf32, #tpu.memory_space<hbm>>) target_semaphore(%arg17 : memref<!tpu.dma_semaphore, #tpu.memory_space<semaphore_mem>>)
      %dma_start3A_1731 = arith.constant 36 : i32
      %dma_start3A_1732 = arith.constant 1024 : i32
      %dma_start3A_1733 = tpu.memref_slice %arg9[%dma_start3A_1732] : memref<5120xf32, #tpu.memory_space<vmem>> -> memref<1024xf32, #tpu.memory_space<vmem>>
      %dma_start3A_1734 = tpu.memref_slice %arg5[%dma_start3A_1731, %add3A_1049, %mul3A_0] : memref<50x32x16384xf32, #tpu.memory_space<hbm>> -> memref<1x1x1024xf32, #tpu.memory_space<hbm>>
      %dma_start3A_1735 = tpu.memref_squeeze %dma_start3A_1734 : memref<1x1x1024xf32, #tpu.memory_space<hbm>> -> memref<1024xf32, #tpu.memory_space<hbm>>
      %dma_start3A_1736 = tpu.memref_slice %arg5[%dma_start3A_1731, %add3A_1049, %mul3A_0] : memref<50x32x16384xf32, #tpu.memory_space<hbm>> -> memref<1x1x1024xf32, #tpu.memory_space<hbm>>
      %dma_start3A_1737 = tpu.memref_squeeze %dma_start3A_1736 : memref<1x1x1024xf32, #tpu.memory_space<hbm>> -> memref<1024xf32, #tpu.memory_space<hbm>>
      %dma_start3A_1738 = arith.constant 1024 : i32
      %dma_start3A_1739 = tpu.memref_slice %arg9[%dma_start3A_1738] : memref<5120xf32, #tpu.memory_space<vmem>> -> memref<1024xf32, #tpu.memory_space<vmem>>
      tpu.enqueue_dma source(%dma_start3A_1739 : memref<1024xf32, #tpu.memory_space<vmem>>) target(%dma_start3A_1737 : memref<1024xf32, #tpu.memory_space<hbm>>) target_semaphore(%arg17 : memref<!tpu.dma_semaphore, #tpu.memory_space<semaphore_mem>>)
      %dma_start3A_1740 = arith.constant 37 : i32
      %dma_start3A_1741 = arith.constant 2048 : i32
      %dma_start3A_1742 = tpu.memref_slice %arg9[%dma_start3A_1741] : memref<5120xf32, #tpu.memory_space<vmem>> -> memref<1024xf32, #tpu.memory_space<vmem>>
      %dma_start3A_1743 = tpu.memref_slice %arg5[%dma_start3A_1740, %add3A_1049, %mul3A_0] : memref<50x32x16384xf32, #tpu.memory_space<hbm>> -> memref<1x1x1024xf32, #tpu.memory_space<hbm>>
      %dma_start3A_1744 = tpu.memref_squeeze %dma_start3A_1743 : memref<1x1x1024xf32, #tpu.memory_space<hbm>> -> memref<1024xf32, #tpu.memory_space<hbm>>
      %dma_start3A_1745 = tpu.memref_slice %arg5[%dma_start3A_1740, %add3A_1049, %mul3A_0] : memref<50x32x16384xf32, #tpu.memory_space<hbm>> -> memref<1x1x1024xf32, #tpu.memory_space<hbm>>
      %dma_start3A_1746 = tpu.memref_squeeze %dma_start3A_1745 : memref<1x1x1024xf32, #tpu.memory_space<hbm>> -> memref<1024xf32, #tpu.memory_space<hbm>>
      %dma_start3A_1747 = arith.constant 2048 : i32
      %dma_start3A_1748 = tpu.memref_slice %arg9[%dma_start3A_1747] : memref<5120xf32, #tpu.memory_space<vmem>> -> memref<1024xf32, #tpu.memory_space<vmem>>
      tpu.enqueue_dma source(%dma_start3A_1748 : memref<1024xf32, #tpu.memory_space<vmem>>) target(%dma_start3A_1746 : memref<1024xf32, #tpu.memory_space<hbm>>) target_semaphore(%arg17 : memref<!tpu.dma_semaphore, #tpu.memory_space<semaphore_mem>>)
      %dma_start3A_1749 = arith.constant 38 : i32
      %dma_start3A_1750 = arith.constant 3072 : i32
      %dma_start3A_1751 = tpu.memref_slice %arg9[%dma_start3A_1750] : memref<5120xf32, #tpu.memory_space<vmem>> -> memref<1024xf32, #tpu.memory_space<vmem>>
      %dma_start3A_1752 = tpu.memref_slice %arg5[%dma_start3A_1749, %add3A_1049, %mul3A_0] : memref<50x32x16384xf32, #tpu.memory_space<hbm>> -> memref<1x1x1024xf32, #tpu.memory_space<hbm>>
      %dma_start3A_1753 = tpu.memref_squeeze %dma_start3A_1752 : memref<1x1x1024xf32, #tpu.memory_space<hbm>> -> memref<1024xf32, #tpu.memory_space<hbm>>
      %dma_start3A_1754 = tpu.memref_slice %arg5[%dma_start3A_1749, %add3A_1049, %mul3A_0] : memref<50x32x16384xf32, #tpu.memory_space<hbm>> -> memref<1x1x1024xf32, #tpu.memory_space<hbm>>
      %dma_start3A_1755 = tpu.memref_squeeze %dma_start3A_1754 : memref<1x1x1024xf32, #tpu.memory_space<hbm>> -> memref<1024xf32, #tpu.memory_space<hbm>>
      %dma_start3A_1756 = arith.constant 3072 : i32
      %dma_start3A_1757 = tpu.memref_slice %arg9[%dma_start3A_1756] : memref<5120xf32, #tpu.memory_space<vmem>> -> memref<1024xf32, #tpu.memory_space<vmem>>
      tpu.enqueue_dma source(%dma_start3A_1757 : memref<1024xf32, #tpu.memory_space<vmem>>) target(%dma_start3A_1755 : memref<1024xf32, #tpu.memory_space<hbm>>) target_semaphore(%arg17 : memref<!tpu.dma_semaphore, #tpu.memory_space<semaphore_mem>>)
      %dma_start3A_1758 = arith.constant 39 : i32
      %dma_start3A_1759 = arith.constant 4096 : i32
      %dma_start3A_1760 = tpu.memref_slice %arg9[%dma_start3A_1759] : memref<5120xf32, #tpu.memory_space<vmem>> -> memref<1024xf32, #tpu.memory_space<vmem>>
      %dma_start3A_1761 = tpu.memref_slice %arg5[%dma_start3A_1758, %add3A_1049, %mul3A_0] : memref<50x32x16384xf32, #tpu.memory_space<hbm>> -> memref<1x1x1024xf32, #tpu.memory_space<hbm>>
      %dma_start3A_1762 = tpu.memref_squeeze %dma_start3A_1761 : memref<1x1x1024xf32, #tpu.memory_space<hbm>> -> memref<1024xf32, #tpu.memory_space<hbm>>
      %dma_start3A_1763 = tpu.memref_slice %arg5[%dma_start3A_1758, %add3A_1049, %mul3A_0] : memref<50x32x16384xf32, #tpu.memory_space<hbm>> -> memref<1x1x1024xf32, #tpu.memory_space<hbm>>
      %dma_start3A_1764 = tpu.memref_squeeze %dma_start3A_1763 : memref<1x1x1024xf32, #tpu.memory_space<hbm>> -> memref<1024xf32, #tpu.memory_space<hbm>>
      %dma_start3A_1765 = arith.constant 4096 : i32
      %dma_start3A_1766 = tpu.memref_slice %arg9[%dma_start3A_1765] : memref<5120xf32, #tpu.memory_space<vmem>> -> memref<1024xf32, #tpu.memory_space<vmem>>
      tpu.enqueue_dma source(%dma_start3A_1766 : memref<1024xf32, #tpu.memory_space<vmem>>) target(%dma_start3A_1764 : memref<1024xf32, #tpu.memory_space<hbm>>) target_semaphore(%arg17 : memref<!tpu.dma_semaphore, #tpu.memory_space<semaphore_mem>>)
      %dma_wait3A_1767 = arith.constant 45 : i32
      %dma_wait3A_1768 = arith.constant 0 : i32
      %dma_wait3A_1769 = tpu.memref_slice %arg8[%dma_wait3A_1768] : memref<5120xf32, #tpu.memory_space<vmem>> -> memref<1024xf32, #tpu.memory_space<vmem>>
      %dma_wait3A_1770 = tpu.memref_slice %arg5[%dma_wait3A_1767, %add3A_1049, %mul3A_0] : memref<50x32x16384xf32, #tpu.memory_space<hbm>> -> memref<1x1x1024xf32, #tpu.memory_space<hbm>>
      %dma_wait3A_1771 = tpu.memref_squeeze %dma_wait3A_1770 : memref<1x1x1024xf32, #tpu.memory_space<hbm>> -> memref<1024xf32, #tpu.memory_space<hbm>>
      %dma_wait3A_1772 = tpu.memref_slice %arg5[%dma_wait3A_1767, %add3A_1049, %mul3A_0] : memref<50x32x16384xf32, #tpu.memory_space<hbm>> -> memref<1x1x1024xf32, #tpu.memory_space<hbm>>
      %dma_wait3A_1773 = tpu.memref_squeeze %dma_wait3A_1772 : memref<1x1x1024xf32, #tpu.memory_space<hbm>> -> memref<1024xf32, #tpu.memory_space<hbm>>
      %dma_wait3A_1774 = arith.constant 0 : i32
      %dma_wait3A_1775 = tpu.memref_slice %arg8[%dma_wait3A_1774] : memref<5120xf32, #tpu.memory_space<vmem>> -> memref<1024xf32, #tpu.memory_space<vmem>>
      tpu.wait_dma2 semaphore(%arg16 : memref<!tpu.dma_semaphore, #tpu.memory_space<semaphore_mem>>) src(%dma_wait3A_1775 : memref<1024xf32, #tpu.memory_space<vmem>>) dst(%dma_wait3A_1773 : memref<1024xf32, #tpu.memory_space<hbm>>)
      %dma_wait3A_1776 = arith.constant 46 : i32
      %dma_wait3A_1777 = arith.constant 1024 : i32
      %dma_wait3A_1778 = tpu.memref_slice %arg8[%dma_wait3A_1777] : memref<5120xf32, #tpu.memory_space<vmem>> -> memref<1024xf32, #tpu.memory_space<vmem>>
      %dma_wait3A_1779 = tpu.memref_slice %arg5[%dma_wait3A_1776, %add3A_1049, %mul3A_0] : memref<50x32x16384xf32, #tpu.memory_space<hbm>> -> memref<1x1x1024xf32, #tpu.memory_space<hbm>>
      %dma_wait3A_1780 = tpu.memref_squeeze %dma_wait3A_1779 : memref<1x1x1024xf32, #tpu.memory_space<hbm>> -> memref<1024xf32, #tpu.memory_space<hbm>>
      %dma_wait3A_1781 = tpu.memref_slice %arg5[%dma_wait3A_1776, %add3A_1049, %mul3A_0] : memref<50x32x16384xf32, #tpu.memory_space<hbm>> -> memref<1x1x1024xf32, #tpu.memory_space<hbm>>
      %dma_wait3A_1782 = tpu.memref_squeeze %dma_wait3A_1781 : memref<1x1x1024xf32, #tpu.memory_space<hbm>> -> memref<1024xf32, #tpu.memory_space<hbm>>
      %dma_wait3A_1783 = arith.constant 1024 : i32
      %dma_wait3A_1784 = tpu.memref_slice %arg8[%dma_wait3A_1783] : memref<5120xf32, #tpu.memory_space<vmem>> -> memref<1024xf32, #tpu.memory_space<vmem>>
      tpu.wait_dma2 semaphore(%arg16 : memref<!tpu.dma_semaphore, #tpu.memory_space<semaphore_mem>>) src(%dma_wait3A_1784 : memref<1024xf32, #tpu.memory_space<vmem>>) dst(%dma_wait3A_1782 : memref<1024xf32, #tpu.memory_space<hbm>>)
      %dma_wait3A_1785 = arith.constant 47 : i32
      %dma_wait3A_1786 = arith.constant 2048 : i32
      %dma_wait3A_1787 = tpu.memref_slice %arg8[%dma_wait3A_1786] : memref<5120xf32, #tpu.memory_space<vmem>> -> memref<1024xf32, #tpu.memory_space<vmem>>
      %dma_wait3A_1788 = tpu.memref_slice %arg5[%dma_wait3A_1785, %add3A_1049, %mul3A_0] : memref<50x32x16384xf32, #tpu.memory_space<hbm>> -> memref<1x1x1024xf32, #tpu.memory_space<hbm>>
      %dma_wait3A_1789 = tpu.memref_squeeze %dma_wait3A_1788 : memref<1x1x1024xf32, #tpu.memory_space<hbm>> -> memref<1024xf32, #tpu.memory_space<hbm>>
      %dma_wait3A_1790 = tpu.memref_slice %arg5[%dma_wait3A_1785, %add3A_1049, %mul3A_0] : memref<50x32x16384xf32, #tpu.memory_space<hbm>> -> memref<1x1x1024xf32, #tpu.memory_space<hbm>>
      %dma_wait3A_1791 = tpu.memref_squeeze %dma_wait3A_1790 : memref<1x1x1024xf32, #tpu.memory_space<hbm>> -> memref<1024xf32, #tpu.memory_space<hbm>>
      %dma_wait3A_1792 = arith.constant 2048 : i32
      %dma_wait3A_1793 = tpu.memref_slice %arg8[%dma_wait3A_1792] : memref<5120xf32, #tpu.memory_space<vmem>> -> memref<1024xf32, #tpu.memory_space<vmem>>
      tpu.wait_dma2 semaphore(%arg16 : memref<!tpu.dma_semaphore, #tpu.memory_space<semaphore_mem>>) src(%dma_wait3A_1793 : memref<1024xf32, #tpu.memory_space<vmem>>) dst(%dma_wait3A_1791 : memref<1024xf32, #tpu.memory_space<hbm>>)
      %dma_wait3A_1794 = arith.constant 48 : i32
      %dma_wait3A_1795 = arith.constant 3072 : i32
      %dma_wait3A_1796 = tpu.memref_slice %arg8[%dma_wait3A_1795] : memref<5120xf32, #tpu.memory_space<vmem>> -> memref<1024xf32, #tpu.memory_space<vmem>>
      %dma_wait3A_1797 = tpu.memref_slice %arg5[%dma_wait3A_1794, %add3A_1049, %mul3A_0] : memref<50x32x16384xf32, #tpu.memory_space<hbm>> -> memref<1x1x1024xf32, #tpu.memory_space<hbm>>
      %dma_wait3A_1798 = tpu.memref_squeeze %dma_wait3A_1797 : memref<1x1x1024xf32, #tpu.memory_space<hbm>> -> memref<1024xf32, #tpu.memory_space<hbm>>
      %dma_wait3A_1799 = tpu.memref_slice %arg5[%dma_wait3A_1794, %add3A_1049, %mul3A_0] : memref<50x32x16384xf32, #tpu.memory_space<hbm>> -> memref<1x1x1024xf32, #tpu.memory_space<hbm>>
      %dma_wait3A_1800 = tpu.memref_squeeze %dma_wait3A_1799 : memref<1x1x1024xf32, #tpu.memory_space<hbm>> -> memref<1024xf32, #tpu.memory_space<hbm>>
      %dma_wait3A_1801 = arith.constant 3072 : i32
      %dma_wait3A_1802 = tpu.memref_slice %arg8[%dma_wait3A_1801] : memref<5120xf32, #tpu.memory_space<vmem>> -> memref<1024xf32, #tpu.memory_space<vmem>>
      tpu.wait_dma2 semaphore(%arg16 : memref<!tpu.dma_semaphore, #tpu.memory_space<semaphore_mem>>) src(%dma_wait3A_1802 : memref<1024xf32, #tpu.memory_space<vmem>>) dst(%dma_wait3A_1800 : memref<1024xf32, #tpu.memory_space<hbm>>)
      %dma_wait3A_1803 = arith.constant 49 : i32
      %dma_wait3A_1804 = arith.constant 4096 : i32
      %dma_wait3A_1805 = tpu.memref_slice %arg8[%dma_wait3A_1804] : memref<5120xf32, #tpu.memory_space<vmem>> -> memref<1024xf32, #tpu.memory_space<vmem>>
      %dma_wait3A_1806 = tpu.memref_slice %arg5[%dma_wait3A_1803, %add3A_1049, %mul3A_0] : memref<50x32x16384xf32, #tpu.memory_space<hbm>> -> memref<1x1x1024xf32, #tpu.memory_space<hbm>>
      %dma_wait3A_1807 = tpu.memref_squeeze %dma_wait3A_1806 : memref<1x1x1024xf32, #tpu.memory_space<hbm>> -> memref<1024xf32, #tpu.memory_space<hbm>>
      %dma_wait3A_1808 = tpu.memref_slice %arg5[%dma_wait3A_1803, %add3A_1049, %mul3A_0] : memref<50x32x16384xf32, #tpu.memory_space<hbm>> -> memref<1x1x1024xf32, #tpu.memory_space<hbm>>
      %dma_wait3A_1809 = tpu.memref_squeeze %dma_wait3A_1808 : memref<1x1x1024xf32, #tpu.memory_space<hbm>> -> memref<1024xf32, #tpu.memory_space<hbm>>
      %dma_wait3A_1810 = arith.constant 4096 : i32
      %dma_wait3A_1811 = tpu.memref_slice %arg8[%dma_wait3A_1810] : memref<5120xf32, #tpu.memory_space<vmem>> -> memref<1024xf32, #tpu.memory_space<vmem>>
      tpu.wait_dma2 semaphore(%arg16 : memref<!tpu.dma_semaphore, #tpu.memory_space<semaphore_mem>>) src(%dma_wait3A_1811 : memref<1024xf32, #tpu.memory_space<vmem>>) dst(%dma_wait3A_1809 : memref<1024xf32, #tpu.memory_space<hbm>>)
      %dma_start3A_1812 = arith.constant 20480 : i32
      %dma_start3A_1813 = tpu.memref_slice %arg7[%dma_start3A_1812] : memref<25600xi32, #tpu.memory_space<vmem>> -> memref<5120xi32, #tpu.memory_space<vmem>>
      %dma_start3A_1814 = arith.constant 0 : i32
      %dma_start3A_1815 = tpu.memref_slice %arg11[%dma_start3A_1814] : memref<1000064xf32, #tpu.memory_space<vmem_shared>> -> memref<1000064xf32, #tpu.memory_space<vmem_shared>>
      tpu.enqueue_indirect_dma source(%dma_start3A_1815 : memref<1000064xf32, #tpu.memory_space<vmem_shared>>) target(%arg8 : memref<5120xf32, #tpu.memory_space<vmem>>) offsets(%dma_start3A_1813 : memref<5120xi32, #tpu.memory_space<vmem>>) semaphore(%arg13 : memref<!tpu.dma_semaphore, #tpu.memory_space<semaphore_mem>>)
      %dma_wait3A_1816 = arith.constant 15360 : i32
      %dma_wait3A_1817 = tpu.memref_slice %arg7[%dma_wait3A_1816] : memref<25600xi32, #tpu.memory_space<vmem>> -> memref<5120xi32, #tpu.memory_space<vmem>>
      %dma_wait3A_1818 = arith.constant 0 : i32
      %dma_wait3A_1819 = tpu.memref_slice %arg11[%dma_wait3A_1818] : memref<1000064xf32, #tpu.memory_space<vmem_shared>> -> memref<1000064xf32, #tpu.memory_space<vmem_shared>>
      tpu.wait_indirect_dma semaphore(%arg15 : memref<!tpu.dma_semaphore, #tpu.memory_space<semaphore_mem>>) src(%dma_wait3A_1819 : memref<1000064xf32, #tpu.memory_space<vmem_shared>>) dst(%arg10 : memref<5120xf32, #tpu.memory_space<vmem>>)
      %dma_start3A_1820 = arith.constant 40 : i32
      %dma_start3A_1821 = arith.constant 0 : i32
      %dma_start3A_1822 = tpu.memref_slice %arg10[%dma_start3A_1821] : memref<5120xf32, #tpu.memory_space<vmem>> -> memref<1024xf32, #tpu.memory_space<vmem>>
      %dma_start3A_1823 = tpu.memref_slice %arg5[%dma_start3A_1820, %add3A_1049, %mul3A_0] : memref<50x32x16384xf32, #tpu.memory_space<hbm>> -> memref<1x1x1024xf32, #tpu.memory_space<hbm>>
      %dma_start3A_1824 = tpu.memref_squeeze %dma_start3A_1823 : memref<1x1x1024xf32, #tpu.memory_space<hbm>> -> memref<1024xf32, #tpu.memory_space<hbm>>
      %dma_start3A_1825 = tpu.memref_slice %arg5[%dma_start3A_1820, %add3A_1049, %mul3A_0] : memref<50x32x16384xf32, #tpu.memory_space<hbm>> -> memref<1x1x1024xf32, #tpu.memory_space<hbm>>
      %dma_start3A_1826 = tpu.memref_squeeze %dma_start3A_1825 : memref<1x1x1024xf32, #tpu.memory_space<hbm>> -> memref<1024xf32, #tpu.memory_space<hbm>>
      %dma_start3A_1827 = arith.constant 0 : i32
      %dma_start3A_1828 = tpu.memref_slice %arg10[%dma_start3A_1827] : memref<5120xf32, #tpu.memory_space<vmem>> -> memref<1024xf32, #tpu.memory_space<vmem>>
      tpu.enqueue_dma source(%dma_start3A_1828 : memref<1024xf32, #tpu.memory_space<vmem>>) target(%dma_start3A_1826 : memref<1024xf32, #tpu.memory_space<hbm>>) target_semaphore(%arg18 : memref<!tpu.dma_semaphore, #tpu.memory_space<semaphore_mem>>)
      %dma_start3A_1829 = arith.constant 41 : i32
      %dma_start3A_1830 = arith.constant 1024 : i32
      %dma_start3A_1831 = tpu.memref_slice %arg10[%dma_start3A_1830] : memref<5120xf32, #tpu.memory_space<vmem>> -> memref<1024xf32, #tpu.memory_space<vmem>>
      %dma_start3A_1832 = tpu.memref_slice %arg5[%dma_start3A_1829, %add3A_1049, %mul3A_0] : memref<50x32x16384xf32, #tpu.memory_space<hbm>> -> memref<1x1x1024xf32, #tpu.memory_space<hbm>>
      %dma_start3A_1833 = tpu.memref_squeeze %dma_start3A_1832 : memref<1x1x1024xf32, #tpu.memory_space<hbm>> -> memref<1024xf32, #tpu.memory_space<hbm>>
      %dma_start3A_1834 = tpu.memref_slice %arg5[%dma_start3A_1829, %add3A_1049, %mul3A_0] : memref<50x32x16384xf32, #tpu.memory_space<hbm>> -> memref<1x1x1024xf32, #tpu.memory_space<hbm>>
      %dma_start3A_1835 = tpu.memref_squeeze %dma_start3A_1834 : memref<1x1x1024xf32, #tpu.memory_space<hbm>> -> memref<1024xf32, #tpu.memory_space<hbm>>
      %dma_start3A_1836 = arith.constant 1024 : i32
      %dma_start3A_1837 = tpu.memref_slice %arg10[%dma_start3A_1836] : memref<5120xf32, #tpu.memory_space<vmem>> -> memref<1024xf32, #tpu.memory_space<vmem>>
      tpu.enqueue_dma source(%dma_start3A_1837 : memref<1024xf32, #tpu.memory_space<vmem>>) target(%dma_start3A_1835 : memref<1024xf32, #tpu.memory_space<hbm>>) target_semaphore(%arg18 : memref<!tpu.dma_semaphore, #tpu.memory_space<semaphore_mem>>)
      %dma_start3A_1838 = arith.constant 42 : i32
      %dma_start3A_1839 = arith.constant 2048 : i32
      %dma_start3A_1840 = tpu.memref_slice %arg10[%dma_start3A_1839] : memref<5120xf32, #tpu.memory_space<vmem>> -> memref<1024xf32, #tpu.memory_space<vmem>>
      %dma_start3A_1841 = tpu.memref_slice %arg5[%dma_start3A_1838, %add3A_1049, %mul3A_0] : memref<50x32x16384xf32, #tpu.memory_space<hbm>> -> memref<1x1x1024xf32, #tpu.memory_space<hbm>>
      %dma_start3A_1842 = tpu.memref_squeeze %dma_start3A_1841 : memref<1x1x1024xf32, #tpu.memory_space<hbm>> -> memref<1024xf32, #tpu.memory_space<hbm>>
      %dma_start3A_1843 = tpu.memref_slice %arg5[%dma_start3A_1838, %add3A_1049, %mul3A_0] : memref<50x32x16384xf32, #tpu.memory_space<hbm>> -> memref<1x1x1024xf32, #tpu.memory_space<hbm>>
      %dma_start3A_1844 = tpu.memref_squeeze %dma_start3A_1843 : memref<1x1x1024xf32, #tpu.memory_space<hbm>> -> memref<1024xf32, #tpu.memory_space<hbm>>
      %dma_start3A_1845 = arith.constant 2048 : i32
      %dma_start3A_1846 = tpu.memref_slice %arg10[%dma_start3A_1845] : memref<5120xf32, #tpu.memory_space<vmem>> -> memref<1024xf32, #tpu.memory_space<vmem>>
      tpu.enqueue_dma source(%dma_start3A_1846 : memref<1024xf32, #tpu.memory_space<vmem>>) target(%dma_start3A_1844 : memref<1024xf32, #tpu.memory_space<hbm>>) target_semaphore(%arg18 : memref<!tpu.dma_semaphore, #tpu.memory_space<semaphore_mem>>)
      %dma_start3A_1847 = arith.constant 43 : i32
      %dma_start3A_1848 = arith.constant 3072 : i32
      %dma_start3A_1849 = tpu.memref_slice %arg10[%dma_start3A_1848] : memref<5120xf32, #tpu.memory_space<vmem>> -> memref<1024xf32, #tpu.memory_space<vmem>>
      %dma_start3A_1850 = tpu.memref_slice %arg5[%dma_start3A_1847, %add3A_1049, %mul3A_0] : memref<50x32x16384xf32, #tpu.memory_space<hbm>> -> memref<1x1x1024xf32, #tpu.memory_space<hbm>>
      %dma_start3A_1851 = tpu.memref_squeeze %dma_start3A_1850 : memref<1x1x1024xf32, #tpu.memory_space<hbm>> -> memref<1024xf32, #tpu.memory_space<hbm>>
      %dma_start3A_1852 = tpu.memref_slice %arg5[%dma_start3A_1847, %add3A_1049, %mul3A_0] : memref<50x32x16384xf32, #tpu.memory_space<hbm>> -> memref<1x1x1024xf32, #tpu.memory_space<hbm>>
      %dma_start3A_1853 = tpu.memref_squeeze %dma_start3A_1852 : memref<1x1x1024xf32, #tpu.memory_space<hbm>> -> memref<1024xf32, #tpu.memory_space<hbm>>
      %dma_start3A_1854 = arith.constant 3072 : i32
      %dma_start3A_1855 = tpu.memref_slice %arg10[%dma_start3A_1854] : memref<5120xf32, #tpu.memory_space<vmem>> -> memref<1024xf32, #tpu.memory_space<vmem>>
      tpu.enqueue_dma source(%dma_start3A_1855 : memref<1024xf32, #tpu.memory_space<vmem>>) target(%dma_start3A_1853 : memref<1024xf32, #tpu.memory_space<hbm>>) target_semaphore(%arg18 : memref<!tpu.dma_semaphore, #tpu.memory_space<semaphore_mem>>)
      %dma_start3A_1856 = arith.constant 44 : i32
      %dma_start3A_1857 = arith.constant 4096 : i32
      %dma_start3A_1858 = tpu.memref_slice %arg10[%dma_start3A_1857] : memref<5120xf32, #tpu.memory_space<vmem>> -> memref<1024xf32, #tpu.memory_space<vmem>>
      %dma_start3A_1859 = tpu.memref_slice %arg5[%dma_start3A_1856, %add3A_1049, %mul3A_0] : memref<50x32x16384xf32, #tpu.memory_space<hbm>> -> memref<1x1x1024xf32, #tpu.memory_space<hbm>>
      %dma_start3A_1860 = tpu.memref_squeeze %dma_start3A_1859 : memref<1x1x1024xf32, #tpu.memory_space<hbm>> -> memref<1024xf32, #tpu.memory_space<hbm>>
      %dma_start3A_1861 = tpu.memref_slice %arg5[%dma_start3A_1856, %add3A_1049, %mul3A_0] : memref<50x32x16384xf32, #tpu.memory_space<hbm>> -> memref<1x1x1024xf32, #tpu.memory_space<hbm>>
      %dma_start3A_1862 = tpu.memref_squeeze %dma_start3A_1861 : memref<1x1x1024xf32, #tpu.memory_space<hbm>> -> memref<1024xf32, #tpu.memory_space<hbm>>
      %dma_start3A_1863 = arith.constant 4096 : i32
      %dma_start3A_1864 = tpu.memref_slice %arg10[%dma_start3A_1863] : memref<5120xf32, #tpu.memory_space<vmem>> -> memref<1024xf32, #tpu.memory_space<vmem>>
      tpu.enqueue_dma source(%dma_start3A_1864 : memref<1024xf32, #tpu.memory_space<vmem>>) target(%dma_start3A_1862 : memref<1024xf32, #tpu.memory_space<hbm>>) target_semaphore(%arg18 : memref<!tpu.dma_semaphore, #tpu.memory_space<semaphore_mem>>)
      %dma_wait3A_1865 = arith.constant 20480 : i32
      %dma_wait3A_1866 = tpu.memref_slice %arg7[%dma_wait3A_1865] : memref<25600xi32, #tpu.memory_space<vmem>> -> memref<5120xi32, #tpu.memory_space<vmem>>
      %dma_wait3A_1867 = arith.constant 0 : i32
      %dma_wait3A_1868 = tpu.memref_slice %arg11[%dma_wait3A_1867] : memref<1000064xf32, #tpu.memory_space<vmem_shared>> -> memref<1000064xf32, #tpu.memory_space<vmem_shared>>
      tpu.wait_indirect_dma semaphore(%arg13 : memref<!tpu.dma_semaphore, #tpu.memory_space<semaphore_mem>>) src(%dma_wait3A_1868 : memref<1000064xf32, #tpu.memory_space<vmem_shared>>) dst(%arg8 : memref<5120xf32, #tpu.memory_space<vmem>>)
      %dma_start3A_1869 = arith.constant 45 : i32
      %dma_start3A_1870 = arith.constant 0 : i32
      %dma_start3A_1871 = tpu.memref_slice %arg8[%dma_start3A_1870] : memref<5120xf32, #tpu.memory_space<vmem>> -> memref<1024xf32, #tpu.memory_space<vmem>>
      %dma_start3A_1872 = tpu.memref_slice %arg5[%dma_start3A_1869, %add3A_1049, %mul3A_0] : memref<50x32x16384xf32, #tpu.memory_space<hbm>> -> memref<1x1x1024xf32, #tpu.memory_space<hbm>>
      %dma_start3A_1873 = tpu.memref_squeeze %dma_start3A_1872 : memref<1x1x1024xf32, #tpu.memory_space<hbm>> -> memref<1024xf32, #tpu.memory_space<hbm>>
      %dma_start3A_1874 = tpu.memref_slice %arg5[%dma_start3A_1869, %add3A_1049, %mul3A_0] : memref<50x32x16384xf32, #tpu.memory_space<hbm>> -> memref<1x1x1024xf32, #tpu.memory_space<hbm>>
      %dma_start3A_1875 = tpu.memref_squeeze %dma_start3A_1874 : memref<1x1x1024xf32, #tpu.memory_space<hbm>> -> memref<1024xf32, #tpu.memory_space<hbm>>
      %dma_start3A_1876 = arith.constant 0 : i32
      %dma_start3A_1877 = tpu.memref_slice %arg8[%dma_start3A_1876] : memref<5120xf32, #tpu.memory_space<vmem>> -> memref<1024xf32, #tpu.memory_space<vmem>>
      tpu.enqueue_dma source(%dma_start3A_1877 : memref<1024xf32, #tpu.memory_space<vmem>>) target(%dma_start3A_1875 : memref<1024xf32, #tpu.memory_space<hbm>>) target_semaphore(%arg16 : memref<!tpu.dma_semaphore, #tpu.memory_space<semaphore_mem>>)
      %dma_start3A_1878 = arith.constant 46 : i32
      %dma_start3A_1879 = arith.constant 1024 : i32
      %dma_start3A_1880 = tpu.memref_slice %arg8[%dma_start3A_1879] : memref<5120xf32, #tpu.memory_space<vmem>> -> memref<1024xf32, #tpu.memory_space<vmem>>
      %dma_start3A_1881 = tpu.memref_slice %arg5[%dma_start3A_1878, %add3A_1049, %mul3A_0] : memref<50x32x16384xf32, #tpu.memory_space<hbm>> -> memref<1x1x1024xf32, #tpu.memory_space<hbm>>
      %dma_start3A_1882 = tpu.memref_squeeze %dma_start3A_1881 : memref<1x1x1024xf32, #tpu.memory_space<hbm>> -> memref<1024xf32, #tpu.memory_space<hbm>>
      %dma_start3A_1883 = tpu.memref_slice %arg5[%dma_start3A_1878, %add3A_1049, %mul3A_0] : memref<50x32x16384xf32, #tpu.memory_space<hbm>> -> memref<1x1x1024xf32, #tpu.memory_space<hbm>>
      %dma_start3A_1884 = tpu.memref_squeeze %dma_start3A_1883 : memref<1x1x1024xf32, #tpu.memory_space<hbm>> -> memref<1024xf32, #tpu.memory_space<hbm>>
      %dma_start3A_1885 = arith.constant 1024 : i32
      %dma_start3A_1886 = tpu.memref_slice %arg8[%dma_start3A_1885] : memref<5120xf32, #tpu.memory_space<vmem>> -> memref<1024xf32, #tpu.memory_space<vmem>>
      tpu.enqueue_dma source(%dma_start3A_1886 : memref<1024xf32, #tpu.memory_space<vmem>>) target(%dma_start3A_1884 : memref<1024xf32, #tpu.memory_space<hbm>>) target_semaphore(%arg16 : memref<!tpu.dma_semaphore, #tpu.memory_space<semaphore_mem>>)
      %dma_start3A_1887 = arith.constant 47 : i32
      %dma_start3A_1888 = arith.constant 2048 : i32
      %dma_start3A_1889 = tpu.memref_slice %arg8[%dma_start3A_1888] : memref<5120xf32, #tpu.memory_space<vmem>> -> memref<1024xf32, #tpu.memory_space<vmem>>
      %dma_start3A_1890 = tpu.memref_slice %arg5[%dma_start3A_1887, %add3A_1049, %mul3A_0] : memref<50x32x16384xf32, #tpu.memory_space<hbm>> -> memref<1x1x1024xf32, #tpu.memory_space<hbm>>
      %dma_start3A_1891 = tpu.memref_squeeze %dma_start3A_1890 : memref<1x1x1024xf32, #tpu.memory_space<hbm>> -> memref<1024xf32, #tpu.memory_space<hbm>>
      %dma_start3A_1892 = tpu.memref_slice %arg5[%dma_start3A_1887, %add3A_1049, %mul3A_0] : memref<50x32x16384xf32, #tpu.memory_space<hbm>> -> memref<1x1x1024xf32, #tpu.memory_space<hbm>>
      %dma_start3A_1893 = tpu.memref_squeeze %dma_start3A_1892 : memref<1x1x1024xf32, #tpu.memory_space<hbm>> -> memref<1024xf32, #tpu.memory_space<hbm>>
      %dma_start3A_1894 = arith.constant 2048 : i32
      %dma_start3A_1895 = tpu.memref_slice %arg8[%dma_start3A_1894] : memref<5120xf32, #tpu.memory_space<vmem>> -> memref<1024xf32, #tpu.memory_space<vmem>>
      tpu.enqueue_dma source(%dma_start3A_1895 : memref<1024xf32, #tpu.memory_space<vmem>>) target(%dma_start3A_1893 : memref<1024xf32, #tpu.memory_space<hbm>>) target_semaphore(%arg16 : memref<!tpu.dma_semaphore, #tpu.memory_space<semaphore_mem>>)
      %dma_start3A_1896 = arith.constant 48 : i32
      %dma_start3A_1897 = arith.constant 3072 : i32
      %dma_start3A_1898 = tpu.memref_slice %arg8[%dma_start3A_1897] : memref<5120xf32, #tpu.memory_space<vmem>> -> memref<1024xf32, #tpu.memory_space<vmem>>
      %dma_start3A_1899 = tpu.memref_slice %arg5[%dma_start3A_1896, %add3A_1049, %mul3A_0] : memref<50x32x16384xf32, #tpu.memory_space<hbm>> -> memref<1x1x1024xf32, #tpu.memory_space<hbm>>
      %dma_start3A_1900 = tpu.memref_squeeze %dma_start3A_1899 : memref<1x1x1024xf32, #tpu.memory_space<hbm>> -> memref<1024xf32, #tpu.memory_space<hbm>>
      %dma_start3A_1901 = tpu.memref_slice %arg5[%dma_start3A_1896, %add3A_1049, %mul3A_0] : memref<50x32x16384xf32, #tpu.memory_space<hbm>> -> memref<1x1x1024xf32, #tpu.memory_space<hbm>>
      %dma_start3A_1902 = tpu.memref_squeeze %dma_start3A_1901 : memref<1x1x1024xf32, #tpu.memory_space<hbm>> -> memref<1024xf32, #tpu.memory_space<hbm>>
      %dma_start3A_1903 = arith.constant 3072 : i32
      %dma_start3A_1904 = tpu.memref_slice %arg8[%dma_start3A_1903] : memref<5120xf32, #tpu.memory_space<vmem>> -> memref<1024xf32, #tpu.memory_space<vmem>>
      tpu.enqueue_dma source(%dma_start3A_1904 : memref<1024xf32, #tpu.memory_space<vmem>>) target(%dma_start3A_1902 : memref<1024xf32, #tpu.memory_space<hbm>>) target_semaphore(%arg16 : memref<!tpu.dma_semaphore, #tpu.memory_space<semaphore_mem>>)
      %dma_start3A_1905 = arith.constant 49 : i32
      %dma_start3A_1906 = arith.constant 4096 : i32
      %dma_start3A_1907 = tpu.memref_slice %arg8[%dma_start3A_1906] : memref<5120xf32, #tpu.memory_space<vmem>> -> memref<1024xf32, #tpu.memory_space<vmem>>
      %dma_start3A_1908 = tpu.memref_slice %arg5[%dma_start3A_1905, %add3A_1049, %mul3A_0] : memref<50x32x16384xf32, #tpu.memory_space<hbm>> -> memref<1x1x1024xf32, #tpu.memory_space<hbm>>
      %dma_start3A_1909 = tpu.memref_squeeze %dma_start3A_1908 : memref<1x1x1024xf32, #tpu.memory_space<hbm>> -> memref<1024xf32, #tpu.memory_space<hbm>>
      %dma_start3A_1910 = tpu.memref_slice %arg5[%dma_start3A_1905, %add3A_1049, %mul3A_0] : memref<50x32x16384xf32, #tpu.memory_space<hbm>> -> memref<1x1x1024xf32, #tpu.memory_space<hbm>>
      %dma_start3A_1911 = tpu.memref_squeeze %dma_start3A_1910 : memref<1x1x1024xf32, #tpu.memory_space<hbm>> -> memref<1024xf32, #tpu.memory_space<hbm>>
      %dma_start3A_1912 = arith.constant 4096 : i32
      %dma_start3A_1913 = tpu.memref_slice %arg8[%dma_start3A_1912] : memref<5120xf32, #tpu.memory_space<vmem>> -> memref<1024xf32, #tpu.memory_space<vmem>>
      tpu.enqueue_dma source(%dma_start3A_1913 : memref<1024xf32, #tpu.memory_space<vmem>>) target(%dma_start3A_1911 : memref<1024xf32, #tpu.memory_space<hbm>>) target_semaphore(%arg16 : memref<!tpu.dma_semaphore, #tpu.memory_space<semaphore_mem>>)
      %barrier3A_1914 = arith.constant 0 : index
      tpu.barrier barrier_id(%barrier3A_1914)
      %eq3A_1915 = arith.constant 0 : i32
      %eq3A_1916 = arith.cmpi eq, %arg1, %eq3A_1915 : i32
      %add3A_1917 = arith.constant 1 : i32
      %add3A_1918 = arith.addi %add3A_1048, %add3A_1917 : i32
      %lt3A = arith.constant 16 : i32
      %lt3A_1919 = arith.cmpi slt, %add3A_1918, %lt3A : i32
      %and3A = arith.andi %eq3A_1916, %lt3A_1919 : i1
      %convert_element_type3A_1920 = arith.extui %and3A : i1 to i32
      %cond3A_1921 = arith.constant 0 : i32
      %cond3A_1922 = arith.cmpi ne, %convert_element_type3A_1920, %cond3A_1921 : i32
      scf.if %cond3A_1922 {
        %add3A_1923 = arith.constant 1 : i32
        %add3A_1924 = arith.addi %add3A_1049, %add3A_1923 : i32
        %dma_start3A_1925 = arith.constant 0 : i32
        %dma_start3A_1926 = tpu.memref_slice %arg11[%dma_start3A_1925] : memref<1000064xf32, #tpu.memory_space<vmem_shared>> -> memref<999936xf32, #tpu.memory_space<vmem_shared>>
        %dma_start3A_1927 = arith.constant 0 : i32
        %dma_start3A_1928 = tpu.memref_slice %arg3[%add3A_1924, %dma_start3A_1927] : memref<32x1000000xf32, #tpu.memory_space<hbm>> -> memref<1x999936xf32, #tpu.memory_space<hbm>>
        %dma_start3A_1929 = tpu.memref_squeeze %dma_start3A_1928 : memref<1x999936xf32, #tpu.memory_space<hbm>> -> memref<999936xf32, #tpu.memory_space<hbm>>
        tpu.enqueue_dma source(%dma_start3A_1929 : memref<999936xf32, #tpu.memory_space<hbm>>) target(%dma_start3A_1926 : memref<999936xf32, #tpu.memory_space<vmem_shared>>) target_semaphore(%arg12 : memref<!tpu.dma_semaphore, #tpu.memory_space<semaphore_mem>>)
        %dma_start3A_1930 = arith.constant 999936 : i32
        %dma_start3A_1931 = tpu.memref_slice %arg11[%dma_start3A_1930] : memref<1000064xf32, #tpu.memory_space<vmem_shared>> -> memref<128xf32, #tpu.memory_space<vmem_shared>>
        %dma_start3A_1932 = arith.constant 0 : i32
        %dma_start3A_1933 = tpu.memref_slice %arg4[%add3A_1924, %dma_start3A_1932] : memref<32x128xf32, #tpu.memory_space<hbm>> -> memref<1x128xf32, #tpu.memory_space<hbm>>
        %dma_start3A_1934 = tpu.memref_squeeze %dma_start3A_1933 : memref<1x128xf32, #tpu.memory_space<hbm>> -> memref<128xf32, #tpu.memory_space<hbm>>
        tpu.enqueue_dma source(%dma_start3A_1934 : memref<128xf32, #tpu.memory_space<hbm>>) target(%dma_start3A_1931 : memref<128xf32, #tpu.memory_space<vmem_shared>>) target_semaphore(%arg12 : memref<!tpu.dma_semaphore, #tpu.memory_space<semaphore_mem>>)
      } else {
      }
    }
    %scan3A_906 = arith.constant 16 : i32
    %add3A = arith.constant 16 : i32
    %add3A_907 = arith.addi %mul3A_2, %add3A : i32
    %sub3A = arith.constant 1 : i32
    %sub3A_908 = arith.subi %add3A_907, %sub3A : i32
    %dma_wait3A_909 = arith.constant 35 : i32
    %dma_wait3A_910 = arith.constant 0 : i32
    %dma_wait3A_911 = tpu.memref_slice %arg9[%dma_wait3A_910] : memref<5120xf32, #tpu.memory_space<vmem>> -> memref<1024xf32, #tpu.memory_space<vmem>>
    %dma_wait3A_912 = tpu.memref_slice %arg5[%dma_wait3A_909, %sub3A_908, %mul3A_0] : memref<50x32x16384xf32, #tpu.memory_space<hbm>> -> memref<1x1x1024xf32, #tpu.memory_space<hbm>>
    %dma_wait3A_913 = tpu.memref_squeeze %dma_wait3A_912 : memref<1x1x1024xf32, #tpu.memory_space<hbm>> -> memref<1024xf32, #tpu.memory_space<hbm>>
    %dma_wait3A_914 = tpu.memref_slice %arg5[%dma_wait3A_909, %sub3A_908, %mul3A_0] : memref<50x32x16384xf32, #tpu.memory_space<hbm>> -> memref<1x1x1024xf32, #tpu.memory_space<hbm>>
    %dma_wait3A_915 = tpu.memref_squeeze %dma_wait3A_914 : memref<1x1x1024xf32, #tpu.memory_space<hbm>> -> memref<1024xf32, #tpu.memory_space<hbm>>
    %dma_wait3A_916 = arith.constant 0 : i32
    %dma_wait3A_917 = tpu.memref_slice %arg9[%dma_wait3A_916] : memref<5120xf32, #tpu.memory_space<vmem>> -> memref<1024xf32, #tpu.memory_space<vmem>>
    tpu.wait_dma2 semaphore(%arg17 : memref<!tpu.dma_semaphore, #tpu.memory_space<semaphore_mem>>) src(%dma_wait3A_917 : memref<1024xf32, #tpu.memory_space<vmem>>) dst(%dma_wait3A_915 : memref<1024xf32, #tpu.memory_space<hbm>>)
    %dma_wait3A_918 = arith.constant 36 : i32
    %dma_wait3A_919 = arith.constant 1024 : i32
    %dma_wait3A_920 = tpu.memref_slice %arg9[%dma_wait3A_919] : memref<5120xf32, #tpu.memory_space<vmem>> -> memref<1024xf32, #tpu.memory_space<vmem>>
    %dma_wait3A_921 = tpu.memref_slice %arg5[%dma_wait3A_918, %sub3A_908, %mul3A_0] : memref<50x32x16384xf32, #tpu.memory_space<hbm>> -> memref<1x1x1024xf32, #tpu.memory_space<hbm>>
    %dma_wait3A_922 = tpu.memref_squeeze %dma_wait3A_921 : memref<1x1x1024xf32, #tpu.memory_space<hbm>> -> memref<1024xf32, #tpu.memory_space<hbm>>
    %dma_wait3A_923 = tpu.memref_slice %arg5[%dma_wait3A_918, %sub3A_908, %mul3A_0] : memref<50x32x16384xf32, #tpu.memory_space<hbm>> -> memref<1x1x1024xf32, #tpu.memory_space<hbm>>
    %dma_wait3A_924 = tpu.memref_squeeze %dma_wait3A_923 : memref<1x1x1024xf32, #tpu.memory_space<hbm>> -> memref<1024xf32, #tpu.memory_space<hbm>>
    %dma_wait3A_925 = arith.constant 1024 : i32
    %dma_wait3A_926 = tpu.memref_slice %arg9[%dma_wait3A_925] : memref<5120xf32, #tpu.memory_space<vmem>> -> memref<1024xf32, #tpu.memory_space<vmem>>
    tpu.wait_dma2 semaphore(%arg17 : memref<!tpu.dma_semaphore, #tpu.memory_space<semaphore_mem>>) src(%dma_wait3A_926 : memref<1024xf32, #tpu.memory_space<vmem>>) dst(%dma_wait3A_924 : memref<1024xf32, #tpu.memory_space<hbm>>)
    %dma_wait3A_927 = arith.constant 37 : i32
    %dma_wait3A_928 = arith.constant 2048 : i32
    %dma_wait3A_929 = tpu.memref_slice %arg9[%dma_wait3A_928] : memref<5120xf32, #tpu.memory_space<vmem>> -> memref<1024xf32, #tpu.memory_space<vmem>>
    %dma_wait3A_930 = tpu.memref_slice %arg5[%dma_wait3A_927, %sub3A_908, %mul3A_0] : memref<50x32x16384xf32, #tpu.memory_space<hbm>> -> memref<1x1x1024xf32, #tpu.memory_space<hbm>>
    %dma_wait3A_931 = tpu.memref_squeeze %dma_wait3A_930 : memref<1x1x1024xf32, #tpu.memory_space<hbm>> -> memref<1024xf32, #tpu.memory_space<hbm>>
    %dma_wait3A_932 = tpu.memref_slice %arg5[%dma_wait3A_927, %sub3A_908, %mul3A_0] : memref<50x32x16384xf32, #tpu.memory_space<hbm>> -> memref<1x1x1024xf32, #tpu.memory_space<hbm>>
    %dma_wait3A_933 = tpu.memref_squeeze %dma_wait3A_932 : memref<1x1x1024xf32, #tpu.memory_space<hbm>> -> memref<1024xf32, #tpu.memory_space<hbm>>
    %dma_wait3A_934 = arith.constant 2048 : i32
    %dma_wait3A_935 = tpu.memref_slice %arg9[%dma_wait3A_934] : memref<5120xf32, #tpu.memory_space<vmem>> -> memref<1024xf32, #tpu.memory_space<vmem>>
    tpu.wait_dma2 semaphore(%arg17 : memref<!tpu.dma_semaphore, #tpu.memory_space<semaphore_mem>>) src(%dma_wait3A_935 : memref<1024xf32, #tpu.memory_space<vmem>>) dst(%dma_wait3A_933 : memref<1024xf32, #tpu.memory_space<hbm>>)
    %dma_wait3A_936 = arith.constant 38 : i32
    %dma_wait3A_937 = arith.constant 3072 : i32
    %dma_wait3A_938 = tpu.memref_slice %arg9[%dma_wait3A_937] : memref<5120xf32, #tpu.memory_space<vmem>> -> memref<1024xf32, #tpu.memory_space<vmem>>
    %dma_wait3A_939 = tpu.memref_slice %arg5[%dma_wait3A_936, %sub3A_908, %mul3A_0] : memref<50x32x16384xf32, #tpu.memory_space<hbm>> -> memref<1x1x1024xf32, #tpu.memory_space<hbm>>
    %dma_wait3A_940 = tpu.memref_squeeze %dma_wait3A_939 : memref<1x1x1024xf32, #tpu.memory_space<hbm>> -> memref<1024xf32, #tpu.memory_space<hbm>>
    %dma_wait3A_941 = tpu.memref_slice %arg5[%dma_wait3A_936, %sub3A_908, %mul3A_0] : memref<50x32x16384xf32, #tpu.memory_space<hbm>> -> memref<1x1x1024xf32, #tpu.memory_space<hbm>>
    %dma_wait3A_942 = tpu.memref_squeeze %dma_wait3A_941 : memref<1x1x1024xf32, #tpu.memory_space<hbm>> -> memref<1024xf32, #tpu.memory_space<hbm>>
    %dma_wait3A_943 = arith.constant 3072 : i32
    %dma_wait3A_944 = tpu.memref_slice %arg9[%dma_wait3A_943] : memref<5120xf32, #tpu.memory_space<vmem>> -> memref<1024xf32, #tpu.memory_space<vmem>>
    tpu.wait_dma2 semaphore(%arg17 : memref<!tpu.dma_semaphore, #tpu.memory_space<semaphore_mem>>) src(%dma_wait3A_944 : memref<1024xf32, #tpu.memory_space<vmem>>) dst(%dma_wait3A_942 : memref<1024xf32, #tpu.memory_space<hbm>>)
    %dma_wait3A_945 = arith.constant 39 : i32
    %dma_wait3A_946 = arith.constant 4096 : i32
    %dma_wait3A_947 = tpu.memref_slice %arg9[%dma_wait3A_946] : memref<5120xf32, #tpu.memory_space<vmem>> -> memref<1024xf32, #tpu.memory_space<vmem>>
    %dma_wait3A_948 = tpu.memref_slice %arg5[%dma_wait3A_945, %sub3A_908, %mul3A_0] : memref<50x32x16384xf32, #tpu.memory_space<hbm>> -> memref<1x1x1024xf32, #tpu.memory_space<hbm>>
    %dma_wait3A_949 = tpu.memref_squeeze %dma_wait3A_948 : memref<1x1x1024xf32, #tpu.memory_space<hbm>> -> memref<1024xf32, #tpu.memory_space<hbm>>
    %dma_wait3A_950 = tpu.memref_slice %arg5[%dma_wait3A_945, %sub3A_908, %mul3A_0] : memref<50x32x16384xf32, #tpu.memory_space<hbm>> -> memref<1x1x1024xf32, #tpu.memory_space<hbm>>
    %dma_wait3A_951 = tpu.memref_squeeze %dma_wait3A_950 : memref<1x1x1024xf32, #tpu.memory_space<hbm>> -> memref<1024xf32, #tpu.memory_space<hbm>>
    %dma_wait3A_952 = arith.constant 4096 : i32
    %dma_wait3A_953 = tpu.memref_slice %arg9[%dma_wait3A_952] : memref<5120xf32, #tpu.memory_space<vmem>> -> memref<1024xf32, #tpu.memory_space<vmem>>
    tpu.wait_dma2 semaphore(%arg17 : memref<!tpu.dma_semaphore, #tpu.memory_space<semaphore_mem>>) src(%dma_wait3A_953 : memref<1024xf32, #tpu.memory_space<vmem>>) dst(%dma_wait3A_951 : memref<1024xf32, #tpu.memory_space<hbm>>)
    %dma_wait3A_954 = arith.constant 40 : i32
    %dma_wait3A_955 = arith.constant 0 : i32
    %dma_wait3A_956 = tpu.memref_slice %arg10[%dma_wait3A_955] : memref<5120xf32, #tpu.memory_space<vmem>> -> memref<1024xf32, #tpu.memory_space<vmem>>
    %dma_wait3A_957 = tpu.memref_slice %arg5[%dma_wait3A_954, %sub3A_908, %mul3A_0] : memref<50x32x16384xf32, #tpu.memory_space<hbm>> -> memref<1x1x1024xf32, #tpu.memory_space<hbm>>
    %dma_wait3A_958 = tpu.memref_squeeze %dma_wait3A_957 : memref<1x1x1024xf32, #tpu.memory_space<hbm>> -> memref<1024xf32, #tpu.memory_space<hbm>>
    %dma_wait3A_959 = tpu.memref_slice %arg5[%dma_wait3A_954, %sub3A_908, %mul3A_0] : memref<50x32x16384xf32, #tpu.memory_space<hbm>> -> memref<1x1x1024xf32, #tpu.memory_space<hbm>>
    %dma_wait3A_960 = tpu.memref_squeeze %dma_wait3A_959 : memref<1x1x1024xf32, #tpu.memory_space<hbm>> -> memref<1024xf32, #tpu.memory_space<hbm>>
    %dma_wait3A_961 = arith.constant 0 : i32
    %dma_wait3A_962 = tpu.memref_slice %arg10[%dma_wait3A_961] : memref<5120xf32, #tpu.memory_space<vmem>> -> memref<1024xf32, #tpu.memory_space<vmem>>
    tpu.wait_dma2 semaphore(%arg18 : memref<!tpu.dma_semaphore, #tpu.memory_space<semaphore_mem>>) src(%dma_wait3A_962 : memref<1024xf32, #tpu.memory_space<vmem>>) dst(%dma_wait3A_960 : memref<1024xf32, #tpu.memory_space<hbm>>)
    %dma_wait3A_963 = arith.constant 41 : i32
    %dma_wait3A_964 = arith.constant 1024 : i32
    %dma_wait3A_965 = tpu.memref_slice %arg10[%dma_wait3A_964] : memref<5120xf32, #tpu.memory_space<vmem>> -> memref<1024xf32, #tpu.memory_space<vmem>>
    %dma_wait3A_966 = tpu.memref_slice %arg5[%dma_wait3A_963, %sub3A_908, %mul3A_0] : memref<50x32x16384xf32, #tpu.memory_space<hbm>> -> memref<1x1x1024xf32, #tpu.memory_space<hbm>>
    %dma_wait3A_967 = tpu.memref_squeeze %dma_wait3A_966 : memref<1x1x1024xf32, #tpu.memory_space<hbm>> -> memref<1024xf32, #tpu.memory_space<hbm>>
    %dma_wait3A_968 = tpu.memref_slice %arg5[%dma_wait3A_963, %sub3A_908, %mul3A_0] : memref<50x32x16384xf32, #tpu.memory_space<hbm>> -> memref<1x1x1024xf32, #tpu.memory_space<hbm>>
    %dma_wait3A_969 = tpu.memref_squeeze %dma_wait3A_968 : memref<1x1x1024xf32, #tpu.memory_space<hbm>> -> memref<1024xf32, #tpu.memory_space<hbm>>
    %dma_wait3A_970 = arith.constant 1024 : i32
    %dma_wait3A_971 = tpu.memref_slice %arg10[%dma_wait3A_970] : memref<5120xf32, #tpu.memory_space<vmem>> -> memref<1024xf32, #tpu.memory_space<vmem>>
    tpu.wait_dma2 semaphore(%arg18 : memref<!tpu.dma_semaphore, #tpu.memory_space<semaphore_mem>>) src(%dma_wait3A_971 : memref<1024xf32, #tpu.memory_space<vmem>>) dst(%dma_wait3A_969 : memref<1024xf32, #tpu.memory_space<hbm>>)
    %dma_wait3A_972 = arith.constant 42 : i32
    %dma_wait3A_973 = arith.constant 2048 : i32
    %dma_wait3A_974 = tpu.memref_slice %arg10[%dma_wait3A_973] : memref<5120xf32, #tpu.memory_space<vmem>> -> memref<1024xf32, #tpu.memory_space<vmem>>
    %dma_wait3A_975 = tpu.memref_slice %arg5[%dma_wait3A_972, %sub3A_908, %mul3A_0] : memref<50x32x16384xf32, #tpu.memory_space<hbm>> -> memref<1x1x1024xf32, #tpu.memory_space<hbm>>
    %dma_wait3A_976 = tpu.memref_squeeze %dma_wait3A_975 : memref<1x1x1024xf32, #tpu.memory_space<hbm>> -> memref<1024xf32, #tpu.memory_space<hbm>>
    %dma_wait3A_977 = tpu.memref_slice %arg5[%dma_wait3A_972, %sub3A_908, %mul3A_0] : memref<50x32x16384xf32, #tpu.memory_space<hbm>> -> memref<1x1x1024xf32, #tpu.memory_space<hbm>>
    %dma_wait3A_978 = tpu.memref_squeeze %dma_wait3A_977 : memref<1x1x1024xf32, #tpu.memory_space<hbm>> -> memref<1024xf32, #tpu.memory_space<hbm>>
    %dma_wait3A_979 = arith.constant 2048 : i32
    %dma_wait3A_980 = tpu.memref_slice %arg10[%dma_wait3A_979] : memref<5120xf32, #tpu.memory_space<vmem>> -> memref<1024xf32, #tpu.memory_space<vmem>>
    tpu.wait_dma2 semaphore(%arg18 : memref<!tpu.dma_semaphore, #tpu.memory_space<semaphore_mem>>) src(%dma_wait3A_980 : memref<1024xf32, #tpu.memory_space<vmem>>) dst(%dma_wait3A_978 : memref<1024xf32, #tpu.memory_space<hbm>>)
    %dma_wait3A_981 = arith.constant 43 : i32
    %dma_wait3A_982 = arith.constant 3072 : i32
    %dma_wait3A_983 = tpu.memref_slice %arg10[%dma_wait3A_982] : memref<5120xf32, #tpu.memory_space<vmem>> -> memref<1024xf32, #tpu.memory_space<vmem>>
    %dma_wait3A_984 = tpu.memref_slice %arg5[%dma_wait3A_981, %sub3A_908, %mul3A_0] : memref<50x32x16384xf32, #tpu.memory_space<hbm>> -> memref<1x1x1024xf32, #tpu.memory_space<hbm>>
    %dma_wait3A_985 = tpu.memref_squeeze %dma_wait3A_984 : memref<1x1x1024xf32, #tpu.memory_space<hbm>> -> memref<1024xf32, #tpu.memory_space<hbm>>
    %dma_wait3A_986 = tpu.memref_slice %arg5[%dma_wait3A_981, %sub3A_908, %mul3A_0] : memref<50x32x16384xf32, #tpu.memory_space<hbm>> -> memref<1x1x1024xf32, #tpu.memory_space<hbm>>
    %dma_wait3A_987 = tpu.memref_squeeze %dma_wait3A_986 : memref<1x1x1024xf32, #tpu.memory_space<hbm>> -> memref<1024xf32, #tpu.memory_space<hbm>>
    %dma_wait3A_988 = arith.constant 3072 : i32
    %dma_wait3A_989 = tpu.memref_slice %arg10[%dma_wait3A_988] : memref<5120xf32, #tpu.memory_space<vmem>> -> memref<1024xf32, #tpu.memory_space<vmem>>
    tpu.wait_dma2 semaphore(%arg18 : memref<!tpu.dma_semaphore, #tpu.memory_space<semaphore_mem>>) src(%dma_wait3A_989 : memref<1024xf32, #tpu.memory_space<vmem>>) dst(%dma_wait3A_987 : memref<1024xf32, #tpu.memory_space<hbm>>)
    %dma_wait3A_990 = arith.constant 44 : i32
    %dma_wait3A_991 = arith.constant 4096 : i32
    %dma_wait3A_992 = tpu.memref_slice %arg10[%dma_wait3A_991] : memref<5120xf32, #tpu.memory_space<vmem>> -> memref<1024xf32, #tpu.memory_space<vmem>>
    %dma_wait3A_993 = tpu.memref_slice %arg5[%dma_wait3A_990, %sub3A_908, %mul3A_0] : memref<50x32x16384xf32, #tpu.memory_space<hbm>> -> memref<1x1x1024xf32, #tpu.memory_space<hbm>>
    %dma_wait3A_994 = tpu.memref_squeeze %dma_wait3A_993 : memref<1x1x1024xf32, #tpu.memory_space<hbm>> -> memref<1024xf32, #tpu.memory_space<hbm>>
    %dma_wait3A_995 = tpu.memref_slice %arg5[%dma_wait3A_990, %sub3A_908, %mul3A_0] : memref<50x32x16384xf32, #tpu.memory_space<hbm>> -> memref<1x1x1024xf32, #tpu.memory_space<hbm>>
    %dma_wait3A_996 = tpu.memref_squeeze %dma_wait3A_995 : memref<1x1x1024xf32, #tpu.memory_space<hbm>> -> memref<1024xf32, #tpu.memory_space<hbm>>
    %dma_wait3A_997 = arith.constant 4096 : i32
    %dma_wait3A_998 = tpu.memref_slice %arg10[%dma_wait3A_997] : memref<5120xf32, #tpu.memory_space<vmem>> -> memref<1024xf32, #tpu.memory_space<vmem>>
    tpu.wait_dma2 semaphore(%arg18 : memref<!tpu.dma_semaphore, #tpu.memory_space<semaphore_mem>>) src(%dma_wait3A_998 : memref<1024xf32, #tpu.memory_space<vmem>>) dst(%dma_wait3A_996 : memref<1024xf32, #tpu.memory_space<hbm>>)
    %dma_wait3A_999 = arith.constant 45 : i32
    %dma_wait3A_1000 = arith.constant 0 : i32
    %dma_wait3A_1001 = tpu.memref_slice %arg8[%dma_wait3A_1000] : memref<5120xf32, #tpu.memory_space<vmem>> -> memref<1024xf32, #tpu.memory_space<vmem>>
    %dma_wait3A_1002 = tpu.memref_slice %arg5[%dma_wait3A_999, %sub3A_908, %mul3A_0] : memref<50x32x16384xf32, #tpu.memory_space<hbm>> -> memref<1x1x1024xf32, #tpu.memory_space<hbm>>
    %dma_wait3A_1003 = tpu.memref_squeeze %dma_wait3A_1002 : memref<1x1x1024xf32, #tpu.memory_space<hbm>> -> memref<1024xf32, #tpu.memory_space<hbm>>
    %dma_wait3A_1004 = tpu.memref_slice %arg5[%dma_wait3A_999, %sub3A_908, %mul3A_0] : memref<50x32x16384xf32, #tpu.memory_space<hbm>> -> memref<1x1x1024xf32, #tpu.memory_space<hbm>>
    %dma_wait3A_1005 = tpu.memref_squeeze %dma_wait3A_1004 : memref<1x1x1024xf32, #tpu.memory_space<hbm>> -> memref<1024xf32, #tpu.memory_space<hbm>>
    %dma_wait3A_1006 = arith.constant 0 : i32
    %dma_wait3A_1007 = tpu.memref_slice %arg8[%dma_wait3A_1006] : memref<5120xf32, #tpu.memory_space<vmem>> -> memref<1024xf32, #tpu.memory_space<vmem>>
    tpu.wait_dma2 semaphore(%arg16 : memref<!tpu.dma_semaphore, #tpu.memory_space<semaphore_mem>>) src(%dma_wait3A_1007 : memref<1024xf32, #tpu.memory_space<vmem>>) dst(%dma_wait3A_1005 : memref<1024xf32, #tpu.memory_space<hbm>>)
    %dma_wait3A_1008 = arith.constant 46 : i32
    %dma_wait3A_1009 = arith.constant 1024 : i32
    %dma_wait3A_1010 = tpu.memref_slice %arg8[%dma_wait3A_1009] : memref<5120xf32, #tpu.memory_space<vmem>> -> memref<1024xf32, #tpu.memory_space<vmem>>
    %dma_wait3A_1011 = tpu.memref_slice %arg5[%dma_wait3A_1008, %sub3A_908, %mul3A_0] : memref<50x32x16384xf32, #tpu.memory_space<hbm>> -> memref<1x1x1024xf32, #tpu.memory_space<hbm>>
    %dma_wait3A_1012 = tpu.memref_squeeze %dma_wait3A_1011 : memref<1x1x1024xf32, #tpu.memory_space<hbm>> -> memref<1024xf32, #tpu.memory_space<hbm>>
    %dma_wait3A_1013 = tpu.memref_slice %arg5[%dma_wait3A_1008, %sub3A_908, %mul3A_0] : memref<50x32x16384xf32, #tpu.memory_space<hbm>> -> memref<1x1x1024xf32, #tpu.memory_space<hbm>>
    %dma_wait3A_1014 = tpu.memref_squeeze %dma_wait3A_1013 : memref<1x1x1024xf32, #tpu.memory_space<hbm>> -> memref<1024xf32, #tpu.memory_space<hbm>>
    %dma_wait3A_1015 = arith.constant 1024 : i32
    %dma_wait3A_1016 = tpu.memref_slice %arg8[%dma_wait3A_1015] : memref<5120xf32, #tpu.memory_space<vmem>> -> memref<1024xf32, #tpu.memory_space<vmem>>
    tpu.wait_dma2 semaphore(%arg16 : memref<!tpu.dma_semaphore, #tpu.memory_space<semaphore_mem>>) src(%dma_wait3A_1016 : memref<1024xf32, #tpu.memory_space<vmem>>) dst(%dma_wait3A_1014 : memref<1024xf32, #tpu.memory_space<hbm>>)
    %dma_wait3A_1017 = arith.constant 47 : i32
    %dma_wait3A_1018 = arith.constant 2048 : i32
    %dma_wait3A_1019 = tpu.memref_slice %arg8[%dma_wait3A_1018] : memref<5120xf32, #tpu.memory_space<vmem>> -> memref<1024xf32, #tpu.memory_space<vmem>>
    %dma_wait3A_1020 = tpu.memref_slice %arg5[%dma_wait3A_1017, %sub3A_908, %mul3A_0] : memref<50x32x16384xf32, #tpu.memory_space<hbm>> -> memref<1x1x1024xf32, #tpu.memory_space<hbm>>
    %dma_wait3A_1021 = tpu.memref_squeeze %dma_wait3A_1020 : memref<1x1x1024xf32, #tpu.memory_space<hbm>> -> memref<1024xf32, #tpu.memory_space<hbm>>
    %dma_wait3A_1022 = tpu.memref_slice %arg5[%dma_wait3A_1017, %sub3A_908, %mul3A_0] : memref<50x32x16384xf32, #tpu.memory_space<hbm>> -> memref<1x1x1024xf32, #tpu.memory_space<hbm>>
    %dma_wait3A_1023 = tpu.memref_squeeze %dma_wait3A_1022 : memref<1x1x1024xf32, #tpu.memory_space<hbm>> -> memref<1024xf32, #tpu.memory_space<hbm>>
    %dma_wait3A_1024 = arith.constant 2048 : i32
    %dma_wait3A_1025 = tpu.memref_slice %arg8[%dma_wait3A_1024] : memref<5120xf32, #tpu.memory_space<vmem>> -> memref<1024xf32, #tpu.memory_space<vmem>>
    tpu.wait_dma2 semaphore(%arg16 : memref<!tpu.dma_semaphore, #tpu.memory_space<semaphore_mem>>) src(%dma_wait3A_1025 : memref<1024xf32, #tpu.memory_space<vmem>>) dst(%dma_wait3A_1023 : memref<1024xf32, #tpu.memory_space<hbm>>)
    %dma_wait3A_1026 = arith.constant 48 : i32
    %dma_wait3A_1027 = arith.constant 3072 : i32
    %dma_wait3A_1028 = tpu.memref_slice %arg8[%dma_wait3A_1027] : memref<5120xf32, #tpu.memory_space<vmem>> -> memref<1024xf32, #tpu.memory_space<vmem>>
    %dma_wait3A_1029 = tpu.memref_slice %arg5[%dma_wait3A_1026, %sub3A_908, %mul3A_0] : memref<50x32x16384xf32, #tpu.memory_space<hbm>> -> memref<1x1x1024xf32, #tpu.memory_space<hbm>>
    %dma_wait3A_1030 = tpu.memref_squeeze %dma_wait3A_1029 : memref<1x1x1024xf32, #tpu.memory_space<hbm>> -> memref<1024xf32, #tpu.memory_space<hbm>>
    %dma_wait3A_1031 = tpu.memref_slice %arg5[%dma_wait3A_1026, %sub3A_908, %mul3A_0] : memref<50x32x16384xf32, #tpu.memory_space<hbm>> -> memref<1x1x1024xf32, #tpu.memory_space<hbm>>
    %dma_wait3A_1032 = tpu.memref_squeeze %dma_wait3A_1031 : memref<1x1x1024xf32, #tpu.memory_space<hbm>> -> memref<1024xf32, #tpu.memory_space<hbm>>
    %dma_wait3A_1033 = arith.constant 3072 : i32
    %dma_wait3A_1034 = tpu.memref_slice %arg8[%dma_wait3A_1033] : memref<5120xf32, #tpu.memory_space<vmem>> -> memref<1024xf32, #tpu.memory_space<vmem>>
    tpu.wait_dma2 semaphore(%arg16 : memref<!tpu.dma_semaphore, #tpu.memory_space<semaphore_mem>>) src(%dma_wait3A_1034 : memref<1024xf32, #tpu.memory_space<vmem>>) dst(%dma_wait3A_1032 : memref<1024xf32, #tpu.memory_space<hbm>>)
    %dma_wait3A_1035 = arith.constant 49 : i32
    %dma_wait3A_1036 = arith.constant 4096 : i32
    %dma_wait3A_1037 = tpu.memref_slice %arg8[%dma_wait3A_1036] : memref<5120xf32, #tpu.memory_space<vmem>> -> memref<1024xf32, #tpu.memory_space<vmem>>
    %dma_wait3A_1038 = tpu.memref_slice %arg5[%dma_wait3A_1035, %sub3A_908, %mul3A_0] : memref<50x32x16384xf32, #tpu.memory_space<hbm>> -> memref<1x1x1024xf32, #tpu.memory_space<hbm>>
    %dma_wait3A_1039 = tpu.memref_squeeze %dma_wait3A_1038 : memref<1x1x1024xf32, #tpu.memory_space<hbm>> -> memref<1024xf32, #tpu.memory_space<hbm>>
    %dma_wait3A_1040 = tpu.memref_slice %arg5[%dma_wait3A_1035, %sub3A_908, %mul3A_0] : memref<50x32x16384xf32, #tpu.memory_space<hbm>> -> memref<1x1x1024xf32, #tpu.memory_space<hbm>>
    %dma_wait3A_1041 = tpu.memref_squeeze %dma_wait3A_1040 : memref<1x1x1024xf32, #tpu.memory_space<hbm>> -> memref<1024xf32, #tpu.memory_space<hbm>>
    %dma_wait3A_1042 = arith.constant 4096 : i32
    %dma_wait3A_1043 = tpu.memref_slice %arg8[%dma_wait3A_1042] : memref<5120xf32, #tpu.memory_space<vmem>> -> memref<1024xf32, #tpu.memory_space<vmem>>
    tpu.wait_dma2 semaphore(%arg16 : memref<!tpu.dma_semaphore, #tpu.memory_space<semaphore_mem>>) src(%dma_wait3A_1043 : memref<1024xf32, #tpu.memory_space<vmem>>) dst(%dma_wait3A_1041 : memref<1024xf32, #tpu.memory_space<hbm>>)
    return
  }
}

</mosaic_0001>

<sc_bundles>
// kernel: kernel.3.cloned.1.call-start
scs
__scs_entry_jumppad:
0x0: {  	(pc) =	sbr.rel $0x88, $3  }
0x1: {  	(tag) =	ssettag $0x0;
	lr =	simm.s32 $0x1  }
0x2: {  	[smem:$0x3F9F] =	sst lr;
	_ =	strace $0xD0000000  }
0x3: {  	_ = 	snop  }
0x4: {  	_ = 	snop  }
0x5: {  	_ = 	snop  }
0x6: {  	_ = 	snop  }
0x7: {  	_ = 	snop  }
__scs_overlays_trampoline_lowered:
0x8: {  	[smem:$0x3FAE] =	sst s0  }
0x9: {  	[smem:$0x3FAF] =	sst s1  }
0xa: {  	[smem:$0x3FB0] =	sst s2  }
0xb: {  	[smem:$0x3FB1] =	sst s3  }
0xc: {  	[smem:$0x3FB2] =	sst s4  }
0xd: {  	[smem:$0x3FB3] =	sst s5  }
0xe: {  	[smem:$0x3FB4] =	sst s6  }
0xf: {  	[smem:$0x3FB5] =	sst s7  }
0x10: {  	[smem:$0x3FB6] =	sst s8  }
0x11: {  	[smem:$0x3FB7] =	sst s9;
	s0 =	simm.s32 @!p0 $0x0  }
0x12: {  	s1 =	sld [smem:$0x3F9D];
	s0 =	simm.s32 @p0 $0x1  }
0x13: {  	[smem:$0x3FB8] =	sst s0;
	s0 =	simm.s32 @!p1 $0x0  }
0x14: {  	s2 =	sld [smem:$0x3F9C];
	s0 =	simm.s32 @p1 $0x1  }
0x15: {  	[smem:$0x3FB9] =	sst s0;
	s0 =	simm.s32 @!p2 $0x0  }
0x16: {  	s3 =	sld [smem:$0x3FDB];
	s0 =	simm.s32 @p2 $0x1  }
0x17: {  	s4 =	simm.s32 $0x1BF5;
	[smem:$0x3FBB] =	sst s0  }
0x18: {  	s0 =	sld [smem:$0x3F9E];
	_ =	swait.ge [sflag:s4], $0x0  }
0x19: {  	s7 =	sld [smem:$0x3F9F]  }
0x1a: {  	s8 =	sadd.s32 $0xFFFFE003, lr  }
0x1b: {  	s9 =	sadd.s32 $0xFFFFFEF7, lr;
	s5 =	simm.s32 $0xFFFFFFFF;
	p2 =	slt.u32 s8, $0xFFFFF086  }
0x1c: {  	p1 =	slt.u32 s9, $0xF7A;
	s5 =	simm.s32 @!p2 $0x0  }
0x1d: {  	s5 =	simm.s32 @p1 $0x1;
	p0 =	seq.s32 s7, s2  }
0x1e: {  	s7 =	smul.u32 @!p0 $0xF7A, s2;
	p2 =	seq.s32 @!p0 s5, $0x0  }
0x1f: {  	s9 =	smul.u32 $0xF7A, s1;
	s8 =	simm.s32 @!p0 $0x1BF5;
	p2 =	por !p2, p0  }
0x20: {  	[sflag:s8] =	ssyncset.s32 @!p0 $0xFFFFF086;
	s6 =	sadd.s32 @!p0 s3, s7;
	s7 =	simm.s32 @!p0 $0x108  }
0x21: {  	s3 =	sadd.s32 s3, s9;
	s6 =	sadd.s32 @!p0 $0x88, s6;
	s7 =	simm.s32 @p2 $0x1082  }
0x22: {  	[simem:s7], [sflag:s8] =	dma.local @!p0 [hbm:s6], $0xF7A  }
0x23: {  	s9 =	sor.u32 $0xD0000000, s2;
	s6 =	simm.s32 $0x108;
	_ =	swait.ge @!p0 [sflag:s8], $0x0  }
0x24: {  	s3 =	sadd.s32 $0x88, s3;
	s6 =	simm.s32 @!p1 $0x1082;
	[sflag:s4] =	ssyncset.s32 $0xFFFFF086  }
0x25: {  	[simem:s6], [sflag:s4] =	dma.local [hbm:s3], $0xF7A  }
0x26: {  	[smem:$0x3F9F] =	sst s1;
	(tag) =	ssettag s2;
	_ =	strace s9  }
0x27: {  	s1 =	sld [smem:$0x3FAF]  }
0x28: {  	s2 =	sld [smem:$0x3FB0]  }
0x29: {  	s4 =	sld [smem:$0x3FB2]  }
0x2a: {  	p0 =	seq.s32 s5, $0x0;
	s5 =	sld [smem:$0x3FB3]  }
0x2b: {  	s6 =	sld [smem:$0x3FB4]  }
0x2c: {  	s7 =	sld [smem:$0x3FB5]  }
0x2d: {  	s3 =	simm.s32 $0x108;
	s8 =	sld [smem:$0x3FB6]  }
0x2e: {  	s3 =	simm.s32 @!p0 $0x1082;
	s9 =	sld [smem:$0x3FB7]  }
0x2f: {  	lr =	sadd.s32 s0, s3;
	s0 =	sld [smem:$0x3FAE]  }
0x30: {  	s3 =	sld [smem:$0x3FB1]  }
0x31: {  	[smem:$0x3FBA] =	sst s10  }
0x32: {  	s10 =	sld [smem:$0x3FB8];
	_ =	sdelay $0x3  }
0x33: {  	p0 =	seq.s32 s10, $0x1;
	s10 =	sld [smem:$0x3FBA];
	_ =	sdelay $0x3  }
0x34: {  	[smem:$0x3FBA] =	sst s10  }
0x35: {  	s10 =	sld [smem:$0x3FB9];
	_ =	sdelay $0x3  }
0x36: {  	p1 =	seq.s32 s10, $0x1;
	s10 =	sld [smem:$0x3FBA];
	_ =	sdelay $0x3  }
0x37: {  	[smem:$0x3FBA] =	sst s10  }
0x38: {  	s10 =	sld [smem:$0x3FBB]  }
0x39: {  	_ = 	snop;
	(pc) =	sbr.ind lr, $3  }
0x3a: {  	_ = 	snop  }
0x3b: {  	_ = 	snop  }
0x3c: {  	p2 =	seq.s32 s10, $0x1;
	s10 =	sld [smem:$0x3FBA]  }
0x3d: {  	_ =	shalt  }
0x3e: {  	_ =	shalt  }
0x3f: {  	_ =	shalt  }
0x40: {  	_ =	shalt  }
0x41: {  	_ =	shalt  }
0x42: {  	_ =	shalt  }
0x43: {  	_ =	shalt  }
0x44: {  	_ =	shalt  }
0x45: {  	_ =	shalt  }
0x46: {  	_ =	shalt  }
0x47: {  	_ =	shalt  }
0x48: {  	_ =	shalt  }
0x49: {  	_ =	shalt  }
0x4a: {  	_ =	shalt  }
0x4b: {  	_ =	shalt  }
0x4c: {  	_ =	shalt  }
0x4d: {  	_ =	shalt  }
0x4e: {  	_ =	shalt  }
0x4f: {  	_ =	shalt  }
0x50: {  	_ =	shalt  }
0x51: {  	_ =	shalt  }
0x52: {  	_ =	shalt  }
0x53: {  	_ =	shalt  }
0x54: {  	_ =	shalt  }
0x55: {  	_ =	shalt  }
0x56: {  	_ =	shalt  }
0x57: {  	_ =	shalt  }
0x58: {  	_ =	shalt  }
0x59: {  	_ =	shalt  }
0x5a: {  	_ =	shalt  }
0x5b: {  	_ =	shalt  }
0x5c: {  	_ =	shalt  }
0x5d: {  	_ =	shalt  }
0x5e: {  	_ =	shalt  }
0x5f: {  	_ =	shalt  }
0x60: {  	_ =	shalt  }
0x61: {  	_ =	shalt  }
0x62: {  	_ =	shalt  }
0x63: {  	_ =	shalt  }
0x64: {  	_ =	shalt  }
0x65: {  	_ =	shalt  }
0x66: {  	_ =	shalt  }
0x67: {  	_ =	shalt  }
0x68: {  	_ =	shalt  }
0x69: {  	_ =	shalt  }
0x6a: {  	_ =	shalt  }
0x6b: {  	_ =	shalt  }
0x6c: {  	_ =	shalt  }
0x6d: {  	_ =	shalt  }
0x6e: {  	_ =	shalt  }
0x6f: {  	_ =	shalt  }
0x70: {  	_ =	shalt  }
0x71: {  	_ =	shalt  }
0x72: {  	_ =	shalt  }
0x73: {  	_ =	shalt  }
0x74: {  	_ =	shalt  }
0x75: {  	_ =	shalt  }
0x76: {  	_ =	shalt  }
0x77: {  	_ =	shalt  }
0x78: {  	_ =	shalt  }
0x79: {  	_ =	shalt  }
0x7a: {  	_ =	shalt  }
0x7b: {  	_ =	shalt  }
0x7c: {  	_ =	shalt  }
0x7d: {  	_ =	shalt  }
0x7e: {  	_ =	shalt  }
0x7f: {  	_ =	shalt  }
0x80: {  	_ =	shalt  }
0x81: {  	_ =	shalt  }
0x82: {  	_ =	shalt  }
0x83: {  	_ =	shalt  }
0x84: {  	_ =	shalt  }
0x85: {  	_ =	shalt  }
0x86: {  	_ =	shalt  }
0x87: {  	_ =	shalt  }
.Lfunc_end0:
.L_simem_size_0:
called_computation_lowered:
.L_overlay_start_0:
0x88: {  	s2 =	sld [smem:$0x3FD9]  }
0x89: {  	s3 =	sld [smem:$0x3FFE];
	_ =	sdelay $0x1  }
0x8a: {  	s1 =	srdreg.scid  }
0x8b: {  	s0 =	sand.u32 $0x1, s1  }
0x8c: {  	s17 =	sshll.u32 s0, $0xA;
	s2 =	sadd.s32 s3, s2  }
0x8d: {  	s2 =	sadd.s32 s2, s17  }
0x8e: {  	[smem:$0x3FC6] =	sst s2  }
0x8f: {  	_ = 	snop  }
0x90: {  	s2 =	sld [smem:$0x3FC9]  }
0x91: {  	s18 =	sld [smem:$0x3FC8]  }
0x92: {  	s4 =	sld [smem:$0x3FD0];
	(tm) =	ssettm $0x1  }
0x93: {  	s5 =	sld [smem:$0x3FFB];
	_ =	sdelay $0x3  }
0x94: {  	_ =	strace s5  }
0x95: {  	s5 =	sld [smem:$0x3FFC];
	_ =	sdelay $0x3  }
0x96: {  	_ =	strace s5  }
0x97: {  	s5 =	sld [smem:$0x3FFD];
	_ =	sdelay $0x3  }
0x98: {  	_ =	strace s5  }
0x99: {  	_ =	strace $0x8FFFFFFF  }
0x9a: {  	s19 =	sld [smem:$0x3FDB];
	_ =	sdelay $0x1  }
0x9b: {  	s6 =	simm.s32 $_scs_section_size  }
0x9c: {  	s7 =	simm.s32 $_size__tile_overlayer_lowered;
	s8 =	simm.s32 $_tile_overlayer_lowered  }
0x9d: {  	s22 =	simm.s32 $0x1BFF;
	s21 =	sshll.u32 s8, $0x1;
	s5 =	sadd.s32 s6, s19  }
0x9e: {  	s9 =	simm.s32 $0x0;
	s20 =	sshll.u32 s7, $0x1;
	s7 =	sadd.s32 s21, s5  }
0x9f: {  	[timem:s9], [sflag:s22] =	dma.local [hbm:s7], s20  }
0xa0: {  	_ =	swait.ge [sflag:s22], s20  }
0xa1: {  	s6 =	ssub.s32 $0x0, s20;
	[sflag:s22] =	ssyncset.done $0x0  }
0xa2: {  	[sflag:s22] =	ssyncadd.s32 s6;
	_ =	sdelay $0x1  }
0xa3: {  	s23 =	simm.s32 $0x1B8B  }
0xa4: {  	_ =	swait.ge [sflag:s23], $0x1  }
0xa5: {  	[sflag:s23] =	ssyncset.done $0x0  }
0xa6: {  	s25 =	simm.s32 $0x1B8E;
	s24 =	sld [smem:$0x3FFE];
	[sflag:s23] =	ssyncadd.s32 $0xFFFFFFFF  }
0xa7: {  	s26 =	simm.s32 $execute0_lowered;
	[smem:$0x3FD2] =	sst s25  }
0xa8: {  	s7 =	sshll.u32 s26, $0x1;
	_ =	strace $0x80000046;
	[dreg:$0x1] =	wrdreg $0xFFFFFFFF  }
0xa9: {  	s28 =	simm.s32 $_size_execute0_lowered;
	s5 =	sadd.s32 s5, s7;
	[dreg:$0x0] =	wrdreg $0x0  }
0xaa: {  	s7 =	sshll.u32 s28, $0x1;
	[dreg:$0x2] =	wrdreg s5  }
0xab: {  	[dreg:$0x3] =	wrdreg s7  }
0xac: {  	[dreg:$0x4] =	wrdreg $0xC0  }
0xad: {  	_ =	task [dreg:s9], $0x5FFFF  }
0xae: {  	[dreg:$0x1] =	wrdreg $0xFFFFFFFF  }
0xaf: {  	[dreg:$0x0] =	wrdreg $0x60  }
0xb0: {  	[dreg:$0x2] =	wrdreg s2  }
0xb1: {  	[dreg:$0x3] =	wrdreg s18  }
0xb2: {  	[dreg:$0x4] =	wrdreg s24  }
0xb3: {  	[dreg:$0x5] =	wrdreg s4  }
0xb4: {  	[dreg:$0x6] =	wrdreg $0x104000  }
0xb5: {  	[dreg:$0x7] =	wrdreg $0x9  }
0xb6: {  	_ =	task.clear_ibuf [dreg:s9], $0x8FFFF;
	_ =	strace $0x90000046  }
0xb7: {  	s29 =	simm.s32 $0x9;
	_ =	strace $0x80000048  }
0xb8: {  	_ =	swait.ge [sflag:s29], $0x1  }
0xb9: {  	[sflag:s29] =	ssyncadd.s32 $0xFFFFFFFF  }
0xba: {  	_ =	strace $0x90000048  }
0xbb: {  	_ =	sfence  }
0xbc: {  	s30 =	sld [smem:$0x0];
	_ =	sdelay $0x2  }
0xbd: {  	s31 =	sshll.u32 s1, $0xD;
	s1 =	sshrl.u32 s1, $0x2  }
0xbe: {  	s3 =	sand.u32 $0x4000, s31;
	s1 =	sadd.s32 s1, s30  }
0xbf: {  	s0 =	sor.u32 s3, s0;
	s1 =	sshll.u32 s1, $0x11  }
0xc0: {  	s0 =	sor.u32 s1, s0  }
0xc1: {  	s0 =	sadd.s32 $0x8F2B, s0  }
0xc2: {  	[sflag:s0] =	ssyncadd.remote.s32 $0x1  }
0xc3: {  	_ =	sfence.sel $0xFFFF  }
0xc4: {  	[dreg:$0x0] =	wrdreg $0xFFFFFFFF;
	(pc) =	sbr.abs _section_cstart, $3  }
0xc5: {  	[dreg:$0x1] =	wrdreg $0xFFFFFFFF  }
0xc6: {  	_ =	task.clear_ibuf [dreg:s9], $0x2FFFF;
	_ =	strace $0x9FFFFFFF  }
0xc7: {  	(tm) =	ssettm $0x7FFFFFFF  }
tec
execute0_lowered:
.L_overlay_start_1:
0x0: {  	(tag) =	ssettag $0x1  }
0x1: {  	s0 =	rddreg [dreg:$0x0]  }
0x2: {  	s23 =	rddreg [dreg:$0x1]  }
0x3: {  	s1 =	rddreg [dreg:$0x2]  }
0x4: {  	s8 =	rddreg [dreg:$0x3]  }
0x5: {  	s3 =	rddreg [dreg:$0x4];
	s2 =	simm.s32 $0x0  }
0x6: {  	[smem:$0x7FF] =	sst s2;
	s16 =	sadd.s32 $0x10000, s8  }
0x7: {  	s17 =	sadd.s32 $0x20000, s8;
	_ =	strace $0x80000047;
	[dreg:$0x6] =	wrdreg s16  }
0x8: {  	s18 =	sadd.s32 $0x30000, s8;
	[dreg:$0x7] =	wrdreg s17  }
0x9: {  	s19 =	sadd.s32 $0x40000, s8;
	[dreg:$0x8] =	wrdreg s18  }
0xa: {  	s20 =	sadd.s32 $0x50000, s8;
	[dreg:$0x9] =	wrdreg s19  }
0xb: {  	s21 =	sadd.s32 $0x60000, s8;
	[dreg:$0xa] =	wrdreg s20  }
0xc: {  	s22 =	sadd.s32 $0x70000, s8;
	[dreg:$0xb] =	wrdreg s21  }
0xd: {  	s24 =	sadd.s32 $0x80000, s8;
	[dreg:$0xc] =	wrdreg s22  }
0xe: {  	s25 =	sadd.s32 $0x90000, s8;
	[dreg:$0xd] =	wrdreg s24  }
0xf: {  	s26 =	sadd.s32 $0xF0000, s8;
	[dreg:$0xe] =	wrdreg s25  }
0x10: {  	s31 =	sadd.s32 $0x100000, s8;
	[dreg:$0xf] =	wrdreg s26  }
0x11: {  	s4 =	sadd.s32 $0x110000, s8;
	[dreg:$0x10] =	wrdreg s31  }
0x12: {  	s5 =	sadd.s32 $0x120000, s8;
	[dreg:$0x11] =	wrdreg s4  }
0x13: {  	s6 =	sadd.s32 $0x130000, s8;
	[dreg:$0x12] =	wrdreg s5  }
0x14: {  	s7 =	sadd.s32 $0xA0000, s8;
	[dreg:$0x13] =	wrdreg s6  }
0x15: {  	s9 =	sadd.s32 $0xB0000, s8;
	[dreg:$0x14] =	wrdreg s7  }
0x16: {  	s10 =	sadd.s32 $0xC0000, s8;
	[dreg:$0x15] =	wrdreg s9  }
0x17: {  	s11 =	sadd.s32 $0xD0000, s8;
	[dreg:$0x16] =	wrdreg s10  }
0x18: {  	s12 =	sadd.s32 $0xE0000, s8;
	[dreg:$0x17] =	wrdreg s11  }
0x19: {  	s13 =	sadd.s32 $0x140000, s8;
	[dreg:$0x18] =	wrdreg s12  }
0x1a: {  	s14 =	sadd.s32 $0x150000, s8;
	[dreg:$0x19] =	wrdreg s13  }
0x1b: {  	s15 =	sadd.s32 $0x160000, s8;
	[dreg:$0x1a] =	wrdreg s14  }
0x1c: {  	[dreg:$0x1b] =	wrdreg s15;
	s16 =	sadd.s32 $0x170000, s8  }
0x1d: {  	s17 =	sadd.s32 $0x180000, s8;
	[dreg:$0x1c] =	wrdreg s16  }
0x1e: {  	s18 =	sadd.s32 $0x190000, s8;
	[dreg:$0x1d] =	wrdreg s17  }
0x1f: {  	s19 =	sadd.s32 $0x1A0000, s8;
	[dreg:$0x1e] =	wrdreg s18  }
0x20: {  	s4 =	sadd.s32 $0x1B0000, s8;
	[dreg:$0x1f] =	wrdreg s19  }
0x21: {  	s21 =	sadd.s32 $0x1C0000, s8;
	[smem:$0x7AC] =	sst s4  }
0x22: {  	s22 =	sadd.s32 $0x1D0000, s8;
	[smem:$0x7AD] =	sst s21  }
0x23: {  	s24 =	sadd.s32 $0x1E0000, s8;
	[smem:$0x7AE] =	sst s22  }
0x24: {  	s25 =	sadd.s32 $0x1F0000, s8;
	[smem:$0x7AF] =	sst s24  }
0x25: {  	s26 =	sadd.s32 $0x200000, s8;
	[smem:$0x7B0] =	sst s25  }
0x26: {  	s10 =	sadd.s32 $0x210000, s8;
	[smem:$0x7B1] =	sst s26  }
0x27: {  	s11 =	sadd.s32 $0x220000, s8;
	[smem:$0x7B2] =	sst s10  }
0x28: {  	s13 =	sadd.s32 $0xF4200, s3;
	[smem:$0x7B4] =	sst s11  }
0x29: {  	s12 =	sadd.s32 $0x230000, s8;
	[smem:$0x7B5] =	sst s13  }
0x2a: {  	s14 =	sadd.s32 $0x240000, s8;
	[smem:$0x7B6] =	sst s12  }
0x2b: {  	[smem:$0x7B7] =	sst s14;
	s16 =	sadd.s32 $0x250000, s8  }
0x2c: {  	s17 =	sadd.s32 $0x260000, s8;
	[smem:$0x7B9] =	sst s16  }
0x2d: {  	s18 =	sadd.s32 $0x270000, s8;
	[smem:$0x7BA] =	sst s17  }
0x2e: {  	s19 =	sadd.s32 $0x280000, s8;
	[smem:$0x7BB] =	sst s18  }
0x2f: {  	s22 =	sadd.s32 $0x290000, s8;
	[smem:$0x7BD] =	sst s19  }
0x30: {  	s9 =	sadd.s32 $0x400, s1;
	s26 =	sadd.s32 $0x2A0000, s8;
	[smem:$0x7BF] =	sst s22  }
0x31: {  	s20 =	srdreg.scid;
	s11 =	sadd.s32 $0x2C0000, s8;
	[smem:$0x7C1] =	sst s26  }
0x32: {  	s1 =	stileid.u32;
	s13 =	sadd.s32 $0x2D0000, s8;
	[smem:$0x7C5] =	sst s11  }
0x33: {  	s2 =	sand.u32 $0x1, s20;
	s3 =	sshll.u32 s1, $0xA;
	[smem:$0x7C7] =	sst s13  }
0x34: {  	s21 =	smov.u32 s9;
	s5 =	ssub.s32 $0x2, s2;
	[smem:$0x7FC] =	sst s3  }
0x35: {  	s31 =	smul.u32 $0x1E8500, s2;
	s17 =	sadd.s32 $0x2F0000, s8;
	[smem:$0x7FD] =	sst s21  }
0x36: {  	s15 =	sshll.u32 s2, $0x8;
	s19 =	sadd.s32 $0x300000, s8;
	[smem:$0x7CB] =	sst s17  }
0x37: {  	s22 =	sadd.s32 $0x310000, s8;
	s6 =	sshrl.u32 s5, $0x1;
	[smem:$0x7CD] =	sst s19  }
0x38: {  	[smem:$0x7CF] =	sst s22;
	s5 =	ssub.s32 s5, s6;
	s6 =	sadd.s32 s23, s31  }
0x39: {  	[smem:$0x7B3] =	sst s6;
	s6 =	sadd.s32 s9, s15  }
0x3a: {  	s9 =	sadd.s32 $0x2B0000, s8;
	[smem:$0x7B8] =	sst s6  }
0x3b: {  	s7 =	sshll.u32 s2, $0x4;
	s15 =	sadd.s32 $0x2E0000, s8;
	[smem:$0x7C3] =	sst s9  }
0x3c: {  	s4 =	sshll.u32 s2, $0xB;
	s8 =	sor.u32 $0x1, s7;
	[smem:$0x7C9] =	sst s15  }
0x3d: {  	s6 =	sadd.s32 s0, s3;
	s0 =	sor.u32 $0x80, s4;
	[smem:$0x7D4] =	sst s8  }
0x3e: {  	[smem:$0x7D3] =	sst s0  }
0x3f: {  	s20 =	sadd.s32 $0x10, s6;
	[smem:$0x7FA] =	sst s6  }
0x40: {  	s24 =	sadd.s32 $0x20, s6;
	[smem:$0x7BC] =	sst s20  }
0x41: {  	s31 =	sadd.s32 $0x30, s6;
	[smem:$0x7BE] =	sst s24  }
0x42: {  	s10 =	sadd.s32 $0x40, s6;
	[smem:$0x7C0] =	sst s31  }
0x43: {  	s12 =	sadd.s32 $0x50, s6;
	[smem:$0x7C2] =	sst s10  }
0x44: {  	s14 =	sadd.s32 $0x60, s6;
	[smem:$0x7C4] =	sst s12  }
0x45: {  	s16 =	sadd.s32 $0x70, s6;
	[smem:$0x7C6] =	sst s14  }
0x46: {  	s18 =	sadd.s32 $0x4000, s6;
	[smem:$0x7C8] =	sst s16  }
0x47: {  	s26 =	sadd.s32 $0x4030, s6;
	[smem:$0x7CA] =	sst s18  }
0x48: {  	s9 =	sadd.s32 $0x4040, s6;
	[smem:$0x7D0] =	sst s26  }
0x49: {  	s11 =	sadd.s32 $0x4060, s6;
	[smem:$0x7D5] =	sst s9  }
0x4a: {  	s13 =	sadd.s32 $0x8000, s6;
	[smem:$0x7D7] =	sst s11  }
0x4b: {  	s15 =	sadd.s32 $0x8020, s6;
	[smem:$0x7D9] =	sst s13  }
0x4c: {  	s17 =	sadd.s32 $0x8040, s6;
	[smem:$0x7DB] =	sst s15  }
0x4d: {  	s19 =	sadd.s32 $0x8060, s6;
	[smem:$0x7DD] =	sst s17  }
0x4e: {  	s22 =	sadd.s32 $0xC000, s6;
	[smem:$0x7DF] =	sst s19  }
0x4f: {  	p0 =	sne.s32 s1, $0x0;
	s1 =	sadd.s32 $0xC040, s6;
	[smem:$0x7E1] =	sst s22  }
0x50: {  	s4 =	sadd.s32 $0xC060, s6;
	[smem:$0x7E5] =	sst s1  }
0x51: {  	s7 =	sadd.s32 $0x10000, s6;
	[smem:$0x7E7] =	sst s4  }
0x52: {  	s8 =	sadd.s32 $0x10010, s6;
	[smem:$0x7E9] =	sst s7  }
0x53: {  	s20 =	sadd.s32 $0x4010, s6;
	[smem:$0x7EA] =	sst s8  }
0x54: {  	s24 =	sadd.s32 $0x4020, s6;
	[smem:$0x7CC] =	sst s20  }
0x55: {  	s31 =	smax.u32 s5, $0x1;
	[smem:$0x7CE] =	sst s24  }
0x56: {  	s5 =	sshll.u32 s2, $0xF;
	[smem:$0x7D1] =	sst s31  }
0x57: {  	s10 =	sadd.s32 $0x4050, s6;
	[smem:$0x7D2] =	sst s5  }
0x58: {  	s12 =	sadd.s32 $0x4070, s6;
	[smem:$0x7D6] =	sst s10  }
0x59: {  	s14 =	sadd.s32 $0x8010, s6;
	[smem:$0x7D8] =	sst s12  }
0x5a: {  	s16 =	sadd.s32 $0x8030, s6;
	[smem:$0x7DA] =	sst s14  }
0x5b: {  	s18 =	sadd.s32 $0x8050, s6;
	[smem:$0x7DC] =	sst s16  }
0x5c: {  	s26 =	sadd.s32 $0xC020, s6;
	[smem:$0x7DE] =	sst s18  }
0x5d: {  	s2 =	sadd.s32 $0xC050, s6;
	[smem:$0x7E3] =	sst s26  }
0x5e: {  	s9 =	sadd.s32 $0x10020, s6;
	[smem:$0x7E6] =	sst s2  }
0x5f: {  	s11 =	sadd.s32 $0x10040, s6;
	[smem:$0x7EB] =	sst s9  }
0x60: {  	s13 =	sadd.s32 $0x10060, s6;
	[smem:$0x7ED] =	sst s11  }
0x61: {  	s15 =	sadd.s32 $0x14000, s6;
	[smem:$0x7EF] =	sst s13  }
0x62: {  	s17 =	sadd.s32 $0x14020, s6;
	[smem:$0x7F1] =	sst s15  }
0x63: {  	s19 =	sadd.s32 $0x14040, s6;
	[smem:$0x7F3] =	sst s17  }
0x64: {  	s28 =	simm.s32 $0x1400;
	s22 =	sadd.s32 $0x14060, s6;
	[smem:$0x7F5] =	sst s19  }
0x65: {  	s29 =	simm.s32 $0x6;
	s20 =	sadd.s32 $0x8070, s6;
	[smem:$0x7F7] =	sst s22  }
0x66: {  	s30 =	simm.s32 $0x7;
	s24 =	sadd.s32 $0xC010, s6;
	[smem:$0x7E0] =	sst s20  }
0x67: {  	s25 =	smov.u32 s3;
	s31 =	sadd.s32 $0xC030, s6;
	[smem:$0x7E2] =	sst s24  }
0x68: {  	s1 =	simm.s32 $0x2;
	s5 =	sadd.s32 $0xC070, s6;
	[smem:$0x7E4] =	sst s31  }
0x69: {  	s10 =	sadd.s32 $0x10030, s6;
	s12 =	sadd.s32 $0x10050, s6;
	[smem:$0x7E8] =	sst s5  }
0x6a: {  	s14 =	sadd.s32 $0x10070, s6;
	s16 =	sadd.s32 $0x14010, s6;
	[smem:$0x7EC] =	sst s10  }
0x6b: {  	s18 =	sadd.s32 $0x14030, s6;
	s26 =	sadd.s32 $0x18000, s6;
	[smem:$0x7EE] =	sst s12  }
0x6c: {  	s19 =	simm.s32 $0x80;
	s22 =	simm.s32 $0x6400;
	[smem:$0x7F0] =	sst s14  }
0x6d: {  	s9 =	simm.s32 $0xA000;
	s13 =	simm.s32 $0xDC00;
	[smem:$0x7F2] =	sst s16  }
0x6e: {  	s15 =	simm.s32 $0xC800;
	s2 =	simm.s32 $0x0;
	[smem:$0x7F4] =	sst s18  }
0x6f: {  	s20 =	sadd.s32 $0x14050, s6;
	s24 =	sadd.s32 $0x14070, s6;
	[smem:$0x7F9] =	sst s26  }
0x70: {  	s31 =	sadd.s32 $0x18010, s6;
	s16 =	simm.s32 $0x5000;
	s12 =	simm.s32 $0x8C00  }
0x71: {  	s10 =	simm.s32 $0xB400;
	s14 =	simm.s32 $0xCC00;
	[smem:$0x7F6] =	sst s20  }
0x72: {  	s26 =	simm.s32 $0xF000;
	s6 =	simm.s32 $0x5;
	[smem:$0x7F8] =	sst s24  }
0x73: {  	[smem:$0x7FB] =	sst s31;
	s20 =	simm.s32 $0x400;
	s24 =	simm.s32 $0x7800  }
.LBB2_1:
0x74: {  	[smem:$0x7AB] =	sst s2  }
0x75: {  	s7 =	sld [smem:$0x7B3]  }
0x76: {  	s11 =	rddreg [dreg:$0x4];
	s3 =	simm.s32 @!p0 $0x1;
	s2 =	simm.s32 @!p0 $0x10  }
0x77: {  	s4 =	simm.s32 @!p0 $0x80;
	s5 =	simm.s32 @!p0 $0x1C01;
	s0 =	sshrl.u32 @!p0 s11, $0x3  }
0x78: {  	[spmem:s0@s2], [sflag:s5] =	dma.strided @!p0 [hbm:s7@s4], $0x1E840, s3, $0x10   }
0x79: {  	s0 =	sld [smem:$0x7B5]  }
0x7a: {  	s2 =	sld [smem:$0x7B8];
	_ =	sdelay $0x1  }
0x7b: {  	s0 =	sshrl.u32 @!p0 s0, $0x3  }
0x7c: {  	[spmem:s0], [sflag:s5] =	dma.local @!p0 [hbm:s2], $0x10  }
0x7d: {  	s0 =	sld [smem:$0x7FA];
	_ =	sdelay $0x1  }
0x7e: {  	s8 =	simm.s32 $0x0;
	s2 =	sld [smem:$0x7BC]  }
0x7f: {  	[tilespmem:s8], [sflag:$0x8] =	stream.strided.gather [hbm4b:s0+s19], $0x400, s20, s19, $0x38;
	[tilespmem:$0x1F828] =	vst v63  }
0x80: {  	s4 =	sld [smem:$0x7BE]  }
0x81: {  	[tilespmem:s20], [sflag:$0x8] =	stream.strided.gather [hbm4b:s2+s19], $0x400, s20, s19, $0x38;
	[tilespmem:$0x1F828] =	vst v63  }
0x82: {  	s5 =	simm.s32 $0x800;
	s7 =	sld [smem:$0x7C0]  }
0x83: {  	[tilespmem:s5], [sflag:$0x8] =	stream.strided.gather [hbm4b:s4+s19], $0x400, s20, s19, $0x38;
	[tilespmem:$0x1F828] =	vst v63  }
0x84: {  	s17 =	simm.s32 $0xC00;
	s18 =	sld [smem:$0x7C2]  }
0x85: {  	[tilespmem:s17], [sflag:$0x8] =	stream.strided.gather [hbm4b:s7+s19], $0x400, s20, s19, $0x38;
	[tilespmem:$0x1F828] =	vst v63  }
0x86: {  	s31 =	simm.s32 $0x1000;
	s2 =	sld [smem:$0x7C4]  }
0x87: {  	[tilespmem:s31], [sflag:$0x8] =	stream.strided.gather [hbm4b:s18+s19], $0x400, s20, s19, $0x38;
	[tilespmem:$0x1F828] =	vst v63  }
0x88: {  	s4 =	sld [smem:$0x7C6]  }
0x89: {  	[tilespmem:s28], [sflag:$0x8] =	stream.strided.gather [hbm4b:s2+s19], $0x400, s20, s19, $0x38;
	[tilespmem:$0x1F828] =	vst v63  }
0x8a: {  	s5 =	simm.s32 $0x1800;
	s7 =	sld [smem:$0x7C8]  }
0x8b: {  	[tilespmem:s5], [sflag:$0x8] =	stream.strided.gather [hbm4b:s4+s19], $0x400, s20, s19, $0x38;
	[tilespmem:$0x1F828] =	vst v63  }
0x8c: {  	s17 =	simm.s32 $0x1C00;
	s18 =	sld [smem:$0x7CA]  }
0x8d: {  	[tilespmem:s17], [sflag:$0x8] =	stream.strided.gather [hbm4b:s7+s19], $0x400, s20, s19, $0x38;
	[tilespmem:$0x1F828] =	vst v63  }
0x8e: {  	s31 =	simm.s32 $0x2000;
	s4 =	sld [smem:$0x7CC]  }
0x8f: {  	[tilespmem:s31], [sflag:$0x8] =	stream.strided.gather [hbm4b:s18+s19], $0x400, s20, s19, $0x38;
	[tilespmem:$0x1F828] =	vst v63  }
0x90: {  	s5 =	simm.s32 $0x2400;
	s7 =	sld [smem:$0x7CE]  }
0x91: {  	[tilespmem:s5], [sflag:$0x8] =	stream.strided.gather [hbm4b:s4+s19], $0x400, s20, s19, $0x38;
	[tilespmem:$0x1F828] =	vst v63  }
0x92: {  	s17 =	sld [smem:$0x7D0];
	s18 =	simm.s32 $0x2800  }
0x93: {  	[tilespmem:s18], [sflag:$0x8] =	stream.strided.gather [hbm4b:s7+s19], $0x400, s20, s19, $0x38;
	[tilespmem:$0x1F828] =	vst v63  }
0x94: {  	s2 =	sld [smem:$0x7D5];
	s31 =	simm.s32 $0x2C00  }
0x95: {  	[tilespmem:s31], [sflag:$0x8] =	stream.strided.gather [hbm4b:s17+s19], $0x400, s20, s19, $0x38;
	[tilespmem:$0x1F828] =	vst v63  }
0x96: {  	s4 =	simm.s32 $0x3000;
	s5 =	sld [smem:$0x7D6]  }
0x97: {  	[tilespmem:s4], [sflag:$0x8] =	stream.strided.gather [hbm4b:s2+s19], $0x400, s20, s19, $0x38;
	[tilespmem:$0x1F828] =	vst v63  }
0x98: {  	s7 =	simm.s32 $0x3400;
	s17 =	sld [smem:$0x7D7]  }
0x99: {  	[tilespmem:s7], [sflag:$0x8] =	stream.strided.gather [hbm4b:s5+s19], $0x400, s20, s19, $0x38;
	[tilespmem:$0x1F828] =	vst v63  }
0x9a: {  	s31 =	simm.s32 $0x3800;
	s2 =	sld [smem:$0x7D8]  }
0x9b: {  	[tilespmem:s31], [sflag:$0x8] =	stream.strided.gather [hbm4b:s17+s19], $0x400, s20, s19, $0x38;
	[tilespmem:$0x1F828] =	vst v63  }
0x9c: {  	s4 =	sld [smem:$0x7D9];
	s17 =	simm.s32 $0x3C00  }
0x9d: {  	[tilespmem:s17], [sflag:$0x8] =	stream.strided.gather [hbm4b:s2+s19], $0x400, s20, s19, $0x38;
	[tilespmem:$0x1F828] =	vst v63  }
0x9e: {  	s5 =	simm.s32 $0x4000;
	s7 =	sld [smem:$0x7DA]  }
0x9f: {  	[tilespmem:s5], [sflag:$0x8] =	stream.strided.gather [hbm4b:s4+s19], $0x400, s20, s19, $0x38;
	[tilespmem:$0x1F828] =	vst v63  }
0xa0: {  	s31 =	simm.s32 $0x4400;
	s4 =	sld [smem:$0x7DB]  }
0xa1: {  	[tilespmem:s31], [sflag:$0x8] =	stream.strided.gather [hbm4b:s7+s19], $0x400, s20, s19, $0x38;
	[tilespmem:$0x1F828] =	vst v63  }
0xa2: {  	s5 =	simm.s32 $0x4800;
	s7 =	sld [smem:$0x7DC]  }
0xa3: {  	[tilespmem:s5], [sflag:$0x8] =	stream.strided.gather [hbm4b:s4+s19], $0x400, s20, s19, $0x38;
	[tilespmem:$0x1F828] =	vst v63  }
0xa4: {  	s2 =	sld [smem:$0x7DD];
	s31 =	simm.s32 $0x4C00  }
0xa5: {  	[tilespmem:s31], [sflag:$0x8] =	stream.strided.gather [hbm4b:s7+s19], $0x400, s20, s19, $0x38;
	[tilespmem:$0x1F828] =	vst v63  }
0xa6: {  	s4 =	sld [smem:$0x7DE]  }
0xa7: {  	[tilespmem:s16], [sflag:$0x8] =	stream.strided.gather [hbm4b:s2+s19], $0x400, s20, s19, $0x38;
	[tilespmem:$0x1F828] =	vst v63  }
0xa8: {  	s5 =	simm.s32 $0x5400;
	s7 =	sld [smem:$0x7DF]  }
0xa9: {  	[tilespmem:s5], [sflag:$0x8] =	stream.strided.gather [hbm4b:s4+s19], $0x400, s20, s19, $0x38;
	[tilespmem:$0x1F828] =	vst v63  }
0xaa: {  	s31 =	simm.s32 $0x5800;
	s4 =	sld [smem:$0x7E0]  }
0xab: {  	[tilespmem:s31], [sflag:$0x8] =	stream.strided.gather [hbm4b:s7+s19], $0x400, s20, s19, $0x38;
	[tilespmem:$0x1F828] =	vst v63  }
0xac: {  	s5 =	simm.s32 $0x5C00;
	s7 =	sld [smem:$0x7E1]  }
0xad: {  	[tilespmem:s5], [sflag:$0x8] =	stream.strided.gather [hbm4b:s4+s19], $0x400, s20, s19, $0x38;
	[tilespmem:$0x1F828] =	vst v63  }
0xae: {  	s2 =	sld [smem:$0x7E2];
	s31 =	simm.s32 $0x6000  }
0xaf: {  	[tilespmem:s31], [sflag:$0x8] =	stream.strided.gather [hbm4b:s7+s19], $0x400, s20, s19, $0x38;
	[tilespmem:$0x1F828] =	vst v63  }
0xb0: {  	s4 =	sld [smem:$0x7E3]  }
0xb1: {  	[tilespmem:s22], [sflag:$0x8] =	stream.strided.gather [hbm4b:s2+s19], $0x400, s20, s19, $0x38;
	[tilespmem:$0x1F828] =	vst v63  }
0xb2: {  	s5 =	simm.s32 $0x6800;
	s7 =	sld [smem:$0x7E4]  }
0xb3: {  	[tilespmem:s5], [sflag:$0x8] =	stream.strided.gather [hbm4b:s4+s19], $0x400, s20, s19, $0x38;
	[tilespmem:$0x1F828] =	vst v63  }
0xb4: {  	s31 =	simm.s32 $0x6C00;
	s2 =	sld [smem:$0x7E5]  }
0xb5: {  	[tilespmem:s31], [sflag:$0x8] =	stream.strided.gather [hbm4b:s7+s19], $0x400, s20, s19, $0x38;
	[tilespmem:$0x1F828] =	vst v63  }
0xb6: {  	s4 =	simm.s32 $0x7000;
	s5 =	sld [smem:$0x7E6]  }
0xb7: {  	[tilespmem:s4], [sflag:$0x8] =	stream.strided.gather [hbm4b:s2+s19], $0x400, s20, s19, $0x38;
	[tilespmem:$0x1F828] =	vst v63  }
0xb8: {  	s7 =	simm.s32 $0x7400;
	s31 =	sld [smem:$0x7E7]  }
0xb9: {  	[tilespmem:s7], [sflag:$0x8] =	stream.strided.gather [hbm4b:s5+s19], $0x400, s20, s19, $0x38;
	[tilespmem:$0x1F828] =	vst v63  }
0xba: {  	s2 =	sld [smem:$0x7E8]  }
0xbb: {  	[tilespmem:s24], [sflag:$0x8] =	stream.strided.gather [hbm4b:s31+s19], $0x400, s20, s19, $0x38;
	[tilespmem:$0x1F828] =	vst v63  }
0xbc: {  	s4 =	simm.s32 $0x7C00;
	s5 =	sld [smem:$0x7E9]  }
0xbd: {  	[tilespmem:s4], [sflag:$0x8] =	stream.strided.gather [hbm4b:s2+s19], $0x400, s20, s19, $0x38;
	[tilespmem:$0x1F828] =	vst v63  }
0xbe: {  	s7 =	simm.s32 $0x8000;
	s24 =	sld [smem:$0x7EA]  }
0xbf: {  	[tilespmem:s7], [sflag:$0x8] =	stream.strided.gather [hbm4b:s5+s19], $0x400, s20, s19, $0x38;
	[tilespmem:$0x1F828] =	vst v63  }
0xc0: {  	s31 =	simm.s32 $0x8400;
	s4 =	sld [smem:$0x7EB]  }
0xc1: {  	[tilespmem:s31], [sflag:$0x8] =	stream.strided.gather [hbm4b:s24+s19], $0x400, s20, s19, $0x38;
	[tilespmem:$0x1F828] =	vst v63  }
0xc2: {  	s5 =	simm.s32 $0x8800;
	s7 =	sld [smem:$0x7EC]  }
0xc3: {  	[tilespmem:s5], [sflag:$0x8] =	stream.strided.gather [hbm4b:s4+s19], $0x400, s20, s19, $0x38;
	[tilespmem:$0x1F828] =	vst v63  }
0xc4: {  	s24 =	sld [smem:$0x7ED]  }
0xc5: {  	[tilespmem:s12], [sflag:$0x8] =	stream.strided.gather [hbm4b:s7+s19], $0x400, s20, s19, $0x38;
	[tilespmem:$0x1F828] =	vst v63  }
0xc6: {  	s2 =	sld [smem:$0x7EE];
	s31 =	simm.s32 $0x9000  }
0xc7: {  	[tilespmem:s31], [sflag:$0x8] =	stream.strided.gather [hbm4b:s24+s19], $0x400, s20, s19, $0x38;
	[tilespmem:$0x1F828] =	vst v63  }
0xc8: {  	s4 =	simm.s32 $0x9400;
	s5 =	sld [smem:$0x7EF]  }
0xc9: {  	[tilespmem:s4], [sflag:$0x8] =	stream.strided.gather [hbm4b:s2+s19], $0x400, s20, s19, $0x38;
	[tilespmem:$0x1F828] =	vst v63  }
0xca: {  	s7 =	simm.s32 $0x9800;
	s12 =	sld [smem:$0x7F0]  }
0xcb: {  	[tilespmem:s7], [sflag:$0x8] =	stream.strided.gather [hbm4b:s5+s19], $0x400, s20, s19, $0x38;
	[tilespmem:$0x1F828] =	vst v63  }
0xcc: {  	s24 =	simm.s32 $0x9C00;
	s31 =	sld [smem:$0x7F1]  }
0xcd: {  	[tilespmem:s24], [sflag:$0x8] =	stream.strided.gather [hbm4b:s12+s19], $0x400, s20, s19, $0x38;
	[tilespmem:$0x1F828] =	vst v63  }
0xce: {  	s2 =	sld [smem:$0x7F2]  }
0xcf: {  	[tilespmem:s9], [sflag:$0x8] =	stream.strided.gather [hbm4b:s31+s19], $0x400, s20, s19, $0x38;
	[tilespmem:$0x1F828] =	vst v63  }
0xd0: {  	s4 =	simm.s32 $0xA400;
	s5 =	sld [smem:$0x7F3]  }
0xd1: {  	[tilespmem:s4], [sflag:$0x8] =	stream.strided.gather [hbm4b:s2+s19], $0x400, s20, s19, $0x38;
	[tilespmem:$0x1F828] =	vst v63  }
0xd2: {  	s7 =	simm.s32 $0xA800;
	s9 =	sld [smem:$0x7F4]  }
0xd3: {  	[tilespmem:s7], [sflag:$0x8] =	stream.strided.gather [hbm4b:s5+s19], $0x400, s20, s19, $0x38;
	[tilespmem:$0x1F828] =	vst v63  }
0xd4: {  	s12 =	simm.s32 $0xAC00;
	s24 =	sld [smem:$0x7F5]  }
0xd5: {  	[tilespmem:s12], [sflag:$0x8] =	stream.strided.gather [hbm4b:s9+s19], $0x400, s20, s19, $0x38;
	[tilespmem:$0x1F828] =	vst v63  }
0xd6: {  	s31 =	simm.s32 $0xB000;
	s2 =	sld [smem:$0x7F6]  }
0xd7: {  	[tilespmem:s31], [sflag:$0x8] =	stream.strided.gather [hbm4b:s24+s19], $0x400, s20, s19, $0x38;
	[tilespmem:$0x1F828] =	vst v63  }
0xd8: {  	s4 =	sld [smem:$0x7F7]  }
0xd9: {  	[tilespmem:s10], [sflag:$0x8] =	stream.strided.gather [hbm4b:s2+s19], $0x400, s20, s19, $0x38;
	[tilespmem:$0x1F828] =	vst v63  }
0xda: {  	s5 =	simm.s32 $0xB800;
	s7 =	sld [smem:$0x7F8]  }
0xdb: {  	[tilespmem:s5], [sflag:$0x8] =	stream.strided.gather [hbm4b:s4+s19], $0x400, s20, s19, $0x38;
	[tilespmem:$0x1F828] =	vst v63  }
0xdc: {  	s9 =	simm.s32 $0xBC00;
	s10 =	sld [smem:$0x7F9]  }
0xdd: {  	[tilespmem:s9], [sflag:$0x8] =	stream.strided.gather [hbm4b:s7+s19], $0x400, s20, s19, $0x38;
	[tilespmem:$0x1F828] =	vst v63  }
0xde: {  	s12 =	simm.s32 $0xC000;
	s24 =	sld [smem:$0x7FB]  }
0xdf: {  	[tilespmem:s12], [sflag:$0x8] =	stream.strided.gather [hbm4b:s10+s19], $0x400, s20, s19, $0x38;
	[tilespmem:$0x1F828] =	vst v63  }
0xe0: {  	s31 =	simm.s32 $0xC400;
	s2 =	simm.s32 $0x8  }
0xe1: {  	[tilespmem:s31], [sflag:$0x8] =	stream.strided.gather [hbm4b:s24+s19], $0x400, s20, s19, $0x38;
	[tilespmem:$0x1F828] =	vst v63  }
0xe2: {  	_ =	swait.ge [sflag:s2], $0x400  }
0xe3: {  	[sflag:s2] =	ssyncset.done $0x0  }
0xe4: {  	[sflag:s2] =	ssyncadd.s32 $0xFFFFFC00  }
0xe5: {  	_ =	swait.ge [sflag:s2], $0x400  }
0xe6: {  	[sflag:s2] =	ssyncset.done $0x0  }
0xe7: {  	[sflag:s2] =	ssyncadd.s32 $0xFFFFFC00  }
0xe8: {  	_ =	swait.ge [sflag:s2], $0x400  }
0xe9: {  	[sflag:s2] =	ssyncset.done $0x0  }
0xea: {  	[sflag:s2] =	ssyncadd.s32 $0xFFFFFC00  }
0xeb: {  	_ =	swait.ge [sflag:s2], $0x400  }
0xec: {  	[sflag:s2] =	ssyncset.done $0x0  }
0xed: {  	[sflag:s2] =	ssyncadd.s32 $0xFFFFFC00  }
0xee: {  	_ =	swait.ge [sflag:s2], $0x400  }
0xef: {  	[sflag:s2] =	ssyncset.done $0x0  }
0xf0: {  	[sflag:s2] =	ssyncadd.s32 $0xFFFFFC00  }
0xf1: {  	_ =	swait.ge [sflag:s2], $0x400  }
0xf2: {  	[sflag:s2] =	ssyncset.done $0x0  }
0xf3: {  	[sflag:s2] =	ssyncadd.s32 $0xFFFFFC00  }
0xf4: {  	_ =	swait.ge [sflag:s2], $0x400  }
0xf5: {  	[sflag:s2] =	ssyncset.done $0x0  }
0xf6: {  	[sflag:s2] =	ssyncadd.s32 $0xFFFFFC00  }
0xf7: {  	_ =	swait.ge [sflag:s2], $0x400  }
0xf8: {  	[sflag:s2] =	ssyncset.done $0x0  }
0xf9: {  	[sflag:s2] =	ssyncadd.s32 $0xFFFFFC00  }
0xfa: {  	_ =	swait.ge [sflag:s2], $0x400  }
0xfb: {  	[sflag:s2] =	ssyncset.done $0x0  }
0xfc: {  	[sflag:s2] =	ssyncadd.s32 $0xFFFFFC00  }
0xfd: {  	_ =	swait.ge [sflag:s2], $0x400  }
0xfe: {  	[sflag:s2] =	ssyncset.done $0x0  }
0xff: {  	[sflag:s2] =	ssyncadd.s32 $0xFFFFFC00  }
0x100: {  	_ =	swait.ge [sflag:s2], $0x400  }
0x101: {  	[sflag:s2] =	ssyncset.done $0x0  }
0x102: {  	[sflag:s2] =	ssyncadd.s32 $0xFFFFFC00  }
0x103: {  	_ =	swait.ge [sflag:s2], $0x400  }
0x104: {  	[sflag:s2] =	ssyncset.done $0x0  }
0x105: {  	[sflag:s2] =	ssyncadd.s32 $0xFFFFFC00  }
0x106: {  	_ =	swait.ge [sflag:s2], $0x400  }
0x107: {  	[sflag:s2] =	ssyncset.done $0x0  }
0x108: {  	[sflag:s2] =	ssyncadd.s32 $0xFFFFFC00  }
0x109: {  	_ =	swait.ge [sflag:s2], $0x400  }
0x10a: {  	[sflag:s2] =	ssyncset.done $0x0  }
0x10b: {  	[sflag:s2] =	ssyncadd.s32 $0xFFFFFC00  }
0x10c: {  	_ =	swait.ge [sflag:s2], $0x400  }
0x10d: {  	[sflag:s2] =	ssyncset.done $0x0  }
0x10e: {  	[sflag:s2] =	ssyncadd.s32 $0xFFFFFC00  }
0x10f: {  	_ =	swait.ge [sflag:s2], $0x400  }
0x110: {  	[sflag:s2] =	ssyncset.done $0x0  }
0x111: {  	[sflag:s2] =	ssyncadd.s32 $0xFFFFFC00  }
0x112: {  	_ =	swait.ge [sflag:s2], $0x400  }
0x113: {  	[sflag:s2] =	ssyncset.done $0x0  }
0x114: {  	[sflag:s2] =	ssyncadd.s32 $0xFFFFFC00  }
0x115: {  	_ =	swait.ge [sflag:s2], $0x400  }
0x116: {  	[sflag:s2] =	ssyncset.done $0x0  }
0x117: {  	[sflag:s2] =	ssyncadd.s32 $0xFFFFFC00  }
0x118: {  	_ =	swait.ge [sflag:s2], $0x400  }
0x119: {  	[sflag:s2] =	ssyncset.done $0x0  }
0x11a: {  	[sflag:s2] =	ssyncadd.s32 $0xFFFFFC00  }
0x11b: {  	_ =	swait.ge [sflag:s2], $0x400  }
0x11c: {  	[sflag:s2] =	ssyncset.done $0x0  }
0x11d: {  	[sflag:s2] =	ssyncadd.s32 $0xFFFFFC00  }
0x11e: {  	_ =	swait.ge [sflag:s2], $0x400  }
0x11f: {  	[sflag:s2] =	ssyncset.done $0x0  }
0x120: {  	[sflag:s2] =	ssyncadd.s32 $0xFFFFFC00  }
0x121: {  	_ =	swait.ge [sflag:s2], $0x400  }
0x122: {  	[sflag:s2] =	ssyncset.done $0x0  }
0x123: {  	[sflag:s2] =	ssyncadd.s32 $0xFFFFFC00  }
0x124: {  	_ =	swait.ge [sflag:s2], $0x400  }
0x125: {  	[sflag:s2] =	ssyncset.done $0x0  }
0x126: {  	[sflag:s2] =	ssyncadd.s32 $0xFFFFFC00  }
0x127: {  	_ =	swait.ge [sflag:s2], $0x400  }
0x128: {  	[sflag:s2] =	ssyncset.done $0x0  }
0x129: {  	[sflag:s2] =	ssyncadd.s32 $0xFFFFFC00  }
0x12a: {  	_ =	swait.ge [sflag:s2], $0x400  }
0x12b: {  	[sflag:s2] =	ssyncset.done $0x0  }
0x12c: {  	[sflag:s2] =	ssyncadd.s32 $0xFFFFFC00  }
0x12d: {  	_ =	swait.ge [sflag:s2], $0x400  }
0x12e: {  	[sflag:s2] =	ssyncset.done $0x0  }
0x12f: {  	[sflag:s2] =	ssyncadd.s32 $0xFFFFFC00  }
0x130: {  	_ =	swait.ge [sflag:s2], $0x400  }
0x131: {  	[sflag:s2] =	ssyncset.done $0x0  }
0x132: {  	[sflag:s2] =	ssyncadd.s32 $0xFFFFFC00  }
0x133: {  	_ =	swait.ge [sflag:s2], $0x400  }
0x134: {  	[sflag:s2] =	ssyncset.done $0x0  }
0x135: {  	[sflag:s2] =	ssyncadd.s32 $0xFFFFFC00  }
0x136: {  	_ =	swait.ge [sflag:s2], $0x400  }
0x137: {  	[sflag:s2] =	ssyncset.done $0x0  }
0x138: {  	[sflag:s2] =	ssyncadd.s32 $0xFFFFFC00  }
0x139: {  	_ =	swait.ge [sflag:s2], $0x400  }
0x13a: {  	[sflag:s2] =	ssyncset.done $0x0  }
0x13b: {  	[sflag:s2] =	ssyncadd.s32 $0xFFFFFC00  }
0x13c: {  	_ =	swait.ge [sflag:s2], $0x400  }
0x13d: {  	[sflag:s2] =	ssyncset.done $0x0  }
0x13e: {  	[sflag:s2] =	ssyncadd.s32 $0xFFFFFC00  }
0x13f: {  	_ =	swait.ge [sflag:s2], $0x400  }
0x140: {  	[sflag:s2] =	ssyncset.done $0x0  }
0x141: {  	[sflag:s2] =	ssyncadd.s32 $0xFFFFFC00  }
0x142: {  	_ =	swait.ge [sflag:s2], $0x400  }
0x143: {  	[sflag:s2] =	ssyncset.done $0x0  }
0x144: {  	[sflag:s2] =	ssyncadd.s32 $0xFFFFFC00  }
0x145: {  	_ =	swait.ge [sflag:s2], $0x400  }
0x146: {  	[sflag:s2] =	ssyncset.done $0x0  }
0x147: {  	[sflag:s2] =	ssyncadd.s32 $0xFFFFFC00  }
0x148: {  	_ =	swait.ge [sflag:s2], $0x400  }
0x149: {  	[sflag:s2] =	ssyncset.done $0x0  }
0x14a: {  	[sflag:s2] =	ssyncadd.s32 $0xFFFFFC00  }
0x14b: {  	_ =	swait.ge [sflag:s2], $0x400  }
0x14c: {  	[sflag:s2] =	ssyncset.done $0x0  }
0x14d: {  	[sflag:s2] =	ssyncadd.s32 $0xFFFFFC00  }
0x14e: {  	_ =	swait.ge [sflag:s2], $0x400  }
0x14f: {  	[sflag:s2] =	ssyncset.done $0x0  }
0x150: {  	[sflag:s2] =	ssyncadd.s32 $0xFFFFFC00  }
0x151: {  	_ =	swait.ge [sflag:s2], $0x400  }
0x152: {  	[sflag:s2] =	ssyncset.done $0x0  }
0x153: {  	[sflag:s2] =	ssyncadd.s32 $0xFFFFFC00  }
0x154: {  	_ =	swait.ge [sflag:s2], $0x400  }
0x155: {  	[sflag:s2] =	ssyncset.done $0x0  }
0x156: {  	[sflag:s2] =	ssyncadd.s32 $0xFFFFFC00  }
0x157: {  	_ =	swait.ge [sflag:s2], $0x400  }
0x158: {  	[sflag:s2] =	ssyncset.done $0x0  }
0x159: {  	[sflag:s2] =	ssyncadd.s32 $0xFFFFFC00  }
0x15a: {  	_ =	swait.ge [sflag:s2], $0x400  }
0x15b: {  	[sflag:s2] =	ssyncset.done $0x0  }
0x15c: {  	[sflag:s2] =	ssyncadd.s32 $0xFFFFFC00  }
0x15d: {  	_ =	swait.ge [sflag:s2], $0x400  }
0x15e: {  	[sflag:s2] =	ssyncset.done $0x0  }
0x15f: {  	[sflag:s2] =	ssyncadd.s32 $0xFFFFFC00  }
0x160: {  	_ =	swait.ge [sflag:s2], $0x400  }
0x161: {  	[sflag:s2] =	ssyncset.done $0x0  }
0x162: {  	[sflag:s2] =	ssyncadd.s32 $0xFFFFFC00  }
0x163: {  	_ =	swait.ge [sflag:s2], $0x400  }
0x164: {  	[sflag:s2] =	ssyncset.done $0x0  }
0x165: {  	[sflag:s2] =	ssyncadd.s32 $0xFFFFFC00  }
0x166: {  	_ =	swait.ge [sflag:s2], $0x400  }
0x167: {  	[sflag:s2] =	ssyncset.done $0x0  }
0x168: {  	[sflag:s2] =	ssyncadd.s32 $0xFFFFFC00  }
0x169: {  	_ =	swait.ge [sflag:s2], $0x400  }
0x16a: {  	[sflag:s2] =	ssyncset.done $0x0  }
0x16b: {  	[sflag:s2] =	ssyncadd.s32 $0xFFFFFC00  }
0x16c: {  	_ =	swait.ge [sflag:s2], $0x400  }
0x16d: {  	[sflag:s2] =	ssyncset.done $0x0  }
0x16e: {  	[sflag:s2] =	ssyncadd.s32 $0xFFFFFC00  }
0x16f: {  	_ =	swait.ge [sflag:s2], $0x400  }
0x170: {  	[sflag:s2] =	ssyncset.done $0x0  }
0x171: {  	[sflag:s2] =	ssyncadd.s32 $0xFFFFFC00  }
0x172: {  	_ =	swait.ge [sflag:s2], $0x400  }
0x173: {  	[sflag:s2] =	ssyncset.done $0x0  }
0x174: {  	[sflag:s2] =	ssyncadd.s32 $0xFFFFFC00  }
0x175: {  	_ =	swait.ge [sflag:s2], $0x400  }
0x176: {  	[sflag:s2] =	ssyncset.done $0x0  }
0x177: {  	[sflag:s2] =	ssyncadd.s32 $0xFFFFFC00  }
0x178: {  	_ =	swait.ge @!p0 [sflag:s3], $0x1E840  }
0x179: {  	[sflag:s3] =	ssyncset.done @!p0 $0x0  }
0x17a: {  	[sflag:s3] =	ssyncadd.s32 @!p0 $0xFFFE17C0  }
0x17b: {  	_ =	swait.ge @!p0 [sflag:s3], $0x10  }
0x17c: {  	p1 =	por $0x1, $0x1;
	[sflag:s3] =	ssyncset.done @!p0 $0x0  }
0x17d: {  	s0 =	simm.s32 @p1 $0xC800;
	s4 =	simm.s32 @p1 $0x1400;
	[sflag:s3] =	ssyncadd.s32 @!p0 $0xFFFFFFF0  }
0x17e: {  	s5 =	simm.s32 @p1 $0x0;
	s2 =	simm.s32 @!p1 $0x5;
	[bflag:$0x0] =	sbarrier.arrive $0xFFFF  }
0x17f: {  	[tilespmem:s0], [sflag:$0x2] =	stream.indirect.gather @p1 [spmem:s11], $0x1, s5, s4, $0xb8;
	[tilespmem:$0x1F828] =	vst v63  }
0x180: {  	_ =	swait.ge @!p1 [sflag:s2], $0x400  }
0x181: {  	[sflag:s2] =	ssyncset.done @!p1 $0x0  }
0x182: {  	[sflag:s2] =	ssyncadd.s32 @!p1 $0xFFFFFC00  }
0x183: {  	_ =	swait.ge @!p1 [sflag:s2], $0x400  }
0x184: {  	[sflag:s2] =	ssyncset.done @!p1 $0x0  }
0x185: {  	[sflag:s2] =	ssyncadd.s32 @!p1 $0xFFFFFC00  }
0x186: {  	_ =	swait.ge @!p1 [sflag:s2], $0x400  }
0x187: {  	[sflag:s2] =	ssyncset.done @!p1 $0x0  }
0x188: {  	[sflag:s2] =	ssyncadd.s32 @!p1 $0xFFFFFC00  }
0x189: {  	_ =	swait.ge @!p1 [sflag:s2], $0x400  }
0x18a: {  	[sflag:s2] =	ssyncset.done @!p1 $0x0  }
0x18b: {  	[sflag:s2] =	ssyncadd.s32 @!p1 $0xFFFFFC00  }
0x18c: {  	_ =	swait.ge @!p1 [sflag:s2], $0x400  }
0x18d: {  	s7 =	simm.s32 @!p1 $0x6;
	s0 =	simm.s32 @!p1 $0xC800;
	[sflag:s2] =	ssyncset.done @!p1 $0x0  }
0x18e: {  	s4 =	simm.s32 @!p1 $0x1400;
	s5 =	simm.s32 @!p1 $0x0;
	[sflag:s2] =	ssyncadd.s32 @!p1 $0xFFFFFC00  }
0x18f: {  	[tilespmem:s0], [sflag:$0x2] =	stream.indirect.gather @!p1 [spmem:s11], $0x1, s5, s4, $0xb8;
	[tilespmem:$0x1F828] =	vst v63  }
0x190: {  	_ =	swait.ge @!p1 [sflag:s7], $0x400  }
0x191: {  	[sflag:s7] =	ssyncset.done @!p1 $0x0  }
0x192: {  	[sflag:s7] =	ssyncadd.s32 @!p1 $0xFFFFFC00  }
0x193: {  	_ =	swait.ge @!p1 [sflag:s7], $0x400  }
0x194: {  	[sflag:s7] =	ssyncset.done @!p1 $0x0  }
0x195: {  	[sflag:s7] =	ssyncadd.s32 @!p1 $0xFFFFFC00  }
0x196: {  	_ =	swait.ge @!p1 [sflag:s7], $0x400  }
0x197: {  	[sflag:s7] =	ssyncset.done @!p1 $0x0  }
0x198: {  	[sflag:s7] =	ssyncadd.s32 @!p1 $0xFFFFFC00  }
0x199: {  	_ =	swait.ge @!p1 [sflag:s7], $0x400  }
0x19a: {  	[sflag:s7] =	ssyncset.done @!p1 $0x0  }
0x19b: {  	[sflag:s7] =	ssyncadd.s32 @!p1 $0xFFFFFC00  }
0x19c: {  	_ =	swait.ge @!p1 [sflag:s7], $0x400  }
0x19d: {  	[sflag:s7] =	ssyncset.done @!p1 $0x0  }
0x19e: {  	s4 =	sld [smem:$0x7D2];
	[sflag:s7] =	ssyncadd.s32 @!p1 $0xFFFFFC00  }
0x19f: {  	[tilespmem:s13], [sflag:$0x3] =	stream.indirect.gather [spmem:s11], $0x1, s28, s28, $0xb8;
	[tilespmem:$0x1F828] =	vst v63  }
0x1a0: {  	_ =	swait.ge [sflag:s1], $0x1400  }
0x1a1: {  	s5 =	sand.u32 $0x70, s8;
	s0 =	sand.u32 $0xC000, s4;
	[sflag:s1] =	ssyncset.done $0x0  }
0x1a2: {  	s0 =	sor.u32 s5, s0;
	[sflag:s1] =	ssyncadd.s32 $0xFFFFEC00  }
0x1a3: {  	s4 =	sor.u32 s25, s0;
	s1 =	rddreg [dreg:$0x3]  }
0x1a4: {  	s8 =	rddreg [dreg:$0x6];
	s9 =	sadd.s32 s1, s4  }
0x1a5: {  	[hbm4b:s9+s19] =	stream.strided.scatter [tilespmem:s15], [sflag:$0x5], $0x400, s20, s19, $0x38;
	[tilespmem:$0x1F828] =	vst v63  }
0x1a6: {  	s10 =	rddreg [dreg:$0x7];
	s0 =	sadd.s32 s4, s8  }
0x1a7: {  	[hbm4b:s0+s19] =	stream.strided.scatter [tilespmem:s14], [sflag:$0x5], $0x400, s20, s19, $0x38;
	[tilespmem:$0x1F828] =	vst v63  }
0x1a8: {  	s31 =	simm.s32 $0xD000;
	s12 =	rddreg [dreg:$0x8];
	s14 =	sadd.s32 s4, s10  }
0x1a9: {  	[hbm4b:s14+s19] =	stream.strided.scatter [tilespmem:s31], [sflag:$0x5], $0x400, s20, s19, $0x38;
	[tilespmem:$0x1F828] =	vst v63  }
0x1aa: {  	s3 =	simm.s32 $0xD400;
	s24 =	rddreg [dreg:$0x9];
	s2 =	sadd.s32 s4, s12  }
0x1ab: {  	[hbm4b:s2+s19] =	stream.strided.scatter [tilespmem:s3], [sflag:$0x5], $0x400, s20, s19, $0x38;
	[tilespmem:$0x1F828] =	vst v63  }
0x1ac: {  	s7 =	simm.s32 $0xD800;
	s5 =	sadd.s32 s4, s24;
	s2 =	simm.s32 @!p1 $0x7  }
0x1ad: {  	[hbm4b:s5+s19] =	stream.strided.scatter [tilespmem:s7], [sflag:$0x5], $0x400, s20, s19, $0x38;
	[tilespmem:$0x1F828] =	vst v63  }
0x1ae: {  	_ =	swait.ge @!p1 [sflag:s2], $0x400  }
0x1af: {  	[sflag:s2] =	ssyncset.done @!p1 $0x0  }
0x1b0: {  	[sflag:s2] =	ssyncadd.s32 @!p1 $0xFFFFFC00  }
0x1b1: {  	_ =	swait.ge @!p1 [sflag:s2], $0x400  }
0x1b2: {  	[sflag:s2] =	ssyncset.done @!p1 $0x0  }
0x1b3: {  	[sflag:s2] =	ssyncadd.s32 @!p1 $0xFFFFFC00  }
0x1b4: {  	_ =	swait.ge @!p1 [sflag:s2], $0x400  }
0x1b5: {  	[sflag:s2] =	ssyncset.done @!p1 $0x0  }
0x1b6: {  	[sflag:s2] =	ssyncadd.s32 @!p1 $0xFFFFFC00  }
0x1b7: {  	_ =	swait.ge @!p1 [sflag:s2], $0x400  }
0x1b8: {  	[sflag:s2] =	ssyncset.done @!p1 $0x0  }
0x1b9: {  	[sflag:s2] =	ssyncadd.s32 @!p1 $0xFFFFFC00  }
0x1ba: {  	_ =	swait.ge @!p1 [sflag:s2], $0x400  }
0x1bb: {  	[sflag:s2] =	ssyncset.done @!p1 $0x0  }
0x1bc: {  	s12 =	simm.s32 $0x3;
	[sflag:s2] =	ssyncadd.s32 @!p1 $0xFFFFFC00  }
0x1bd: {  	[tilespmem:s26], [sflag:$0x4] =	stream.indirect.gather [spmem:s11], $0x1, s18, s28, $0xb8;
	[tilespmem:$0x1F828] =	vst v63  }
0x1be: {  	_ =	swait.ge [sflag:s12], $0x1400  }
0x1bf: {  	s8 =	rddreg [dreg:$0xa];
	[sflag:s12] =	ssyncset.done $0x0  }
0x1c0: {  	s9 =	rddreg [dreg:$0xb];
	[sflag:s12] =	ssyncadd.s32 $0xFFFFEC00;
	s0 =	sadd.s32 s4, s8  }
0x1c1: {  	[hbm4b:s0+s19] =	stream.strided.scatter [tilespmem:s13], [sflag:$0x6], $0x400, s20, s19, $0x38;
	[tilespmem:$0x1F828] =	vst v63  }
0x1c2: {  	s18 =	simm.s32 $0xE000;
	s10 =	rddreg [dreg:$0xc];
	s13 =	sadd.s32 s4, s9  }
0x1c3: {  	[hbm4b:s13+s19] =	stream.strided.scatter [tilespmem:s18], [sflag:$0x6], $0x400, s20, s19, $0x38;
	[tilespmem:$0x1F828] =	vst v63  }
0x1c4: {  	s3 =	simm.s32 $0xE400;
	s14 =	rddreg [dreg:$0xd];
	s24 =	sadd.s32 s4, s10  }
0x1c5: {  	[hbm4b:s24+s19] =	stream.strided.scatter [tilespmem:s3], [sflag:$0x6], $0x400, s20, s19, $0x38;
	[tilespmem:$0x1F828] =	vst v63  }
0x1c6: {  	s26 =	rddreg [dreg:$0xe];
	s7 =	sadd.s32 s4, s14;
	s8 =	simm.s32 $0xE800  }
0x1c7: {  	[hbm4b:s7+s19] =	stream.strided.scatter [tilespmem:s8], [sflag:$0x6], $0x400, s20, s19, $0x38;
	[tilespmem:$0x1F828] =	vst v63  }
0x1c8: {  	s10 =	simm.s32 $0xEC00;
	s9 =	sadd.s32 s4, s26  }
0x1c9: {  	[hbm4b:s9+s19] =	stream.strided.scatter [tilespmem:s10], [sflag:$0x6], $0x400, s20, s19, $0x38;
	[tilespmem:$0x1F828] =	vst v63  }
0x1ca: {  	s0 =	rddreg [dreg:$0xf];
	_ =	swait.ge [sflag:s6], $0x400  }
0x1cb: {  	[sflag:s6] =	ssyncset.done $0x0  }
0x1cc: {  	[sflag:s6] =	ssyncadd.s32 $0xFFFFFC00  }
0x1cd: {  	s2 =	rddreg [dreg:$0x10];
	_ =	swait.ge [sflag:s6], $0x400  }
0x1ce: {  	[sflag:s6] =	ssyncset.done $0x0  }
0x1cf: {  	[sflag:s6] =	ssyncadd.s32 $0xFFFFFC00  }
0x1d0: {  	s5 =	rddreg [dreg:$0x11];
	_ =	swait.ge [sflag:s6], $0x400  }
0x1d1: {  	[sflag:s6] =	ssyncset.done $0x0  }
0x1d2: {  	[sflag:s6] =	ssyncadd.s32 $0xFFFFFC00  }
0x1d3: {  	s7 =	rddreg [dreg:$0x12];
	_ =	swait.ge [sflag:s6], $0x400  }
0x1d4: {  	[sflag:s6] =	ssyncset.done $0x0  }
0x1d5: {  	[sflag:s6] =	ssyncadd.s32 $0xFFFFFC00  }
0x1d6: {  	s8 =	rddreg [dreg:$0x13];
	_ =	swait.ge [sflag:s6], $0x400  }
0x1d7: {  	[sflag:s6] =	ssyncset.done $0x0  }
0x1d8: {  	s3 =	simm.s32 $0x4;
	[sflag:s6] =	ssyncadd.s32 $0xFFFFFC00  }
0x1d9: {  	[tilespmem:s15], [sflag:$0x2] =	stream.indirect.gather [spmem:s11], $0x1, s17, s28, $0xb8;
	[tilespmem:$0x1F828] =	vst v63  }
0x1da: {  	_ =	swait.ge [sflag:s3], $0x1400  }
0x1db: {  	s1 =	simm.s32 $0xF000;
	s13 =	rddreg [dreg:$0x14];
	[sflag:s3] =	ssyncset.done $0x0  }
0x1dc: {  	s14 =	rddreg [dreg:$0x15];
	[sflag:s3] =	ssyncadd.s32 $0xFFFFEC00;
	s9 =	sadd.s32 s4, s13  }
0x1dd: {  	[hbm4b:s9+s19] =	stream.strided.scatter [tilespmem:s1], [sflag:$0x7], $0x400, s20, s19, $0x38;
	[tilespmem:$0x1F828] =	vst v63  }
0x1de: {  	s24 =	simm.s32 $0xF400;
	s15 =	rddreg [dreg:$0x16];
	s17 =	sadd.s32 s4, s14  }
0x1df: {  	[hbm4b:s17+s19] =	stream.strided.scatter [tilespmem:s24], [sflag:$0x7], $0x400, s20, s19, $0x38;
	[tilespmem:$0x1F828] =	vst v63  }
0x1e0: {  	s10 =	rddreg [dreg:$0x17];
	s15 =	sadd.s32 s4, s15;
	s24 =	simm.s32 $0xF800  }
0x1e1: {  	[hbm4b:s15+s19] =	stream.strided.scatter [tilespmem:s24], [sflag:$0x7], $0x400, s20, s19, $0x38;
	[tilespmem:$0x1F828] =	vst v63  }
0x1e2: {  	s14 =	sadd.s32 s4, s10;
	s17 =	rddreg [dreg:$0x18];
	s15 =	simm.s32 $0xFC00  }
0x1e3: {  	[hbm4b:s14+s19] =	stream.strided.scatter [tilespmem:s15], [sflag:$0x7], $0x400, s20, s19, $0x38;
	[tilespmem:$0x1F828] =	vst v63  }
0x1e4: {  	s17 =	sadd.s32 s4, s17;
	s24 =	simm.s32 $0x10000  }
0x1e5: {  	[hbm4b:s17+s19] =	stream.strided.scatter [tilespmem:s24], [sflag:$0x7], $0x400, s20, s19, $0x38;
	[tilespmem:$0x1F828] =	vst v63  }
0x1e6: {  	s10 =	rddreg [dreg:$0x19];
	_ =	swait.ge [sflag:s29], $0x400  }
0x1e7: {  	[sflag:s29] =	ssyncset.done $0x0  }
0x1e8: {  	[sflag:s29] =	ssyncadd.s32 $0xFFFFFC00  }
0x1e9: {  	s9 =	rddreg [dreg:$0x1a];
	_ =	swait.ge [sflag:s29], $0x400  }
0x1ea: {  	[sflag:s29] =	ssyncset.done $0x0  }
0x1eb: {  	[sflag:s29] =	ssyncadd.s32 $0xFFFFFC00  }
0x1ec: {  	s13 =	rddreg [dreg:$0x1b];
	_ =	swait.ge [sflag:s29], $0x400  }
0x1ed: {  	[sflag:s29] =	ssyncset.done $0x0  }
0x1ee: {  	[sflag:s29] =	ssyncadd.s32 $0xFFFFFC00  }
0x1ef: {  	s14 =	rddreg [dreg:$0x1c];
	_ =	swait.ge [sflag:s29], $0x400  }
0x1f0: {  	[sflag:s29] =	ssyncset.done $0x0  }
0x1f1: {  	[sflag:s29] =	ssyncadd.s32 $0xFFFFFC00  }
0x1f2: {  	s15 =	rddreg [dreg:$0x1d];
	_ =	swait.ge [sflag:s29], $0x400  }
0x1f3: {  	[sflag:s29] =	ssyncset.done $0x0  }
0x1f4: {  	s31 =	simm.s32 $0x2;
	s18 =	simm.s32 $0xDC00;
	[sflag:s29] =	ssyncadd.s32 $0xFFFFFC00  }
0x1f5: {  	[tilespmem:s18], [sflag:$0x3] =	stream.indirect.gather [spmem:s11], $0x1, s16, s28, $0xb8;
	[tilespmem:$0x1F828] =	vst v63  }
0x1f6: {  	_ =	swait.ge [sflag:s31], $0x1400  }
0x1f7: {  	[sflag:s31] =	ssyncset.done $0x0  }
0x1f8: {  	s0 =	sadd.s32 s4, s0;
	s17 =	simm.s32 $0xC800;
	[sflag:s31] =	ssyncadd.s32 $0xFFFFEC00  }
0x1f9: {  	[hbm4b:s0+s19] =	stream.strided.scatter [tilespmem:s17], [sflag:$0x5], $0x400, s20, s19, $0x38;
	[tilespmem:$0x1F828] =	vst v63  }
0x1fa: {  	s2 =	sadd.s32 s4, s2;
	s24 =	simm.s32 $0xCC00  }
0x1fb: {  	[hbm4b:s2+s19] =	stream.strided.scatter [tilespmem:s24], [sflag:$0x5], $0x400, s20, s19, $0x38;
	[tilespmem:$0x1F828] =	vst v63  }
0x1fc: {  	s16 =	sadd.s32 s4, s5;
	s24 =	simm.s32 $0xD000  }
0x1fd: {  	[hbm4b:s16+s19] =	stream.strided.scatter [tilespmem:s24], [sflag:$0x5], $0x400, s20, s19, $0x38;
	[tilespmem:$0x1F828] =	vst v63  }
0x1fe: {  	s5 =	sadd.s32 s4, s7;
	s7 =	simm.s32 $0xD400  }
0x1ff: {  	[hbm4b:s5+s19] =	stream.strided.scatter [tilespmem:s7], [sflag:$0x5], $0x400, s20, s19, $0x38;
	[tilespmem:$0x1F828] =	vst v63  }
0x200: {  	s8 =	sadd.s32 s4, s8;
	s16 =	simm.s32 $0xD800  }
0x201: {  	[hbm4b:s8+s19] =	stream.strided.scatter [tilespmem:s16], [sflag:$0x5], $0x400, s20, s19, $0x38;
	[tilespmem:$0x1F828] =	vst v63  }
0x202: {  	s2 =	rddreg [dreg:$0x1e];
	_ =	swait.ge [sflag:s30], $0x400  }
0x203: {  	[sflag:s30] =	ssyncset.done $0x0  }
0x204: {  	[sflag:s30] =	ssyncadd.s32 $0xFFFFFC00  }
0x205: {  	s0 =	rddreg [dreg:$0x1f];
	_ =	swait.ge [sflag:s30], $0x400  }
0x206: {  	[sflag:s30] =	ssyncset.done $0x0  }
0x207: {  	[sflag:s30] =	ssyncadd.s32 $0xFFFFFC00  }
0x208: {  	s5 =	sld [smem:$0x7AC];
	_ =	swait.ge [sflag:s30], $0x400  }
0x209: {  	[sflag:s30] =	ssyncset.done $0x0  }
0x20a: {  	[sflag:s30] =	ssyncadd.s32 $0xFFFFFC00  }
0x20b: {  	s7 =	sld [smem:$0x7AD];
	_ =	swait.ge [sflag:s30], $0x400  }
0x20c: {  	[sflag:s30] =	ssyncset.done $0x0  }
0x20d: {  	[sflag:s30] =	ssyncadd.s32 $0xFFFFFC00  }
0x20e: {  	s8 =	sld [smem:$0x7AE];
	_ =	swait.ge [sflag:s30], $0x400  }
0x20f: {  	[sflag:s30] =	ssyncset.done $0x0  }
0x210: {  	[sflag:s30] =	ssyncadd.s32 $0xFFFFFC00  }
0x211: {  	[tilespmem:s1], [sflag:$0x4] =	stream.indirect.gather [spmem:s11], $0x1, s22, s28, $0xb8;
	[tilespmem:$0x1F828] =	vst v63  }
0x212: {  	_ =	swait.ge [sflag:s12], $0x1400  }
0x213: {  	[sflag:s12] =	ssyncset.done $0x0  }
0x214: {  	s10 =	sadd.s32 s4, s10;
	[sflag:s12] =	ssyncadd.s32 $0xFFFFEC00  }
0x215: {  	[hbm4b:s10+s19] =	stream.strided.scatter [tilespmem:s18], [sflag:$0x6], $0x400, s20, s19, $0x38;
	[tilespmem:$0x1F828] =	vst v63  }
0x216: {  	s9 =	sadd.s32 s4, s9;
	s24 =	simm.s32 $0xE000  }
0x217: {  	[hbm4b:s9+s19] =	stream.strided.scatter [tilespmem:s24], [sflag:$0x6], $0x400, s20, s19, $0x38;
	[tilespmem:$0x1F828] =	vst v63  }
0x218: {  	s16 =	sadd.s32 s4, s13;
	s24 =	simm.s32 $0xE400  }
0x219: {  	[hbm4b:s16+s19] =	stream.strided.scatter [tilespmem:s24], [sflag:$0x6], $0x400, s20, s19, $0x38;
	[tilespmem:$0x1F828] =	vst v63  }
0x21a: {  	s13 =	sadd.s32 s4, s14;
	s14 =	simm.s32 $0xE800  }
0x21b: {  	[hbm4b:s13+s19] =	stream.strided.scatter [tilespmem:s14], [sflag:$0x6], $0x400, s20, s19, $0x38;
	[tilespmem:$0x1F828] =	vst v63  }
0x21c: {  	s15 =	sadd.s32 s4, s15;
	s16 =	simm.s32 $0xEC00  }
0x21d: {  	[hbm4b:s15+s19] =	stream.strided.scatter [tilespmem:s16], [sflag:$0x6], $0x400, s20, s19, $0x38;
	[tilespmem:$0x1F828] =	vst v63  }
0x21e: {  	s10 =	sld [smem:$0x7AF];
	_ =	swait.ge [sflag:s6], $0x400  }
0x21f: {  	[sflag:s6] =	ssyncset.done $0x0  }
0x220: {  	[sflag:s6] =	ssyncadd.s32 $0xFFFFFC00  }
0x221: {  	s9 =	sld [smem:$0x7B0];
	_ =	swait.ge [sflag:s6], $0x400  }
0x222: {  	[sflag:s6] =	ssyncset.done $0x0  }
0x223: {  	[sflag:s6] =	ssyncadd.s32 $0xFFFFFC00  }
0x224: {  	s13 =	sld [smem:$0x7B1];
	_ =	swait.ge [sflag:s6], $0x400  }
0x225: {  	[sflag:s6] =	ssyncset.done $0x0  }
0x226: {  	[sflag:s6] =	ssyncadd.s32 $0xFFFFFC00  }
0x227: {  	s14 =	sld [smem:$0x7B2];
	_ =	swait.ge [sflag:s6], $0x400  }
0x228: {  	[sflag:s6] =	ssyncset.done $0x0  }
0x229: {  	[sflag:s6] =	ssyncadd.s32 $0xFFFFFC00  }
0x22a: {  	s15 =	sld [smem:$0x7B4];
	_ =	swait.ge [sflag:s6], $0x400  }
0x22b: {  	[sflag:s6] =	ssyncset.done $0x0  }
0x22c: {  	s24 =	simm.s32 $0x7800;
	[sflag:s6] =	ssyncadd.s32 $0xFFFFFC00  }
0x22d: {  	[tilespmem:s17], [sflag:$0x2] =	stream.indirect.gather [spmem:s11], $0x1, s24, s28, $0xb8;
	[tilespmem:$0x1F828] =	vst v63  }
0x22e: {  	_ =	swait.ge [sflag:s3], $0x1400  }
0x22f: {  	[sflag:s3] =	ssyncset.done $0x0  }
0x230: {  	s2 =	sadd.s32 s4, s2;
	[sflag:s3] =	ssyncadd.s32 $0xFFFFEC00  }
0x231: {  	[hbm4b:s2+s19] =	stream.strided.scatter [tilespmem:s1], [sflag:$0x7], $0x400, s20, s19, $0x38;
	[tilespmem:$0x1F828] =	vst v63  }
0x232: {  	s0 =	sadd.s32 s4, s0;
	s24 =	simm.s32 $0xF400  }
0x233: {  	[hbm4b:s0+s19] =	stream.strided.scatter [tilespmem:s24], [sflag:$0x7], $0x400, s20, s19, $0x38;
	[tilespmem:$0x1F828] =	vst v63  }
0x234: {  	s5 =	sadd.s32 s4, s5;
	s16 =	simm.s32 $0xF800  }
0x235: {  	[hbm4b:s5+s19] =	stream.strided.scatter [tilespmem:s16], [sflag:$0x7], $0x400, s20, s19, $0x38;
	[tilespmem:$0x1F828] =	vst v63  }
0x236: {  	s2 =	sadd.s32 s4, s7;
	s5 =	simm.s32 $0xFC00  }
0x237: {  	[hbm4b:s2+s19] =	stream.strided.scatter [tilespmem:s5], [sflag:$0x7], $0x400, s20, s19, $0x38;
	[tilespmem:$0x1F828] =	vst v63  }
0x238: {  	s7 =	sadd.s32 s4, s8;
	s8 =	simm.s32 $0x10000  }
0x239: {  	[hbm4b:s7+s19] =	stream.strided.scatter [tilespmem:s8], [sflag:$0x7], $0x400, s20, s19, $0x38;
	[tilespmem:$0x1F828] =	vst v63  }
0x23a: {  	s2 =	sld [smem:$0x7B6];
	_ =	swait.ge [sflag:s29], $0x400  }
0x23b: {  	[sflag:s29] =	ssyncset.done $0x0  }
0x23c: {  	[sflag:s29] =	ssyncadd.s32 $0xFFFFFC00  }
0x23d: {  	s0 =	sld [smem:$0x7B7];
	_ =	swait.ge [sflag:s29], $0x400  }
0x23e: {  	[sflag:s29] =	ssyncset.done $0x0  }
0x23f: {  	[sflag:s29] =	ssyncadd.s32 $0xFFFFFC00  }
0x240: {  	s5 =	sld [smem:$0x7B9];
	_ =	swait.ge [sflag:s29], $0x400  }
0x241: {  	[sflag:s29] =	ssyncset.done $0x0  }
0x242: {  	[sflag:s29] =	ssyncadd.s32 $0xFFFFFC00  }
0x243: {  	s7 =	sld [smem:$0x7BA];
	_ =	swait.ge [sflag:s29], $0x400  }
0x244: {  	[sflag:s29] =	ssyncset.done $0x0  }
0x245: {  	[sflag:s29] =	ssyncadd.s32 $0xFFFFFC00  }
0x246: {  	s8 =	sld [smem:$0x7BB];
	_ =	swait.ge [sflag:s29], $0x400  }
0x247: {  	[sflag:s29] =	ssyncset.done $0x0  }
0x248: {  	s16 =	simm.s32 $0x8C00;
	[sflag:s29] =	ssyncadd.s32 $0xFFFFFC00  }
0x249: {  	[tilespmem:s18], [sflag:$0x3] =	stream.indirect.gather [spmem:s11], $0x1, s16, s28, $0xb8;
	[tilespmem:$0x1F828] =	vst v63  }
0x24a: {  	_ =	swait.ge [sflag:s31], $0x1400  }
0x24b: {  	[sflag:s31] =	ssyncset.done $0x0  }
0x24c: {  	s10 =	sadd.s32 s4, s10;
	[sflag:s31] =	ssyncadd.s32 $0xFFFFEC00  }
0x24d: {  	[hbm4b:s10+s19] =	stream.strided.scatter [tilespmem:s17], [sflag:$0x5], $0x400, s20, s19, $0x38;
	[tilespmem:$0x1F828] =	vst v63  }
0x24e: {  	s9 =	sadd.s32 s4, s9;
	s16 =	simm.s32 $0xCC00  }
0x24f: {  	[hbm4b:s9+s19] =	stream.strided.scatter [tilespmem:s16], [sflag:$0x5], $0x400, s20, s19, $0x38;
	[tilespmem:$0x1F828] =	vst v63  }
0x250: {  	s13 =	sadd.s32 s4, s13;
	s16 =	simm.s32 $0xD000  }
0x251: {  	[hbm4b:s13+s19] =	stream.strided.scatter [tilespmem:s16], [sflag:$0x5], $0x400, s20, s19, $0x38;
	[tilespmem:$0x1F828] =	vst v63  }
0x252: {  	s13 =	sadd.s32 s4, s14;
	s14 =	simm.s32 $0xD400  }
0x253: {  	[hbm4b:s13+s19] =	stream.strided.scatter [tilespmem:s14], [sflag:$0x5], $0x400, s20, s19, $0x38;
	[tilespmem:$0x1F828] =	vst v63  }
0x254: {  	s15 =	sadd.s32 s4, s15;
	s16 =	simm.s32 $0xD800  }
0x255: {  	[hbm4b:s15+s19] =	stream.strided.scatter [tilespmem:s16], [sflag:$0x5], $0x400, s20, s19, $0x38;
	[tilespmem:$0x1F828] =	vst v63  }
0x256: {  	s10 =	sld [smem:$0x7BD];
	_ =	swait.ge [sflag:s30], $0x400  }
0x257: {  	[sflag:s30] =	ssyncset.done $0x0  }
0x258: {  	[sflag:s30] =	ssyncadd.s32 $0xFFFFFC00  }
0x259: {  	s9 =	sld [smem:$0x7BF];
	_ =	swait.ge [sflag:s30], $0x400  }
0x25a: {  	[sflag:s30] =	ssyncset.done $0x0  }
0x25b: {  	[sflag:s30] =	ssyncadd.s32 $0xFFFFFC00  }
0x25c: {  	s13 =	sld [smem:$0x7C1];
	_ =	swait.ge [sflag:s30], $0x400  }
0x25d: {  	[sflag:s30] =	ssyncset.done $0x0  }
0x25e: {  	[sflag:s30] =	ssyncadd.s32 $0xFFFFFC00  }
0x25f: {  	s14 =	sld [smem:$0x7C3];
	_ =	swait.ge [sflag:s30], $0x400  }
0x260: {  	[sflag:s30] =	ssyncset.done $0x0  }
0x261: {  	[sflag:s30] =	ssyncadd.s32 $0xFFFFFC00  }
0x262: {  	s15 =	sld [smem:$0x7C5];
	_ =	swait.ge [sflag:s30], $0x400  }
0x263: {  	[sflag:s30] =	ssyncset.done $0x0  }
0x264: {  	s16 =	simm.s32 $0xA000;
	[sflag:s30] =	ssyncadd.s32 $0xFFFFFC00  }
0x265: {  	[tilespmem:s1], [sflag:$0x4] =	stream.indirect.gather [spmem:s11], $0x1, s16, s28, $0xb8;
	[tilespmem:$0x1F828] =	vst v63  }
0x266: {  	_ =	swait.ge [sflag:s12], $0x1400  }
0x267: {  	[sflag:s12] =	ssyncset.done $0x0  }
0x268: {  	s2 =	sadd.s32 s4, s2;
	[sflag:s12] =	ssyncadd.s32 $0xFFFFEC00  }
0x269: {  	[hbm4b:s2+s19] =	stream.strided.scatter [tilespmem:s18], [sflag:$0x6], $0x400, s20, s19, $0x38;
	[tilespmem:$0x1F828] =	vst v63  }
0x26a: {  	s22 =	simm.s32 $0xE000;
	s0 =	sadd.s32 s4, s0  }
0x26b: {  	[hbm4b:s0+s19] =	stream.strided.scatter [tilespmem:s22], [sflag:$0x6], $0x400, s20, s19, $0x38;
	[tilespmem:$0x1F828] =	vst v63  }
0x26c: {  	s18 =	sadd.s32 s4, s5;
	s22 =	simm.s32 $0xE400  }
0x26d: {  	[hbm4b:s18+s19] =	stream.strided.scatter [tilespmem:s22], [sflag:$0x6], $0x400, s20, s19, $0x38;
	[tilespmem:$0x1F828] =	vst v63  }
0x26e: {  	s5 =	sadd.s32 s4, s7;
	s7 =	simm.s32 $0xE800  }
0x26f: {  	[hbm4b:s5+s19] =	stream.strided.scatter [tilespmem:s7], [sflag:$0x6], $0x400, s20, s19, $0x38;
	[tilespmem:$0x1F828] =	vst v63  }
0x270: {  	s16 =	simm.s32 $0xEC00;
	s12 =	sadd.s32 s4, s8  }
0x271: {  	[hbm4b:s12+s19] =	stream.strided.scatter [tilespmem:s16], [sflag:$0x6], $0x400, s20, s19, $0x38;
	[tilespmem:$0x1F828] =	vst v63  }
0x272: {  	s2 =	sld [smem:$0x7C7];
	_ =	swait.ge [sflag:s6], $0x400  }
0x273: {  	[sflag:s6] =	ssyncset.done $0x0  }
0x274: {  	[sflag:s6] =	ssyncadd.s32 $0xFFFFFC00  }
0x275: {  	s5 =	sld [smem:$0x7C9];
	_ =	swait.ge [sflag:s6], $0x400  }
0x276: {  	[sflag:s6] =	ssyncset.done $0x0  }
0x277: {  	[sflag:s6] =	ssyncadd.s32 $0xFFFFFC00  }
0x278: {  	s7 =	sld [smem:$0x7CB];
	_ =	swait.ge [sflag:s6], $0x400  }
0x279: {  	[sflag:s6] =	ssyncset.done $0x0  }
0x27a: {  	[sflag:s6] =	ssyncadd.s32 $0xFFFFFC00  }
0x27b: {  	s8 =	sld [smem:$0x7CD];
	_ =	swait.ge [sflag:s6], $0x400  }
0x27c: {  	[sflag:s6] =	ssyncset.done $0x0  }
0x27d: {  	[sflag:s6] =	ssyncadd.s32 $0xFFFFFC00  }
0x27e: {  	s16 =	sld [smem:$0x7CF];
	_ =	swait.ge [sflag:s6], $0x400  }
0x27f: {  	[sflag:s6] =	ssyncset.done $0x0  }
0x280: {  	s18 =	simm.s32 $0xB400;
	[sflag:s6] =	ssyncadd.s32 $0xFFFFFC00  }
0x281: {  	[tilespmem:s17], [sflag:$0x2] =	stream.indirect.gather [spmem:s11], $0x1, s18, s28, $0xb8;
	[tilespmem:$0x1F828] =	vst v63  }
0x282: {  	_ =	swait.ge [sflag:s3], $0x1400  }
0x283: {  	[sflag:s3] =	ssyncset.done $0x0  }
0x284: {  	s22 =	sadd.s32 s4, s10;
	[sflag:s3] =	ssyncadd.s32 $0xFFFFEC00  }
0x285: {  	[hbm4b:s22+s19] =	stream.strided.scatter [tilespmem:s1], [sflag:$0x7], $0x400, s20, s19, $0x38;
	[tilespmem:$0x1F828] =	vst v63  }
0x286: {  	p1 =	por @!p0 $0x0, $0x0;
	s1 =	sadd.s32 s4, s9  }
0x287: {  	[hbm4b:s1+s19] =	stream.strided.scatter [tilespmem:s24], [sflag:$0x7], $0x400, s20, s19, $0x38;
	[tilespmem:$0x1F828] =	vst v63  }
0x288: {  	p3 =	por p1, p0;
	s3 =	sadd.s32 s4, s13;
	s9 =	simm.s32 $0xF800  }
0x289: {  	[hbm4b:s3+s19] =	stream.strided.scatter [tilespmem:s9], [sflag:$0x7], $0x400, s20, s19, $0x38;
	[tilespmem:$0x1F828] =	vst v63  }
0x28a: {  	s26 =	simm.s32 $0x3C00;
	s10 =	sadd.s32 s4, s14;
	s11 =	simm.s32 $0xFC00  }
0x28b: {  	[hbm4b:s10+s19] =	stream.strided.scatter [tilespmem:s11], [sflag:$0x7], $0x400, s20, s19, $0x38;
	[tilespmem:$0x1F828] =	vst v63  }
0x28c: {  	s0 =	simm.s32 $0x10;
	s12 =	sadd.s32 s4, s15;
	s15 =	simm.s32 $0x10000  }
0x28d: {  	[hbm4b:s12+s19] =	stream.strided.scatter [tilespmem:s15], [sflag:$0x7], $0x400, s20, s19, $0x38;
	[tilespmem:$0x1F828] =	vst v63  }
0x28e: {  	s14 =	sadd.s32 s4, s7;
	s18 =	sadd.s32 s4, s5;
	_ =	swait.ge [sflag:s31], $0x1400  }
0x28f: {  	s13 =	sadd.s32 s4, s2;
	s22 =	sadd.s32 s4, s8;
	s8 =	sld [smem:$0x7D3]  }
0x290: {  	s2 =	sadd.s32 s4, s16;
	[sflag:s31] =	ssyncset.done $0x0;
	s10 =	sld [smem:$0x7D4]  }
0x291: {  	s9 =	simm.s32 @!p3 $0x80;
	s24 =	sld [smem:$0x7D2];
	[sflag:s31] =	ssyncadd.s32 $0xFFFFEC00  }
0x292: {  	[hbm4b:s13+s19] =	stream.strided.scatter [tilespmem:s17], [sflag:$0x5], $0x400, s20, s19, $0x38;
	[tilespmem:$0x1F828] =	vst v63  }
0x293: {  	s31 =	simm.s32 $0xCC00;
	s4 =	sadd.s32 $0x80, s8;
	s5 =	sadd.s32 $0x1, s10  }
0x294: {  	s7 =	sadd.s32 $0x800, s24;
	s13 =	sshrl.u32 @!p3 s10, $0x3;
	s10 =	sand.u32 @!p3 $0x380, s8  }
0x295: {  	[hbm4b:s18+s19] =	stream.strided.scatter [tilespmem:s31], [sflag:$0x5], $0x400, s20, s19, $0x38;
	[tilespmem:$0x1F828] =	vst v63  }
0x296: {  	s8 =	simm.s32 @!p3 $0x1C01;
	s15 =	smul.u32 @!p3 $0x7A1400, s13;
	s13 =	sshll.u32 @!p3 s13, $0xA  }
.LBB2_2:
0x297: {  	s1 =	simm.s32 $0xD000;
	s16 =	simm.s32 @!p3 $0x10  }
0x298: {  	[hbm4b:s14+s19] =	stream.strided.scatter [tilespmem:s1], [sflag:$0x5], $0x400, s20, s19, $0x38;
	[tilespmem:$0x1F828] =	vst v63  }
0x299: {  	s17 =	simm.s32 $0xD400;
	s11 =	rddreg [dreg:$0x4];
	s14 =	sor.u32 @!p3 s10, s15  }
0x29a: {  	[hbm4b:s22+s19] =	stream.strided.scatter [tilespmem:s17], [sflag:$0x5], $0x400, s20, s19, $0x38;
	[tilespmem:$0x1F828] =	vst v63  }
0x29b: {  	s18 =	simm.s32 $0xD800;
	s15 =	simm.s32 @!p3 $0x1;
	s14 =	sshrl.u32 @!p3 s14, $0x3  }
0x29c: {  	[hbm4b:s2+s19] =	stream.strided.scatter [tilespmem:s18], [sflag:$0x5], $0x400, s20, s19, $0x38;
	[tilespmem:$0x1F828] =	vst v63  }
0x29d: {  	s17 =	sshrl.u32 @!p3 s11, $0x3;
	s2 =	sadd.s32 @!p3 s23, s14;
	[bflag:$0x0] =	sbarrier.arrive $0xFFFF  }
0x29e: {  	[spmem:s17@s16], [sflag:s8] =	dma.strided @!p3 [hbm:s2@s9], $0x1E840, s15, $0x10   }
0x29f: {  	s9 =	sld [smem:$0x7B5]  }
0x2a0: {  	s10 =	sor.u32 @!p3 s10, s13  }
0x2a1: {  	s10 =	sshrl.u32 @!p3 s10, $0x3  }
0x2a2: {  	s2 =	sadd.s32 @!p3 s21, s10;
	s9 =	sshrl.u32 @!p3 s9, $0x3  }
0x2a3: {  	[spmem:s9], [sflag:s8] =	dma.local @!p3 [hbm:s2], $0x10  }
0x2a4: {  	s9 =	simm.s32 @!p0 $0x1  }
0x2a5: {  	s3 =	smov.u32 s0;
	_ =	swait.ge @!p0 [sflag:s9], $0x1E840  }
0x2a6: {  	s22 =	smov.u32 s4;
	[sflag:s9] =	ssyncset.done @!p0 $0x0;
	[smem:$0x7A8] =	sst s3  }
0x2a7: {  	[smem:$0x7AA] =	sst s22;
	[sflag:s9] =	ssyncadd.s32 @!p0 $0xFFFE17C0  }
0x2a8: {  	p2 =	seq.s32 s0, $0x0;
	_ =	swait.ge @!p0 [sflag:s9], $0x10  }
0x2a9: {  	s13 =	simm.s32 @p2 $0x0;
	s23 =	smov.u32 s5;
	[sflag:s9] =	ssyncset.done @!p0 $0x0  }
0x2aa: {  	s10 =	simm.s32 @p2 $0x1400;
	[smem:$0x7A9] =	sst s23;
	[sflag:s9] =	ssyncadd.s32 @!p0 $0xFFFFFFF0  }
0x2ab: {  	s2 =	simm.s32 @p2 $0xC800;
	s8 =	simm.s32 @!p2 $0x5;
	[bflag:$0x0] =	sbarrier.arrive $0xFFFF  }
0x2ac: {  	[tilespmem:s2], [sflag:$0x2] =	stream.indirect.gather @p2 [spmem:s11], $0x1, s13, s10, $0xb8;
	[tilespmem:$0x1F828] =	vst v63  }
0x2ad: {  	_ =	swait.ge @!p2 [sflag:s8], $0x400  }
0x2ae: {  	[sflag:s8] =	ssyncset.done @!p2 $0x0  }
0x2af: {  	[sflag:s8] =	ssyncadd.s32 @!p2 $0xFFFFFC00  }
0x2b0: {  	_ =	swait.ge @!p2 [sflag:s8], $0x400  }
0x2b1: {  	[sflag:s8] =	ssyncset.done @!p2 $0x0  }
0x2b2: {  	[sflag:s8] =	ssyncadd.s32 @!p2 $0xFFFFFC00  }
0x2b3: {  	_ =	swait.ge @!p2 [sflag:s8], $0x400  }
0x2b4: {  	[sflag:s8] =	ssyncset.done @!p2 $0x0  }
0x2b5: {  	[sflag:s8] =	ssyncadd.s32 @!p2 $0xFFFFFC00  }
0x2b6: {  	_ =	swait.ge @!p2 [sflag:s8], $0x400  }
0x2b7: {  	[sflag:s8] =	ssyncset.done @!p2 $0x0  }
0x2b8: {  	[sflag:s8] =	ssyncadd.s32 @!p2 $0xFFFFFC00  }
0x2b9: {  	_ =	swait.ge @!p2 [sflag:s8], $0x400  }
0x2ba: {  	s14 =	simm.s32 @!p2 $0x6;
	s2 =	simm.s32 @!p2 $0xC800;
	[sflag:s8] =	ssyncset.done @!p2 $0x0  }
0x2bb: {  	s10 =	simm.s32 @!p2 $0x1400;
	s13 =	simm.s32 @!p2 $0x0;
	[sflag:s8] =	ssyncadd.s32 @!p2 $0xFFFFFC00  }
0x2bc: {  	[tilespmem:s2], [sflag:$0x2] =	stream.indirect.gather @!p2 [spmem:s11], $0x1, s13, s10, $0xb8;
	[tilespmem:$0x1F828] =	vst v63  }
0x2bd: {  	_ =	swait.ge @!p2 [sflag:s14], $0x400  }
0x2be: {  	[sflag:s14] =	ssyncset.done @!p2 $0x0  }
0x2bf: {  	[sflag:s14] =	ssyncadd.s32 @!p2 $0xFFFFFC00  }
0x2c0: {  	_ =	swait.ge @!p2 [sflag:s14], $0x400  }
0x2c1: {  	[sflag:s14] =	ssyncset.done @!p2 $0x0  }
0x2c2: {  	[sflag:s14] =	ssyncadd.s32 @!p2 $0xFFFFFC00  }
0x2c3: {  	_ =	swait.ge @!p2 [sflag:s14], $0x400  }
0x2c4: {  	[sflag:s14] =	ssyncset.done @!p2 $0x0  }
0x2c5: {  	[sflag:s14] =	ssyncadd.s32 @!p2 $0xFFFFFC00  }
0x2c6: {  	_ =	swait.ge @!p2 [sflag:s14], $0x400  }
0x2c7: {  	[sflag:s14] =	ssyncset.done @!p2 $0x0  }
0x2c8: {  	[sflag:s14] =	ssyncadd.s32 @!p2 $0xFFFFFC00  }
0x2c9: {  	s1 =	sand.u32 $0xC000, s7;
	_ =	swait.ge @!p2 [sflag:s14], $0x400  }
0x2ca: {  	s3 =	sand.u32 $0x70, s3;
	s9 =	simm.s32 $0xDC00;
	[sflag:s14] =	ssyncset.done @!p2 $0x0  }
0x2cb: {  	s2 =	sor.u32 s3, s1;
	s1 =	simm.s32 $0x2;
	[sflag:s14] =	ssyncadd.s32 @!p2 $0xFFFFFC00  }
0x2cc: {  	[tilespmem:s9], [sflag:$0x3] =	stream.indirect.gather [spmem:s11], $0x1, s28, s28, $0xb8;
	[tilespmem:$0x1F828] =	vst v63  }
0x2cd: {  	_ =	swait.ge [sflag:s1], $0x1400  }
0x2ce: {  	[sflag:s1] =	ssyncset.done $0x0  }
0x2cf: {  	[sflag:s1] =	ssyncadd.s32 $0xFFFFEC00  }
0x2d0: {  	s25 =	sor.u32 s25, s2;
	s13 =	rddreg [dreg:$0x3]  }
0x2d1: {  	s15 =	simm.s32 $0xC800;
	s10 =	rddreg [dreg:$0x6];
	s8 =	sadd.s32 s13, s25  }
0x2d2: {  	[hbm4b:s8+s19] =	stream.strided.scatter [tilespmem:s15], [sflag:$0x5], $0x400, s20, s19, $0x38;
	[tilespmem:$0x1F828] =	vst v63  }
0x2d3: {  	s17 =	simm.s32 $0xCC00;
	s14 =	rddreg [dreg:$0x7];
	s2 =	sadd.s32 s25, s10  }
0x2d4: {  	[hbm4b:s2+s19] =	stream.strided.scatter [tilespmem:s17], [sflag:$0x5], $0x400, s20, s19, $0x38;
	[tilespmem:$0x1F828] =	vst v63  }
0x2d5: {  	s24 =	simm.s32 $0xD000;
	s16 =	rddreg [dreg:$0x8];
	s22 =	sadd.s32 s25, s14  }
0x2d6: {  	[hbm4b:s22+s19] =	stream.strided.scatter [tilespmem:s24], [sflag:$0x5], $0x400, s20, s19, $0x38;
	[tilespmem:$0x1F828] =	vst v63  }
0x2d7: {  	s12 =	simm.s32 $0xD400;
	s23 =	rddreg [dreg:$0x9];
	s24 =	sadd.s32 s25, s16  }
0x2d8: {  	[hbm4b:s24+s19] =	stream.strided.scatter [tilespmem:s12], [sflag:$0x5], $0x400, s20, s19, $0x38;
	[tilespmem:$0x1F828] =	vst v63  }
0x2d9: {  	s18 =	simm.s32 $0xD800;
	s3 =	sadd.s32 s25, s23;
	s8 =	simm.s32 @!p2 $0x7  }
0x2da: {  	[hbm4b:s3+s19] =	stream.strided.scatter [tilespmem:s18], [sflag:$0x5], $0x400, s20, s19, $0x38;
	[tilespmem:$0x1F828] =	vst v63  }
0x2db: {  	_ =	swait.ge @!p2 [sflag:s8], $0x400  }
0x2dc: {  	[sflag:s8] =	ssyncset.done @!p2 $0x0  }
0x2dd: {  	[sflag:s8] =	ssyncadd.s32 @!p2 $0xFFFFFC00  }
0x2de: {  	_ =	swait.ge @!p2 [sflag:s8], $0x400  }
0x2df: {  	[sflag:s8] =	ssyncset.done @!p2 $0x0  }
0x2e0: {  	[sflag:s8] =	ssyncadd.s32 @!p2 $0xFFFFFC00  }
0x2e1: {  	_ =	swait.ge @!p2 [sflag:s8], $0x400  }
0x2e2: {  	[sflag:s8] =	ssyncset.done @!p2 $0x0  }
0x2e3: {  	[sflag:s8] =	ssyncadd.s32 @!p2 $0xFFFFFC00  }
0x2e4: {  	_ =	swait.ge @!p2 [sflag:s8], $0x400  }
0x2e5: {  	[sflag:s8] =	ssyncset.done @!p2 $0x0  }
0x2e6: {  	[sflag:s8] =	ssyncadd.s32 @!p2 $0xFFFFFC00  }
0x2e7: {  	_ =	swait.ge @!p2 [sflag:s8], $0x400  }
0x2e8: {  	s9 =	simm.s32 $0x2800;
	[sflag:s8] =	ssyncset.done @!p2 $0x0  }
0x2e9: {  	s23 =	simm.s32 $0xF000;
	s12 =	simm.s32 $0x3;
	[sflag:s8] =	ssyncadd.s32 @!p2 $0xFFFFFC00  }
0x2ea: {  	[tilespmem:s23], [sflag:$0x4] =	stream.indirect.gather [spmem:s11], $0x1, s9, s28, $0xb8;
	[tilespmem:$0x1F828] =	vst v63  }
0x2eb: {  	_ =	swait.ge [sflag:s12], $0x1400  }
0x2ec: {  	s21 =	simm.s32 $0xDC00;
	s10 =	rddreg [dreg:$0xa];
	[sflag:s12] =	ssyncset.done $0x0  }
0x2ed: {  	s13 =	rddreg [dreg:$0xb];
	[sflag:s12] =	ssyncadd.s32 $0xFFFFEC00;
	s2 =	sadd.s32 s25, s10  }
0x2ee: {  	[hbm4b:s2+s19] =	stream.strided.scatter [tilespmem:s21], [sflag:$0x6], $0x400, s20, s19, $0x38;
	[tilespmem:$0x1F828] =	vst v63  }
0x2ef: {  	s18 =	simm.s32 $0xE000;
	s14 =	rddreg [dreg:$0xc];
	s15 =	sadd.s32 s25, s13  }
0x2f0: {  	[hbm4b:s15+s19] =	stream.strided.scatter [tilespmem:s18], [sflag:$0x6], $0x400, s20, s19, $0x38;
	[tilespmem:$0x1F828] =	vst v63  }
0x2f1: {  	s9 =	simm.s32 $0xE400;
	s16 =	rddreg [dreg:$0xd];
	s22 =	sadd.s32 s25, s14  }
0x2f2: {  	[hbm4b:s22+s19] =	stream.strided.scatter [tilespmem:s9], [sflag:$0x6], $0x400, s20, s19, $0x38;
	[tilespmem:$0x1F828] =	vst v63  }
0x2f3: {  	s24 =	rddreg [dreg:$0xe];
	s13 =	sadd.s32 s25, s16;
	s14 =	simm.s32 $0xE800  }
0x2f4: {  	[hbm4b:s13+s19] =	stream.strided.scatter [tilespmem:s14], [sflag:$0x6], $0x400, s20, s19, $0x38;
	[tilespmem:$0x1F828] =	vst v63  }
0x2f5: {  	s15 =	sadd.s32 s25, s24;
	s18 =	simm.s32 $0xEC00  }
0x2f6: {  	[hbm4b:s15+s19] =	stream.strided.scatter [tilespmem:s18], [sflag:$0x6], $0x400, s20, s19, $0x38;
	[tilespmem:$0x1F828] =	vst v63  }
0x2f7: {  	s16 =	rddreg [dreg:$0xf];
	_ =	swait.ge [sflag:s6], $0x400  }
0x2f8: {  	[sflag:s6] =	ssyncset.done $0x0  }
0x2f9: {  	[sflag:s6] =	ssyncadd.s32 $0xFFFFFC00  }
0x2fa: {  	s22 =	rddreg [dreg:$0x10];
	_ =	swait.ge [sflag:s6], $0x400  }
0x2fb: {  	[sflag:s6] =	ssyncset.done $0x0  }
0x2fc: {  	[sflag:s6] =	ssyncadd.s32 $0xFFFFFC00  }
0x2fd: {  	s24 =	rddreg [dreg:$0x11];
	_ =	swait.ge [sflag:s6], $0x400  }
0x2fe: {  	[sflag:s6] =	ssyncset.done $0x0  }
0x2ff: {  	[sflag:s6] =	ssyncadd.s32 $0xFFFFFC00  }
0x300: {  	s3 =	rddreg [dreg:$0x12];
	_ =	swait.ge [sflag:s6], $0x400  }
0x301: {  	[sflag:s6] =	ssyncset.done $0x0  }
0x302: {  	[sflag:s6] =	ssyncadd.s32 $0xFFFFFC00  }
0x303: {  	s31 =	simm.s32 $0xC800;
	s9 =	rddreg [dreg:$0x13];
	_ =	swait.ge [sflag:s6], $0x400  }
0x304: {  	s10 =	sadd.s32 s25, s16;
	s18 =	simm.s32 $0x1400;
	[sflag:s6] =	ssyncset.done $0x0  }
0x305: {  	s28 =	sadd.s32 s25, s3;
	s3 =	simm.s32 $0x4;
	[sflag:s6] =	ssyncadd.s32 $0xFFFFFC00  }
0x306: {  	[tilespmem:s31], [sflag:$0x2] =	stream.indirect.gather [spmem:s11], $0x1, s26, s18, $0xb8;
	[tilespmem:$0x1F828] =	vst v63  }
0x307: {  	s2 =	sadd.s32 s25, s22;
	s22 =	sadd.s32 s25, s24;
	_ =	swait.ge [sflag:s3], $0x1400  }
0x308: {  	s14 =	sadd.s32 s25, s9;
	s13 =	rddreg [dreg:$0x14];
	[sflag:s3] =	ssyncset.done $0x0  }
0x309: {  	s15 =	rddreg [dreg:$0x15];
	[sflag:s3] =	ssyncadd.s32 $0xFFFFEC00;
	s8 =	sadd.s32 s25, s13  }
0x30a: {  	[hbm4b:s8+s19] =	stream.strided.scatter [tilespmem:s23], [sflag:$0x7], $0x400, s20, s19, $0x38;
	[tilespmem:$0x1F828] =	vst v63  }
0x30b: {  	s26 =	simm.s32 $0xF400;
	s16 =	rddreg [dreg:$0x16];
	s24 =	sadd.s32 s25, s15  }
0x30c: {  	[hbm4b:s24+s19] =	stream.strided.scatter [tilespmem:s26], [sflag:$0x7], $0x400, s20, s19, $0x38;
	[tilespmem:$0x1F828] =	vst v63  }
0x30d: {  	s13 =	rddreg [dreg:$0x17];
	s16 =	sadd.s32 s25, s16;
	s26 =	simm.s32 $0xF800  }
0x30e: {  	[hbm4b:s16+s19] =	stream.strided.scatter [tilespmem:s26], [sflag:$0x7], $0x400, s20, s19, $0x38;
	[tilespmem:$0x1F828] =	vst v63  }
0x30f: {  	s9 =	sadd.s32 s25, s13;
	s13 =	simm.s32 $0xFC00;
	s24 =	rddreg [dreg:$0x18]  }
0x310: {  	[hbm4b:s9+s19] =	stream.strided.scatter [tilespmem:s13], [sflag:$0x7], $0x400, s20, s19, $0x38;
	[tilespmem:$0x1F828] =	vst v63  }
0x311: {  	s16 =	sadd.s32 s25, s24;
	s26 =	simm.s32 $0x10000  }
0x312: {  	[hbm4b:s16+s19] =	stream.strided.scatter [tilespmem:s26], [sflag:$0x7], $0x400, s20, s19, $0x38;
	[tilespmem:$0x1F828] =	vst v63  }
0x313: {  	s24 =	rddreg [dreg:$0x19];
	_ =	swait.ge [sflag:s29], $0x400  }
0x314: {  	[sflag:s29] =	ssyncset.done $0x0  }
0x315: {  	[sflag:s29] =	ssyncadd.s32 $0xFFFFFC00  }
0x316: {  	s15 =	rddreg [dreg:$0x1a];
	_ =	swait.ge [sflag:s29], $0x400  }
0x317: {  	[sflag:s29] =	ssyncset.done $0x0  }
0x318: {  	[sflag:s29] =	ssyncadd.s32 $0xFFFFFC00  }
0x319: {  	s16 =	rddreg [dreg:$0x1b];
	_ =	swait.ge [sflag:s29], $0x400  }
0x31a: {  	[sflag:s29] =	ssyncset.done $0x0  }
0x31b: {  	[sflag:s29] =	ssyncadd.s32 $0xFFFFFC00  }
0x31c: {  	s26 =	sadd.s32 s25, s24;
	s24 =	rddreg [dreg:$0x1c];
	_ =	swait.ge [sflag:s29], $0x400  }
0x31d: {  	[sflag:s29] =	ssyncset.done $0x0  }
0x31e: {  	[sflag:s29] =	ssyncadd.s32 $0xFFFFFC00  }
0x31f: {  	s9 =	rddreg [dreg:$0x1d];
	_ =	swait.ge [sflag:s29], $0x400  }
0x320: {  	s13 =	sadd.s32 s25, s15;
	s15 =	sadd.s32 s25, s16;
	[sflag:s29] =	ssyncset.done $0x0  }
0x321: {  	s16 =	sadd.s32 s25, s24;
	s24 =	simm.s32 $0x5000;
	[sflag:s29] =	ssyncadd.s32 $0xFFFFFC00  }
0x322: {  	[tilespmem:s21], [sflag:$0x3] =	stream.indirect.gather [spmem:s11], $0x1, s24, s18, $0xb8;
	[tilespmem:$0x1F828] =	vst v63  }
0x323: {  	_ =	swait.ge [sflag:s1], $0x1400  }
0x324: {  	[sflag:s1] =	ssyncset.done $0x0  }
0x325: {  	[sflag:s1] =	ssyncadd.s32 $0xFFFFEC00  }
0x326: {  	[hbm4b:s10+s19] =	stream.strided.scatter [tilespmem:s31], [sflag:$0x5], $0x400, s20, s19, $0x38;
	[tilespmem:$0x1F828] =	vst v63  }
0x327: {  	s24 =	simm.s32 $0xCC00  }
0x328: {  	[hbm4b:s2+s19] =	stream.strided.scatter [tilespmem:s24], [sflag:$0x5], $0x400, s20, s19, $0x38;
	[tilespmem:$0x1F828] =	vst v63  }
0x329: {  	s8 =	sadd.s32 s25, s9;
	s9 =	simm.s32 $0xD000  }
0x32a: {  	[hbm4b:s22+s19] =	stream.strided.scatter [tilespmem:s9], [sflag:$0x5], $0x400, s20, s19, $0x38;
	[tilespmem:$0x1F828] =	vst v63  }
0x32b: {  	s10 =	simm.s32 $0xD400  }
0x32c: {  	[hbm4b:s28+s19] =	stream.strided.scatter [tilespmem:s10], [sflag:$0x5], $0x400, s20, s19, $0x38;
	[tilespmem:$0x1F828] =	vst v63  }
0x32d: {  	s17 =	simm.s32 $0xD800  }
0x32e: {  	[hbm4b:s14+s19] =	stream.strided.scatter [tilespmem:s17], [sflag:$0x5], $0x400, s20, s19, $0x38;
	[tilespmem:$0x1F828] =	vst v63  }
0x32f: {  	s22 =	rddreg [dreg:$0x1e];
	_ =	swait.ge [sflag:s30], $0x400  }
0x330: {  	[sflag:s30] =	ssyncset.done $0x0  }
0x331: {  	[sflag:s30] =	ssyncadd.s32 $0xFFFFFC00  }
0x332: {  	s9 =	rddreg [dreg:$0x1f];
	_ =	swait.ge [sflag:s30], $0x400  }
0x333: {  	[sflag:s30] =	ssyncset.done $0x0  }
0x334: {  	[sflag:s30] =	ssyncadd.s32 $0xFFFFFC00  }
0x335: {  	s14 =	sld [smem:$0x7AC];
	_ =	swait.ge [sflag:s30], $0x400  }
0x336: {  	[sflag:s30] =	ssyncset.done $0x0  }
0x337: {  	[sflag:s30] =	ssyncadd.s32 $0xFFFFFC00  }
0x338: {  	s17 =	sld [smem:$0x7AD];
	_ =	swait.ge [sflag:s30], $0x400  }
0x339: {  	[sflag:s30] =	ssyncset.done $0x0  }
0x33a: {  	s2 =	sadd.s32 s25, s22;
	[sflag:s30] =	ssyncadd.s32 $0xFFFFFC00  }
0x33b: {  	s22 =	sadd.s32 s25, s9;
	s9 =	sld [smem:$0x7AE];
	_ =	swait.ge [sflag:s30], $0x400  }
0x33c: {  	[sflag:s30] =	ssyncset.done $0x0  }
0x33d: {  	s10 =	simm.s32 $0x6400;
	[sflag:s30] =	ssyncadd.s32 $0xFFFFFC00  }
0x33e: {  	[tilespmem:s23], [sflag:$0x4] =	stream.indirect.gather [spmem:s11], $0x1, s10, s18, $0xb8;
	[tilespmem:$0x1F828] =	vst v63  }
0x33f: {  	_ =	swait.ge [sflag:s12], $0x1400  }
0x340: {  	[sflag:s12] =	ssyncset.done $0x0  }
0x341: {  	[sflag:s12] =	ssyncadd.s32 $0xFFFFEC00  }
0x342: {  	[hbm4b:s26+s19] =	stream.strided.scatter [tilespmem:s21], [sflag:$0x6], $0x400, s20, s19, $0x38;
	[tilespmem:$0x1F828] =	vst v63  }
0x343: {  	s10 =	simm.s32 $0xE000  }
0x344: {  	[hbm4b:s13+s19] =	stream.strided.scatter [tilespmem:s10], [sflag:$0x6], $0x400, s20, s19, $0x38;
	[tilespmem:$0x1F828] =	vst v63  }
0x345: {  	s13 =	simm.s32 $0xE400  }
0x346: {  	[hbm4b:s15+s19] =	stream.strided.scatter [tilespmem:s13], [sflag:$0x6], $0x400, s20, s19, $0x38;
	[tilespmem:$0x1F828] =	vst v63  }
0x347: {  	s15 =	simm.s32 $0xE800  }
0x348: {  	[hbm4b:s16+s19] =	stream.strided.scatter [tilespmem:s15], [sflag:$0x6], $0x400, s20, s19, $0x38;
	[tilespmem:$0x1F828] =	vst v63  }
0x349: {  	s13 =	simm.s32 $0xEC00  }
0x34a: {  	[hbm4b:s8+s19] =	stream.strided.scatter [tilespmem:s13], [sflag:$0x6], $0x400, s20, s19, $0x38;
	[tilespmem:$0x1F828] =	vst v63  }
0x34b: {  	s26 =	sld [smem:$0x7AF];
	_ =	swait.ge [sflag:s6], $0x400  }
0x34c: {  	[sflag:s6] =	ssyncset.done $0x0  }
0x34d: {  	[sflag:s6] =	ssyncadd.s32 $0xFFFFFC00  }
0x34e: {  	s15 =	sld [smem:$0x7B0];
	_ =	swait.ge [sflag:s6], $0x400  }
0x34f: {  	[sflag:s6] =	ssyncset.done $0x0  }
0x350: {  	[sflag:s6] =	ssyncadd.s32 $0xFFFFFC00  }
0x351: {  	s16 =	sld [smem:$0x7B1];
	_ =	swait.ge [sflag:s6], $0x400  }
0x352: {  	[sflag:s6] =	ssyncset.done $0x0  }
0x353: {  	[sflag:s6] =	ssyncadd.s32 $0xFFFFFC00  }
0x354: {  	s10 =	sadd.s32 s25, s26;
	s26 =	sld [smem:$0x7B2];
	_ =	swait.ge [sflag:s6], $0x400  }
0x355: {  	[sflag:s6] =	ssyncset.done $0x0  }
0x356: {  	s28 =	sadd.s32 s25, s17;
	[sflag:s6] =	ssyncadd.s32 $0xFFFFFC00  }
0x357: {  	s17 =	sadd.s32 s25, s9;
	s9 =	sld [smem:$0x7B4];
	_ =	swait.ge [sflag:s6], $0x400  }
0x358: {  	s13 =	sadd.s32 s25, s15;
	s15 =	sadd.s32 s25, s16;
	[sflag:s6] =	ssyncset.done $0x0  }
0x359: {  	s16 =	sadd.s32 s25, s26;
	s26 =	simm.s32 $0x7800;
	[sflag:s6] =	ssyncadd.s32 $0xFFFFFC00  }
0x35a: {  	[tilespmem:s31], [sflag:$0x2] =	stream.indirect.gather [spmem:s11], $0x1, s26, s18, $0xb8;
	[tilespmem:$0x1F828] =	vst v63  }
0x35b: {  	_ =	swait.ge [sflag:s3], $0x1400  }
0x35c: {  	[sflag:s3] =	ssyncset.done $0x0  }
0x35d: {  	[sflag:s3] =	ssyncadd.s32 $0xFFFFEC00  }
0x35e: {  	[hbm4b:s2+s19] =	stream.strided.scatter [tilespmem:s23], [sflag:$0x7], $0x400, s20, s19, $0x38;
	[tilespmem:$0x1F828] =	vst v63  }
0x35f: {  	s8 =	sadd.s32 s25, s9;
	s9 =	simm.s32 $0xF400  }
0x360: {  	[hbm4b:s22+s19] =	stream.strided.scatter [tilespmem:s9], [sflag:$0x7], $0x400, s20, s19, $0x38;
	[tilespmem:$0x1F828] =	vst v63  }
0x361: {  	s14 =	sadd.s32 s25, s14;
	s18 =	simm.s32 $0xF800  }
0x362: {  	[hbm4b:s14+s19] =	stream.strided.scatter [tilespmem:s18], [sflag:$0x7], $0x400, s20, s19, $0x38;
	[tilespmem:$0x1F828] =	vst v63  }
0x363: {  	s22 =	simm.s32 $0xFC00  }
0x364: {  	[hbm4b:s28+s19] =	stream.strided.scatter [tilespmem:s22], [sflag:$0x7], $0x400, s20, s19, $0x38;
	[tilespmem:$0x1F828] =	vst v63  }
0x365: {  	s14 =	simm.s32 $0x10000  }
0x366: {  	[hbm4b:s17+s19] =	stream.strided.scatter [tilespmem:s14], [sflag:$0x7], $0x400, s20, s19, $0x38;
	[tilespmem:$0x1F828] =	vst v63  }
0x367: {  	s26 =	sld [smem:$0x7B6];
	_ =	swait.ge [sflag:s29], $0x400  }
0x368: {  	[sflag:s29] =	ssyncset.done $0x0  }
0x369: {  	[sflag:s29] =	ssyncadd.s32 $0xFFFFFC00  }
0x36a: {  	s17 =	sld [smem:$0x7B7];
	_ =	swait.ge [sflag:s29], $0x400  }
0x36b: {  	[sflag:s29] =	ssyncset.done $0x0  }
0x36c: {  	[sflag:s29] =	ssyncadd.s32 $0xFFFFFC00  }
0x36d: {  	s18 =	sld [smem:$0x7B9];
	_ =	swait.ge [sflag:s29], $0x400  }
0x36e: {  	[sflag:s29] =	ssyncset.done $0x0  }
0x36f: {  	[sflag:s29] =	ssyncadd.s32 $0xFFFFFC00  }
0x370: {  	s2 =	sadd.s32 s25, s26;
	s26 =	sld [smem:$0x7BA];
	_ =	swait.ge [sflag:s29], $0x400  }
0x371: {  	[sflag:s29] =	ssyncset.done $0x0  }
0x372: {  	[sflag:s29] =	ssyncadd.s32 $0xFFFFFC00  }
0x373: {  	s9 =	sld [smem:$0x7BB];
	_ =	swait.ge [sflag:s29], $0x400  }
0x374: {  	s28 =	simm.s32 $0x1400;
	[sflag:s29] =	ssyncset.done $0x0  }
0x375: {  	s14 =	sadd.s32 s25, s18;
	s18 =	simm.s32 $0x8C00;
	[sflag:s29] =	ssyncadd.s32 $0xFFFFFC00  }
0x376: {  	[tilespmem:s21], [sflag:$0x3] =	stream.indirect.gather [spmem:s11], $0x1, s18, s28, $0xb8;
	[tilespmem:$0x1F828] =	vst v63  }
0x377: {  	_ =	swait.ge [sflag:s1], $0x1400  }
0x378: {  	[sflag:s1] =	ssyncset.done $0x0  }
0x379: {  	[sflag:s1] =	ssyncadd.s32 $0xFFFFEC00  }
0x37a: {  	[hbm4b:s10+s19] =	stream.strided.scatter [tilespmem:s31], [sflag:$0x5], $0x400, s20, s19, $0x38;
	[tilespmem:$0x1F828] =	vst v63  }
0x37b: {  	_ = 	snop  }
0x37c: {  	[hbm4b:s13+s19] =	stream.strided.scatter [tilespmem:s24], [sflag:$0x5], $0x400, s20, s19, $0x38;
	[tilespmem:$0x1F828] =	vst v63  }
0x37d: {  	s10 =	simm.s32 $0xD000  }
0x37e: {  	[hbm4b:s15+s19] =	stream.strided.scatter [tilespmem:s10], [sflag:$0x5], $0x400, s20, s19, $0x38;
	[tilespmem:$0x1F828] =	vst v63  }
0x37f: {  	s13 =	simm.s32 $0xD400  }
0x380: {  	[hbm4b:s16+s19] =	stream.strided.scatter [tilespmem:s13], [sflag:$0x5], $0x400, s20, s19, $0x38;
	[tilespmem:$0x1F828] =	vst v63  }
0x381: {  	s16 =	simm.s32 $0xD800  }
0x382: {  	[hbm4b:s8+s19] =	stream.strided.scatter [tilespmem:s16], [sflag:$0x5], $0x400, s20, s19, $0x38;
	[tilespmem:$0x1F828] =	vst v63  }
0x383: {  	s15 =	sld [smem:$0x7BD];
	_ =	swait.ge [sflag:s30], $0x400  }
0x384: {  	[sflag:s30] =	ssyncset.done $0x0  }
0x385: {  	[sflag:s30] =	ssyncadd.s32 $0xFFFFFC00  }
0x386: {  	s13 =	sld [smem:$0x7BF];
	_ =	swait.ge [sflag:s30], $0x400  }
0x387: {  	[sflag:s30] =	ssyncset.done $0x0  }
0x388: {  	[sflag:s30] =	ssyncadd.s32 $0xFFFFFC00  }
0x389: {  	s10 =	sadd.s32 s25, s15;
	s15 =	sld [smem:$0x7C1];
	_ =	swait.ge [sflag:s30], $0x400  }
0x38a: {  	[sflag:s30] =	ssyncset.done $0x0  }
0x38b: {  	[sflag:s30] =	ssyncadd.s32 $0xFFFFFC00  }
0x38c: {  	s16 =	sld [smem:$0x7C3];
	_ =	swait.ge [sflag:s30], $0x400  }
0x38d: {  	s22 =	sadd.s32 s25, s17;
	[sflag:s30] =	ssyncset.done $0x0  }
0x38e: {  	s17 =	sadd.s32 s25, s9;
	s9 =	sld [smem:$0x7C5];
	[sflag:s30] =	ssyncadd.s32 $0xFFFFFC00  }
0x38f: {  	_ =	swait.ge [sflag:s30], $0x400  }
0x390: {  	[sflag:s30] =	ssyncset.done $0x0  }
0x391: {  	s8 =	sadd.s32 s25, s9;
	s9 =	simm.s32 $0xA000;
	[sflag:s30] =	ssyncadd.s32 $0xFFFFFC00  }
0x392: {  	[tilespmem:s23], [sflag:$0x4] =	stream.indirect.gather [spmem:s11], $0x1, s9, s28, $0xb8;
	[tilespmem:$0x1F828] =	vst v63  }
0x393: {  	_ =	swait.ge [sflag:s12], $0x1400  }
0x394: {  	[sflag:s12] =	ssyncset.done $0x0  }
0x395: {  	[sflag:s12] =	ssyncadd.s32 $0xFFFFEC00  }
0x396: {  	[hbm4b:s2+s19] =	stream.strided.scatter [tilespmem:s21], [sflag:$0x6], $0x400, s20, s19, $0x38;
	[tilespmem:$0x1F828] =	vst v63  }
0x397: {  	s21 =	simm.s32 $0xE000  }
0x398: {  	[hbm4b:s22+s19] =	stream.strided.scatter [tilespmem:s21], [sflag:$0x6], $0x400, s20, s19, $0x38;
	[tilespmem:$0x1F828] =	vst v63  }
0x399: {  	s22 =	simm.s32 $0xE400  }
0x39a: {  	[hbm4b:s14+s19] =	stream.strided.scatter [tilespmem:s22], [sflag:$0x6], $0x400, s20, s19, $0x38;
	[tilespmem:$0x1F828] =	vst v63  }
0x39b: {  	s26 =	sadd.s32 s25, s26;
	s9 =	simm.s32 $0xE800  }
0x39c: {  	[hbm4b:s26+s19] =	stream.strided.scatter [tilespmem:s9], [sflag:$0x6], $0x400, s20, s19, $0x38;
	[tilespmem:$0x1F828] =	vst v63  }
0x39d: {  	s14 =	simm.s32 $0xEC00  }
0x39e: {  	[hbm4b:s17+s19] =	stream.strided.scatter [tilespmem:s14], [sflag:$0x6], $0x400, s20, s19, $0x38;
	[tilespmem:$0x1F828] =	vst v63  }
0x39f: {  	s12 =	sld [smem:$0x7C7];
	_ =	swait.ge [sflag:s6], $0x400  }
0x3a0: {  	[sflag:s6] =	ssyncset.done $0x0  }
0x3a1: {  	[sflag:s6] =	ssyncadd.s32 $0xFFFFFC00  }
0x3a2: {  	s21 =	sld [smem:$0x7C9];
	_ =	swait.ge [sflag:s6], $0x400  }
0x3a3: {  	[sflag:s6] =	ssyncset.done $0x0  }
0x3a4: {  	[sflag:s6] =	ssyncadd.s32 $0xFFFFFC00  }
0x3a5: {  	s22 =	sld [smem:$0x7CB];
	_ =	swait.ge [sflag:s6], $0x400  }
0x3a6: {  	[sflag:s6] =	ssyncset.done $0x0  }
0x3a7: {  	[sflag:s6] =	ssyncadd.s32 $0xFFFFFC00  }
0x3a8: {  	s13 =	sadd.s32 s25, s13;
	s9 =	sld [smem:$0x7CD];
	_ =	swait.ge [sflag:s6], $0x400  }
0x3a9: {  	s15 =	sadd.s32 s25, s15;
	s16 =	sadd.s32 s25, s16;
	[sflag:s6] =	ssyncset.done $0x0  }
0x3aa: {  	s17 =	sadd.s32 s25, s12;
	s12 =	sld [smem:$0x7CF];
	[sflag:s6] =	ssyncadd.s32 $0xFFFFFC00  }
0x3ab: {  	s26 =	sadd.s32 s25, s21;
	s21 =	simm.s32 $0xB400;
	_ =	swait.ge [sflag:s6], $0x400  }
0x3ac: {  	s14 =	sadd.s32 s25, s22;
	s22 =	sadd.s32 s25, s9;
	[sflag:s6] =	ssyncset.done $0x0  }
0x3ad: {  	s2 =	sadd.s32 s25, s12;
	s25 =	simm.s32 $0xC800;
	[sflag:s6] =	ssyncadd.s32 $0xFFFFFC00  }
0x3ae: {  	[tilespmem:s25], [sflag:$0x2] =	stream.indirect.gather [spmem:s11], $0x1, s21, s28, $0xb8;
	[tilespmem:$0x1F828] =	vst v63  }
0x3af: {  	_ =	swait.ge [sflag:s3], $0x1400  }
0x3b0: {  	[sflag:s3] =	ssyncset.done $0x0  }
0x3b1: {  	[sflag:s3] =	ssyncadd.s32 $0xFFFFEC00  }
0x3b2: {  	[hbm4b:s10+s19] =	stream.strided.scatter [tilespmem:s23], [sflag:$0x7], $0x400, s20, s19, $0x38;
	[tilespmem:$0x1F828] =	vst v63  }
0x3b3: {  	s11 =	simm.s32 $0xF400  }
0x3b4: {  	[hbm4b:s13+s19] =	stream.strided.scatter [tilespmem:s11], [sflag:$0x7], $0x400, s20, s19, $0x38;
	[tilespmem:$0x1F828] =	vst v63  }
0x3b5: {  	s13 =	simm.s32 $0xF800  }
0x3b6: {  	[hbm4b:s15+s19] =	stream.strided.scatter [tilespmem:s13], [sflag:$0x7], $0x400, s20, s19, $0x38;
	[tilespmem:$0x1F828] =	vst v63  }
0x3b7: {  	s21 =	simm.s32 $0xFC00  }
0x3b8: {  	[hbm4b:s16+s19] =	stream.strided.scatter [tilespmem:s21], [sflag:$0x7], $0x400, s20, s19, $0x38;
	[tilespmem:$0x1F828] =	vst v63  }
0x3b9: {  	s0 =	sadd.s32 $0x10, s0;
	s23 =	simm.s32 $0x10000  }
0x3ba: {  	[hbm4b:s8+s19] =	stream.strided.scatter [tilespmem:s23], [sflag:$0x7], $0x400, s20, s19, $0x38;
	[tilespmem:$0x1F828] =	vst v63  }
0x3bb: {  	p1 =	sne.s32 s0, $0x100;
	s7 =	sadd.s32 $0x800, s7;
	_ =	swait.ge [sflag:s1], $0x1400  }
0x3bc: {  	s4 =	sadd.s32 $0x80, s4;
	s3 =	sld [smem:$0x7A8];
	[sflag:s1] =	ssyncset.done $0x0  }
0x3bd: {  	s5 =	sadd.s32 $0x1, s5;
	s21 =	sld [smem:$0x7FD];
	[sflag:s1] =	ssyncadd.s32 $0xFFFFEC00  }
0x3be: {  	[hbm4b:s17+s19] =	stream.strided.scatter [tilespmem:s25], [sflag:$0x5], $0x400, s20, s19, $0x38;
	[tilespmem:$0x1F828] =	vst v63  }
0x3bf: {  	s1 =	sld [smem:$0x7A9];
	s25 =	simm.s32 $0xCC00;
	p2 =	seq.s32 @!p0 s3, $0xF0  }
0x3c0: {  	[hbm4b:s26+s19] =	stream.strided.scatter [tilespmem:s25], [sflag:$0x5], $0x400, s20, s19, $0x38;
	[tilespmem:$0x1F828] =	vst v63  }
.Ltmp0:
0x3c1: {  	s23 =	rddreg [dreg:$0x1];
	p3 =	por p2, p0;
	(pc) =	sbr.rel @p1 .LBB2_2-.Ltmp0, $4  }
0x3c2: {  	s18 =	simm.s32 $0xD000;
	s13 =	sshrl.u32 @!p3 s1, $0x3;
	s1 =	sld [smem:$0x7AA]  }
0x3c3: {  	s31 =	simm.s32 $0xD800;
	s24 =	simm.s32 $0xD400;
	s25 =	sld [smem:$0x7FC]  }
0x3c4: {  	s26 =	simm.s32 $0x3C00;
	s8 =	simm.s32 @!p3 $0x1C01;
	s9 =	simm.s32 @!p3 $0x80  }
0x3c5: {  	s15 =	smul.u32 @!p3 $0x7A1400, s13;
	s13 =	sshll.u32 @!p3 s13, $0xA;
	s10 =	sand.u32 @!p3 $0x380, s1  }
0x3c6: {  	[hbm4b:s14+s19] =	stream.strided.scatter [tilespmem:s18], [sflag:$0x5], $0x400, s20, s19, $0x38;
	[tilespmem:$0x1F828] =	vst v63  }
0x3c7: {  	s4 =	simm.s32 @!p3 $0x1  }
0x3c8: {  	s5 =	simm.s32 @!p3 $0x10;
	s1 =	rddreg [dreg:$0x4];
	s0 =	sor.u32 @!p3 s10, s15  }
0x3c9: {  	[hbm4b:s22+s19] =	stream.strided.scatter [tilespmem:s24], [sflag:$0x5], $0x400, s20, s19, $0x38;
	[tilespmem:$0x1F828] =	vst v63  }
0x3ca: {  	s7 =	sshrl.u32 @!p3 s1, $0x3;
	s10 =	sor.u32 @!p3 s10, s13;
	s0 =	sshrl.u32 @!p3 s0, $0x3  }
0x3cb: {  	[hbm4b:s2+s19] =	stream.strided.scatter [tilespmem:s31], [sflag:$0x5], $0x400, s20, s19, $0x38;
	[tilespmem:$0x1F828] =	vst v63  }
0x3cc: {  	s0 =	sadd.s32 @!p3 s23, s0;
	s2 =	sshrl.u32 @!p3 s10, $0x3;
	[bflag:$0x0] =	sbarrier.arrive $0xFFFF  }
0x3cd: {  	[spmem:s7@s5], [sflag:s8] =	dma.strided @!p3 [hbm:s0@s9], $0x1E840, s4, $0x10   }
0x3ce: {  	s0 =	sadd.s32 @!p3 s21, s2;
	s2 =	sld [smem:$0x7B5];
	_ =	sdelay $0x2  }
0x3cf: {  	s2 =	sshrl.u32 @!p3 s2, $0x3  }
0x3d0: {  	[spmem:s2], [sflag:s8] =	dma.local @!p3 [hbm:s0], $0x10  }
0x3d1: {  	_ =	swait.ge [sflag:s29], $0x400  }
0x3d2: {  	[sflag:s29] =	ssyncset.done $0x0  }
0x3d3: {  	[sflag:s29] =	ssyncadd.s32 $0xFFFFFC00  }
0x3d4: {  	_ =	swait.ge [sflag:s29], $0x400  }
0x3d5: {  	[sflag:s29] =	ssyncset.done $0x0  }
0x3d6: {  	[sflag:s29] =	ssyncadd.s32 $0xFFFFFC00  }
0x3d7: {  	_ =	swait.ge [sflag:s29], $0x400  }
0x3d8: {  	[sflag:s29] =	ssyncset.done $0x0  }
0x3d9: {  	[sflag:s29] =	ssyncadd.s32 $0xFFFFFC00  }
0x3da: {  	_ =	swait.ge [sflag:s29], $0x400  }
0x3db: {  	[sflag:s29] =	ssyncset.done $0x0  }
0x3dc: {  	[sflag:s29] =	ssyncadd.s32 $0xFFFFFC00  }
0x3dd: {  	_ =	swait.ge [sflag:s29], $0x400  }
0x3de: {  	[sflag:s29] =	ssyncset.done $0x0  }
0x3df: {  	[sflag:s29] =	ssyncadd.s32 $0xFFFFFC00  }
0x3e0: {  	_ =	swait.ge [sflag:s30], $0x400  }
0x3e1: {  	[sflag:s30] =	ssyncset.done $0x0  }
0x3e2: {  	[sflag:s30] =	ssyncadd.s32 $0xFFFFFC00  }
0x3e3: {  	_ =	swait.ge [sflag:s30], $0x400  }
0x3e4: {  	[sflag:s30] =	ssyncset.done $0x0  }
0x3e5: {  	[sflag:s30] =	ssyncadd.s32 $0xFFFFFC00  }
0x3e6: {  	_ =	swait.ge [sflag:s30], $0x400  }
0x3e7: {  	[sflag:s30] =	ssyncset.done $0x0  }
0x3e8: {  	[sflag:s30] =	ssyncadd.s32 $0xFFFFFC00  }
0x3e9: {  	_ =	swait.ge [sflag:s30], $0x400  }
0x3ea: {  	[sflag:s30] =	ssyncset.done $0x0  }
0x3eb: {  	[sflag:s30] =	ssyncadd.s32 $0xFFFFFC00  }
0x3ec: {  	_ =	swait.ge [sflag:s30], $0x400  }
0x3ed: {  	[sflag:s30] =	ssyncset.done $0x0  }
0x3ee: {  	[sflag:s30] =	ssyncadd.s32 $0xFFFFFC00  }
0x3ef: {  	_ =	swait.ge [sflag:s6], $0x400  }
0x3f0: {  	[sflag:s6] =	ssyncset.done $0x0  }
0x3f1: {  	[sflag:s6] =	ssyncadd.s32 $0xFFFFFC00  }
0x3f2: {  	_ =	swait.ge [sflag:s6], $0x400  }
0x3f3: {  	[sflag:s6] =	ssyncset.done $0x0  }
0x3f4: {  	[sflag:s6] =	ssyncadd.s32 $0xFFFFFC00  }
0x3f5: {  	_ =	swait.ge [sflag:s6], $0x400  }
0x3f6: {  	[sflag:s6] =	ssyncset.done $0x0  }
0x3f7: {  	[sflag:s6] =	ssyncadd.s32 $0xFFFFFC00  }
0x3f8: {  	_ =	swait.ge [sflag:s6], $0x400  }
0x3f9: {  	[sflag:s6] =	ssyncset.done $0x0  }
0x3fa: {  	[sflag:s6] =	ssyncadd.s32 $0xFFFFFC00  }
0x3fb: {  	_ =	swait.ge [sflag:s6], $0x400  }
0x3fc: {  	s26 =	sld [smem:$0x7AB]  }
0x3fd: {  	s31 =	sld [smem:$0x7D1];
	_ =	sdelay $0x1  }
0x3fe: {  	s2 =	sadd.s32 $0x1, s26  }
0x3ff: {  	p1 =	sne.s32 s2, s31  }
.Ltmp1:
0x400: {  	s16 =	simm.s32 $0x5000;
	(pc) =	sbr.rel @p1 .LBB2_1-.Ltmp1, $4  }
0x401: {  	s12 =	simm.s32 $0x8C00;
	s14 =	simm.s32 $0xCC00;
	s13 =	simm.s32 $0xDC00  }
0x402: {  	s15 =	simm.s32 $0xC800;
	s1 =	simm.s32 $0x2;
	s22 =	simm.s32 $0x6400  }
0x403: {  	s24 =	simm.s32 $0x7800;
	s10 =	simm.s32 $0xB400;
	[sflag:s6] =	ssyncset.done $0x0  }
0x404: {  	s9 =	simm.s32 $0xA000;
	[sflag:s6] =	ssyncadd.s32 $0xFFFFFC00;
	s26 =	simm.s32 $0xF000  }
0x405: {  	_ =	sfence.sel $0x180000  }
0x406: {  	[bflag:$0x0] =	sbarrier.arrive $0xFFFF  }
0x407: {  	_ =	strace $0x90000047  }
0x408: {  	[bflag:$0x2] =	sbarrier.arrive $0xFFFF  }
0x409: {  	s0 =	rddreg [dreg:$0x5]  }
0x40a: {  	s0 =	sadd.s32 @!p0 $0x100000, s0  }
0x40b: {  	[sflag:s0] =	ssyncadd.tile.s32 @!p0 $0x1;
	_ =	shalt  }
.Lfunc_end2:
_tile_overlayer_lowered:
.L_overlay_start_2:
0x40c: {  	(tag) =	ssettag $0x2  }
0x40d: {  	s0 =	rddreg [dreg:$0x0];
	s2 =	stileid.u32  }
0x40e: {  	s1 =	rddreg [dreg:$0x1];
	p0 =	sne.s32 s2, $0x0  }
0x40f: {  	s3 =	rddreg [dreg:$0x2];
	[bflag:$0x3] =	sbarrier.arrive $0xFFFF;
	s2 =	simm.s32 @!p0 $0x1C09  }
0x410: {  	[timem:s3], [sflag:s2] =	dma.local @!p0 [hbm:s0], s1  }
0x411: {  	s0 =	simm.s32 @!p0 $0x9  }
0x412: {  	_ =	swait.ge @!p0 [sflag:s0], s1  }
0x413: {  	s1 =	ssub.s32 @!p0 $0x0, s1;
	[sflag:s0] =	ssyncset.done @!p0 $0x0  }
0x414: {  	[sflag:s0] =	ssyncadd.s32 @!p0 s1  }
0x415: {  	[bflag:$0x3] =	sbarrier.arrive $0xFFFF  }
0x416: {  	_ =	shalt  }

</sc_bundles>
